<compile_context>
chip_gen: v7x
topology: tpu7x:2x2x1
jax: 0.10.2.dev20260603
libtpu: 0.0.44.dev20260713+nightly
codegen_flags: <defaults>
</compile_context>

<pallas_src>
import functools

import jax
import jax.numpy as jnp
from jax import lax
from jax.experimental import pallas as pl
from jax.experimental.pallas import tpu as pltpu
from jax.experimental.pallas import tpu_sc as plsc

NE = 6_400_000
NSEG = 100_000
NSEG_PAD = 100_352
NC = 2
NS = 16
NW = NC * NS
EPT = NE // NW
B1 = 2000
NB1 = EPT // B1
NSUP1 = NB1 // 2
B3 = 4000
NB3 = EPT // B3
NSUP3 = NB3 // 2
SLICE = NSEG_PAD // NS
K2SL = NSEG_PAD // NW

_mesh = functools.partial(
    plsc.VectorSubcoreMesh, core_axis_name="c", subcore_axis_name="s",
    num_cores=NC, num_subcores=NS)
_params = pltpu.CompilerParams(needs_layout_passes=False)


def _vloop(n_super, per_super, body):
    def step(i, carry):
        base = i * (16 * per_super)
        for q in range(per_super):
            body(base + q * 16)
        return carry
    lax.fori_loop(0, n_super, step, 0)


def _exp_block(dst, src, n):
    def expb(o):
        dst[pl.ds(o, 16)] = jnp.exp(src[pl.ds(o, 16)])
    _vloop(n // 80, 5, expb)


def _k1_body(x_hbm, ids_hbm, part_hbm,
             xa, xb_, ia, ib_, xl, il, tbl,
             lsxa, lsxb, lsia, lsib, lsxl, lsil, sca, scb, acc):
    c = lax.axis_index("c")
    s = lax.axis_index("s")
    wid = c * NS + s
    base = wid * EPT

    zeros16 = jnp.zeros((16,), jnp.float32)

    def zt(o):
        tbl[pl.ds(o, 16)] = zeros16
    _vloop(NSEG_PAD // 128, 8, zt)

    def zx(o):
        xl[pl.ds(o, 16)] = zeros16
    _vloop(B1 // 128, 8, zx)
    for h in range(4):
        pltpu.sync_copy(xl.at[pl.ds(0, SLICE // 4)],
                        acc.at[pl.ds(s * SLICE + h * (SLICE // 4),
                                     SLICE // 4)])
    plsc.subcore_barrier()

    xs = (xa, xb_)
    iss = (ia, ib_)
    lsx = (lsxa, lsxb)
    lsi = (lsia, lsib)
    scs = (sca, scb)

    def fire_loads(b, xdst, idst, sx, si):
        off = base + b * B1
        pltpu.async_copy(x_hbm.at[pl.ds(off, B1)], xdst, sx)
        pltpu.async_copy(ids_hbm.at[pl.ds(off, B1)], idst, si)

    def wait_loads(b, xdst, idst, sx, si):
        off = base + b * B1
        pltpu.make_async_copy(x_hbm.at[pl.ds(off, B1)], xdst, sx).wait()
        pltpu.make_async_copy(ids_hbm.at[pl.ds(off, B1)], idst, si).wait()

    def wait_scatter(k):
        pltpu.make_async_copy(xs[k], acc.at[iss[k]], scs[k]).wait()

    def do_stream(b, k):
        wait_loads(b, xs[k], iss[k], lsx[k], lsi[k])

        def expb(o):
            xs[k][pl.ds(o, 16)] = jnp.exp(xs[k][pl.ds(o, 16)])
        _vloop(B1 // 80, 5, expb)
        pltpu.async_copy(xs[k], acc.at[iss[k]], scs[k], add=True)

    def do_local(b):
        wait_loads(b, xl, il, lsxl, lsil)

        def accum(i2, carry):
            for u in range(5):
                o = (i2 * 5 + u) * 16
                ev = jnp.exp(xl[pl.ds(o, 16)])
                iv = il[pl.ds(o, 16)]
                plsc.addupdate_scatter(tbl, [iv], ev)
            return carry
        lax.fori_loop(0, B1 // 80, accum, 0)

    fire_loads(0, xa, ia, lsxa, lsia)

    def super_step(g, carry):
        n = g * 10

        fire_loads(n + 1, xl, il, lsxl, lsil)
        do_stream(n + 0, 0)

        @pl.when(g > 0)
        def _():
            wait_scatter(1)
        fire_loads(n + 2, xb_, ib_, lsxb, lsib)
        do_local(n + 1)
        fire_loads(n + 3, xl, il, lsxl, lsil)
        do_stream(n + 2, 1)
        wait_scatter(0)
        fire_loads(n + 4, xa, ia, lsxa, lsia)
        do_local(n + 3)
        wait_scatter(1)
        fire_loads(n + 5, xb_, ib_, lsxb, lsib)
        do_stream(n + 4, 0)
        fire_loads(n + 6, xl, il, lsxl, lsil)
        do_stream(n + 5, 1)
        wait_scatter(0)
        fire_loads(n + 7, xa, ia, lsxa, lsia)
        do_local(n + 6)
        fire_loads(n + 8, xl, il, lsxl, lsil)
        do_stream(n + 7, 0)
        wait_scatter(1)
        fire_loads(n + 9, xb_, ib_, lsxb, lsib)
        do_local(n + 8)

        @pl.when(g < NB1 // 10 - 1)
        def _():
            wait_scatter(0)
            fire_loads(n + 10, xa, ia, lsxa, lsia)
        do_stream(n + 9, 1)
        return carry

    lax.fori_loop(0, NB1 // 10, super_step, 0)
    wait_scatter(0)
    wait_scatter(1)
    plsc.subcore_barrier()

    pltpu.sync_copy(tbl, part_hbm.at[pl.ds(wid * NSEG_PAD, NSEG_PAD)])
    pltpu.sync_copy(
        acc.at[pl.ds(s * SLICE, SLICE)],
        part_hbm.at[pl.ds((NW + c) * NSEG_PAD + s * SLICE, SLICE)])


def _k2_body(part_hbm, rden_hbm, buf, rb, sem):
    wid = lax.axis_index("c") * NS + lax.axis_index("s")
    off = wid * K2SL
    for t in range(NW + 2):
        pltpu.async_copy(part_hbm.at[pl.ds(t * NSEG_PAD + off, K2SL)],
                         buf.at[pl.ds(t * K2SL, K2SL)], sem)
    for t in range(NW + 2):
        pltpu.make_async_copy(part_hbm.at[pl.ds(t * NSEG_PAD + off, K2SL)],
                              buf.at[pl.ds(t * K2SL, K2SL)], sem).wait()

    def rcp(o):
        acc = buf[pl.ds(o, 16)]
        for t in range(1, NW + 2):
            acc = acc + buf[pl.ds(t * K2SL + o, 16)]
        rb[pl.ds(o, 16)] = 1.0 / acc
    _vloop(K2SL // 64, 4, rcp)
    pltpu.sync_copy(rb, rden_hbm.at[pl.ds(off, K2SL)])


def _k3_body(x_hbm, ids_hbm, rden_hbm, out_hbm,
             xb0, xb1, ib0, ib1, ob0, ob1, rden,
             lsx0, lsx1, lsi0, lsi1, o0, o1):
    c = lax.axis_index("c")
    s = lax.axis_index("s")
    wid = c * NS + s
    base = wid * EPT

    pltpu.sync_copy(rden_hbm, rden)

    xb = (xb0, xb1)
    ib = (ib0, ib1)
    ob = (ob0, ob1)
    lsx = (lsx0, lsx1)
    lsi = (lsi0, lsi1)
    o = (o0, o1)

    pltpu.async_copy(x_hbm.at[pl.ds(base, B3)], xb0, lsx0)
    pltpu.async_copy(ids_hbm.at[pl.ds(base, B3)], ib0, lsi0)

    def iteration(i, b, p, wait_prev_store, fire_next):
        off = base + b * B3
        pltpu.make_async_copy(x_hbm.at[pl.ds(off, B3)], xb[p], lsx[p]).wait()
        pltpu.make_async_copy(ids_hbm.at[pl.ds(off, B3)], ib[p], lsi[p]).wait()
        q = 1 - p

        @pl.when(fire_next)
        def _():
            off2 = off + B3
            pltpu.async_copy(x_hbm.at[pl.ds(off2, B3)], xb[q], lsx[q])
            pltpu.async_copy(ids_hbm.at[pl.ds(off2, B3)], ib[q], lsi[q])

        @pl.when(wait_prev_store)
        def _():
            pltpu.make_async_copy(ob[p], out_hbm.at[pl.ds(off, B3)], o[p]).wait()

        def fused(off16):
            iv = ib[p][pl.ds(off16, 16)]
            rv = plsc.load_gather(rden, [iv])
            ob[p][pl.ds(off16, 16)] = jnp.exp(xb[p][pl.ds(off16, 16)]) * rv
        _vloop(B3 // 80, 5, fused)
        pltpu.async_copy(ob[p], out_hbm.at[pl.ds(off, B3)], o[p])

    def super_step(i, carry):
        iteration(i, 2 * i, 0, i > 0, jnp.bool_(True))
        iteration(i, 2 * i + 1, 1, i > 0, i < NSUP3 - 1)
        return carry

    lax.fori_loop(0, NSUP3, super_step, 0)
    pltpu.make_async_copy(ob0, out_hbm.at[pl.ds(base, B3)], o0).wait()
    pltpu.make_async_copy(ob1, out_hbm.at[pl.ds(base, B3)], o1).wait()


def _build_k1():
  return pl.kernel(
    _k1_body,
    out_type=jax.ShapeDtypeStruct(((NW + 2) * NSEG_PAD,), jnp.float32),
    mesh=_mesh(),
    compiler_params=_params,
    scratch_types=[
        pltpu.VMEM((B1,), jnp.float32),
        pltpu.VMEM((B1,), jnp.float32),
        pltpu.VMEM((B1,), jnp.int32),
        pltpu.VMEM((B1,), jnp.int32),
        pltpu.VMEM((B1,), jnp.float32),
        pltpu.VMEM((B1,), jnp.int32),
        pltpu.VMEM((NSEG_PAD,), jnp.float32),
        pltpu.SemaphoreType.DMA,
        pltpu.SemaphoreType.DMA,
        pltpu.SemaphoreType.DMA,
        pltpu.SemaphoreType.DMA,
        pltpu.SemaphoreType.DMA,
        pltpu.SemaphoreType.DMA,
        pltpu.SemaphoreType.DMA,
        pltpu.SemaphoreType.DMA,
        pltpu.VMEM_SHARED((NSEG_PAD,), jnp.float32),
    ],
)

def _build_k2():
  return pl.kernel(
    _k2_body,
    out_type=jax.ShapeDtypeStruct((NSEG_PAD,), jnp.float32),
    mesh=_mesh(),
    compiler_params=_params,
    scratch_types=[
        pltpu.VMEM(((NW + 2) * K2SL,), jnp.float32),
        pltpu.VMEM((K2SL,), jnp.float32),
        pltpu.SemaphoreType.DMA,
    ],
)

def _build_k3():
  return pl.kernel(
    _k3_body,
    out_type=jax.ShapeDtypeStruct((NE,), jnp.float32),
    mesh=_mesh(),
    compiler_params=_params,
    scratch_types=[
        pltpu.VMEM((B3,), jnp.float32),
        pltpu.VMEM((B3,), jnp.float32),
        pltpu.VMEM((B3,), jnp.int32),
        pltpu.VMEM((B3,), jnp.int32),
        pltpu.VMEM((B3,), jnp.float32),
        pltpu.VMEM((B3,), jnp.float32),
        pltpu.VMEM((NSEG_PAD,), jnp.float32),
        pltpu.SemaphoreType.DMA,
        pltpu.SemaphoreType.DMA,
        pltpu.SemaphoreType.DMA,
        pltpu.SemaphoreType.DMA,
        pltpu.SemaphoreType.DMA,
        pltpu.SemaphoreType.DMA,
    ],
)


@functools.lru_cache(maxsize=None)
def _kernels():
    return _build_k1(), _build_k2(), _build_k3()


def kernel(edge_embedding, segment_ids):
    k1, k2, k3 = _kernels()
    ids32 = segment_ids.astype(jnp.int32)
    part = k1(edge_embedding, ids32)
    rden = k2(part)
    return k3(edge_embedding, ids32, rden)

# --- scband reference (transcript-rebuilt; emitter-appended) ---
"""Pipeline reference for scband-edge-prob-model-53953379172488 (READ-ONLY COPY).

The authoritative reference and input builder live on the scoring server;
editing this copy changes nothing except your own understanding.
"""

import jax, jax.numpy as jnp
import numpy as np

N_NODES = 100000
N_EDGES = 6400000

def setup_inputs(seed: int = 0) -> dict:
    key = jax.random.key(seed)
    k1, k2 = jax.random.split(key)
    # torch.rand(edge_num) parameter -> uniform [0,1)
    edge_embedding = jax.random.uniform(k1, (N_EDGES,), dtype=jnp.float32)
    # segment_ids[i] = source node of edge i; sorted, mirroring the contiguous
    # (l, r) sections built from G.edge[u] adjacency lists in __init__
    segment_ids = jnp.sort(jax.random.randint(k2, (N_EDGES,), 0, N_NODES)).astype(jnp.int64)
    return {"edge_embedding": edge_embedding, "segment_ids": segment_ids}

def reference(edge_embedding, segment_ids):
    # Faithful translation: for each node u, softmax over its slice of
    # edge_embedding (edges l:r). The Python loop over sections becomes a
    # vectorized ragged (segment) softmax; output is the concatenation of the
    # per-node action_prob tensors in edge order.
    seg_ids32 = segment_ids.astype(jnp.int32)
    seg_max = jax.ops.segment_max(edge_embedding, seg_ids32, num_segments=N_NODES)
    shifted = edge_embedding - jnp.take(seg_max, seg_ids32, axis=0)
    ex = jnp.exp(shifted)
    denom = jax.ops.segment_sum(ex, seg_ids32, num_segments=N_NODES)
    action_prob_flat = ex / jnp.take(denom, seg_ids32, axis=0)
    return action_prob_flat

if __name__ == "__main__":
    import jax
    _d = setup_inputs()
    print(jax.jit(kernel)(*tuple(_d.values())))

</pallas_src>

<mosaic_0001>
#map = affine_map<(d0, d1) -> (0)>
module attributes {stable_mosaic.version = 14 : i64} {
  func.func @_k3_body(%arg0: i32, %arg1: i32, %arg2: memref<6400000xf32, #tpu.memory_space<hbm>>, %arg3: memref<6400000xi32, #tpu.memory_space<hbm>>, %arg4: memref<100352xf32, #tpu.memory_space<hbm>>, %arg5: memref<6400000xf32, #tpu.memory_space<hbm>>, %arg6: memref<4000xf32, #tpu.memory_space<vmem>>, %arg7: memref<4000xf32, #tpu.memory_space<vmem>>, %arg8: memref<4000xi32, #tpu.memory_space<vmem>>, %arg9: memref<4000xi32, #tpu.memory_space<vmem>>, %arg10: memref<4000xf32, #tpu.memory_space<vmem>>, %arg11: memref<4000xf32, #tpu.memory_space<vmem>>, %arg12: memref<100352xf32, #tpu.memory_space<vmem>>, %arg13: memref<!tpu.dma_semaphore, #tpu.memory_space<semaphore_mem>>, %arg14: memref<!tpu.dma_semaphore, #tpu.memory_space<semaphore_mem>>, %arg15: memref<!tpu.dma_semaphore, #tpu.memory_space<semaphore_mem>>, %arg16: memref<!tpu.dma_semaphore, #tpu.memory_space<semaphore_mem>>, %arg17: memref<!tpu.dma_semaphore, #tpu.memory_space<semaphore_mem>>, %arg18: memref<!tpu.dma_semaphore, #tpu.memory_space<semaphore_mem>>) attributes {dimension_semantics = [#tpu.dimension_semantics<core_parallel>, #tpu.dimension_semantics<subcore_parallel>], iteration_bounds = array<i64: 2, 16>, scalar_prefetch = 0 : i64, scratch_operands = 13 : i64, tpu.core_type = #tpu.core_type<sc_vector_subcore>, window_params = [{transform_indices = #map}, {transform_indices = #map}, {transform_indices = #map}, {transform_indices = #map}]} {
    %mul3A = arith.constant 16 : i32
    %mul3A_0 = arith.muli %arg0, %mul3A : i32
    %add3A = arith.addi %mul3A_0, %arg1 : i32
    %mul3A_1 = arith.constant 200000 : i32
    %mul3A_2 = arith.muli %add3A, %mul3A_1 : i32
    "tpu.region"() ({
      %run_scoped3A = tpu.sem_alloc : memref<!tpu.dma_semaphore, #tpu.memory_space<semaphore_mem>>
      tpu.enqueue_dma source(%arg4 : memref<100352xf32, #tpu.memory_space<hbm>>) target(%arg12 : memref<100352xf32, #tpu.memory_space<vmem>>) target_semaphore(%run_scoped3A : memref<!tpu.dma_semaphore, #tpu.memory_space<semaphore_mem>>)
      tpu.wait_dma2 semaphore(%run_scoped3A : memref<!tpu.dma_semaphore, #tpu.memory_space<semaphore_mem>>) src(%arg4 : memref<100352xf32, #tpu.memory_space<hbm>>) dst(%arg12 : memref<100352xf32, #tpu.memory_space<vmem>>)
      tpu.yield
    }) : () -> ()
    %dma_start3A = tpu.memref_slice %arg2[%mul3A_2] : memref<6400000xf32, #tpu.memory_space<hbm>> -> memref<4000xf32, #tpu.memory_space<hbm>>
    %dma_start3A_3 = tpu.memref_slice %arg2[%mul3A_2] : memref<6400000xf32, #tpu.memory_space<hbm>> -> memref<4000xf32, #tpu.memory_space<hbm>>
    tpu.enqueue_dma source(%dma_start3A_3 : memref<4000xf32, #tpu.memory_space<hbm>>) target(%arg6 : memref<4000xf32, #tpu.memory_space<vmem>>) target_semaphore(%arg13 : memref<!tpu.dma_semaphore, #tpu.memory_space<semaphore_mem>>)
    %dma_start3A_4 = tpu.memref_slice %arg3[%mul3A_2] : memref<6400000xi32, #tpu.memory_space<hbm>> -> memref<4000xi32, #tpu.memory_space<hbm>>
    %dma_start3A_5 = tpu.memref_slice %arg3[%mul3A_2] : memref<6400000xi32, #tpu.memory_space<hbm>> -> memref<4000xi32, #tpu.memory_space<hbm>>
    tpu.enqueue_dma source(%dma_start3A_5 : memref<4000xi32, #tpu.memory_space<hbm>>) target(%arg8 : memref<4000xi32, #tpu.memory_space<vmem>>) target_semaphore(%arg15 : memref<!tpu.dma_semaphore, #tpu.memory_space<semaphore_mem>>)
    %scan3A = arith.constant 0 : i32
    %scan3A_6 = arith.constant 0 : i32
    %scan3A_7 = arith.constant 25 : i32
    %scan3A_8 = arith.addi %scan3A_6, %scan3A_7 : i32
    %scan3A_9 = arith.constant 1 : i32
    scf.for %scan3A_14 = %scan3A_6 to %scan3A_8 step %scan3A_9  : i32 {
      %mul3A_15 = arith.constant 2 : i32
      %mul3A_16 = arith.muli %mul3A_15, %scan3A_14 : i32
      %gt3A = arith.constant 0 : i32
      %gt3A_17 = arith.cmpi sgt, %scan3A_14, %gt3A : i32
      %mul3A_18 = arith.constant 4000 : i32
      %mul3A_19 = arith.muli %mul3A_16, %mul3A_18 : i32
      %add3A_20 = arith.addi %mul3A_2, %mul3A_19 : i32
      %dma_wait3A_21 = tpu.memref_slice %arg2[%add3A_20] : memref<6400000xf32, #tpu.memory_space<hbm>> -> memref<4000xf32, #tpu.memory_space<hbm>>
      %dma_wait3A_22 = tpu.memref_slice %arg2[%add3A_20] : memref<6400000xf32, #tpu.memory_space<hbm>> -> memref<4000xf32, #tpu.memory_space<hbm>>
      tpu.wait_dma2 semaphore(%arg13 : memref<!tpu.dma_semaphore, #tpu.memory_space<semaphore_mem>>) src(%dma_wait3A_22 : memref<4000xf32, #tpu.memory_space<hbm>>) dst(%arg6 : memref<4000xf32, #tpu.memory_space<vmem>>)
      %dma_wait3A_23 = tpu.memref_slice %arg3[%add3A_20] : memref<6400000xi32, #tpu.memory_space<hbm>> -> memref<4000xi32, #tpu.memory_space<hbm>>
      %dma_wait3A_24 = tpu.memref_slice %arg3[%add3A_20] : memref<6400000xi32, #tpu.memory_space<hbm>> -> memref<4000xi32, #tpu.memory_space<hbm>>
      tpu.wait_dma2 semaphore(%arg15 : memref<!tpu.dma_semaphore, #tpu.memory_space<semaphore_mem>>) src(%dma_wait3A_24 : memref<4000xi32, #tpu.memory_space<hbm>>) dst(%arg8 : memref<4000xi32, #tpu.memory_space<vmem>>)
      %cond3A = arith.constant 1 : i32
      %add3A_25 = arith.constant 4000 : i32
      %add3A_26 = arith.addi %add3A_20, %add3A_25 : i32
      %dma_start3A_27 = tpu.memref_slice %arg2[%add3A_26] : memref<6400000xf32, #tpu.memory_space<hbm>> -> memref<4000xf32, #tpu.memory_space<hbm>>
      %dma_start3A_28 = tpu.memref_slice %arg2[%add3A_26] : memref<6400000xf32, #tpu.memory_space<hbm>> -> memref<4000xf32, #tpu.memory_space<hbm>>
      tpu.enqueue_dma source(%dma_start3A_28 : memref<4000xf32, #tpu.memory_space<hbm>>) target(%arg7 : memref<4000xf32, #tpu.memory_space<vmem>>) target_semaphore(%arg14 : memref<!tpu.dma_semaphore, #tpu.memory_space<semaphore_mem>>)
      %dma_start3A_29 = tpu.memref_slice %arg3[%add3A_26] : memref<6400000xi32, #tpu.memory_space<hbm>> -> memref<4000xi32, #tpu.memory_space<hbm>>
      %dma_start3A_30 = tpu.memref_slice %arg3[%add3A_26] : memref<6400000xi32, #tpu.memory_space<hbm>> -> memref<4000xi32, #tpu.memory_space<hbm>>
      tpu.enqueue_dma source(%dma_start3A_30 : memref<4000xi32, #tpu.memory_space<hbm>>) target(%arg9 : memref<4000xi32, #tpu.memory_space<vmem>>) target_semaphore(%arg16 : memref<!tpu.dma_semaphore, #tpu.memory_space<semaphore_mem>>)
      %convert_element_type3A = arith.extui %gt3A_17 : i1 to i32
      %cond3A_31 = arith.constant 0 : i32
      %cond3A_32 = arith.cmpi ne, %convert_element_type3A, %cond3A_31 : i32
      scf.if %cond3A_32 {
        %dma_wait3A_69 = tpu.memref_slice %arg5[%add3A_20] : memref<6400000xf32, #tpu.memory_space<hbm>> -> memref<4000xf32, #tpu.memory_space<hbm>>
        %dma_wait3A_70 = tpu.memref_slice %arg5[%add3A_20] : memref<6400000xf32, #tpu.memory_space<hbm>> -> memref<4000xf32, #tpu.memory_space<hbm>>
        tpu.wait_dma2 semaphore(%arg17 : memref<!tpu.dma_semaphore, #tpu.memory_space<semaphore_mem>>) src(%arg10 : memref<4000xf32, #tpu.memory_space<vmem>>) dst(%dma_wait3A_70 : memref<4000xf32, #tpu.memory_space<hbm>>)
      } else {
      }
      %scan3A_33 = arith.constant 0 : i32
      %scan3A_34 = arith.constant 0 : i32
      %scan3A_35 = arith.constant 50 : i32
      %scan3A_36 = arith.addi %scan3A_34, %scan3A_35 : i32
      %scan3A_37 = arith.constant 1 : i32
      scf.for %scan3A_69 = %scan3A_34 to %scan3A_36 step %scan3A_37  : i32 {
        %mul3A_70 = arith.constant 80 : i32
        %mul3A_71 = arith.muli %scan3A_69, %mul3A_70 : i32
        %add3A_72 = arith.constant 0 : i32
        %add3A_73 = arith.addi %mul3A_71, %add3A_72 : i32
        %get3A = arith.index_cast %add3A_73 : i32 to index
        %get3A_74 = tpu.vector_load %arg8[%get3A] {strides = array<i32>} : memref<4000xi32, #tpu.memory_space<vmem>>, vector<16xi32>,
        %gather3A = tpu.vector_load_idx %arg12[%get3A_74] : memref<100352xf32, #tpu.memory_space<vmem>>[vector<16xi32>], vector<16xf32>,
        %get3A_75 = arith.index_cast %add3A_73 : i32 to index
        %get3A_76 = tpu.vector_load %arg6[%get3A_75] {strides = array<i32>} : memref<4000xf32, #tpu.memory_space<vmem>>, vector<16xf32>,
        %exp3A = math.exp %get3A_76 : vector<16xf32>
        %mul3A_77 = arith.mulf %exp3A, %gather3A : vector<16xf32>
        %swap3A = arith.index_cast %add3A_73 : i32 to index
        %swap3A_78 = tpu.vector_load %arg10[%swap3A] {strides = array<i32>} : memref<4000xf32, #tpu.memory_space<vmem>>, vector<16xf32>,
        tpu.vector_store %arg10[%swap3A], %mul3A_77 {strides = array<i32>} : memref<4000xf32, #tpu.memory_space<vmem>>, vector<16xf32>,
        %add3A_79 = arith.constant 16 : i32
        %add3A_80 = arith.addi %mul3A_71, %add3A_79 : i32
        %get3A_81 = arith.index_cast %add3A_80 : i32 to index
        %get3A_82 = tpu.vector_load %arg8[%get3A_81] {strides = array<i32>} : memref<4000xi32, #tpu.memory_space<vmem>>, vector<16xi32>,
        %gather3A_83 = tpu.vector_load_idx %arg12[%get3A_82] : memref<100352xf32, #tpu.memory_space<vmem>>[vector<16xi32>], vector<16xf32>,
        %get3A_84 = arith.index_cast %add3A_80 : i32 to index
        %get3A_85 = tpu.vector_load %arg6[%get3A_84] {strides = array<i32>} : memref<4000xf32, #tpu.memory_space<vmem>>, vector<16xf32>,
        %exp3A_86 = math.exp %get3A_85 : vector<16xf32>
        %mul3A_87 = arith.mulf %exp3A_86, %gather3A_83 : vector<16xf32>
        %swap3A_88 = arith.index_cast %add3A_80 : i32 to index
        %swap3A_89 = tpu.vector_load %arg10[%swap3A_88] {strides = array<i32>} : memref<4000xf32, #tpu.memory_space<vmem>>, vector<16xf32>,
        tpu.vector_store %arg10[%swap3A_88], %mul3A_87 {strides = array<i32>} : memref<4000xf32, #tpu.memory_space<vmem>>, vector<16xf32>,
        %add3A_90 = arith.constant 32 : i32
        %add3A_91 = arith.addi %mul3A_71, %add3A_90 : i32
        %get3A_92 = arith.index_cast %add3A_91 : i32 to index
        %get3A_93 = tpu.vector_load %arg8[%get3A_92] {strides = array<i32>} : memref<4000xi32, #tpu.memory_space<vmem>>, vector<16xi32>,
        %gather3A_94 = tpu.vector_load_idx %arg12[%get3A_93] : memref<100352xf32, #tpu.memory_space<vmem>>[vector<16xi32>], vector<16xf32>,
        %get3A_95 = arith.index_cast %add3A_91 : i32 to index
        %get3A_96 = tpu.vector_load %arg6[%get3A_95] {strides = array<i32>} : memref<4000xf32, #tpu.memory_space<vmem>>, vector<16xf32>,
        %exp3A_97 = math.exp %get3A_96 : vector<16xf32>
        %mul3A_98 = arith.mulf %exp3A_97, %gather3A_94 : vector<16xf32>
        %swap3A_99 = arith.index_cast %add3A_91 : i32 to index
        %swap3A_100 = tpu.vector_load %arg10[%swap3A_99] {strides = array<i32>} : memref<4000xf32, #tpu.memory_space<vmem>>, vector<16xf32>,
        tpu.vector_store %arg10[%swap3A_99], %mul3A_98 {strides = array<i32>} : memref<4000xf32, #tpu.memory_space<vmem>>, vector<16xf32>,
        %add3A_101 = arith.constant 48 : i32
        %add3A_102 = arith.addi %mul3A_71, %add3A_101 : i32
        %get3A_103 = arith.index_cast %add3A_102 : i32 to index
        %get3A_104 = tpu.vector_load %arg8[%get3A_103] {strides = array<i32>} : memref<4000xi32, #tpu.memory_space<vmem>>, vector<16xi32>,
        %gather3A_105 = tpu.vector_load_idx %arg12[%get3A_104] : memref<100352xf32, #tpu.memory_space<vmem>>[vector<16xi32>], vector<16xf32>,
        %get3A_106 = arith.index_cast %add3A_102 : i32 to index
        %get3A_107 = tpu.vector_load %arg6[%get3A_106] {strides = array<i32>} : memref<4000xf32, #tpu.memory_space<vmem>>, vector<16xf32>,
        %exp3A_108 = math.exp %get3A_107 : vector<16xf32>
        %mul3A_109 = arith.mulf %exp3A_108, %gather3A_105 : vector<16xf32>
        %swap3A_110 = arith.index_cast %add3A_102 : i32 to index
        %swap3A_111 = tpu.vector_load %arg10[%swap3A_110] {strides = array<i32>} : memref<4000xf32, #tpu.memory_space<vmem>>, vector<16xf32>,
        tpu.vector_store %arg10[%swap3A_110], %mul3A_109 {strides = array<i32>} : memref<4000xf32, #tpu.memory_space<vmem>>, vector<16xf32>,
        %add3A_112 = arith.constant 64 : i32
        %add3A_113 = arith.addi %mul3A_71, %add3A_112 : i32
        %get3A_114 = arith.index_cast %add3A_113 : i32 to index
        %get3A_115 = tpu.vector_load %arg8[%get3A_114] {strides = array<i32>} : memref<4000xi32, #tpu.memory_space<vmem>>, vector<16xi32>,
        %gather3A_116 = tpu.vector_load_idx %arg12[%get3A_115] : memref<100352xf32, #tpu.memory_space<vmem>>[vector<16xi32>], vector<16xf32>,
        %get3A_117 = arith.index_cast %add3A_113 : i32 to index
        %get3A_118 = tpu.vector_load %arg6[%get3A_117] {strides = array<i32>} : memref<4000xf32, #tpu.memory_space<vmem>>, vector<16xf32>,
        %exp3A_119 = math.exp %get3A_118 : vector<16xf32>
        %mul3A_120 = arith.mulf %exp3A_119, %gather3A_116 : vector<16xf32>
        %swap3A_121 = arith.index_cast %add3A_113 : i32 to index
        %swap3A_122 = tpu.vector_load %arg10[%swap3A_121] {strides = array<i32>} : memref<4000xf32, #tpu.memory_space<vmem>>, vector<16xf32>,
        tpu.vector_store %arg10[%swap3A_121], %mul3A_120 {strides = array<i32>} : memref<4000xf32, #tpu.memory_space<vmem>>, vector<16xf32>,
      }
      %scan3A_38 = arith.constant 50 : i32
      %dma_start3A_39 = tpu.memref_slice %arg5[%add3A_20] : memref<6400000xf32, #tpu.memory_space<hbm>> -> memref<4000xf32, #tpu.memory_space<hbm>>
      %dma_start3A_40 = tpu.memref_slice %arg5[%add3A_20] : memref<6400000xf32, #tpu.memory_space<hbm>> -> memref<4000xf32, #tpu.memory_space<hbm>>
      tpu.enqueue_dma source(%arg10 : memref<4000xf32, #tpu.memory_space<vmem>>) target(%dma_start3A_40 : memref<4000xf32, #tpu.memory_space<hbm>>) target_semaphore(%arg17 : memref<!tpu.dma_semaphore, #tpu.memory_space<semaphore_mem>>)
      %mul3A_41 = arith.constant 2 : i32
      %mul3A_42 = arith.muli %mul3A_41, %scan3A_14 : i32
      %add3A_43 = arith.constant 1 : i32
      %add3A_44 = arith.addi %mul3A_42, %add3A_43 : i32
      %gt3A_45 = arith.constant 0 : i32
      %gt3A_46 = arith.cmpi sgt, %scan3A_14, %gt3A_45 : i32
      %lt3A = arith.constant 24 : i32
      %lt3A_47 = arith.cmpi slt, %scan3A_14, %lt3A : i32
      %mul3A_48 = arith.constant 4000 : i32
      %mul3A_49 = arith.muli %add3A_44, %mul3A_48 : i32
      %add3A_50 = arith.addi %mul3A_2, %mul3A_49 : i32
      %dma_wait3A_51 = tpu.memref_slice %arg2[%add3A_50] : memref<6400000xf32, #tpu.memory_space<hbm>> -> memref<4000xf32, #tpu.memory_space<hbm>>
      %dma_wait3A_52 = tpu.memref_slice %arg2[%add3A_50] : memref<6400000xf32, #tpu.memory_space<hbm>> -> memref<4000xf32, #tpu.memory_space<hbm>>
      tpu.wait_dma2 semaphore(%arg14 : memref<!tpu.dma_semaphore, #tpu.memory_space<semaphore_mem>>) src(%dma_wait3A_52 : memref<4000xf32, #tpu.memory_space<hbm>>) dst(%arg7 : memref<4000xf32, #tpu.memory_space<vmem>>)
      %dma_wait3A_53 = tpu.memref_slice %arg3[%add3A_50] : memref<6400000xi32, #tpu.memory_space<hbm>> -> memref<4000xi32, #tpu.memory_space<hbm>>
      %dma_wait3A_54 = tpu.memref_slice %arg3[%add3A_50] : memref<6400000xi32, #tpu.memory_space<hbm>> -> memref<4000xi32, #tpu.memory_space<hbm>>
      tpu.wait_dma2 semaphore(%arg16 : memref<!tpu.dma_semaphore, #tpu.memory_space<semaphore_mem>>) src(%dma_wait3A_54 : memref<4000xi32, #tpu.memory_space<hbm>>) dst(%arg9 : memref<4000xi32, #tpu.memory_space<vmem>>)
      %convert_element_type3A_55 = arith.extui %lt3A_47 : i1 to i32
      %cond3A_56 = arith.constant 0 : i32
      %cond3A_57 = arith.cmpi ne, %convert_element_type3A_55, %cond3A_56 : i32
      scf.if %cond3A_57 {
        %add3A_69 = arith.constant 4000 : i32
        %add3A_70 = arith.addi %add3A_50, %add3A_69 : i32
        %dma_start3A_71 = tpu.memref_slice %arg2[%add3A_70] : memref<6400000xf32, #tpu.memory_space<hbm>> -> memref<4000xf32, #tpu.memory_space<hbm>>
        %dma_start3A_72 = tpu.memref_slice %arg2[%add3A_70] : memref<6400000xf32, #tpu.memory_space<hbm>> -> memref<4000xf32, #tpu.memory_space<hbm>>
        tpu.enqueue_dma source(%dma_start3A_72 : memref<4000xf32, #tpu.memory_space<hbm>>) target(%arg6 : memref<4000xf32, #tpu.memory_space<vmem>>) target_semaphore(%arg13 : memref<!tpu.dma_semaphore, #tpu.memory_space<semaphore_mem>>)
        %dma_start3A_73 = tpu.memref_slice %arg3[%add3A_70] : memref<6400000xi32, #tpu.memory_space<hbm>> -> memref<4000xi32, #tpu.memory_space<hbm>>
        %dma_start3A_74 = tpu.memref_slice %arg3[%add3A_70] : memref<6400000xi32, #tpu.memory_space<hbm>> -> memref<4000xi32, #tpu.memory_space<hbm>>
        tpu.enqueue_dma source(%dma_start3A_74 : memref<4000xi32, #tpu.memory_space<hbm>>) target(%arg8 : memref<4000xi32, #tpu.memory_space<vmem>>) target_semaphore(%arg15 : memref<!tpu.dma_semaphore, #tpu.memory_space<semaphore_mem>>)
      } else {
      }
      %convert_element_type3A_58 = arith.extui %gt3A_46 : i1 to i32
      %cond3A_59 = arith.constant 0 : i32
      %cond3A_60 = arith.cmpi ne, %convert_element_type3A_58, %cond3A_59 : i32
      scf.if %cond3A_60 {
        %dma_wait3A_69 = tpu.memref_slice %arg5[%add3A_50] : memref<6400000xf32, #tpu.memory_space<hbm>> -> memref<4000xf32, #tpu.memory_space<hbm>>
        %dma_wait3A_70 = tpu.memref_slice %arg5[%add3A_50] : memref<6400000xf32, #tpu.memory_space<hbm>> -> memref<4000xf32, #tpu.memory_space<hbm>>
        tpu.wait_dma2 semaphore(%arg18 : memref<!tpu.dma_semaphore, #tpu.memory_space<semaphore_mem>>) src(%arg11 : memref<4000xf32, #tpu.memory_space<vmem>>) dst(%dma_wait3A_70 : memref<4000xf32, #tpu.memory_space<hbm>>)
      } else {
      }
      %scan3A_61 = arith.constant 0 : i32
      %scan3A_62 = arith.constant 0 : i32
      %scan3A_63 = arith.constant 50 : i32
      %scan3A_64 = arith.addi %scan3A_62, %scan3A_63 : i32
      %scan3A_65 = arith.constant 1 : i32
      scf.for %scan3A_69 = %scan3A_62 to %scan3A_64 step %scan3A_65  : i32 {
        %mul3A_70 = arith.constant 80 : i32
        %mul3A_71 = arith.muli %scan3A_69, %mul3A_70 : i32
        %add3A_72 = arith.constant 0 : i32
        %add3A_73 = arith.addi %mul3A_71, %add3A_72 : i32
        %get3A = arith.index_cast %add3A_73 : i32 to index
        %get3A_74 = tpu.vector_load %arg9[%get3A] {strides = array<i32>} : memref<4000xi32, #tpu.memory_space<vmem>>, vector<16xi32>,
        %gather3A = tpu.vector_load_idx %arg12[%get3A_74] : memref<100352xf32, #tpu.memory_space<vmem>>[vector<16xi32>], vector<16xf32>,
        %get3A_75 = arith.index_cast %add3A_73 : i32 to index
        %get3A_76 = tpu.vector_load %arg7[%get3A_75] {strides = array<i32>} : memref<4000xf32, #tpu.memory_space<vmem>>, vector<16xf32>,
        %exp3A = math.exp %get3A_76 : vector<16xf32>
        %mul3A_77 = arith.mulf %exp3A, %gather3A : vector<16xf32>
        %swap3A = arith.index_cast %add3A_73 : i32 to index
        %swap3A_78 = tpu.vector_load %arg11[%swap3A] {strides = array<i32>} : memref<4000xf32, #tpu.memory_space<vmem>>, vector<16xf32>,
        tpu.vector_store %arg11[%swap3A], %mul3A_77 {strides = array<i32>} : memref<4000xf32, #tpu.memory_space<vmem>>, vector<16xf32>,
        %add3A_79 = arith.constant 16 : i32
        %add3A_80 = arith.addi %mul3A_71, %add3A_79 : i32
        %get3A_81 = arith.index_cast %add3A_80 : i32 to index
        %get3A_82 = tpu.vector_load %arg9[%get3A_81] {strides = array<i32>} : memref<4000xi32, #tpu.memory_space<vmem>>, vector<16xi32>,
        %gather3A_83 = tpu.vector_load_idx %arg12[%get3A_82] : memref<100352xf32, #tpu.memory_space<vmem>>[vector<16xi32>], vector<16xf32>,
        %get3A_84 = arith.index_cast %add3A_80 : i32 to index
        %get3A_85 = tpu.vector_load %arg7[%get3A_84] {strides = array<i32>} : memref<4000xf32, #tpu.memory_space<vmem>>, vector<16xf32>,
        %exp3A_86 = math.exp %get3A_85 : vector<16xf32>
        %mul3A_87 = arith.mulf %exp3A_86, %gather3A_83 : vector<16xf32>
        %swap3A_88 = arith.index_cast %add3A_80 : i32 to index
        %swap3A_89 = tpu.vector_load %arg11[%swap3A_88] {strides = array<i32>} : memref<4000xf32, #tpu.memory_space<vmem>>, vector<16xf32>,
        tpu.vector_store %arg11[%swap3A_88], %mul3A_87 {strides = array<i32>} : memref<4000xf32, #tpu.memory_space<vmem>>, vector<16xf32>,
        %add3A_90 = arith.constant 32 : i32
        %add3A_91 = arith.addi %mul3A_71, %add3A_90 : i32
        %get3A_92 = arith.index_cast %add3A_91 : i32 to index
        %get3A_93 = tpu.vector_load %arg9[%get3A_92] {strides = array<i32>} : memref<4000xi32, #tpu.memory_space<vmem>>, vector<16xi32>,
        %gather3A_94 = tpu.vector_load_idx %arg12[%get3A_93] : memref<100352xf32, #tpu.memory_space<vmem>>[vector<16xi32>], vector<16xf32>,
        %get3A_95 = arith.index_cast %add3A_91 : i32 to index
        %get3A_96 = tpu.vector_load %arg7[%get3A_95] {strides = array<i32>} : memref<4000xf32, #tpu.memory_space<vmem>>, vector<16xf32>,
        %exp3A_97 = math.exp %get3A_96 : vector<16xf32>
        %mul3A_98 = arith.mulf %exp3A_97, %gather3A_94 : vector<16xf32>
        %swap3A_99 = arith.index_cast %add3A_91 : i32 to index
        %swap3A_100 = tpu.vector_load %arg11[%swap3A_99] {strides = array<i32>} : memref<4000xf32, #tpu.memory_space<vmem>>, vector<16xf32>,
        tpu.vector_store %arg11[%swap3A_99], %mul3A_98 {strides = array<i32>} : memref<4000xf32, #tpu.memory_space<vmem>>, vector<16xf32>,
        %add3A_101 = arith.constant 48 : i32
        %add3A_102 = arith.addi %mul3A_71, %add3A_101 : i32
        %get3A_103 = arith.index_cast %add3A_102 : i32 to index
        %get3A_104 = tpu.vector_load %arg9[%get3A_103] {strides = array<i32>} : memref<4000xi32, #tpu.memory_space<vmem>>, vector<16xi32>,
        %gather3A_105 = tpu.vector_load_idx %arg12[%get3A_104] : memref<100352xf32, #tpu.memory_space<vmem>>[vector<16xi32>], vector<16xf32>,
        %get3A_106 = arith.index_cast %add3A_102 : i32 to index
        %get3A_107 = tpu.vector_load %arg7[%get3A_106] {strides = array<i32>} : memref<4000xf32, #tpu.memory_space<vmem>>, vector<16xf32>,
        %exp3A_108 = math.exp %get3A_107 : vector<16xf32>
        %mul3A_109 = arith.mulf %exp3A_108, %gather3A_105 : vector<16xf32>
        %swap3A_110 = arith.index_cast %add3A_102 : i32 to index
        %swap3A_111 = tpu.vector_load %arg11[%swap3A_110] {strides = array<i32>} : memref<4000xf32, #tpu.memory_space<vmem>>, vector<16xf32>,
        tpu.vector_store %arg11[%swap3A_110], %mul3A_109 {strides = array<i32>} : memref<4000xf32, #tpu.memory_space<vmem>>, vector<16xf32>,
        %add3A_112 = arith.constant 64 : i32
        %add3A_113 = arith.addi %mul3A_71, %add3A_112 : i32
        %get3A_114 = arith.index_cast %add3A_113 : i32 to index
        %get3A_115 = tpu.vector_load %arg9[%get3A_114] {strides = array<i32>} : memref<4000xi32, #tpu.memory_space<vmem>>, vector<16xi32>,
        %gather3A_116 = tpu.vector_load_idx %arg12[%get3A_115] : memref<100352xf32, #tpu.memory_space<vmem>>[vector<16xi32>], vector<16xf32>,
        %get3A_117 = arith.index_cast %add3A_113 : i32 to index
        %get3A_118 = tpu.vector_load %arg7[%get3A_117] {strides = array<i32>} : memref<4000xf32, #tpu.memory_space<vmem>>, vector<16xf32>,
        %exp3A_119 = math.exp %get3A_118 : vector<16xf32>
        %mul3A_120 = arith.mulf %exp3A_119, %gather3A_116 : vector<16xf32>
        %swap3A_121 = arith.index_cast %add3A_113 : i32 to index
        %swap3A_122 = tpu.vector_load %arg11[%swap3A_121] {strides = array<i32>} : memref<4000xf32, #tpu.memory_space<vmem>>, vector<16xf32>,
        tpu.vector_store %arg11[%swap3A_121], %mul3A_120 {strides = array<i32>} : memref<4000xf32, #tpu.memory_space<vmem>>, vector<16xf32>,
      }
      %scan3A_66 = arith.constant 50 : i32
      %dma_start3A_67 = tpu.memref_slice %arg5[%add3A_50] : memref<6400000xf32, #tpu.memory_space<hbm>> -> memref<4000xf32, #tpu.memory_space<hbm>>
      %dma_start3A_68 = tpu.memref_slice %arg5[%add3A_50] : memref<6400000xf32, #tpu.memory_space<hbm>> -> memref<4000xf32, #tpu.memory_space<hbm>>
      tpu.enqueue_dma source(%arg11 : memref<4000xf32, #tpu.memory_space<vmem>>) target(%dma_start3A_68 : memref<4000xf32, #tpu.memory_space<hbm>>) target_semaphore(%arg18 : memref<!tpu.dma_semaphore, #tpu.memory_space<semaphore_mem>>)
    }
    %scan3A_10 = arith.constant 25 : i32
    %dma_wait3A = tpu.memref_slice %arg5[%mul3A_2] : memref<6400000xf32, #tpu.memory_space<hbm>> -> memref<4000xf32, #tpu.memory_space<hbm>>
    %dma_wait3A_11 = tpu.memref_slice %arg5[%mul3A_2] : memref<6400000xf32, #tpu.memory_space<hbm>> -> memref<4000xf32, #tpu.memory_space<hbm>>
    tpu.wait_dma2 semaphore(%arg17 : memref<!tpu.dma_semaphore, #tpu.memory_space<semaphore_mem>>) src(%arg10 : memref<4000xf32, #tpu.memory_space<vmem>>) dst(%dma_wait3A_11 : memref<4000xf32, #tpu.memory_space<hbm>>)
    %dma_wait3A_12 = tpu.memref_slice %arg5[%mul3A_2] : memref<6400000xf32, #tpu.memory_space<hbm>> -> memref<4000xf32, #tpu.memory_space<hbm>>
    %dma_wait3A_13 = tpu.memref_slice %arg5[%mul3A_2] : memref<6400000xf32, #tpu.memory_space<hbm>> -> memref<4000xf32, #tpu.memory_space<hbm>>
    tpu.wait_dma2 semaphore(%arg18 : memref<!tpu.dma_semaphore, #tpu.memory_space<semaphore_mem>>) src(%arg11 : memref<4000xf32, #tpu.memory_space<vmem>>) dst(%dma_wait3A_13 : memref<4000xf32, #tpu.memory_space<hbm>>)
    return
  }
}

#map = affine_map<(d0, d1) -> (0)>
module attributes {stable_mosaic.version = 14 : i64} {
  func.func @_k2_body(%arg0: i32, %arg1: i32, %arg2: memref<3411968xf32, #tpu.memory_space<hbm>>, %arg3: memref<100352xf32, #tpu.memory_space<hbm>>, %arg4: memref<106624xf32, #tpu.memory_space<vmem>>, %arg5: memref<3136xf32, #tpu.memory_space<vmem>>, %arg6: memref<!tpu.dma_semaphore, #tpu.memory_space<semaphore_mem>>) attributes {dimension_semantics = [#tpu.dimension_semantics<core_parallel>, #tpu.dimension_semantics<subcore_parallel>], iteration_bounds = array<i64: 2, 16>, scalar_prefetch = 0 : i64, scratch_operands = 3 : i64, tpu.core_type = #tpu.core_type<sc_vector_subcore>, window_params = [{transform_indices = #map}, {transform_indices = #map}]} {
    %mul3A = arith.constant 16 : i32
    %mul3A_0 = arith.muli %arg0, %mul3A : i32
    %add3A = arith.addi %mul3A_0, %arg1 : i32
    %mul3A_1 = arith.constant 3136 : i32
    %mul3A_2 = arith.muli %add3A, %mul3A_1 : i32
    %add3A_3 = arith.constant 0 : i32
    %add3A_4 = arith.addi %add3A_3, %mul3A_2 : i32
    %dma_start3A = arith.constant 0 : i32
    %dma_start3A_5 = tpu.memref_slice %arg4[%dma_start3A] : memref<106624xf32, #tpu.memory_space<vmem>> -> memref<3136xf32, #tpu.memory_space<vmem>>
    %dma_start3A_6 = tpu.memref_slice %arg2[%add3A_4] : memref<3411968xf32, #tpu.memory_space<hbm>> -> memref<3136xf32, #tpu.memory_space<hbm>>
    %dma_start3A_7 = arith.constant 0 : i32
    %dma_start3A_8 = tpu.memref_slice %arg4[%dma_start3A_7] : memref<106624xf32, #tpu.memory_space<vmem>> -> memref<3136xf32, #tpu.memory_space<vmem>>
    %dma_start3A_9 = tpu.memref_slice %arg2[%add3A_4] : memref<3411968xf32, #tpu.memory_space<hbm>> -> memref<3136xf32, #tpu.memory_space<hbm>>
    tpu.enqueue_dma source(%dma_start3A_9 : memref<3136xf32, #tpu.memory_space<hbm>>) target(%dma_start3A_8 : memref<3136xf32, #tpu.memory_space<vmem>>) target_semaphore(%arg6 : memref<!tpu.dma_semaphore, #tpu.memory_space<semaphore_mem>>)
    %add3A_10 = arith.constant 100352 : i32
    %add3A_11 = arith.addi %add3A_10, %mul3A_2 : i32
    %dma_start3A_12 = arith.constant 3136 : i32
    %dma_start3A_13 = tpu.memref_slice %arg4[%dma_start3A_12] : memref<106624xf32, #tpu.memory_space<vmem>> -> memref<3136xf32, #tpu.memory_space<vmem>>
    %dma_start3A_14 = tpu.memref_slice %arg2[%add3A_11] : memref<3411968xf32, #tpu.memory_space<hbm>> -> memref<3136xf32, #tpu.memory_space<hbm>>
    %dma_start3A_15 = arith.constant 3136 : i32
    %dma_start3A_16 = tpu.memref_slice %arg4[%dma_start3A_15] : memref<106624xf32, #tpu.memory_space<vmem>> -> memref<3136xf32, #tpu.memory_space<vmem>>
    %dma_start3A_17 = tpu.memref_slice %arg2[%add3A_11] : memref<3411968xf32, #tpu.memory_space<hbm>> -> memref<3136xf32, #tpu.memory_space<hbm>>
    tpu.enqueue_dma source(%dma_start3A_17 : memref<3136xf32, #tpu.memory_space<hbm>>) target(%dma_start3A_16 : memref<3136xf32, #tpu.memory_space<vmem>>) target_semaphore(%arg6 : memref<!tpu.dma_semaphore, #tpu.memory_space<semaphore_mem>>)
    %add3A_18 = arith.constant 200704 : i32
    %add3A_19 = arith.addi %add3A_18, %mul3A_2 : i32
    %dma_start3A_20 = arith.constant 6272 : i32
    %dma_start3A_21 = tpu.memref_slice %arg4[%dma_start3A_20] : memref<106624xf32, #tpu.memory_space<vmem>> -> memref<3136xf32, #tpu.memory_space<vmem>>
    %dma_start3A_22 = tpu.memref_slice %arg2[%add3A_19] : memref<3411968xf32, #tpu.memory_space<hbm>> -> memref<3136xf32, #tpu.memory_space<hbm>>
    %dma_start3A_23 = arith.constant 6272 : i32
    %dma_start3A_24 = tpu.memref_slice %arg4[%dma_start3A_23] : memref<106624xf32, #tpu.memory_space<vmem>> -> memref<3136xf32, #tpu.memory_space<vmem>>
    %dma_start3A_25 = tpu.memref_slice %arg2[%add3A_19] : memref<3411968xf32, #tpu.memory_space<hbm>> -> memref<3136xf32, #tpu.memory_space<hbm>>
    tpu.enqueue_dma source(%dma_start3A_25 : memref<3136xf32, #tpu.memory_space<hbm>>) target(%dma_start3A_24 : memref<3136xf32, #tpu.memory_space<vmem>>) target_semaphore(%arg6 : memref<!tpu.dma_semaphore, #tpu.memory_space<semaphore_mem>>)
    %add3A_26 = arith.constant 301056 : i32
    %add3A_27 = arith.addi %add3A_26, %mul3A_2 : i32
    %dma_start3A_28 = arith.constant 9408 : i32
    %dma_start3A_29 = tpu.memref_slice %arg4[%dma_start3A_28] : memref<106624xf32, #tpu.memory_space<vmem>> -> memref<3136xf32, #tpu.memory_space<vmem>>
    %dma_start3A_30 = tpu.memref_slice %arg2[%add3A_27] : memref<3411968xf32, #tpu.memory_space<hbm>> -> memref<3136xf32, #tpu.memory_space<hbm>>
    %dma_start3A_31 = arith.constant 9408 : i32
    %dma_start3A_32 = tpu.memref_slice %arg4[%dma_start3A_31] : memref<106624xf32, #tpu.memory_space<vmem>> -> memref<3136xf32, #tpu.memory_space<vmem>>
    %dma_start3A_33 = tpu.memref_slice %arg2[%add3A_27] : memref<3411968xf32, #tpu.memory_space<hbm>> -> memref<3136xf32, #tpu.memory_space<hbm>>
    tpu.enqueue_dma source(%dma_start3A_33 : memref<3136xf32, #tpu.memory_space<hbm>>) target(%dma_start3A_32 : memref<3136xf32, #tpu.memory_space<vmem>>) target_semaphore(%arg6 : memref<!tpu.dma_semaphore, #tpu.memory_space<semaphore_mem>>)
    %add3A_34 = arith.constant 401408 : i32
    %add3A_35 = arith.addi %add3A_34, %mul3A_2 : i32
    %dma_start3A_36 = arith.constant 12544 : i32
    %dma_start3A_37 = tpu.memref_slice %arg4[%dma_start3A_36] : memref<106624xf32, #tpu.memory_space<vmem>> -> memref<3136xf32, #tpu.memory_space<vmem>>
    %dma_start3A_38 = tpu.memref_slice %arg2[%add3A_35] : memref<3411968xf32, #tpu.memory_space<hbm>> -> memref<3136xf32, #tpu.memory_space<hbm>>
    %dma_start3A_39 = arith.constant 12544 : i32
    %dma_start3A_40 = tpu.memref_slice %arg4[%dma_start3A_39] : memref<106624xf32, #tpu.memory_space<vmem>> -> memref<3136xf32, #tpu.memory_space<vmem>>
    %dma_start3A_41 = tpu.memref_slice %arg2[%add3A_35] : memref<3411968xf32, #tpu.memory_space<hbm>> -> memref<3136xf32, #tpu.memory_space<hbm>>
    tpu.enqueue_dma source(%dma_start3A_41 : memref<3136xf32, #tpu.memory_space<hbm>>) target(%dma_start3A_40 : memref<3136xf32, #tpu.memory_space<vmem>>) target_semaphore(%arg6 : memref<!tpu.dma_semaphore, #tpu.memory_space<semaphore_mem>>)
    %add3A_42 = arith.constant 501760 : i32
    %add3A_43 = arith.addi %add3A_42, %mul3A_2 : i32
    %dma_start3A_44 = arith.constant 15680 : i32
    %dma_start3A_45 = tpu.memref_slice %arg4[%dma_start3A_44] : memref<106624xf32, #tpu.memory_space<vmem>> -> memref<3136xf32, #tpu.memory_space<vmem>>
    %dma_start3A_46 = tpu.memref_slice %arg2[%add3A_43] : memref<3411968xf32, #tpu.memory_space<hbm>> -> memref<3136xf32, #tpu.memory_space<hbm>>
    %dma_start3A_47 = arith.constant 15680 : i32
    %dma_start3A_48 = tpu.memref_slice %arg4[%dma_start3A_47] : memref<106624xf32, #tpu.memory_space<vmem>> -> memref<3136xf32, #tpu.memory_space<vmem>>
    %dma_start3A_49 = tpu.memref_slice %arg2[%add3A_43] : memref<3411968xf32, #tpu.memory_space<hbm>> -> memref<3136xf32, #tpu.memory_space<hbm>>
    tpu.enqueue_dma source(%dma_start3A_49 : memref<3136xf32, #tpu.memory_space<hbm>>) target(%dma_start3A_48 : memref<3136xf32, #tpu.memory_space<vmem>>) target_semaphore(%arg6 : memref<!tpu.dma_semaphore, #tpu.memory_space<semaphore_mem>>)
    %add3A_50 = arith.constant 602112 : i32
    %add3A_51 = arith.addi %add3A_50, %mul3A_2 : i32
    %dma_start3A_52 = arith.constant 18816 : i32
    %dma_start3A_53 = tpu.memref_slice %arg4[%dma_start3A_52] : memref<106624xf32, #tpu.memory_space<vmem>> -> memref<3136xf32, #tpu.memory_space<vmem>>
    %dma_start3A_54 = tpu.memref_slice %arg2[%add3A_51] : memref<3411968xf32, #tpu.memory_space<hbm>> -> memref<3136xf32, #tpu.memory_space<hbm>>
    %dma_start3A_55 = arith.constant 18816 : i32
    %dma_start3A_56 = tpu.memref_slice %arg4[%dma_start3A_55] : memref<106624xf32, #tpu.memory_space<vmem>> -> memref<3136xf32, #tpu.memory_space<vmem>>
    %dma_start3A_57 = tpu.memref_slice %arg2[%add3A_51] : memref<3411968xf32, #tpu.memory_space<hbm>> -> memref<3136xf32, #tpu.memory_space<hbm>>
    tpu.enqueue_dma source(%dma_start3A_57 : memref<3136xf32, #tpu.memory_space<hbm>>) target(%dma_start3A_56 : memref<3136xf32, #tpu.memory_space<vmem>>) target_semaphore(%arg6 : memref<!tpu.dma_semaphore, #tpu.memory_space<semaphore_mem>>)
    %add3A_58 = arith.constant 702464 : i32
    %add3A_59 = arith.addi %add3A_58, %mul3A_2 : i32
    %dma_start3A_60 = arith.constant 21952 : i32
    %dma_start3A_61 = tpu.memref_slice %arg4[%dma_start3A_60] : memref<106624xf32, #tpu.memory_space<vmem>> -> memref<3136xf32, #tpu.memory_space<vmem>>
    %dma_start3A_62 = tpu.memref_slice %arg2[%add3A_59] : memref<3411968xf32, #tpu.memory_space<hbm>> -> memref<3136xf32, #tpu.memory_space<hbm>>
    %dma_start3A_63 = arith.constant 21952 : i32
    %dma_start3A_64 = tpu.memref_slice %arg4[%dma_start3A_63] : memref<106624xf32, #tpu.memory_space<vmem>> -> memref<3136xf32, #tpu.memory_space<vmem>>
    %dma_start3A_65 = tpu.memref_slice %arg2[%add3A_59] : memref<3411968xf32, #tpu.memory_space<hbm>> -> memref<3136xf32, #tpu.memory_space<hbm>>
    tpu.enqueue_dma source(%dma_start3A_65 : memref<3136xf32, #tpu.memory_space<hbm>>) target(%dma_start3A_64 : memref<3136xf32, #tpu.memory_space<vmem>>) target_semaphore(%arg6 : memref<!tpu.dma_semaphore, #tpu.memory_space<semaphore_mem>>)
    %add3A_66 = arith.constant 802816 : i32
    %add3A_67 = arith.addi %add3A_66, %mul3A_2 : i32
    %dma_start3A_68 = arith.constant 25088 : i32
    %dma_start3A_69 = tpu.memref_slice %arg4[%dma_start3A_68] : memref<106624xf32, #tpu.memory_space<vmem>> -> memref<3136xf32, #tpu.memory_space<vmem>>
    %dma_start3A_70 = tpu.memref_slice %arg2[%add3A_67] : memref<3411968xf32, #tpu.memory_space<hbm>> -> memref<3136xf32, #tpu.memory_space<hbm>>
    %dma_start3A_71 = arith.constant 25088 : i32
    %dma_start3A_72 = tpu.memref_slice %arg4[%dma_start3A_71] : memref<106624xf32, #tpu.memory_space<vmem>> -> memref<3136xf32, #tpu.memory_space<vmem>>
    %dma_start3A_73 = tpu.memref_slice %arg2[%add3A_67] : memref<3411968xf32, #tpu.memory_space<hbm>> -> memref<3136xf32, #tpu.memory_space<hbm>>
    tpu.enqueue_dma source(%dma_start3A_73 : memref<3136xf32, #tpu.memory_space<hbm>>) target(%dma_start3A_72 : memref<3136xf32, #tpu.memory_space<vmem>>) target_semaphore(%arg6 : memref<!tpu.dma_semaphore, #tpu.memory_space<semaphore_mem>>)
    %add3A_74 = arith.constant 903168 : i32
    %add3A_75 = arith.addi %add3A_74, %mul3A_2 : i32
    %dma_start3A_76 = arith.constant 28224 : i32
    %dma_start3A_77 = tpu.memref_slice %arg4[%dma_start3A_76] : memref<106624xf32, #tpu.memory_space<vmem>> -> memref<3136xf32, #tpu.memory_space<vmem>>
    %dma_start3A_78 = tpu.memref_slice %arg2[%add3A_75] : memref<3411968xf32, #tpu.memory_space<hbm>> -> memref<3136xf32, #tpu.memory_space<hbm>>
    %dma_start3A_79 = arith.constant 28224 : i32
    %dma_start3A_80 = tpu.memref_slice %arg4[%dma_start3A_79] : memref<106624xf32, #tpu.memory_space<vmem>> -> memref<3136xf32, #tpu.memory_space<vmem>>
    %dma_start3A_81 = tpu.memref_slice %arg2[%add3A_75] : memref<3411968xf32, #tpu.memory_space<hbm>> -> memref<3136xf32, #tpu.memory_space<hbm>>
    tpu.enqueue_dma source(%dma_start3A_81 : memref<3136xf32, #tpu.memory_space<hbm>>) target(%dma_start3A_80 : memref<3136xf32, #tpu.memory_space<vmem>>) target_semaphore(%arg6 : memref<!tpu.dma_semaphore, #tpu.memory_space<semaphore_mem>>)
    %add3A_82 = arith.constant 1003520 : i32
    %add3A_83 = arith.addi %add3A_82, %mul3A_2 : i32
    %dma_start3A_84 = arith.constant 31360 : i32
    %dma_start3A_85 = tpu.memref_slice %arg4[%dma_start3A_84] : memref<106624xf32, #tpu.memory_space<vmem>> -> memref<3136xf32, #tpu.memory_space<vmem>>
    %dma_start3A_86 = tpu.memref_slice %arg2[%add3A_83] : memref<3411968xf32, #tpu.memory_space<hbm>> -> memref<3136xf32, #tpu.memory_space<hbm>>
    %dma_start3A_87 = arith.constant 31360 : i32
    %dma_start3A_88 = tpu.memref_slice %arg4[%dma_start3A_87] : memref<106624xf32, #tpu.memory_space<vmem>> -> memref<3136xf32, #tpu.memory_space<vmem>>
    %dma_start3A_89 = tpu.memref_slice %arg2[%add3A_83] : memref<3411968xf32, #tpu.memory_space<hbm>> -> memref<3136xf32, #tpu.memory_space<hbm>>
    tpu.enqueue_dma source(%dma_start3A_89 : memref<3136xf32, #tpu.memory_space<hbm>>) target(%dma_start3A_88 : memref<3136xf32, #tpu.memory_space<vmem>>) target_semaphore(%arg6 : memref<!tpu.dma_semaphore, #tpu.memory_space<semaphore_mem>>)
    %add3A_90 = arith.constant 1103872 : i32
    %add3A_91 = arith.addi %add3A_90, %mul3A_2 : i32
    %dma_start3A_92 = arith.constant 34496 : i32
    %dma_start3A_93 = tpu.memref_slice %arg4[%dma_start3A_92] : memref<106624xf32, #tpu.memory_space<vmem>> -> memref<3136xf32, #tpu.memory_space<vmem>>
    %dma_start3A_94 = tpu.memref_slice %arg2[%add3A_91] : memref<3411968xf32, #tpu.memory_space<hbm>> -> memref<3136xf32, #tpu.memory_space<hbm>>
    %dma_start3A_95 = arith.constant 34496 : i32
    %dma_start3A_96 = tpu.memref_slice %arg4[%dma_start3A_95] : memref<106624xf32, #tpu.memory_space<vmem>> -> memref<3136xf32, #tpu.memory_space<vmem>>
    %dma_start3A_97 = tpu.memref_slice %arg2[%add3A_91] : memref<3411968xf32, #tpu.memory_space<hbm>> -> memref<3136xf32, #tpu.memory_space<hbm>>
    tpu.enqueue_dma source(%dma_start3A_97 : memref<3136xf32, #tpu.memory_space<hbm>>) target(%dma_start3A_96 : memref<3136xf32, #tpu.memory_space<vmem>>) target_semaphore(%arg6 : memref<!tpu.dma_semaphore, #tpu.memory_space<semaphore_mem>>)
    %add3A_98 = arith.constant 1204224 : i32
    %add3A_99 = arith.addi %add3A_98, %mul3A_2 : i32
    %dma_start3A_100 = arith.constant 37632 : i32
    %dma_start3A_101 = tpu.memref_slice %arg4[%dma_start3A_100] : memref<106624xf32, #tpu.memory_space<vmem>> -> memref<3136xf32, #tpu.memory_space<vmem>>
    %dma_start3A_102 = tpu.memref_slice %arg2[%add3A_99] : memref<3411968xf32, #tpu.memory_space<hbm>> -> memref<3136xf32, #tpu.memory_space<hbm>>
    %dma_start3A_103 = arith.constant 37632 : i32
    %dma_start3A_104 = tpu.memref_slice %arg4[%dma_start3A_103] : memref<106624xf32, #tpu.memory_space<vmem>> -> memref<3136xf32, #tpu.memory_space<vmem>>
    %dma_start3A_105 = tpu.memref_slice %arg2[%add3A_99] : memref<3411968xf32, #tpu.memory_space<hbm>> -> memref<3136xf32, #tpu.memory_space<hbm>>
    tpu.enqueue_dma source(%dma_start3A_105 : memref<3136xf32, #tpu.memory_space<hbm>>) target(%dma_start3A_104 : memref<3136xf32, #tpu.memory_space<vmem>>) target_semaphore(%arg6 : memref<!tpu.dma_semaphore, #tpu.memory_space<semaphore_mem>>)
    %add3A_106 = arith.constant 1304576 : i32
    %add3A_107 = arith.addi %add3A_106, %mul3A_2 : i32
    %dma_start3A_108 = arith.constant 40768 : i32
    %dma_start3A_109 = tpu.memref_slice %arg4[%dma_start3A_108] : memref<106624xf32, #tpu.memory_space<vmem>> -> memref<3136xf32, #tpu.memory_space<vmem>>
    %dma_start3A_110 = tpu.memref_slice %arg2[%add3A_107] : memref<3411968xf32, #tpu.memory_space<hbm>> -> memref<3136xf32, #tpu.memory_space<hbm>>
    %dma_start3A_111 = arith.constant 40768 : i32
    %dma_start3A_112 = tpu.memref_slice %arg4[%dma_start3A_111] : memref<106624xf32, #tpu.memory_space<vmem>> -> memref<3136xf32, #tpu.memory_space<vmem>>
    %dma_start3A_113 = tpu.memref_slice %arg2[%add3A_107] : memref<3411968xf32, #tpu.memory_space<hbm>> -> memref<3136xf32, #tpu.memory_space<hbm>>
    tpu.enqueue_dma source(%dma_start3A_113 : memref<3136xf32, #tpu.memory_space<hbm>>) target(%dma_start3A_112 : memref<3136xf32, #tpu.memory_space<vmem>>) target_semaphore(%arg6 : memref<!tpu.dma_semaphore, #tpu.memory_space<semaphore_mem>>)
    %add3A_114 = arith.constant 1404928 : i32
    %add3A_115 = arith.addi %add3A_114, %mul3A_2 : i32
    %dma_start3A_116 = arith.constant 43904 : i32
    %dma_start3A_117 = tpu.memref_slice %arg4[%dma_start3A_116] : memref<106624xf32, #tpu.memory_space<vmem>> -> memref<3136xf32, #tpu.memory_space<vmem>>
    %dma_start3A_118 = tpu.memref_slice %arg2[%add3A_115] : memref<3411968xf32, #tpu.memory_space<hbm>> -> memref<3136xf32, #tpu.memory_space<hbm>>
    %dma_start3A_119 = arith.constant 43904 : i32
    %dma_start3A_120 = tpu.memref_slice %arg4[%dma_start3A_119] : memref<106624xf32, #tpu.memory_space<vmem>> -> memref<3136xf32, #tpu.memory_space<vmem>>
    %dma_start3A_121 = tpu.memref_slice %arg2[%add3A_115] : memref<3411968xf32, #tpu.memory_space<hbm>> -> memref<3136xf32, #tpu.memory_space<hbm>>
    tpu.enqueue_dma source(%dma_start3A_121 : memref<3136xf32, #tpu.memory_space<hbm>>) target(%dma_start3A_120 : memref<3136xf32, #tpu.memory_space<vmem>>) target_semaphore(%arg6 : memref<!tpu.dma_semaphore, #tpu.memory_space<semaphore_mem>>)
    %add3A_122 = arith.constant 1505280 : i32
    %add3A_123 = arith.addi %add3A_122, %mul3A_2 : i32
    %dma_start3A_124 = arith.constant 47040 : i32
    %dma_start3A_125 = tpu.memref_slice %arg4[%dma_start3A_124] : memref<106624xf32, #tpu.memory_space<vmem>> -> memref<3136xf32, #tpu.memory_space<vmem>>
    %dma_start3A_126 = tpu.memref_slice %arg2[%add3A_123] : memref<3411968xf32, #tpu.memory_space<hbm>> -> memref<3136xf32, #tpu.memory_space<hbm>>
    %dma_start3A_127 = arith.constant 47040 : i32
    %dma_start3A_128 = tpu.memref_slice %arg4[%dma_start3A_127] : memref<106624xf32, #tpu.memory_space<vmem>> -> memref<3136xf32, #tpu.memory_space<vmem>>
    %dma_start3A_129 = tpu.memref_slice %arg2[%add3A_123] : memref<3411968xf32, #tpu.memory_space<hbm>> -> memref<3136xf32, #tpu.memory_space<hbm>>
    tpu.enqueue_dma source(%dma_start3A_129 : memref<3136xf32, #tpu.memory_space<hbm>>) target(%dma_start3A_128 : memref<3136xf32, #tpu.memory_space<vmem>>) target_semaphore(%arg6 : memref<!tpu.dma_semaphore, #tpu.memory_space<semaphore_mem>>)
    %add3A_130 = arith.constant 1605632 : i32
    %add3A_131 = arith.addi %add3A_130, %mul3A_2 : i32
    %dma_start3A_132 = arith.constant 50176 : i32
    %dma_start3A_133 = tpu.memref_slice %arg4[%dma_start3A_132] : memref<106624xf32, #tpu.memory_space<vmem>> -> memref<3136xf32, #tpu.memory_space<vmem>>
    %dma_start3A_134 = tpu.memref_slice %arg2[%add3A_131] : memref<3411968xf32, #tpu.memory_space<hbm>> -> memref<3136xf32, #tpu.memory_space<hbm>>
    %dma_start3A_135 = arith.constant 50176 : i32
    %dma_start3A_136 = tpu.memref_slice %arg4[%dma_start3A_135] : memref<106624xf32, #tpu.memory_space<vmem>> -> memref<3136xf32, #tpu.memory_space<vmem>>
    %dma_start3A_137 = tpu.memref_slice %arg2[%add3A_131] : memref<3411968xf32, #tpu.memory_space<hbm>> -> memref<3136xf32, #tpu.memory_space<hbm>>
    tpu.enqueue_dma source(%dma_start3A_137 : memref<3136xf32, #tpu.memory_space<hbm>>) target(%dma_start3A_136 : memref<3136xf32, #tpu.memory_space<vmem>>) target_semaphore(%arg6 : memref<!tpu.dma_semaphore, #tpu.memory_space<semaphore_mem>>)
    %add3A_138 = arith.constant 1705984 : i32
    %add3A_139 = arith.addi %add3A_138, %mul3A_2 : i32
    %dma_start3A_140 = arith.constant 53312 : i32
    %dma_start3A_141 = tpu.memref_slice %arg4[%dma_start3A_140] : memref<106624xf32, #tpu.memory_space<vmem>> -> memref<3136xf32, #tpu.memory_space<vmem>>
    %dma_start3A_142 = tpu.memref_slice %arg2[%add3A_139] : memref<3411968xf32, #tpu.memory_space<hbm>> -> memref<3136xf32, #tpu.memory_space<hbm>>
    %dma_start3A_143 = arith.constant 53312 : i32
    %dma_start3A_144 = tpu.memref_slice %arg4[%dma_start3A_143] : memref<106624xf32, #tpu.memory_space<vmem>> -> memref<3136xf32, #tpu.memory_space<vmem>>
    %dma_start3A_145 = tpu.memref_slice %arg2[%add3A_139] : memref<3411968xf32, #tpu.memory_space<hbm>> -> memref<3136xf32, #tpu.memory_space<hbm>>
    tpu.enqueue_dma source(%dma_start3A_145 : memref<3136xf32, #tpu.memory_space<hbm>>) target(%dma_start3A_144 : memref<3136xf32, #tpu.memory_space<vmem>>) target_semaphore(%arg6 : memref<!tpu.dma_semaphore, #tpu.memory_space<semaphore_mem>>)
    %add3A_146 = arith.constant 1806336 : i32
    %add3A_147 = arith.addi %add3A_146, %mul3A_2 : i32
    %dma_start3A_148 = arith.constant 56448 : i32
    %dma_start3A_149 = tpu.memref_slice %arg4[%dma_start3A_148] : memref<106624xf32, #tpu.memory_space<vmem>> -> memref<3136xf32, #tpu.memory_space<vmem>>
    %dma_start3A_150 = tpu.memref_slice %arg2[%add3A_147] : memref<3411968xf32, #tpu.memory_space<hbm>> -> memref<3136xf32, #tpu.memory_space<hbm>>
    %dma_start3A_151 = arith.constant 56448 : i32
    %dma_start3A_152 = tpu.memref_slice %arg4[%dma_start3A_151] : memref<106624xf32, #tpu.memory_space<vmem>> -> memref<3136xf32, #tpu.memory_space<vmem>>
    %dma_start3A_153 = tpu.memref_slice %arg2[%add3A_147] : memref<3411968xf32, #tpu.memory_space<hbm>> -> memref<3136xf32, #tpu.memory_space<hbm>>
    tpu.enqueue_dma source(%dma_start3A_153 : memref<3136xf32, #tpu.memory_space<hbm>>) target(%dma_start3A_152 : memref<3136xf32, #tpu.memory_space<vmem>>) target_semaphore(%arg6 : memref<!tpu.dma_semaphore, #tpu.memory_space<semaphore_mem>>)
    %add3A_154 = arith.constant 1906688 : i32
    %add3A_155 = arith.addi %add3A_154, %mul3A_2 : i32
    %dma_start3A_156 = arith.constant 59584 : i32
    %dma_start3A_157 = tpu.memref_slice %arg4[%dma_start3A_156] : memref<106624xf32, #tpu.memory_space<vmem>> -> memref<3136xf32, #tpu.memory_space<vmem>>
    %dma_start3A_158 = tpu.memref_slice %arg2[%add3A_155] : memref<3411968xf32, #tpu.memory_space<hbm>> -> memref<3136xf32, #tpu.memory_space<hbm>>
    %dma_start3A_159 = arith.constant 59584 : i32
    %dma_start3A_160 = tpu.memref_slice %arg4[%dma_start3A_159] : memref<106624xf32, #tpu.memory_space<vmem>> -> memref<3136xf32, #tpu.memory_space<vmem>>
    %dma_start3A_161 = tpu.memref_slice %arg2[%add3A_155] : memref<3411968xf32, #tpu.memory_space<hbm>> -> memref<3136xf32, #tpu.memory_space<hbm>>
    tpu.enqueue_dma source(%dma_start3A_161 : memref<3136xf32, #tpu.memory_space<hbm>>) target(%dma_start3A_160 : memref<3136xf32, #tpu.memory_space<vmem>>) target_semaphore(%arg6 : memref<!tpu.dma_semaphore, #tpu.memory_space<semaphore_mem>>)
    %add3A_162 = arith.constant 2007040 : i32
    %add3A_163 = arith.addi %add3A_162, %mul3A_2 : i32
    %dma_start3A_164 = arith.constant 62720 : i32
    %dma_start3A_165 = tpu.memref_slice %arg4[%dma_start3A_164] : memref<106624xf32, #tpu.memory_space<vmem>> -> memref<3136xf32, #tpu.memory_space<vmem>>
    %dma_start3A_166 = tpu.memref_slice %arg2[%add3A_163] : memref<3411968xf32, #tpu.memory_space<hbm>> -> memref<3136xf32, #tpu.memory_space<hbm>>
    %dma_start3A_167 = arith.constant 62720 : i32
    %dma_start3A_168 = tpu.memref_slice %arg4[%dma_start3A_167] : memref<106624xf32, #tpu.memory_space<vmem>> -> memref<3136xf32, #tpu.memory_space<vmem>>
    %dma_start3A_169 = tpu.memref_slice %arg2[%add3A_163] : memref<3411968xf32, #tpu.memory_space<hbm>> -> memref<3136xf32, #tpu.memory_space<hbm>>
    tpu.enqueue_dma source(%dma_start3A_169 : memref<3136xf32, #tpu.memory_space<hbm>>) target(%dma_start3A_168 : memref<3136xf32, #tpu.memory_space<vmem>>) target_semaphore(%arg6 : memref<!tpu.dma_semaphore, #tpu.memory_space<semaphore_mem>>)
    %add3A_170 = arith.constant 2107392 : i32
    %add3A_171 = arith.addi %add3A_170, %mul3A_2 : i32
    %dma_start3A_172 = arith.constant 65856 : i32
    %dma_start3A_173 = tpu.memref_slice %arg4[%dma_start3A_172] : memref<106624xf32, #tpu.memory_space<vmem>> -> memref<3136xf32, #tpu.memory_space<vmem>>
    %dma_start3A_174 = tpu.memref_slice %arg2[%add3A_171] : memref<3411968xf32, #tpu.memory_space<hbm>> -> memref<3136xf32, #tpu.memory_space<hbm>>
    %dma_start3A_175 = arith.constant 65856 : i32
    %dma_start3A_176 = tpu.memref_slice %arg4[%dma_start3A_175] : memref<106624xf32, #tpu.memory_space<vmem>> -> memref<3136xf32, #tpu.memory_space<vmem>>
    %dma_start3A_177 = tpu.memref_slice %arg2[%add3A_171] : memref<3411968xf32, #tpu.memory_space<hbm>> -> memref<3136xf32, #tpu.memory_space<hbm>>
    tpu.enqueue_dma source(%dma_start3A_177 : memref<3136xf32, #tpu.memory_space<hbm>>) target(%dma_start3A_176 : memref<3136xf32, #tpu.memory_space<vmem>>) target_semaphore(%arg6 : memref<!tpu.dma_semaphore, #tpu.memory_space<semaphore_mem>>)
    %add3A_178 = arith.constant 2207744 : i32
    %add3A_179 = arith.addi %add3A_178, %mul3A_2 : i32
    %dma_start3A_180 = arith.constant 68992 : i32
    %dma_start3A_181 = tpu.memref_slice %arg4[%dma_start3A_180] : memref<106624xf32, #tpu.memory_space<vmem>> -> memref<3136xf32, #tpu.memory_space<vmem>>
    %dma_start3A_182 = tpu.memref_slice %arg2[%add3A_179] : memref<3411968xf32, #tpu.memory_space<hbm>> -> memref<3136xf32, #tpu.memory_space<hbm>>
    %dma_start3A_183 = arith.constant 68992 : i32
    %dma_start3A_184 = tpu.memref_slice %arg4[%dma_start3A_183] : memref<106624xf32, #tpu.memory_space<vmem>> -> memref<3136xf32, #tpu.memory_space<vmem>>
    %dma_start3A_185 = tpu.memref_slice %arg2[%add3A_179] : memref<3411968xf32, #tpu.memory_space<hbm>> -> memref<3136xf32, #tpu.memory_space<hbm>>
    tpu.enqueue_dma source(%dma_start3A_185 : memref<3136xf32, #tpu.memory_space<hbm>>) target(%dma_start3A_184 : memref<3136xf32, #tpu.memory_space<vmem>>) target_semaphore(%arg6 : memref<!tpu.dma_semaphore, #tpu.memory_space<semaphore_mem>>)
    %add3A_186 = arith.constant 2308096 : i32
    %add3A_187 = arith.addi %add3A_186, %mul3A_2 : i32
    %dma_start3A_188 = arith.constant 72128 : i32
    %dma_start3A_189 = tpu.memref_slice %arg4[%dma_start3A_188] : memref<106624xf32, #tpu.memory_space<vmem>> -> memref<3136xf32, #tpu.memory_space<vmem>>
    %dma_start3A_190 = tpu.memref_slice %arg2[%add3A_187] : memref<3411968xf32, #tpu.memory_space<hbm>> -> memref<3136xf32, #tpu.memory_space<hbm>>
    %dma_start3A_191 = arith.constant 72128 : i32
    %dma_start3A_192 = tpu.memref_slice %arg4[%dma_start3A_191] : memref<106624xf32, #tpu.memory_space<vmem>> -> memref<3136xf32, #tpu.memory_space<vmem>>
    %dma_start3A_193 = tpu.memref_slice %arg2[%add3A_187] : memref<3411968xf32, #tpu.memory_space<hbm>> -> memref<3136xf32, #tpu.memory_space<hbm>>
    tpu.enqueue_dma source(%dma_start3A_193 : memref<3136xf32, #tpu.memory_space<hbm>>) target(%dma_start3A_192 : memref<3136xf32, #tpu.memory_space<vmem>>) target_semaphore(%arg6 : memref<!tpu.dma_semaphore, #tpu.memory_space<semaphore_mem>>)
    %add3A_194 = arith.constant 2408448 : i32
    %add3A_195 = arith.addi %add3A_194, %mul3A_2 : i32
    %dma_start3A_196 = arith.constant 75264 : i32
    %dma_start3A_197 = tpu.memref_slice %arg4[%dma_start3A_196] : memref<106624xf32, #tpu.memory_space<vmem>> -> memref<3136xf32, #tpu.memory_space<vmem>>
    %dma_start3A_198 = tpu.memref_slice %arg2[%add3A_195] : memref<3411968xf32, #tpu.memory_space<hbm>> -> memref<3136xf32, #tpu.memory_space<hbm>>
    %dma_start3A_199 = arith.constant 75264 : i32
    %dma_start3A_200 = tpu.memref_slice %arg4[%dma_start3A_199] : memref<106624xf32, #tpu.memory_space<vmem>> -> memref<3136xf32, #tpu.memory_space<vmem>>
    %dma_start3A_201 = tpu.memref_slice %arg2[%add3A_195] : memref<3411968xf32, #tpu.memory_space<hbm>> -> memref<3136xf32, #tpu.memory_space<hbm>>
    tpu.enqueue_dma source(%dma_start3A_201 : memref<3136xf32, #tpu.memory_space<hbm>>) target(%dma_start3A_200 : memref<3136xf32, #tpu.memory_space<vmem>>) target_semaphore(%arg6 : memref<!tpu.dma_semaphore, #tpu.memory_space<semaphore_mem>>)
    %add3A_202 = arith.constant 2508800 : i32
    %add3A_203 = arith.addi %add3A_202, %mul3A_2 : i32
    %dma_start3A_204 = arith.constant 78400 : i32
    %dma_start3A_205 = tpu.memref_slice %arg4[%dma_start3A_204] : memref<106624xf32, #tpu.memory_space<vmem>> -> memref<3136xf32, #tpu.memory_space<vmem>>
    %dma_start3A_206 = tpu.memref_slice %arg2[%add3A_203] : memref<3411968xf32, #tpu.memory_space<hbm>> -> memref<3136xf32, #tpu.memory_space<hbm>>
    %dma_start3A_207 = arith.constant 78400 : i32
    %dma_start3A_208 = tpu.memref_slice %arg4[%dma_start3A_207] : memref<106624xf32, #tpu.memory_space<vmem>> -> memref<3136xf32, #tpu.memory_space<vmem>>
    %dma_start3A_209 = tpu.memref_slice %arg2[%add3A_203] : memref<3411968xf32, #tpu.memory_space<hbm>> -> memref<3136xf32, #tpu.memory_space<hbm>>
    tpu.enqueue_dma source(%dma_start3A_209 : memref<3136xf32, #tpu.memory_space<hbm>>) target(%dma_start3A_208 : memref<3136xf32, #tpu.memory_space<vmem>>) target_semaphore(%arg6 : memref<!tpu.dma_semaphore, #tpu.memory_space<semaphore_mem>>)
    %add3A_210 = arith.constant 2609152 : i32
    %add3A_211 = arith.addi %add3A_210, %mul3A_2 : i32
    %dma_start3A_212 = arith.constant 81536 : i32
    %dma_start3A_213 = tpu.memref_slice %arg4[%dma_start3A_212] : memref<106624xf32, #tpu.memory_space<vmem>> -> memref<3136xf32, #tpu.memory_space<vmem>>
    %dma_start3A_214 = tpu.memref_slice %arg2[%add3A_211] : memref<3411968xf32, #tpu.memory_space<hbm>> -> memref<3136xf32, #tpu.memory_space<hbm>>
    %dma_start3A_215 = arith.constant 81536 : i32
    %dma_start3A_216 = tpu.memref_slice %arg4[%dma_start3A_215] : memref<106624xf32, #tpu.memory_space<vmem>> -> memref<3136xf32, #tpu.memory_space<vmem>>
    %dma_start3A_217 = tpu.memref_slice %arg2[%add3A_211] : memref<3411968xf32, #tpu.memory_space<hbm>> -> memref<3136xf32, #tpu.memory_space<hbm>>
    tpu.enqueue_dma source(%dma_start3A_217 : memref<3136xf32, #tpu.memory_space<hbm>>) target(%dma_start3A_216 : memref<3136xf32, #tpu.memory_space<vmem>>) target_semaphore(%arg6 : memref<!tpu.dma_semaphore, #tpu.memory_space<semaphore_mem>>)
    %add3A_218 = arith.constant 2709504 : i32
    %add3A_219 = arith.addi %add3A_218, %mul3A_2 : i32
    %dma_start3A_220 = arith.constant 84672 : i32
    %dma_start3A_221 = tpu.memref_slice %arg4[%dma_start3A_220] : memref<106624xf32, #tpu.memory_space<vmem>> -> memref<3136xf32, #tpu.memory_space<vmem>>
    %dma_start3A_222 = tpu.memref_slice %arg2[%add3A_219] : memref<3411968xf32, #tpu.memory_space<hbm>> -> memref<3136xf32, #tpu.memory_space<hbm>>
    %dma_start3A_223 = arith.constant 84672 : i32
    %dma_start3A_224 = tpu.memref_slice %arg4[%dma_start3A_223] : memref<106624xf32, #tpu.memory_space<vmem>> -> memref<3136xf32, #tpu.memory_space<vmem>>
    %dma_start3A_225 = tpu.memref_slice %arg2[%add3A_219] : memref<3411968xf32, #tpu.memory_space<hbm>> -> memref<3136xf32, #tpu.memory_space<hbm>>
    tpu.enqueue_dma source(%dma_start3A_225 : memref<3136xf32, #tpu.memory_space<hbm>>) target(%dma_start3A_224 : memref<3136xf32, #tpu.memory_space<vmem>>) target_semaphore(%arg6 : memref<!tpu.dma_semaphore, #tpu.memory_space<semaphore_mem>>)
    %add3A_226 = arith.constant 2809856 : i32
    %add3A_227 = arith.addi %add3A_226, %mul3A_2 : i32
    %dma_start3A_228 = arith.constant 87808 : i32
    %dma_start3A_229 = tpu.memref_slice %arg4[%dma_start3A_228] : memref<106624xf32, #tpu.memory_space<vmem>> -> memref<3136xf32, #tpu.memory_space<vmem>>
    %dma_start3A_230 = tpu.memref_slice %arg2[%add3A_227] : memref<3411968xf32, #tpu.memory_space<hbm>> -> memref<3136xf32, #tpu.memory_space<hbm>>
    %dma_start3A_231 = arith.constant 87808 : i32
    %dma_start3A_232 = tpu.memref_slice %arg4[%dma_start3A_231] : memref<106624xf32, #tpu.memory_space<vmem>> -> memref<3136xf32, #tpu.memory_space<vmem>>
    %dma_start3A_233 = tpu.memref_slice %arg2[%add3A_227] : memref<3411968xf32, #tpu.memory_space<hbm>> -> memref<3136xf32, #tpu.memory_space<hbm>>
    tpu.enqueue_dma source(%dma_start3A_233 : memref<3136xf32, #tpu.memory_space<hbm>>) target(%dma_start3A_232 : memref<3136xf32, #tpu.memory_space<vmem>>) target_semaphore(%arg6 : memref<!tpu.dma_semaphore, #tpu.memory_space<semaphore_mem>>)
    %add3A_234 = arith.constant 2910208 : i32
    %add3A_235 = arith.addi %add3A_234, %mul3A_2 : i32
    %dma_start3A_236 = arith.constant 90944 : i32
    %dma_start3A_237 = tpu.memref_slice %arg4[%dma_start3A_236] : memref<106624xf32, #tpu.memory_space<vmem>> -> memref<3136xf32, #tpu.memory_space<vmem>>
    %dma_start3A_238 = tpu.memref_slice %arg2[%add3A_235] : memref<3411968xf32, #tpu.memory_space<hbm>> -> memref<3136xf32, #tpu.memory_space<hbm>>
    %dma_start3A_239 = arith.constant 90944 : i32
    %dma_start3A_240 = tpu.memref_slice %arg4[%dma_start3A_239] : memref<106624xf32, #tpu.memory_space<vmem>> -> memref<3136xf32, #tpu.memory_space<vmem>>
    %dma_start3A_241 = tpu.memref_slice %arg2[%add3A_235] : memref<3411968xf32, #tpu.memory_space<hbm>> -> memref<3136xf32, #tpu.memory_space<hbm>>
    tpu.enqueue_dma source(%dma_start3A_241 : memref<3136xf32, #tpu.memory_space<hbm>>) target(%dma_start3A_240 : memref<3136xf32, #tpu.memory_space<vmem>>) target_semaphore(%arg6 : memref<!tpu.dma_semaphore, #tpu.memory_space<semaphore_mem>>)
    %add3A_242 = arith.constant 3010560 : i32
    %add3A_243 = arith.addi %add3A_242, %mul3A_2 : i32
    %dma_start3A_244 = arith.constant 94080 : i32
    %dma_start3A_245 = tpu.memref_slice %arg4[%dma_start3A_244] : memref<106624xf32, #tpu.memory_space<vmem>> -> memref<3136xf32, #tpu.memory_space<vmem>>
    %dma_start3A_246 = tpu.memref_slice %arg2[%add3A_243] : memref<3411968xf32, #tpu.memory_space<hbm>> -> memref<3136xf32, #tpu.memory_space<hbm>>
    %dma_start3A_247 = arith.constant 94080 : i32
    %dma_start3A_248 = tpu.memref_slice %arg4[%dma_start3A_247] : memref<106624xf32, #tpu.memory_space<vmem>> -> memref<3136xf32, #tpu.memory_space<vmem>>
    %dma_start3A_249 = tpu.memref_slice %arg2[%add3A_243] : memref<3411968xf32, #tpu.memory_space<hbm>> -> memref<3136xf32, #tpu.memory_space<hbm>>
    tpu.enqueue_dma source(%dma_start3A_249 : memref<3136xf32, #tpu.memory_space<hbm>>) target(%dma_start3A_248 : memref<3136xf32, #tpu.memory_space<vmem>>) target_semaphore(%arg6 : memref<!tpu.dma_semaphore, #tpu.memory_space<semaphore_mem>>)
    %add3A_250 = arith.constant 3110912 : i32
    %add3A_251 = arith.addi %add3A_250, %mul3A_2 : i32
    %dma_start3A_252 = arith.constant 97216 : i32
    %dma_start3A_253 = tpu.memref_slice %arg4[%dma_start3A_252] : memref<106624xf32, #tpu.memory_space<vmem>> -> memref<3136xf32, #tpu.memory_space<vmem>>
    %dma_start3A_254 = tpu.memref_slice %arg2[%add3A_251] : memref<3411968xf32, #tpu.memory_space<hbm>> -> memref<3136xf32, #tpu.memory_space<hbm>>
    %dma_start3A_255 = arith.constant 97216 : i32
    %dma_start3A_256 = tpu.memref_slice %arg4[%dma_start3A_255] : memref<106624xf32, #tpu.memory_space<vmem>> -> memref<3136xf32, #tpu.memory_space<vmem>>
    %dma_start3A_257 = tpu.memref_slice %arg2[%add3A_251] : memref<3411968xf32, #tpu.memory_space<hbm>> -> memref<3136xf32, #tpu.memory_space<hbm>>
    tpu.enqueue_dma source(%dma_start3A_257 : memref<3136xf32, #tpu.memory_space<hbm>>) target(%dma_start3A_256 : memref<3136xf32, #tpu.memory_space<vmem>>) target_semaphore(%arg6 : memref<!tpu.dma_semaphore, #tpu.memory_space<semaphore_mem>>)
    %add3A_258 = arith.constant 3211264 : i32
    %add3A_259 = arith.addi %add3A_258, %mul3A_2 : i32
    %dma_start3A_260 = arith.constant 100352 : i32
    %dma_start3A_261 = tpu.memref_slice %arg4[%dma_start3A_260] : memref<106624xf32, #tpu.memory_space<vmem>> -> memref<3136xf32, #tpu.memory_space<vmem>>
    %dma_start3A_262 = tpu.memref_slice %arg2[%add3A_259] : memref<3411968xf32, #tpu.memory_space<hbm>> -> memref<3136xf32, #tpu.memory_space<hbm>>
    %dma_start3A_263 = arith.constant 100352 : i32
    %dma_start3A_264 = tpu.memref_slice %arg4[%dma_start3A_263] : memref<106624xf32, #tpu.memory_space<vmem>> -> memref<3136xf32, #tpu.memory_space<vmem>>
    %dma_start3A_265 = tpu.memref_slice %arg2[%add3A_259] : memref<3411968xf32, #tpu.memory_space<hbm>> -> memref<3136xf32, #tpu.memory_space<hbm>>
    tpu.enqueue_dma source(%dma_start3A_265 : memref<3136xf32, #tpu.memory_space<hbm>>) target(%dma_start3A_264 : memref<3136xf32, #tpu.memory_space<vmem>>) target_semaphore(%arg6 : memref<!tpu.dma_semaphore, #tpu.memory_space<semaphore_mem>>)
    %add3A_266 = arith.constant 3311616 : i32
    %add3A_267 = arith.addi %add3A_266, %mul3A_2 : i32
    %dma_start3A_268 = arith.constant 103488 : i32
    %dma_start3A_269 = tpu.memref_slice %arg4[%dma_start3A_268] : memref<106624xf32, #tpu.memory_space<vmem>> -> memref<3136xf32, #tpu.memory_space<vmem>>
    %dma_start3A_270 = tpu.memref_slice %arg2[%add3A_267] : memref<3411968xf32, #tpu.memory_space<hbm>> -> memref<3136xf32, #tpu.memory_space<hbm>>
    %dma_start3A_271 = arith.constant 103488 : i32
    %dma_start3A_272 = tpu.memref_slice %arg4[%dma_start3A_271] : memref<106624xf32, #tpu.memory_space<vmem>> -> memref<3136xf32, #tpu.memory_space<vmem>>
    %dma_start3A_273 = tpu.memref_slice %arg2[%add3A_267] : memref<3411968xf32, #tpu.memory_space<hbm>> -> memref<3136xf32, #tpu.memory_space<hbm>>
    tpu.enqueue_dma source(%dma_start3A_273 : memref<3136xf32, #tpu.memory_space<hbm>>) target(%dma_start3A_272 : memref<3136xf32, #tpu.memory_space<vmem>>) target_semaphore(%arg6 : memref<!tpu.dma_semaphore, #tpu.memory_space<semaphore_mem>>)
    %add3A_274 = arith.constant 0 : i32
    %add3A_275 = arith.addi %add3A_274, %mul3A_2 : i32
    %dma_wait3A = arith.constant 0 : i32
    %dma_wait3A_276 = tpu.memref_slice %arg4[%dma_wait3A] : memref<106624xf32, #tpu.memory_space<vmem>> -> memref<3136xf32, #tpu.memory_space<vmem>>
    %dma_wait3A_277 = tpu.memref_slice %arg2[%add3A_275] : memref<3411968xf32, #tpu.memory_space<hbm>> -> memref<3136xf32, #tpu.memory_space<hbm>>
    %dma_wait3A_278 = arith.constant 0 : i32
    %dma_wait3A_279 = tpu.memref_slice %arg4[%dma_wait3A_278] : memref<106624xf32, #tpu.memory_space<vmem>> -> memref<3136xf32, #tpu.memory_space<vmem>>
    %dma_wait3A_280 = tpu.memref_slice %arg2[%add3A_275] : memref<3411968xf32, #tpu.memory_space<hbm>> -> memref<3136xf32, #tpu.memory_space<hbm>>
    tpu.wait_dma2 semaphore(%arg6 : memref<!tpu.dma_semaphore, #tpu.memory_space<semaphore_mem>>) src(%dma_wait3A_280 : memref<3136xf32, #tpu.memory_space<hbm>>) dst(%dma_wait3A_279 : memref<3136xf32, #tpu.memory_space<vmem>>)
    %add3A_281 = arith.constant 100352 : i32
    %add3A_282 = arith.addi %add3A_281, %mul3A_2 : i32
    %dma_wait3A_283 = arith.constant 3136 : i32
    %dma_wait3A_284 = tpu.memref_slice %arg4[%dma_wait3A_283] : memref<106624xf32, #tpu.memory_space<vmem>> -> memref<3136xf32, #tpu.memory_space<vmem>>
    %dma_wait3A_285 = tpu.memref_slice %arg2[%add3A_282] : memref<3411968xf32, #tpu.memory_space<hbm>> -> memref<3136xf32, #tpu.memory_space<hbm>>
    %dma_wait3A_286 = arith.constant 3136 : i32
    %dma_wait3A_287 = tpu.memref_slice %arg4[%dma_wait3A_286] : memref<106624xf32, #tpu.memory_space<vmem>> -> memref<3136xf32, #tpu.memory_space<vmem>>
    %dma_wait3A_288 = tpu.memref_slice %arg2[%add3A_282] : memref<3411968xf32, #tpu.memory_space<hbm>> -> memref<3136xf32, #tpu.memory_space<hbm>>
    tpu.wait_dma2 semaphore(%arg6 : memref<!tpu.dma_semaphore, #tpu.memory_space<semaphore_mem>>) src(%dma_wait3A_288 : memref<3136xf32, #tpu.memory_space<hbm>>) dst(%dma_wait3A_287 : memref<3136xf32, #tpu.memory_space<vmem>>)
    %add3A_289 = arith.constant 200704 : i32
    %add3A_290 = arith.addi %add3A_289, %mul3A_2 : i32
    %dma_wait3A_291 = arith.constant 6272 : i32
    %dma_wait3A_292 = tpu.memref_slice %arg4[%dma_wait3A_291] : memref<106624xf32, #tpu.memory_space<vmem>> -> memref<3136xf32, #tpu.memory_space<vmem>>
    %dma_wait3A_293 = tpu.memref_slice %arg2[%add3A_290] : memref<3411968xf32, #tpu.memory_space<hbm>> -> memref<3136xf32, #tpu.memory_space<hbm>>
    %dma_wait3A_294 = arith.constant 6272 : i32
    %dma_wait3A_295 = tpu.memref_slice %arg4[%dma_wait3A_294] : memref<106624xf32, #tpu.memory_space<vmem>> -> memref<3136xf32, #tpu.memory_space<vmem>>
    %dma_wait3A_296 = tpu.memref_slice %arg2[%add3A_290] : memref<3411968xf32, #tpu.memory_space<hbm>> -> memref<3136xf32, #tpu.memory_space<hbm>>
    tpu.wait_dma2 semaphore(%arg6 : memref<!tpu.dma_semaphore, #tpu.memory_space<semaphore_mem>>) src(%dma_wait3A_296 : memref<3136xf32, #tpu.memory_space<hbm>>) dst(%dma_wait3A_295 : memref<3136xf32, #tpu.memory_space<vmem>>)
    %add3A_297 = arith.constant 301056 : i32
    %add3A_298 = arith.addi %add3A_297, %mul3A_2 : i32
    %dma_wait3A_299 = arith.constant 9408 : i32
    %dma_wait3A_300 = tpu.memref_slice %arg4[%dma_wait3A_299] : memref<106624xf32, #tpu.memory_space<vmem>> -> memref<3136xf32, #tpu.memory_space<vmem>>
    %dma_wait3A_301 = tpu.memref_slice %arg2[%add3A_298] : memref<3411968xf32, #tpu.memory_space<hbm>> -> memref<3136xf32, #tpu.memory_space<hbm>>
    %dma_wait3A_302 = arith.constant 9408 : i32
    %dma_wait3A_303 = tpu.memref_slice %arg4[%dma_wait3A_302] : memref<106624xf32, #tpu.memory_space<vmem>> -> memref<3136xf32, #tpu.memory_space<vmem>>
    %dma_wait3A_304 = tpu.memref_slice %arg2[%add3A_298] : memref<3411968xf32, #tpu.memory_space<hbm>> -> memref<3136xf32, #tpu.memory_space<hbm>>
    tpu.wait_dma2 semaphore(%arg6 : memref<!tpu.dma_semaphore, #tpu.memory_space<semaphore_mem>>) src(%dma_wait3A_304 : memref<3136xf32, #tpu.memory_space<hbm>>) dst(%dma_wait3A_303 : memref<3136xf32, #tpu.memory_space<vmem>>)
    %add3A_305 = arith.constant 401408 : i32
    %add3A_306 = arith.addi %add3A_305, %mul3A_2 : i32
    %dma_wait3A_307 = arith.constant 12544 : i32
    %dma_wait3A_308 = tpu.memref_slice %arg4[%dma_wait3A_307] : memref<106624xf32, #tpu.memory_space<vmem>> -> memref<3136xf32, #tpu.memory_space<vmem>>
    %dma_wait3A_309 = tpu.memref_slice %arg2[%add3A_306] : memref<3411968xf32, #tpu.memory_space<hbm>> -> memref<3136xf32, #tpu.memory_space<hbm>>
    %dma_wait3A_310 = arith.constant 12544 : i32
    %dma_wait3A_311 = tpu.memref_slice %arg4[%dma_wait3A_310] : memref<106624xf32, #tpu.memory_space<vmem>> -> memref<3136xf32, #tpu.memory_space<vmem>>
    %dma_wait3A_312 = tpu.memref_slice %arg2[%add3A_306] : memref<3411968xf32, #tpu.memory_space<hbm>> -> memref<3136xf32, #tpu.memory_space<hbm>>
    tpu.wait_dma2 semaphore(%arg6 : memref<!tpu.dma_semaphore, #tpu.memory_space<semaphore_mem>>) src(%dma_wait3A_312 : memref<3136xf32, #tpu.memory_space<hbm>>) dst(%dma_wait3A_311 : memref<3136xf32, #tpu.memory_space<vmem>>)
    %add3A_313 = arith.constant 501760 : i32
    %add3A_314 = arith.addi %add3A_313, %mul3A_2 : i32
    %dma_wait3A_315 = arith.constant 15680 : i32
    %dma_wait3A_316 = tpu.memref_slice %arg4[%dma_wait3A_315] : memref<106624xf32, #tpu.memory_space<vmem>> -> memref<3136xf32, #tpu.memory_space<vmem>>
    %dma_wait3A_317 = tpu.memref_slice %arg2[%add3A_314] : memref<3411968xf32, #tpu.memory_space<hbm>> -> memref<3136xf32, #tpu.memory_space<hbm>>
    %dma_wait3A_318 = arith.constant 15680 : i32
    %dma_wait3A_319 = tpu.memref_slice %arg4[%dma_wait3A_318] : memref<106624xf32, #tpu.memory_space<vmem>> -> memref<3136xf32, #tpu.memory_space<vmem>>
    %dma_wait3A_320 = tpu.memref_slice %arg2[%add3A_314] : memref<3411968xf32, #tpu.memory_space<hbm>> -> memref<3136xf32, #tpu.memory_space<hbm>>
    tpu.wait_dma2 semaphore(%arg6 : memref<!tpu.dma_semaphore, #tpu.memory_space<semaphore_mem>>) src(%dma_wait3A_320 : memref<3136xf32, #tpu.memory_space<hbm>>) dst(%dma_wait3A_319 : memref<3136xf32, #tpu.memory_space<vmem>>)
    %add3A_321 = arith.constant 602112 : i32
    %add3A_322 = arith.addi %add3A_321, %mul3A_2 : i32
    %dma_wait3A_323 = arith.constant 18816 : i32
    %dma_wait3A_324 = tpu.memref_slice %arg4[%dma_wait3A_323] : memref<106624xf32, #tpu.memory_space<vmem>> -> memref<3136xf32, #tpu.memory_space<vmem>>
    %dma_wait3A_325 = tpu.memref_slice %arg2[%add3A_322] : memref<3411968xf32, #tpu.memory_space<hbm>> -> memref<3136xf32, #tpu.memory_space<hbm>>
    %dma_wait3A_326 = arith.constant 18816 : i32
    %dma_wait3A_327 = tpu.memref_slice %arg4[%dma_wait3A_326] : memref<106624xf32, #tpu.memory_space<vmem>> -> memref<3136xf32, #tpu.memory_space<vmem>>
    %dma_wait3A_328 = tpu.memref_slice %arg2[%add3A_322] : memref<3411968xf32, #tpu.memory_space<hbm>> -> memref<3136xf32, #tpu.memory_space<hbm>>
    tpu.wait_dma2 semaphore(%arg6 : memref<!tpu.dma_semaphore, #tpu.memory_space<semaphore_mem>>) src(%dma_wait3A_328 : memref<3136xf32, #tpu.memory_space<hbm>>) dst(%dma_wait3A_327 : memref<3136xf32, #tpu.memory_space<vmem>>)
    %add3A_329 = arith.constant 702464 : i32
    %add3A_330 = arith.addi %add3A_329, %mul3A_2 : i32
    %dma_wait3A_331 = arith.constant 21952 : i32
    %dma_wait3A_332 = tpu.memref_slice %arg4[%dma_wait3A_331] : memref<106624xf32, #tpu.memory_space<vmem>> -> memref<3136xf32, #tpu.memory_space<vmem>>
    %dma_wait3A_333 = tpu.memref_slice %arg2[%add3A_330] : memref<3411968xf32, #tpu.memory_space<hbm>> -> memref<3136xf32, #tpu.memory_space<hbm>>
    %dma_wait3A_334 = arith.constant 21952 : i32
    %dma_wait3A_335 = tpu.memref_slice %arg4[%dma_wait3A_334] : memref<106624xf32, #tpu.memory_space<vmem>> -> memref<3136xf32, #tpu.memory_space<vmem>>
    %dma_wait3A_336 = tpu.memref_slice %arg2[%add3A_330] : memref<3411968xf32, #tpu.memory_space<hbm>> -> memref<3136xf32, #tpu.memory_space<hbm>>
    tpu.wait_dma2 semaphore(%arg6 : memref<!tpu.dma_semaphore, #tpu.memory_space<semaphore_mem>>) src(%dma_wait3A_336 : memref<3136xf32, #tpu.memory_space<hbm>>) dst(%dma_wait3A_335 : memref<3136xf32, #tpu.memory_space<vmem>>)
    %add3A_337 = arith.constant 802816 : i32
    %add3A_338 = arith.addi %add3A_337, %mul3A_2 : i32
    %dma_wait3A_339 = arith.constant 25088 : i32
    %dma_wait3A_340 = tpu.memref_slice %arg4[%dma_wait3A_339] : memref<106624xf32, #tpu.memory_space<vmem>> -> memref<3136xf32, #tpu.memory_space<vmem>>
    %dma_wait3A_341 = tpu.memref_slice %arg2[%add3A_338] : memref<3411968xf32, #tpu.memory_space<hbm>> -> memref<3136xf32, #tpu.memory_space<hbm>>
    %dma_wait3A_342 = arith.constant 25088 : i32
    %dma_wait3A_343 = tpu.memref_slice %arg4[%dma_wait3A_342] : memref<106624xf32, #tpu.memory_space<vmem>> -> memref<3136xf32, #tpu.memory_space<vmem>>
    %dma_wait3A_344 = tpu.memref_slice %arg2[%add3A_338] : memref<3411968xf32, #tpu.memory_space<hbm>> -> memref<3136xf32, #tpu.memory_space<hbm>>
    tpu.wait_dma2 semaphore(%arg6 : memref<!tpu.dma_semaphore, #tpu.memory_space<semaphore_mem>>) src(%dma_wait3A_344 : memref<3136xf32, #tpu.memory_space<hbm>>) dst(%dma_wait3A_343 : memref<3136xf32, #tpu.memory_space<vmem>>)
    %add3A_345 = arith.constant 903168 : i32
    %add3A_346 = arith.addi %add3A_345, %mul3A_2 : i32
    %dma_wait3A_347 = arith.constant 28224 : i32
    %dma_wait3A_348 = tpu.memref_slice %arg4[%dma_wait3A_347] : memref<106624xf32, #tpu.memory_space<vmem>> -> memref<3136xf32, #tpu.memory_space<vmem>>
    %dma_wait3A_349 = tpu.memref_slice %arg2[%add3A_346] : memref<3411968xf32, #tpu.memory_space<hbm>> -> memref<3136xf32, #tpu.memory_space<hbm>>
    %dma_wait3A_350 = arith.constant 28224 : i32
    %dma_wait3A_351 = tpu.memref_slice %arg4[%dma_wait3A_350] : memref<106624xf32, #tpu.memory_space<vmem>> -> memref<3136xf32, #tpu.memory_space<vmem>>
    %dma_wait3A_352 = tpu.memref_slice %arg2[%add3A_346] : memref<3411968xf32, #tpu.memory_space<hbm>> -> memref<3136xf32, #tpu.memory_space<hbm>>
    tpu.wait_dma2 semaphore(%arg6 : memref<!tpu.dma_semaphore, #tpu.memory_space<semaphore_mem>>) src(%dma_wait3A_352 : memref<3136xf32, #tpu.memory_space<hbm>>) dst(%dma_wait3A_351 : memref<3136xf32, #tpu.memory_space<vmem>>)
    %add3A_353 = arith.constant 1003520 : i32
    %add3A_354 = arith.addi %add3A_353, %mul3A_2 : i32
    %dma_wait3A_355 = arith.constant 31360 : i32
    %dma_wait3A_356 = tpu.memref_slice %arg4[%dma_wait3A_355] : memref<106624xf32, #tpu.memory_space<vmem>> -> memref<3136xf32, #tpu.memory_space<vmem>>
    %dma_wait3A_357 = tpu.memref_slice %arg2[%add3A_354] : memref<3411968xf32, #tpu.memory_space<hbm>> -> memref<3136xf32, #tpu.memory_space<hbm>>
    %dma_wait3A_358 = arith.constant 31360 : i32
    %dma_wait3A_359 = tpu.memref_slice %arg4[%dma_wait3A_358] : memref<106624xf32, #tpu.memory_space<vmem>> -> memref<3136xf32, #tpu.memory_space<vmem>>
    %dma_wait3A_360 = tpu.memref_slice %arg2[%add3A_354] : memref<3411968xf32, #tpu.memory_space<hbm>> -> memref<3136xf32, #tpu.memory_space<hbm>>
    tpu.wait_dma2 semaphore(%arg6 : memref<!tpu.dma_semaphore, #tpu.memory_space<semaphore_mem>>) src(%dma_wait3A_360 : memref<3136xf32, #tpu.memory_space<hbm>>) dst(%dma_wait3A_359 : memref<3136xf32, #tpu.memory_space<vmem>>)
    %add3A_361 = arith.constant 1103872 : i32
    %add3A_362 = arith.addi %add3A_361, %mul3A_2 : i32
    %dma_wait3A_363 = arith.constant 34496 : i32
    %dma_wait3A_364 = tpu.memref_slice %arg4[%dma_wait3A_363] : memref<106624xf32, #tpu.memory_space<vmem>> -> memref<3136xf32, #tpu.memory_space<vmem>>
    %dma_wait3A_365 = tpu.memref_slice %arg2[%add3A_362] : memref<3411968xf32, #tpu.memory_space<hbm>> -> memref<3136xf32, #tpu.memory_space<hbm>>
    %dma_wait3A_366 = arith.constant 34496 : i32
    %dma_wait3A_367 = tpu.memref_slice %arg4[%dma_wait3A_366] : memref<106624xf32, #tpu.memory_space<vmem>> -> memref<3136xf32, #tpu.memory_space<vmem>>
    %dma_wait3A_368 = tpu.memref_slice %arg2[%add3A_362] : memref<3411968xf32, #tpu.memory_space<hbm>> -> memref<3136xf32, #tpu.memory_space<hbm>>
    tpu.wait_dma2 semaphore(%arg6 : memref<!tpu.dma_semaphore, #tpu.memory_space<semaphore_mem>>) src(%dma_wait3A_368 : memref<3136xf32, #tpu.memory_space<hbm>>) dst(%dma_wait3A_367 : memref<3136xf32, #tpu.memory_space<vmem>>)
    %add3A_369 = arith.constant 1204224 : i32
    %add3A_370 = arith.addi %add3A_369, %mul3A_2 : i32
    %dma_wait3A_371 = arith.constant 37632 : i32
    %dma_wait3A_372 = tpu.memref_slice %arg4[%dma_wait3A_371] : memref<106624xf32, #tpu.memory_space<vmem>> -> memref<3136xf32, #tpu.memory_space<vmem>>
    %dma_wait3A_373 = tpu.memref_slice %arg2[%add3A_370] : memref<3411968xf32, #tpu.memory_space<hbm>> -> memref<3136xf32, #tpu.memory_space<hbm>>
    %dma_wait3A_374 = arith.constant 37632 : i32
    %dma_wait3A_375 = tpu.memref_slice %arg4[%dma_wait3A_374] : memref<106624xf32, #tpu.memory_space<vmem>> -> memref<3136xf32, #tpu.memory_space<vmem>>
    %dma_wait3A_376 = tpu.memref_slice %arg2[%add3A_370] : memref<3411968xf32, #tpu.memory_space<hbm>> -> memref<3136xf32, #tpu.memory_space<hbm>>
    tpu.wait_dma2 semaphore(%arg6 : memref<!tpu.dma_semaphore, #tpu.memory_space<semaphore_mem>>) src(%dma_wait3A_376 : memref<3136xf32, #tpu.memory_space<hbm>>) dst(%dma_wait3A_375 : memref<3136xf32, #tpu.memory_space<vmem>>)
    %add3A_377 = arith.constant 1304576 : i32
    %add3A_378 = arith.addi %add3A_377, %mul3A_2 : i32
    %dma_wait3A_379 = arith.constant 40768 : i32
    %dma_wait3A_380 = tpu.memref_slice %arg4[%dma_wait3A_379] : memref<106624xf32, #tpu.memory_space<vmem>> -> memref<3136xf32, #tpu.memory_space<vmem>>
    %dma_wait3A_381 = tpu.memref_slice %arg2[%add3A_378] : memref<3411968xf32, #tpu.memory_space<hbm>> -> memref<3136xf32, #tpu.memory_space<hbm>>
    %dma_wait3A_382 = arith.constant 40768 : i32
    %dma_wait3A_383 = tpu.memref_slice %arg4[%dma_wait3A_382] : memref<106624xf32, #tpu.memory_space<vmem>> -> memref<3136xf32, #tpu.memory_space<vmem>>
    %dma_wait3A_384 = tpu.memref_slice %arg2[%add3A_378] : memref<3411968xf32, #tpu.memory_space<hbm>> -> memref<3136xf32, #tpu.memory_space<hbm>>
    tpu.wait_dma2 semaphore(%arg6 : memref<!tpu.dma_semaphore, #tpu.memory_space<semaphore_mem>>) src(%dma_wait3A_384 : memref<3136xf32, #tpu.memory_space<hbm>>) dst(%dma_wait3A_383 : memref<3136xf32, #tpu.memory_space<vmem>>)
    %add3A_385 = arith.constant 1404928 : i32
    %add3A_386 = arith.addi %add3A_385, %mul3A_2 : i32
    %dma_wait3A_387 = arith.constant 43904 : i32
    %dma_wait3A_388 = tpu.memref_slice %arg4[%dma_wait3A_387] : memref<106624xf32, #tpu.memory_space<vmem>> -> memref<3136xf32, #tpu.memory_space<vmem>>
    %dma_wait3A_389 = tpu.memref_slice %arg2[%add3A_386] : memref<3411968xf32, #tpu.memory_space<hbm>> -> memref<3136xf32, #tpu.memory_space<hbm>>
    %dma_wait3A_390 = arith.constant 43904 : i32
    %dma_wait3A_391 = tpu.memref_slice %arg4[%dma_wait3A_390] : memref<106624xf32, #tpu.memory_space<vmem>> -> memref<3136xf32, #tpu.memory_space<vmem>>
    %dma_wait3A_392 = tpu.memref_slice %arg2[%add3A_386] : memref<3411968xf32, #tpu.memory_space<hbm>> -> memref<3136xf32, #tpu.memory_space<hbm>>
    tpu.wait_dma2 semaphore(%arg6 : memref<!tpu.dma_semaphore, #tpu.memory_space<semaphore_mem>>) src(%dma_wait3A_392 : memref<3136xf32, #tpu.memory_space<hbm>>) dst(%dma_wait3A_391 : memref<3136xf32, #tpu.memory_space<vmem>>)
    %add3A_393 = arith.constant 1505280 : i32
    %add3A_394 = arith.addi %add3A_393, %mul3A_2 : i32
    %dma_wait3A_395 = arith.constant 47040 : i32
    %dma_wait3A_396 = tpu.memref_slice %arg4[%dma_wait3A_395] : memref<106624xf32, #tpu.memory_space<vmem>> -> memref<3136xf32, #tpu.memory_space<vmem>>
    %dma_wait3A_397 = tpu.memref_slice %arg2[%add3A_394] : memref<3411968xf32, #tpu.memory_space<hbm>> -> memref<3136xf32, #tpu.memory_space<hbm>>
    %dma_wait3A_398 = arith.constant 47040 : i32
    %dma_wait3A_399 = tpu.memref_slice %arg4[%dma_wait3A_398] : memref<106624xf32, #tpu.memory_space<vmem>> -> memref<3136xf32, #tpu.memory_space<vmem>>
    %dma_wait3A_400 = tpu.memref_slice %arg2[%add3A_394] : memref<3411968xf32, #tpu.memory_space<hbm>> -> memref<3136xf32, #tpu.memory_space<hbm>>
    tpu.wait_dma2 semaphore(%arg6 : memref<!tpu.dma_semaphore, #tpu.memory_space<semaphore_mem>>) src(%dma_wait3A_400 : memref<3136xf32, #tpu.memory_space<hbm>>) dst(%dma_wait3A_399 : memref<3136xf32, #tpu.memory_space<vmem>>)
    %add3A_401 = arith.constant 1605632 : i32
    %add3A_402 = arith.addi %add3A_401, %mul3A_2 : i32
    %dma_wait3A_403 = arith.constant 50176 : i32
    %dma_wait3A_404 = tpu.memref_slice %arg4[%dma_wait3A_403] : memref<106624xf32, #tpu.memory_space<vmem>> -> memref<3136xf32, #tpu.memory_space<vmem>>
    %dma_wait3A_405 = tpu.memref_slice %arg2[%add3A_402] : memref<3411968xf32, #tpu.memory_space<hbm>> -> memref<3136xf32, #tpu.memory_space<hbm>>
    %dma_wait3A_406 = arith.constant 50176 : i32
    %dma_wait3A_407 = tpu.memref_slice %arg4[%dma_wait3A_406] : memref<106624xf32, #tpu.memory_space<vmem>> -> memref<3136xf32, #tpu.memory_space<vmem>>
    %dma_wait3A_408 = tpu.memref_slice %arg2[%add3A_402] : memref<3411968xf32, #tpu.memory_space<hbm>> -> memref<3136xf32, #tpu.memory_space<hbm>>
    tpu.wait_dma2 semaphore(%arg6 : memref<!tpu.dma_semaphore, #tpu.memory_space<semaphore_mem>>) src(%dma_wait3A_408 : memref<3136xf32, #tpu.memory_space<hbm>>) dst(%dma_wait3A_407 : memref<3136xf32, #tpu.memory_space<vmem>>)
    %add3A_409 = arith.constant 1705984 : i32
    %add3A_410 = arith.addi %add3A_409, %mul3A_2 : i32
    %dma_wait3A_411 = arith.constant 53312 : i32
    %dma_wait3A_412 = tpu.memref_slice %arg4[%dma_wait3A_411] : memref<106624xf32, #tpu.memory_space<vmem>> -> memref<3136xf32, #tpu.memory_space<vmem>>
    %dma_wait3A_413 = tpu.memref_slice %arg2[%add3A_410] : memref<3411968xf32, #tpu.memory_space<hbm>> -> memref<3136xf32, #tpu.memory_space<hbm>>
    %dma_wait3A_414 = arith.constant 53312 : i32
    %dma_wait3A_415 = tpu.memref_slice %arg4[%dma_wait3A_414] : memref<106624xf32, #tpu.memory_space<vmem>> -> memref<3136xf32, #tpu.memory_space<vmem>>
    %dma_wait3A_416 = tpu.memref_slice %arg2[%add3A_410] : memref<3411968xf32, #tpu.memory_space<hbm>> -> memref<3136xf32, #tpu.memory_space<hbm>>
    tpu.wait_dma2 semaphore(%arg6 : memref<!tpu.dma_semaphore, #tpu.memory_space<semaphore_mem>>) src(%dma_wait3A_416 : memref<3136xf32, #tpu.memory_space<hbm>>) dst(%dma_wait3A_415 : memref<3136xf32, #tpu.memory_space<vmem>>)
    %add3A_417 = arith.constant 1806336 : i32
    %add3A_418 = arith.addi %add3A_417, %mul3A_2 : i32
    %dma_wait3A_419 = arith.constant 56448 : i32
    %dma_wait3A_420 = tpu.memref_slice %arg4[%dma_wait3A_419] : memref<106624xf32, #tpu.memory_space<vmem>> -> memref<3136xf32, #tpu.memory_space<vmem>>
    %dma_wait3A_421 = tpu.memref_slice %arg2[%add3A_418] : memref<3411968xf32, #tpu.memory_space<hbm>> -> memref<3136xf32, #tpu.memory_space<hbm>>
    %dma_wait3A_422 = arith.constant 56448 : i32
    %dma_wait3A_423 = tpu.memref_slice %arg4[%dma_wait3A_422] : memref<106624xf32, #tpu.memory_space<vmem>> -> memref<3136xf32, #tpu.memory_space<vmem>>
    %dma_wait3A_424 = tpu.memref_slice %arg2[%add3A_418] : memref<3411968xf32, #tpu.memory_space<hbm>> -> memref<3136xf32, #tpu.memory_space<hbm>>
    tpu.wait_dma2 semaphore(%arg6 : memref<!tpu.dma_semaphore, #tpu.memory_space<semaphore_mem>>) src(%dma_wait3A_424 : memref<3136xf32, #tpu.memory_space<hbm>>) dst(%dma_wait3A_423 : memref<3136xf32, #tpu.memory_space<vmem>>)
    %add3A_425 = arith.constant 1906688 : i32
    %add3A_426 = arith.addi %add3A_425, %mul3A_2 : i32
    %dma_wait3A_427 = arith.constant 59584 : i32
    %dma_wait3A_428 = tpu.memref_slice %arg4[%dma_wait3A_427] : memref<106624xf32, #tpu.memory_space<vmem>> -> memref<3136xf32, #tpu.memory_space<vmem>>
    %dma_wait3A_429 = tpu.memref_slice %arg2[%add3A_426] : memref<3411968xf32, #tpu.memory_space<hbm>> -> memref<3136xf32, #tpu.memory_space<hbm>>
    %dma_wait3A_430 = arith.constant 59584 : i32
    %dma_wait3A_431 = tpu.memref_slice %arg4[%dma_wait3A_430] : memref<106624xf32, #tpu.memory_space<vmem>> -> memref<3136xf32, #tpu.memory_space<vmem>>
    %dma_wait3A_432 = tpu.memref_slice %arg2[%add3A_426] : memref<3411968xf32, #tpu.memory_space<hbm>> -> memref<3136xf32, #tpu.memory_space<hbm>>
    tpu.wait_dma2 semaphore(%arg6 : memref<!tpu.dma_semaphore, #tpu.memory_space<semaphore_mem>>) src(%dma_wait3A_432 : memref<3136xf32, #tpu.memory_space<hbm>>) dst(%dma_wait3A_431 : memref<3136xf32, #tpu.memory_space<vmem>>)
    %add3A_433 = arith.constant 2007040 : i32
    %add3A_434 = arith.addi %add3A_433, %mul3A_2 : i32
    %dma_wait3A_435 = arith.constant 62720 : i32
    %dma_wait3A_436 = tpu.memref_slice %arg4[%dma_wait3A_435] : memref<106624xf32, #tpu.memory_space<vmem>> -> memref<3136xf32, #tpu.memory_space<vmem>>
    %dma_wait3A_437 = tpu.memref_slice %arg2[%add3A_434] : memref<3411968xf32, #tpu.memory_space<hbm>> -> memref<3136xf32, #tpu.memory_space<hbm>>
    %dma_wait3A_438 = arith.constant 62720 : i32
    %dma_wait3A_439 = tpu.memref_slice %arg4[%dma_wait3A_438] : memref<106624xf32, #tpu.memory_space<vmem>> -> memref<3136xf32, #tpu.memory_space<vmem>>
    %dma_wait3A_440 = tpu.memref_slice %arg2[%add3A_434] : memref<3411968xf32, #tpu.memory_space<hbm>> -> memref<3136xf32, #tpu.memory_space<hbm>>
    tpu.wait_dma2 semaphore(%arg6 : memref<!tpu.dma_semaphore, #tpu.memory_space<semaphore_mem>>) src(%dma_wait3A_440 : memref<3136xf32, #tpu.memory_space<hbm>>) dst(%dma_wait3A_439 : memref<3136xf32, #tpu.memory_space<vmem>>)
    %add3A_441 = arith.constant 2107392 : i32
    %add3A_442 = arith.addi %add3A_441, %mul3A_2 : i32
    %dma_wait3A_443 = arith.constant 65856 : i32
    %dma_wait3A_444 = tpu.memref_slice %arg4[%dma_wait3A_443] : memref<106624xf32, #tpu.memory_space<vmem>> -> memref<3136xf32, #tpu.memory_space<vmem>>
    %dma_wait3A_445 = tpu.memref_slice %arg2[%add3A_442] : memref<3411968xf32, #tpu.memory_space<hbm>> -> memref<3136xf32, #tpu.memory_space<hbm>>
    %dma_wait3A_446 = arith.constant 65856 : i32
    %dma_wait3A_447 = tpu.memref_slice %arg4[%dma_wait3A_446] : memref<106624xf32, #tpu.memory_space<vmem>> -> memref<3136xf32, #tpu.memory_space<vmem>>
    %dma_wait3A_448 = tpu.memref_slice %arg2[%add3A_442] : memref<3411968xf32, #tpu.memory_space<hbm>> -> memref<3136xf32, #tpu.memory_space<hbm>>
    tpu.wait_dma2 semaphore(%arg6 : memref<!tpu.dma_semaphore, #tpu.memory_space<semaphore_mem>>) src(%dma_wait3A_448 : memref<3136xf32, #tpu.memory_space<hbm>>) dst(%dma_wait3A_447 : memref<3136xf32, #tpu.memory_space<vmem>>)
    %add3A_449 = arith.constant 2207744 : i32
    %add3A_450 = arith.addi %add3A_449, %mul3A_2 : i32
    %dma_wait3A_451 = arith.constant 68992 : i32
    %dma_wait3A_452 = tpu.memref_slice %arg4[%dma_wait3A_451] : memref<106624xf32, #tpu.memory_space<vmem>> -> memref<3136xf32, #tpu.memory_space<vmem>>
    %dma_wait3A_453 = tpu.memref_slice %arg2[%add3A_450] : memref<3411968xf32, #tpu.memory_space<hbm>> -> memref<3136xf32, #tpu.memory_space<hbm>>
    %dma_wait3A_454 = arith.constant 68992 : i32
    %dma_wait3A_455 = tpu.memref_slice %arg4[%dma_wait3A_454] : memref<106624xf32, #tpu.memory_space<vmem>> -> memref<3136xf32, #tpu.memory_space<vmem>>
    %dma_wait3A_456 = tpu.memref_slice %arg2[%add3A_450] : memref<3411968xf32, #tpu.memory_space<hbm>> -> memref<3136xf32, #tpu.memory_space<hbm>>
    tpu.wait_dma2 semaphore(%arg6 : memref<!tpu.dma_semaphore, #tpu.memory_space<semaphore_mem>>) src(%dma_wait3A_456 : memref<3136xf32, #tpu.memory_space<hbm>>) dst(%dma_wait3A_455 : memref<3136xf32, #tpu.memory_space<vmem>>)
    %add3A_457 = arith.constant 2308096 : i32
    %add3A_458 = arith.addi %add3A_457, %mul3A_2 : i32
    %dma_wait3A_459 = arith.constant 72128 : i32
    %dma_wait3A_460 = tpu.memref_slice %arg4[%dma_wait3A_459] : memref<106624xf32, #tpu.memory_space<vmem>> -> memref<3136xf32, #tpu.memory_space<vmem>>
    %dma_wait3A_461 = tpu.memref_slice %arg2[%add3A_458] : memref<3411968xf32, #tpu.memory_space<hbm>> -> memref<3136xf32, #tpu.memory_space<hbm>>
    %dma_wait3A_462 = arith.constant 72128 : i32
    %dma_wait3A_463 = tpu.memref_slice %arg4[%dma_wait3A_462] : memref<106624xf32, #tpu.memory_space<vmem>> -> memref<3136xf32, #tpu.memory_space<vmem>>
    %dma_wait3A_464 = tpu.memref_slice %arg2[%add3A_458] : memref<3411968xf32, #tpu.memory_space<hbm>> -> memref<3136xf32, #tpu.memory_space<hbm>>
    tpu.wait_dma2 semaphore(%arg6 : memref<!tpu.dma_semaphore, #tpu.memory_space<semaphore_mem>>) src(%dma_wait3A_464 : memref<3136xf32, #tpu.memory_space<hbm>>) dst(%dma_wait3A_463 : memref<3136xf32, #tpu.memory_space<vmem>>)
    %add3A_465 = arith.constant 2408448 : i32
    %add3A_466 = arith.addi %add3A_465, %mul3A_2 : i32
    %dma_wait3A_467 = arith.constant 75264 : i32
    %dma_wait3A_468 = tpu.memref_slice %arg4[%dma_wait3A_467] : memref<106624xf32, #tpu.memory_space<vmem>> -> memref<3136xf32, #tpu.memory_space<vmem>>
    %dma_wait3A_469 = tpu.memref_slice %arg2[%add3A_466] : memref<3411968xf32, #tpu.memory_space<hbm>> -> memref<3136xf32, #tpu.memory_space<hbm>>
    %dma_wait3A_470 = arith.constant 75264 : i32
    %dma_wait3A_471 = tpu.memref_slice %arg4[%dma_wait3A_470] : memref<106624xf32, #tpu.memory_space<vmem>> -> memref<3136xf32, #tpu.memory_space<vmem>>
    %dma_wait3A_472 = tpu.memref_slice %arg2[%add3A_466] : memref<3411968xf32, #tpu.memory_space<hbm>> -> memref<3136xf32, #tpu.memory_space<hbm>>
    tpu.wait_dma2 semaphore(%arg6 : memref<!tpu.dma_semaphore, #tpu.memory_space<semaphore_mem>>) src(%dma_wait3A_472 : memref<3136xf32, #tpu.memory_space<hbm>>) dst(%dma_wait3A_471 : memref<3136xf32, #tpu.memory_space<vmem>>)
    %add3A_473 = arith.constant 2508800 : i32
    %add3A_474 = arith.addi %add3A_473, %mul3A_2 : i32
    %dma_wait3A_475 = arith.constant 78400 : i32
    %dma_wait3A_476 = tpu.memref_slice %arg4[%dma_wait3A_475] : memref<106624xf32, #tpu.memory_space<vmem>> -> memref<3136xf32, #tpu.memory_space<vmem>>
    %dma_wait3A_477 = tpu.memref_slice %arg2[%add3A_474] : memref<3411968xf32, #tpu.memory_space<hbm>> -> memref<3136xf32, #tpu.memory_space<hbm>>
    %dma_wait3A_478 = arith.constant 78400 : i32
    %dma_wait3A_479 = tpu.memref_slice %arg4[%dma_wait3A_478] : memref<106624xf32, #tpu.memory_space<vmem>> -> memref<3136xf32, #tpu.memory_space<vmem>>
    %dma_wait3A_480 = tpu.memref_slice %arg2[%add3A_474] : memref<3411968xf32, #tpu.memory_space<hbm>> -> memref<3136xf32, #tpu.memory_space<hbm>>
    tpu.wait_dma2 semaphore(%arg6 : memref<!tpu.dma_semaphore, #tpu.memory_space<semaphore_mem>>) src(%dma_wait3A_480 : memref<3136xf32, #tpu.memory_space<hbm>>) dst(%dma_wait3A_479 : memref<3136xf32, #tpu.memory_space<vmem>>)
    %add3A_481 = arith.constant 2609152 : i32
    %add3A_482 = arith.addi %add3A_481, %mul3A_2 : i32
    %dma_wait3A_483 = arith.constant 81536 : i32
    %dma_wait3A_484 = tpu.memref_slice %arg4[%dma_wait3A_483] : memref<106624xf32, #tpu.memory_space<vmem>> -> memref<3136xf32, #tpu.memory_space<vmem>>
    %dma_wait3A_485 = tpu.memref_slice %arg2[%add3A_482] : memref<3411968xf32, #tpu.memory_space<hbm>> -> memref<3136xf32, #tpu.memory_space<hbm>>
    %dma_wait3A_486 = arith.constant 81536 : i32
    %dma_wait3A_487 = tpu.memref_slice %arg4[%dma_wait3A_486] : memref<106624xf32, #tpu.memory_space<vmem>> -> memref<3136xf32, #tpu.memory_space<vmem>>
    %dma_wait3A_488 = tpu.memref_slice %arg2[%add3A_482] : memref<3411968xf32, #tpu.memory_space<hbm>> -> memref<3136xf32, #tpu.memory_space<hbm>>
    tpu.wait_dma2 semaphore(%arg6 : memref<!tpu.dma_semaphore, #tpu.memory_space<semaphore_mem>>) src(%dma_wait3A_488 : memref<3136xf32, #tpu.memory_space<hbm>>) dst(%dma_wait3A_487 : memref<3136xf32, #tpu.memory_space<vmem>>)
    %add3A_489 = arith.constant 2709504 : i32
    %add3A_490 = arith.addi %add3A_489, %mul3A_2 : i32
    %dma_wait3A_491 = arith.constant 84672 : i32
    %dma_wait3A_492 = tpu.memref_slice %arg4[%dma_wait3A_491] : memref<106624xf32, #tpu.memory_space<vmem>> -> memref<3136xf32, #tpu.memory_space<vmem>>
    %dma_wait3A_493 = tpu.memref_slice %arg2[%add3A_490] : memref<3411968xf32, #tpu.memory_space<hbm>> -> memref<3136xf32, #tpu.memory_space<hbm>>
    %dma_wait3A_494 = arith.constant 84672 : i32
    %dma_wait3A_495 = tpu.memref_slice %arg4[%dma_wait3A_494] : memref<106624xf32, #tpu.memory_space<vmem>> -> memref<3136xf32, #tpu.memory_space<vmem>>
    %dma_wait3A_496 = tpu.memref_slice %arg2[%add3A_490] : memref<3411968xf32, #tpu.memory_space<hbm>> -> memref<3136xf32, #tpu.memory_space<hbm>>
    tpu.wait_dma2 semaphore(%arg6 : memref<!tpu.dma_semaphore, #tpu.memory_space<semaphore_mem>>) src(%dma_wait3A_496 : memref<3136xf32, #tpu.memory_space<hbm>>) dst(%dma_wait3A_495 : memref<3136xf32, #tpu.memory_space<vmem>>)
    %add3A_497 = arith.constant 2809856 : i32
    %add3A_498 = arith.addi %add3A_497, %mul3A_2 : i32
    %dma_wait3A_499 = arith.constant 87808 : i32
    %dma_wait3A_500 = tpu.memref_slice %arg4[%dma_wait3A_499] : memref<106624xf32, #tpu.memory_space<vmem>> -> memref<3136xf32, #tpu.memory_space<vmem>>
    %dma_wait3A_501 = tpu.memref_slice %arg2[%add3A_498] : memref<3411968xf32, #tpu.memory_space<hbm>> -> memref<3136xf32, #tpu.memory_space<hbm>>
    %dma_wait3A_502 = arith.constant 87808 : i32
    %dma_wait3A_503 = tpu.memref_slice %arg4[%dma_wait3A_502] : memref<106624xf32, #tpu.memory_space<vmem>> -> memref<3136xf32, #tpu.memory_space<vmem>>
    %dma_wait3A_504 = tpu.memref_slice %arg2[%add3A_498] : memref<3411968xf32, #tpu.memory_space<hbm>> -> memref<3136xf32, #tpu.memory_space<hbm>>
    tpu.wait_dma2 semaphore(%arg6 : memref<!tpu.dma_semaphore, #tpu.memory_space<semaphore_mem>>) src(%dma_wait3A_504 : memref<3136xf32, #tpu.memory_space<hbm>>) dst(%dma_wait3A_503 : memref<3136xf32, #tpu.memory_space<vmem>>)
    %add3A_505 = arith.constant 2910208 : i32
    %add3A_506 = arith.addi %add3A_505, %mul3A_2 : i32
    %dma_wait3A_507 = arith.constant 90944 : i32
    %dma_wait3A_508 = tpu.memref_slice %arg4[%dma_wait3A_507] : memref<106624xf32, #tpu.memory_space<vmem>> -> memref<3136xf32, #tpu.memory_space<vmem>>
    %dma_wait3A_509 = tpu.memref_slice %arg2[%add3A_506] : memref<3411968xf32, #tpu.memory_space<hbm>> -> memref<3136xf32, #tpu.memory_space<hbm>>
    %dma_wait3A_510 = arith.constant 90944 : i32
    %dma_wait3A_511 = tpu.memref_slice %arg4[%dma_wait3A_510] : memref<106624xf32, #tpu.memory_space<vmem>> -> memref<3136xf32, #tpu.memory_space<vmem>>
    %dma_wait3A_512 = tpu.memref_slice %arg2[%add3A_506] : memref<3411968xf32, #tpu.memory_space<hbm>> -> memref<3136xf32, #tpu.memory_space<hbm>>
    tpu.wait_dma2 semaphore(%arg6 : memref<!tpu.dma_semaphore, #tpu.memory_space<semaphore_mem>>) src(%dma_wait3A_512 : memref<3136xf32, #tpu.memory_space<hbm>>) dst(%dma_wait3A_511 : memref<3136xf32, #tpu.memory_space<vmem>>)
    %add3A_513 = arith.constant 3010560 : i32
    %add3A_514 = arith.addi %add3A_513, %mul3A_2 : i32
    %dma_wait3A_515 = arith.constant 94080 : i32
    %dma_wait3A_516 = tpu.memref_slice %arg4[%dma_wait3A_515] : memref<106624xf32, #tpu.memory_space<vmem>> -> memref<3136xf32, #tpu.memory_space<vmem>>
    %dma_wait3A_517 = tpu.memref_slice %arg2[%add3A_514] : memref<3411968xf32, #tpu.memory_space<hbm>> -> memref<3136xf32, #tpu.memory_space<hbm>>
    %dma_wait3A_518 = arith.constant 94080 : i32
    %dma_wait3A_519 = tpu.memref_slice %arg4[%dma_wait3A_518] : memref<106624xf32, #tpu.memory_space<vmem>> -> memref<3136xf32, #tpu.memory_space<vmem>>
    %dma_wait3A_520 = tpu.memref_slice %arg2[%add3A_514] : memref<3411968xf32, #tpu.memory_space<hbm>> -> memref<3136xf32, #tpu.memory_space<hbm>>
    tpu.wait_dma2 semaphore(%arg6 : memref<!tpu.dma_semaphore, #tpu.memory_space<semaphore_mem>>) src(%dma_wait3A_520 : memref<3136xf32, #tpu.memory_space<hbm>>) dst(%dma_wait3A_519 : memref<3136xf32, #tpu.memory_space<vmem>>)
    %add3A_521 = arith.constant 3110912 : i32
    %add3A_522 = arith.addi %add3A_521, %mul3A_2 : i32
    %dma_wait3A_523 = arith.constant 97216 : i32
    %dma_wait3A_524 = tpu.memref_slice %arg4[%dma_wait3A_523] : memref<106624xf32, #tpu.memory_space<vmem>> -> memref<3136xf32, #tpu.memory_space<vmem>>
    %dma_wait3A_525 = tpu.memref_slice %arg2[%add3A_522] : memref<3411968xf32, #tpu.memory_space<hbm>> -> memref<3136xf32, #tpu.memory_space<hbm>>
    %dma_wait3A_526 = arith.constant 97216 : i32
    %dma_wait3A_527 = tpu.memref_slice %arg4[%dma_wait3A_526] : memref<106624xf32, #tpu.memory_space<vmem>> -> memref<3136xf32, #tpu.memory_space<vmem>>
    %dma_wait3A_528 = tpu.memref_slice %arg2[%add3A_522] : memref<3411968xf32, #tpu.memory_space<hbm>> -> memref<3136xf32, #tpu.memory_space<hbm>>
    tpu.wait_dma2 semaphore(%arg6 : memref<!tpu.dma_semaphore, #tpu.memory_space<semaphore_mem>>) src(%dma_wait3A_528 : memref<3136xf32, #tpu.memory_space<hbm>>) dst(%dma_wait3A_527 : memref<3136xf32, #tpu.memory_space<vmem>>)
    %add3A_529 = arith.constant 3211264 : i32
    %add3A_530 = arith.addi %add3A_529, %mul3A_2 : i32
    %dma_wait3A_531 = arith.constant 100352 : i32
    %dma_wait3A_532 = tpu.memref_slice %arg4[%dma_wait3A_531] : memref<106624xf32, #tpu.memory_space<vmem>> -> memref<3136xf32, #tpu.memory_space<vmem>>
    %dma_wait3A_533 = tpu.memref_slice %arg2[%add3A_530] : memref<3411968xf32, #tpu.memory_space<hbm>> -> memref<3136xf32, #tpu.memory_space<hbm>>
    %dma_wait3A_534 = arith.constant 100352 : i32
    %dma_wait3A_535 = tpu.memref_slice %arg4[%dma_wait3A_534] : memref<106624xf32, #tpu.memory_space<vmem>> -> memref<3136xf32, #tpu.memory_space<vmem>>
    %dma_wait3A_536 = tpu.memref_slice %arg2[%add3A_530] : memref<3411968xf32, #tpu.memory_space<hbm>> -> memref<3136xf32, #tpu.memory_space<hbm>>
    tpu.wait_dma2 semaphore(%arg6 : memref<!tpu.dma_semaphore, #tpu.memory_space<semaphore_mem>>) src(%dma_wait3A_536 : memref<3136xf32, #tpu.memory_space<hbm>>) dst(%dma_wait3A_535 : memref<3136xf32, #tpu.memory_space<vmem>>)
    %add3A_537 = arith.constant 3311616 : i32
    %add3A_538 = arith.addi %add3A_537, %mul3A_2 : i32
    %dma_wait3A_539 = arith.constant 103488 : i32
    %dma_wait3A_540 = tpu.memref_slice %arg4[%dma_wait3A_539] : memref<106624xf32, #tpu.memory_space<vmem>> -> memref<3136xf32, #tpu.memory_space<vmem>>
    %dma_wait3A_541 = tpu.memref_slice %arg2[%add3A_538] : memref<3411968xf32, #tpu.memory_space<hbm>> -> memref<3136xf32, #tpu.memory_space<hbm>>
    %dma_wait3A_542 = arith.constant 103488 : i32
    %dma_wait3A_543 = tpu.memref_slice %arg4[%dma_wait3A_542] : memref<106624xf32, #tpu.memory_space<vmem>> -> memref<3136xf32, #tpu.memory_space<vmem>>
    %dma_wait3A_544 = tpu.memref_slice %arg2[%add3A_538] : memref<3411968xf32, #tpu.memory_space<hbm>> -> memref<3136xf32, #tpu.memory_space<hbm>>
    tpu.wait_dma2 semaphore(%arg6 : memref<!tpu.dma_semaphore, #tpu.memory_space<semaphore_mem>>) src(%dma_wait3A_544 : memref<3136xf32, #tpu.memory_space<hbm>>) dst(%dma_wait3A_543 : memref<3136xf32, #tpu.memory_space<vmem>>)
    %scan3A = arith.constant 0 : i32
    %scan3A_545 = arith.constant 0 : i32
    %scan3A_546 = arith.constant 49 : i32
    %scan3A_547 = arith.addi %scan3A_545, %scan3A_546 : i32
    %scan3A_548 = arith.constant 1 : i32
    scf.for %scan3A_550 = %scan3A_545 to %scan3A_547 step %scan3A_548  : i32 {
      %mul3A_551 = arith.constant 64 : i32
      %mul3A_552 = arith.muli %scan3A_550, %mul3A_551 : i32
      %add3A_553 = arith.constant 0 : i32
      %add3A_554 = arith.addi %mul3A_552, %add3A_553 : i32
      %get3A = arith.index_cast %add3A_554 : i32 to index
      %get3A_555 = tpu.vector_load %arg4[%get3A] {strides = array<i32>} : memref<106624xf32, #tpu.memory_space<vmem>>, vector<16xf32>,
      %add3A_556 = arith.constant 3136 : i32
      %add3A_557 = arith.addi %add3A_556, %add3A_554 : i32
      %get3A_558 = arith.index_cast %add3A_557 : i32 to index
      %get3A_559 = tpu.vector_load %arg4[%get3A_558] {strides = array<i32>} : memref<106624xf32, #tpu.memory_space<vmem>>, vector<16xf32>,
      %add3A_560 = arith.addf %get3A_555, %get3A_559 : vector<16xf32>
      %add3A_561 = arith.constant 6272 : i32
      %add3A_562 = arith.addi %add3A_561, %add3A_554 : i32
      %get3A_563 = arith.index_cast %add3A_562 : i32 to index
      %get3A_564 = tpu.vector_load %arg4[%get3A_563] {strides = array<i32>} : memref<106624xf32, #tpu.memory_space<vmem>>, vector<16xf32>,
      %add3A_565 = arith.addf %add3A_560, %get3A_564 : vector<16xf32>
      %add3A_566 = arith.constant 9408 : i32
      %add3A_567 = arith.addi %add3A_566, %add3A_554 : i32
      %get3A_568 = arith.index_cast %add3A_567 : i32 to index
      %get3A_569 = tpu.vector_load %arg4[%get3A_568] {strides = array<i32>} : memref<106624xf32, #tpu.memory_space<vmem>>, vector<16xf32>,
      %add3A_570 = arith.addf %add3A_565, %get3A_569 : vector<16xf32>
      %add3A_571 = arith.constant 12544 : i32
      %add3A_572 = arith.addi %add3A_571, %add3A_554 : i32
      %get3A_573 = arith.index_cast %add3A_572 : i32 to index
      %get3A_574 = tpu.vector_load %arg4[%get3A_573] {strides = array<i32>} : memref<106624xf32, #tpu.memory_space<vmem>>, vector<16xf32>,
      %add3A_575 = arith.addf %add3A_570, %get3A_574 : vector<16xf32>
      %add3A_576 = arith.constant 15680 : i32
      %add3A_577 = arith.addi %add3A_576, %add3A_554 : i32
      %get3A_578 = arith.index_cast %add3A_577 : i32 to index
      %get3A_579 = tpu.vector_load %arg4[%get3A_578] {strides = array<i32>} : memref<106624xf32, #tpu.memory_space<vmem>>, vector<16xf32>,
      %add3A_580 = arith.addf %add3A_575, %get3A_579 : vector<16xf32>
      %add3A_581 = arith.constant 18816 : i32
      %add3A_582 = arith.addi %add3A_581, %add3A_554 : i32
      %get3A_583 = arith.index_cast %add3A_582 : i32 to index
      %get3A_584 = tpu.vector_load %arg4[%get3A_583] {strides = array<i32>} : memref<106624xf32, #tpu.memory_space<vmem>>, vector<16xf32>,
      %add3A_585 = arith.addf %add3A_580, %get3A_584 : vector<16xf32>
      %add3A_586 = arith.constant 21952 : i32
      %add3A_587 = arith.addi %add3A_586, %add3A_554 : i32
      %get3A_588 = arith.index_cast %add3A_587 : i32 to index
      %get3A_589 = tpu.vector_load %arg4[%get3A_588] {strides = array<i32>} : memref<106624xf32, #tpu.memory_space<vmem>>, vector<16xf32>,
      %add3A_590 = arith.addf %add3A_585, %get3A_589 : vector<16xf32>
      %add3A_591 = arith.constant 25088 : i32
      %add3A_592 = arith.addi %add3A_591, %add3A_554 : i32
      %get3A_593 = arith.index_cast %add3A_592 : i32 to index
      %get3A_594 = tpu.vector_load %arg4[%get3A_593] {strides = array<i32>} : memref<106624xf32, #tpu.memory_space<vmem>>, vector<16xf32>,
      %add3A_595 = arith.addf %add3A_590, %get3A_594 : vector<16xf32>
      %add3A_596 = arith.constant 28224 : i32
      %add3A_597 = arith.addi %add3A_596, %add3A_554 : i32
      %get3A_598 = arith.index_cast %add3A_597 : i32 to index
      %get3A_599 = tpu.vector_load %arg4[%get3A_598] {strides = array<i32>} : memref<106624xf32, #tpu.memory_space<vmem>>, vector<16xf32>,
      %add3A_600 = arith.addf %add3A_595, %get3A_599 : vector<16xf32>
      %add3A_601 = arith.constant 31360 : i32
      %add3A_602 = arith.addi %add3A_601, %add3A_554 : i32
      %get3A_603 = arith.index_cast %add3A_602 : i32 to index
      %get3A_604 = tpu.vector_load %arg4[%get3A_603] {strides = array<i32>} : memref<106624xf32, #tpu.memory_space<vmem>>, vector<16xf32>,
      %add3A_605 = arith.addf %add3A_600, %get3A_604 : vector<16xf32>
      %add3A_606 = arith.constant 34496 : i32
      %add3A_607 = arith.addi %add3A_606, %add3A_554 : i32
      %get3A_608 = arith.index_cast %add3A_607 : i32 to index
      %get3A_609 = tpu.vector_load %arg4[%get3A_608] {strides = array<i32>} : memref<106624xf32, #tpu.memory_space<vmem>>, vector<16xf32>,
      %add3A_610 = arith.addf %add3A_605, %get3A_609 : vector<16xf32>
      %add3A_611 = arith.constant 37632 : i32
      %add3A_612 = arith.addi %add3A_611, %add3A_554 : i32
      %get3A_613 = arith.index_cast %add3A_612 : i32 to index
      %get3A_614 = tpu.vector_load %arg4[%get3A_613] {strides = array<i32>} : memref<106624xf32, #tpu.memory_space<vmem>>, vector<16xf32>,
      %add3A_615 = arith.addf %add3A_610, %get3A_614 : vector<16xf32>
      %add3A_616 = arith.constant 40768 : i32
      %add3A_617 = arith.addi %add3A_616, %add3A_554 : i32
      %get3A_618 = arith.index_cast %add3A_617 : i32 to index
      %get3A_619 = tpu.vector_load %arg4[%get3A_618] {strides = array<i32>} : memref<106624xf32, #tpu.memory_space<vmem>>, vector<16xf32>,
      %add3A_620 = arith.addf %add3A_615, %get3A_619 : vector<16xf32>
      %add3A_621 = arith.constant 43904 : i32
      %add3A_622 = arith.addi %add3A_621, %add3A_554 : i32
      %get3A_623 = arith.index_cast %add3A_622 : i32 to index
      %get3A_624 = tpu.vector_load %arg4[%get3A_623] {strides = array<i32>} : memref<106624xf32, #tpu.memory_space<vmem>>, vector<16xf32>,
      %add3A_625 = arith.addf %add3A_620, %get3A_624 : vector<16xf32>
      %add3A_626 = arith.constant 47040 : i32
      %add3A_627 = arith.addi %add3A_626, %add3A_554 : i32
      %get3A_628 = arith.index_cast %add3A_627 : i32 to index
      %get3A_629 = tpu.vector_load %arg4[%get3A_628] {strides = array<i32>} : memref<106624xf32, #tpu.memory_space<vmem>>, vector<16xf32>,
      %add3A_630 = arith.addf %add3A_625, %get3A_629 : vector<16xf32>
      %add3A_631 = arith.constant 50176 : i32
      %add3A_632 = arith.addi %add3A_631, %add3A_554 : i32
      %get3A_633 = arith.index_cast %add3A_632 : i32 to index
      %get3A_634 = tpu.vector_load %arg4[%get3A_633] {strides = array<i32>} : memref<106624xf32, #tpu.memory_space<vmem>>, vector<16xf32>,
      %add3A_635 = arith.addf %add3A_630, %get3A_634 : vector<16xf32>
      %add3A_636 = arith.constant 53312 : i32
      %add3A_637 = arith.addi %add3A_636, %add3A_554 : i32
      %get3A_638 = arith.index_cast %add3A_637 : i32 to index
      %get3A_639 = tpu.vector_load %arg4[%get3A_638] {strides = array<i32>} : memref<106624xf32, #tpu.memory_space<vmem>>, vector<16xf32>,
      %add3A_640 = arith.addf %add3A_635, %get3A_639 : vector<16xf32>
      %add3A_641 = arith.constant 56448 : i32
      %add3A_642 = arith.addi %add3A_641, %add3A_554 : i32
      %get3A_643 = arith.index_cast %add3A_642 : i32 to index
      %get3A_644 = tpu.vector_load %arg4[%get3A_643] {strides = array<i32>} : memref<106624xf32, #tpu.memory_space<vmem>>, vector<16xf32>,
      %add3A_645 = arith.addf %add3A_640, %get3A_644 : vector<16xf32>
      %add3A_646 = arith.constant 59584 : i32
      %add3A_647 = arith.addi %add3A_646, %add3A_554 : i32
      %get3A_648 = arith.index_cast %add3A_647 : i32 to index
      %get3A_649 = tpu.vector_load %arg4[%get3A_648] {strides = array<i32>} : memref<106624xf32, #tpu.memory_space<vmem>>, vector<16xf32>,
      %add3A_650 = arith.addf %add3A_645, %get3A_649 : vector<16xf32>
      %add3A_651 = arith.constant 62720 : i32
      %add3A_652 = arith.addi %add3A_651, %add3A_554 : i32
      %get3A_653 = arith.index_cast %add3A_652 : i32 to index
      %get3A_654 = tpu.vector_load %arg4[%get3A_653] {strides = array<i32>} : memref<106624xf32, #tpu.memory_space<vmem>>, vector<16xf32>,
      %add3A_655 = arith.addf %add3A_650, %get3A_654 : vector<16xf32>
      %add3A_656 = arith.constant 65856 : i32
      %add3A_657 = arith.addi %add3A_656, %add3A_554 : i32
      %get3A_658 = arith.index_cast %add3A_657 : i32 to index
      %get3A_659 = tpu.vector_load %arg4[%get3A_658] {strides = array<i32>} : memref<106624xf32, #tpu.memory_space<vmem>>, vector<16xf32>,
      %add3A_660 = arith.addf %add3A_655, %get3A_659 : vector<16xf32>
      %add3A_661 = arith.constant 68992 : i32
      %add3A_662 = arith.addi %add3A_661, %add3A_554 : i32
      %get3A_663 = arith.index_cast %add3A_662 : i32 to index
      %get3A_664 = tpu.vector_load %arg4[%get3A_663] {strides = array<i32>} : memref<106624xf32, #tpu.memory_space<vmem>>, vector<16xf32>,
      %add3A_665 = arith.addf %add3A_660, %get3A_664 : vector<16xf32>
      %add3A_666 = arith.constant 72128 : i32
      %add3A_667 = arith.addi %add3A_666, %add3A_554 : i32
      %get3A_668 = arith.index_cast %add3A_667 : i32 to index
      %get3A_669 = tpu.vector_load %arg4[%get3A_668] {strides = array<i32>} : memref<106624xf32, #tpu.memory_space<vmem>>, vector<16xf32>,
      %add3A_670 = arith.addf %add3A_665, %get3A_669 : vector<16xf32>
      %add3A_671 = arith.constant 75264 : i32
      %add3A_672 = arith.addi %add3A_671, %add3A_554 : i32
      %get3A_673 = arith.index_cast %add3A_672 : i32 to index
      %get3A_674 = tpu.vector_load %arg4[%get3A_673] {strides = array<i32>} : memref<106624xf32, #tpu.memory_space<vmem>>, vector<16xf32>,
      %add3A_675 = arith.addf %add3A_670, %get3A_674 : vector<16xf32>
      %add3A_676 = arith.constant 78400 : i32
      %add3A_677 = arith.addi %add3A_676, %add3A_554 : i32
      %get3A_678 = arith.index_cast %add3A_677 : i32 to index
      %get3A_679 = tpu.vector_load %arg4[%get3A_678] {strides = array<i32>} : memref<106624xf32, #tpu.memory_space<vmem>>, vector<16xf32>,
      %add3A_680 = arith.addf %add3A_675, %get3A_679 : vector<16xf32>
      %add3A_681 = arith.constant 81536 : i32
      %add3A_682 = arith.addi %add3A_681, %add3A_554 : i32
      %get3A_683 = arith.index_cast %add3A_682 : i32 to index
      %get3A_684 = tpu.vector_load %arg4[%get3A_683] {strides = array<i32>} : memref<106624xf32, #tpu.memory_space<vmem>>, vector<16xf32>,
      %add3A_685 = arith.addf %add3A_680, %get3A_684 : vector<16xf32>
      %add3A_686 = arith.constant 84672 : i32
      %add3A_687 = arith.addi %add3A_686, %add3A_554 : i32
      %get3A_688 = arith.index_cast %add3A_687 : i32 to index
      %get3A_689 = tpu.vector_load %arg4[%get3A_688] {strides = array<i32>} : memref<106624xf32, #tpu.memory_space<vmem>>, vector<16xf32>,
      %add3A_690 = arith.addf %add3A_685, %get3A_689 : vector<16xf32>
      %add3A_691 = arith.constant 87808 : i32
      %add3A_692 = arith.addi %add3A_691, %add3A_554 : i32
      %get3A_693 = arith.index_cast %add3A_692 : i32 to index
      %get3A_694 = tpu.vector_load %arg4[%get3A_693] {strides = array<i32>} : memref<106624xf32, #tpu.memory_space<vmem>>, vector<16xf32>,
      %add3A_695 = arith.addf %add3A_690, %get3A_694 : vector<16xf32>
      %add3A_696 = arith.constant 90944 : i32
      %add3A_697 = arith.addi %add3A_696, %add3A_554 : i32
      %get3A_698 = arith.index_cast %add3A_697 : i32 to index
      %get3A_699 = tpu.vector_load %arg4[%get3A_698] {strides = array<i32>} : memref<106624xf32, #tpu.memory_space<vmem>>, vector<16xf32>,
      %add3A_700 = arith.addf %add3A_695, %get3A_699 : vector<16xf32>
      %add3A_701 = arith.constant 94080 : i32
      %add3A_702 = arith.addi %add3A_701, %add3A_554 : i32
      %get3A_703 = arith.index_cast %add3A_702 : i32 to index
      %get3A_704 = tpu.vector_load %arg4[%get3A_703] {strides = array<i32>} : memref<106624xf32, #tpu.memory_space<vmem>>, vector<16xf32>,
      %add3A_705 = arith.addf %add3A_700, %get3A_704 : vector<16xf32>
      %add3A_706 = arith.constant 97216 : i32
      %add3A_707 = arith.addi %add3A_706, %add3A_554 : i32
      %get3A_708 = arith.index_cast %add3A_707 : i32 to index
      %get3A_709 = tpu.vector_load %arg4[%get3A_708] {strides = array<i32>} : memref<106624xf32, #tpu.memory_space<vmem>>, vector<16xf32>,
      %add3A_710 = arith.addf %add3A_705, %get3A_709 : vector<16xf32>
      %add3A_711 = arith.constant 100352 : i32
      %add3A_712 = arith.addi %add3A_711, %add3A_554 : i32
      %get3A_713 = arith.index_cast %add3A_712 : i32 to index
      %get3A_714 = tpu.vector_load %arg4[%get3A_713] {strides = array<i32>} : memref<106624xf32, #tpu.memory_space<vmem>>, vector<16xf32>,
      %add3A_715 = arith.addf %add3A_710, %get3A_714 : vector<16xf32>
      %add3A_716 = arith.constant 103488 : i32
      %add3A_717 = arith.addi %add3A_716, %add3A_554 : i32
      %get3A_718 = arith.index_cast %add3A_717 : i32 to index
      %get3A_719 = tpu.vector_load %arg4[%get3A_718] {strides = array<i32>} : memref<106624xf32, #tpu.memory_space<vmem>>, vector<16xf32>,
      %add3A_720 = arith.addf %add3A_715, %get3A_719 : vector<16xf32>
      %div3A = arith.constant 1.000000e+00 : f32
      %div3A_721 = vector.broadcast %div3A : f32 to vector<16xf32>
      %div3A_722 = arith.divf %div3A_721, %add3A_720 : vector<16xf32>
      %swap3A = arith.index_cast %add3A_554 : i32 to index
      %swap3A_723 = tpu.vector_load %arg5[%swap3A] {strides = array<i32>} : memref<3136xf32, #tpu.memory_space<vmem>>, vector<16xf32>,
      tpu.vector_store %arg5[%swap3A], %div3A_722 {strides = array<i32>} : memref<3136xf32, #tpu.memory_space<vmem>>, vector<16xf32>,
      %add3A_724 = arith.constant 16 : i32
      %add3A_725 = arith.addi %mul3A_552, %add3A_724 : i32
      %get3A_726 = arith.index_cast %add3A_725 : i32 to index
      %get3A_727 = tpu.vector_load %arg4[%get3A_726] {strides = array<i32>} : memref<106624xf32, #tpu.memory_space<vmem>>, vector<16xf32>,
      %add3A_728 = arith.constant 3136 : i32
      %add3A_729 = arith.addi %add3A_728, %add3A_725 : i32
      %get3A_730 = arith.index_cast %add3A_729 : i32 to index
      %get3A_731 = tpu.vector_load %arg4[%get3A_730] {strides = array<i32>} : memref<106624xf32, #tpu.memory_space<vmem>>, vector<16xf32>,
      %add3A_732 = arith.addf %get3A_727, %get3A_731 : vector<16xf32>
      %add3A_733 = arith.constant 6272 : i32
      %add3A_734 = arith.addi %add3A_733, %add3A_725 : i32
      %get3A_735 = arith.index_cast %add3A_734 : i32 to index
      %get3A_736 = tpu.vector_load %arg4[%get3A_735] {strides = array<i32>} : memref<106624xf32, #tpu.memory_space<vmem>>, vector<16xf32>,
      %add3A_737 = arith.addf %add3A_732, %get3A_736 : vector<16xf32>
      %add3A_738 = arith.constant 9408 : i32
      %add3A_739 = arith.addi %add3A_738, %add3A_725 : i32
      %get3A_740 = arith.index_cast %add3A_739 : i32 to index
      %get3A_741 = tpu.vector_load %arg4[%get3A_740] {strides = array<i32>} : memref<106624xf32, #tpu.memory_space<vmem>>, vector<16xf32>,
      %add3A_742 = arith.addf %add3A_737, %get3A_741 : vector<16xf32>
      %add3A_743 = arith.constant 12544 : i32
      %add3A_744 = arith.addi %add3A_743, %add3A_725 : i32
      %get3A_745 = arith.index_cast %add3A_744 : i32 to index
      %get3A_746 = tpu.vector_load %arg4[%get3A_745] {strides = array<i32>} : memref<106624xf32, #tpu.memory_space<vmem>>, vector<16xf32>,
      %add3A_747 = arith.addf %add3A_742, %get3A_746 : vector<16xf32>
      %add3A_748 = arith.constant 15680 : i32
      %add3A_749 = arith.addi %add3A_748, %add3A_725 : i32
      %get3A_750 = arith.index_cast %add3A_749 : i32 to index
      %get3A_751 = tpu.vector_load %arg4[%get3A_750] {strides = array<i32>} : memref<106624xf32, #tpu.memory_space<vmem>>, vector<16xf32>,
      %add3A_752 = arith.addf %add3A_747, %get3A_751 : vector<16xf32>
      %add3A_753 = arith.constant 18816 : i32
      %add3A_754 = arith.addi %add3A_753, %add3A_725 : i32
      %get3A_755 = arith.index_cast %add3A_754 : i32 to index
      %get3A_756 = tpu.vector_load %arg4[%get3A_755] {strides = array<i32>} : memref<106624xf32, #tpu.memory_space<vmem>>, vector<16xf32>,
      %add3A_757 = arith.addf %add3A_752, %get3A_756 : vector<16xf32>
      %add3A_758 = arith.constant 21952 : i32
      %add3A_759 = arith.addi %add3A_758, %add3A_725 : i32
      %get3A_760 = arith.index_cast %add3A_759 : i32 to index
      %get3A_761 = tpu.vector_load %arg4[%get3A_760] {strides = array<i32>} : memref<106624xf32, #tpu.memory_space<vmem>>, vector<16xf32>,
      %add3A_762 = arith.addf %add3A_757, %get3A_761 : vector<16xf32>
      %add3A_763 = arith.constant 25088 : i32
      %add3A_764 = arith.addi %add3A_763, %add3A_725 : i32
      %get3A_765 = arith.index_cast %add3A_764 : i32 to index
      %get3A_766 = tpu.vector_load %arg4[%get3A_765] {strides = array<i32>} : memref<106624xf32, #tpu.memory_space<vmem>>, vector<16xf32>,
      %add3A_767 = arith.addf %add3A_762, %get3A_766 : vector<16xf32>
      %add3A_768 = arith.constant 28224 : i32
      %add3A_769 = arith.addi %add3A_768, %add3A_725 : i32
      %get3A_770 = arith.index_cast %add3A_769 : i32 to index
      %get3A_771 = tpu.vector_load %arg4[%get3A_770] {strides = array<i32>} : memref<106624xf32, #tpu.memory_space<vmem>>, vector<16xf32>,
      %add3A_772 = arith.addf %add3A_767, %get3A_771 : vector<16xf32>
      %add3A_773 = arith.constant 31360 : i32
      %add3A_774 = arith.addi %add3A_773, %add3A_725 : i32
      %get3A_775 = arith.index_cast %add3A_774 : i32 to index
      %get3A_776 = tpu.vector_load %arg4[%get3A_775] {strides = array<i32>} : memref<106624xf32, #tpu.memory_space<vmem>>, vector<16xf32>,
      %add3A_777 = arith.addf %add3A_772, %get3A_776 : vector<16xf32>
      %add3A_778 = arith.constant 34496 : i32
      %add3A_779 = arith.addi %add3A_778, %add3A_725 : i32
      %get3A_780 = arith.index_cast %add3A_779 : i32 to index
      %get3A_781 = tpu.vector_load %arg4[%get3A_780] {strides = array<i32>} : memref<106624xf32, #tpu.memory_space<vmem>>, vector<16xf32>,
      %add3A_782 = arith.addf %add3A_777, %get3A_781 : vector<16xf32>
      %add3A_783 = arith.constant 37632 : i32
      %add3A_784 = arith.addi %add3A_783, %add3A_725 : i32
      %get3A_785 = arith.index_cast %add3A_784 : i32 to index
      %get3A_786 = tpu.vector_load %arg4[%get3A_785] {strides = array<i32>} : memref<106624xf32, #tpu.memory_space<vmem>>, vector<16xf32>,
      %add3A_787 = arith.addf %add3A_782, %get3A_786 : vector<16xf32>
      %add3A_788 = arith.constant 40768 : i32
      %add3A_789 = arith.addi %add3A_788, %add3A_725 : i32
      %get3A_790 = arith.index_cast %add3A_789 : i32 to index
      %get3A_791 = tpu.vector_load %arg4[%get3A_790] {strides = array<i32>} : memref<106624xf32, #tpu.memory_space<vmem>>, vector<16xf32>,
      %add3A_792 = arith.addf %add3A_787, %get3A_791 : vector<16xf32>
      %add3A_793 = arith.constant 43904 : i32
      %add3A_794 = arith.addi %add3A_793, %add3A_725 : i32
      %get3A_795 = arith.index_cast %add3A_794 : i32 to index
      %get3A_796 = tpu.vector_load %arg4[%get3A_795] {strides = array<i32>} : memref<106624xf32, #tpu.memory_space<vmem>>, vector<16xf32>,
      %add3A_797 = arith.addf %add3A_792, %get3A_796 : vector<16xf32>
      %add3A_798 = arith.constant 47040 : i32
      %add3A_799 = arith.addi %add3A_798, %add3A_725 : i32
      %get3A_800 = arith.index_cast %add3A_799 : i32 to index
      %get3A_801 = tpu.vector_load %arg4[%get3A_800] {strides = array<i32>} : memref<106624xf32, #tpu.memory_space<vmem>>, vector<16xf32>,
      %add3A_802 = arith.addf %add3A_797, %get3A_801 : vector<16xf32>
      %add3A_803 = arith.constant 50176 : i32
      %add3A_804 = arith.addi %add3A_803, %add3A_725 : i32
      %get3A_805 = arith.index_cast %add3A_804 : i32 to index
      %get3A_806 = tpu.vector_load %arg4[%get3A_805] {strides = array<i32>} : memref<106624xf32, #tpu.memory_space<vmem>>, vector<16xf32>,
      %add3A_807 = arith.addf %add3A_802, %get3A_806 : vector<16xf32>
      %add3A_808 = arith.constant 53312 : i32
      %add3A_809 = arith.addi %add3A_808, %add3A_725 : i32
      %get3A_810 = arith.index_cast %add3A_809 : i32 to index
      %get3A_811 = tpu.vector_load %arg4[%get3A_810] {strides = array<i32>} : memref<106624xf32, #tpu.memory_space<vmem>>, vector<16xf32>,
      %add3A_812 = arith.addf %add3A_807, %get3A_811 : vector<16xf32>
      %add3A_813 = arith.constant 56448 : i32
      %add3A_814 = arith.addi %add3A_813, %add3A_725 : i32
      %get3A_815 = arith.index_cast %add3A_814 : i32 to index
      %get3A_816 = tpu.vector_load %arg4[%get3A_815] {strides = array<i32>} : memref<106624xf32, #tpu.memory_space<vmem>>, vector<16xf32>,
      %add3A_817 = arith.addf %add3A_812, %get3A_816 : vector<16xf32>
      %add3A_818 = arith.constant 59584 : i32
      %add3A_819 = arith.addi %add3A_818, %add3A_725 : i32
      %get3A_820 = arith.index_cast %add3A_819 : i32 to index
      %get3A_821 = tpu.vector_load %arg4[%get3A_820] {strides = array<i32>} : memref<106624xf32, #tpu.memory_space<vmem>>, vector<16xf32>,
      %add3A_822 = arith.addf %add3A_817, %get3A_821 : vector<16xf32>
      %add3A_823 = arith.constant 62720 : i32
      %add3A_824 = arith.addi %add3A_823, %add3A_725 : i32
      %get3A_825 = arith.index_cast %add3A_824 : i32 to index
      %get3A_826 = tpu.vector_load %arg4[%get3A_825] {strides = array<i32>} : memref<106624xf32, #tpu.memory_space<vmem>>, vector<16xf32>,
      %add3A_827 = arith.addf %add3A_822, %get3A_826 : vector<16xf32>
      %add3A_828 = arith.constant 65856 : i32
      %add3A_829 = arith.addi %add3A_828, %add3A_725 : i32
      %get3A_830 = arith.index_cast %add3A_829 : i32 to index
      %get3A_831 = tpu.vector_load %arg4[%get3A_830] {strides = array<i32>} : memref<106624xf32, #tpu.memory_space<vmem>>, vector<16xf32>,
      %add3A_832 = arith.addf %add3A_827, %get3A_831 : vector<16xf32>
      %add3A_833 = arith.constant 68992 : i32
      %add3A_834 = arith.addi %add3A_833, %add3A_725 : i32
      %get3A_835 = arith.index_cast %add3A_834 : i32 to index
      %get3A_836 = tpu.vector_load %arg4[%get3A_835] {strides = array<i32>} : memref<106624xf32, #tpu.memory_space<vmem>>, vector<16xf32>,
      %add3A_837 = arith.addf %add3A_832, %get3A_836 : vector<16xf32>
      %add3A_838 = arith.constant 72128 : i32
      %add3A_839 = arith.addi %add3A_838, %add3A_725 : i32
      %get3A_840 = arith.index_cast %add3A_839 : i32 to index
      %get3A_841 = tpu.vector_load %arg4[%get3A_840] {strides = array<i32>} : memref<106624xf32, #tpu.memory_space<vmem>>, vector<16xf32>,
      %add3A_842 = arith.addf %add3A_837, %get3A_841 : vector<16xf32>
      %add3A_843 = arith.constant 75264 : i32
      %add3A_844 = arith.addi %add3A_843, %add3A_725 : i32
      %get3A_845 = arith.index_cast %add3A_844 : i32 to index
      %get3A_846 = tpu.vector_load %arg4[%get3A_845] {strides = array<i32>} : memref<106624xf32, #tpu.memory_space<vmem>>, vector<16xf32>,
      %add3A_847 = arith.addf %add3A_842, %get3A_846 : vector<16xf32>
      %add3A_848 = arith.constant 78400 : i32
      %add3A_849 = arith.addi %add3A_848, %add3A_725 : i32
      %get3A_850 = arith.index_cast %add3A_849 : i32 to index
      %get3A_851 = tpu.vector_load %arg4[%get3A_850] {strides = array<i32>} : memref<106624xf32, #tpu.memory_space<vmem>>, vector<16xf32>,
      %add3A_852 = arith.addf %add3A_847, %get3A_851 : vector<16xf32>
      %add3A_853 = arith.constant 81536 : i32
      %add3A_854 = arith.addi %add3A_853, %add3A_725 : i32
      %get3A_855 = arith.index_cast %add3A_854 : i32 to index
      %get3A_856 = tpu.vector_load %arg4[%get3A_855] {strides = array<i32>} : memref<106624xf32, #tpu.memory_space<vmem>>, vector<16xf32>,
      %add3A_857 = arith.addf %add3A_852, %get3A_856 : vector<16xf32>
      %add3A_858 = arith.constant 84672 : i32
      %add3A_859 = arith.addi %add3A_858, %add3A_725 : i32
      %get3A_860 = arith.index_cast %add3A_859 : i32 to index
      %get3A_861 = tpu.vector_load %arg4[%get3A_860] {strides = array<i32>} : memref<106624xf32, #tpu.memory_space<vmem>>, vector<16xf32>,
      %add3A_862 = arith.addf %add3A_857, %get3A_861 : vector<16xf32>
      %add3A_863 = arith.constant 87808 : i32
      %add3A_864 = arith.addi %add3A_863, %add3A_725 : i32
      %get3A_865 = arith.index_cast %add3A_864 : i32 to index
      %get3A_866 = tpu.vector_load %arg4[%get3A_865] {strides = array<i32>} : memref<106624xf32, #tpu.memory_space<vmem>>, vector<16xf32>,
      %add3A_867 = arith.addf %add3A_862, %get3A_866 : vector<16xf32>
      %add3A_868 = arith.constant 90944 : i32
      %add3A_869 = arith.addi %add3A_868, %add3A_725 : i32
      %get3A_870 = arith.index_cast %add3A_869 : i32 to index
      %get3A_871 = tpu.vector_load %arg4[%get3A_870] {strides = array<i32>} : memref<106624xf32, #tpu.memory_space<vmem>>, vector<16xf32>,
      %add3A_872 = arith.addf %add3A_867, %get3A_871 : vector<16xf32>
      %add3A_873 = arith.constant 94080 : i32
      %add3A_874 = arith.addi %add3A_873, %add3A_725 : i32
      %get3A_875 = arith.index_cast %add3A_874 : i32 to index
      %get3A_876 = tpu.vector_load %arg4[%get3A_875] {strides = array<i32>} : memref<106624xf32, #tpu.memory_space<vmem>>, vector<16xf32>,
      %add3A_877 = arith.addf %add3A_872, %get3A_876 : vector<16xf32>
      %add3A_878 = arith.constant 97216 : i32
      %add3A_879 = arith.addi %add3A_878, %add3A_725 : i32
      %get3A_880 = arith.index_cast %add3A_879 : i32 to index
      %get3A_881 = tpu.vector_load %arg4[%get3A_880] {strides = array<i32>} : memref<106624xf32, #tpu.memory_space<vmem>>, vector<16xf32>,
      %add3A_882 = arith.addf %add3A_877, %get3A_881 : vector<16xf32>
      %add3A_883 = arith.constant 100352 : i32
      %add3A_884 = arith.addi %add3A_883, %add3A_725 : i32
      %get3A_885 = arith.index_cast %add3A_884 : i32 to index
      %get3A_886 = tpu.vector_load %arg4[%get3A_885] {strides = array<i32>} : memref<106624xf32, #tpu.memory_space<vmem>>, vector<16xf32>,
      %add3A_887 = arith.addf %add3A_882, %get3A_886 : vector<16xf32>
      %add3A_888 = arith.constant 103488 : i32
      %add3A_889 = arith.addi %add3A_888, %add3A_725 : i32
      %get3A_890 = arith.index_cast %add3A_889 : i32 to index
      %get3A_891 = tpu.vector_load %arg4[%get3A_890] {strides = array<i32>} : memref<106624xf32, #tpu.memory_space<vmem>>, vector<16xf32>,
      %add3A_892 = arith.addf %add3A_887, %get3A_891 : vector<16xf32>
      %div3A_893 = arith.constant 1.000000e+00 : f32
      %div3A_894 = vector.broadcast %div3A_893 : f32 to vector<16xf32>
      %div3A_895 = arith.divf %div3A_894, %add3A_892 : vector<16xf32>
      %swap3A_896 = arith.index_cast %add3A_725 : i32 to index
      %swap3A_897 = tpu.vector_load %arg5[%swap3A_896] {strides = array<i32>} : memref<3136xf32, #tpu.memory_space<vmem>>, vector<16xf32>,
      tpu.vector_store %arg5[%swap3A_896], %div3A_895 {strides = array<i32>} : memref<3136xf32, #tpu.memory_space<vmem>>, vector<16xf32>,
      %add3A_898 = arith.constant 32 : i32
      %add3A_899 = arith.addi %mul3A_552, %add3A_898 : i32
      %get3A_900 = arith.index_cast %add3A_899 : i32 to index
      %get3A_901 = tpu.vector_load %arg4[%get3A_900] {strides = array<i32>} : memref<106624xf32, #tpu.memory_space<vmem>>, vector<16xf32>,
      %add3A_902 = arith.constant 3136 : i32
      %add3A_903 = arith.addi %add3A_902, %add3A_899 : i32
      %get3A_904 = arith.index_cast %add3A_903 : i32 to index
      %get3A_905 = tpu.vector_load %arg4[%get3A_904] {strides = array<i32>} : memref<106624xf32, #tpu.memory_space<vmem>>, vector<16xf32>,
      %add3A_906 = arith.addf %get3A_901, %get3A_905 : vector<16xf32>
      %add3A_907 = arith.constant 6272 : i32
      %add3A_908 = arith.addi %add3A_907, %add3A_899 : i32
      %get3A_909 = arith.index_cast %add3A_908 : i32 to index
      %get3A_910 = tpu.vector_load %arg4[%get3A_909] {strides = array<i32>} : memref<106624xf32, #tpu.memory_space<vmem>>, vector<16xf32>,
      %add3A_911 = arith.addf %add3A_906, %get3A_910 : vector<16xf32>
      %add3A_912 = arith.constant 9408 : i32
      %add3A_913 = arith.addi %add3A_912, %add3A_899 : i32
      %get3A_914 = arith.index_cast %add3A_913 : i32 to index
      %get3A_915 = tpu.vector_load %arg4[%get3A_914] {strides = array<i32>} : memref<106624xf32, #tpu.memory_space<vmem>>, vector<16xf32>,
      %add3A_916 = arith.addf %add3A_911, %get3A_915 : vector<16xf32>
      %add3A_917 = arith.constant 12544 : i32
      %add3A_918 = arith.addi %add3A_917, %add3A_899 : i32
      %get3A_919 = arith.index_cast %add3A_918 : i32 to index
      %get3A_920 = tpu.vector_load %arg4[%get3A_919] {strides = array<i32>} : memref<106624xf32, #tpu.memory_space<vmem>>, vector<16xf32>,
      %add3A_921 = arith.addf %add3A_916, %get3A_920 : vector<16xf32>
      %add3A_922 = arith.constant 15680 : i32
      %add3A_923 = arith.addi %add3A_922, %add3A_899 : i32
      %get3A_924 = arith.index_cast %add3A_923 : i32 to index
      %get3A_925 = tpu.vector_load %arg4[%get3A_924] {strides = array<i32>} : memref<106624xf32, #tpu.memory_space<vmem>>, vector<16xf32>,
      %add3A_926 = arith.addf %add3A_921, %get3A_925 : vector<16xf32>
      %add3A_927 = arith.constant 18816 : i32
      %add3A_928 = arith.addi %add3A_927, %add3A_899 : i32
      %get3A_929 = arith.index_cast %add3A_928 : i32 to index
      %get3A_930 = tpu.vector_load %arg4[%get3A_929] {strides = array<i32>} : memref<106624xf32, #tpu.memory_space<vmem>>, vector<16xf32>,
      %add3A_931 = arith.addf %add3A_926, %get3A_930 : vector<16xf32>
      %add3A_932 = arith.constant 21952 : i32
      %add3A_933 = arith.addi %add3A_932, %add3A_899 : i32
      %get3A_934 = arith.index_cast %add3A_933 : i32 to index
      %get3A_935 = tpu.vector_load %arg4[%get3A_934] {strides = array<i32>} : memref<106624xf32, #tpu.memory_space<vmem>>, vector<16xf32>,
      %add3A_936 = arith.addf %add3A_931, %get3A_935 : vector<16xf32>
      %add3A_937 = arith.constant 25088 : i32
      %add3A_938 = arith.addi %add3A_937, %add3A_899 : i32
      %get3A_939 = arith.index_cast %add3A_938 : i32 to index
      %get3A_940 = tpu.vector_load %arg4[%get3A_939] {strides = array<i32>} : memref<106624xf32, #tpu.memory_space<vmem>>, vector<16xf32>,
      %add3A_941 = arith.addf %add3A_936, %get3A_940 : vector<16xf32>
      %add3A_942 = arith.constant 28224 : i32
      %add3A_943 = arith.addi %add3A_942, %add3A_899 : i32
      %get3A_944 = arith.index_cast %add3A_943 : i32 to index
      %get3A_945 = tpu.vector_load %arg4[%get3A_944] {strides = array<i32>} : memref<106624xf32, #tpu.memory_space<vmem>>, vector<16xf32>,
      %add3A_946 = arith.addf %add3A_941, %get3A_945 : vector<16xf32>
      %add3A_947 = arith.constant 31360 : i32
      %add3A_948 = arith.addi %add3A_947, %add3A_899 : i32
      %get3A_949 = arith.index_cast %add3A_948 : i32 to index
      %get3A_950 = tpu.vector_load %arg4[%get3A_949] {strides = array<i32>} : memref<106624xf32, #tpu.memory_space<vmem>>, vector<16xf32>,
      %add3A_951 = arith.addf %add3A_946, %get3A_950 : vector<16xf32>
      %add3A_952 = arith.constant 34496 : i32
      %add3A_953 = arith.addi %add3A_952, %add3A_899 : i32
      %get3A_954 = arith.index_cast %add3A_953 : i32 to index
      %get3A_955 = tpu.vector_load %arg4[%get3A_954] {strides = array<i32>} : memref<106624xf32, #tpu.memory_space<vmem>>, vector<16xf32>,
      %add3A_956 = arith.addf %add3A_951, %get3A_955 : vector<16xf32>
      %add3A_957 = arith.constant 37632 : i32
      %add3A_958 = arith.addi %add3A_957, %add3A_899 : i32
      %get3A_959 = arith.index_cast %add3A_958 : i32 to index
      %get3A_960 = tpu.vector_load %arg4[%get3A_959] {strides = array<i32>} : memref<106624xf32, #tpu.memory_space<vmem>>, vector<16xf32>,
      %add3A_961 = arith.addf %add3A_956, %get3A_960 : vector<16xf32>
      %add3A_962 = arith.constant 40768 : i32
      %add3A_963 = arith.addi %add3A_962, %add3A_899 : i32
      %get3A_964 = arith.index_cast %add3A_963 : i32 to index
      %get3A_965 = tpu.vector_load %arg4[%get3A_964] {strides = array<i32>} : memref<106624xf32, #tpu.memory_space<vmem>>, vector<16xf32>,
      %add3A_966 = arith.addf %add3A_961, %get3A_965 : vector<16xf32>
      %add3A_967 = arith.constant 43904 : i32
      %add3A_968 = arith.addi %add3A_967, %add3A_899 : i32
      %get3A_969 = arith.index_cast %add3A_968 : i32 to index
      %get3A_970 = tpu.vector_load %arg4[%get3A_969] {strides = array<i32>} : memref<106624xf32, #tpu.memory_space<vmem>>, vector<16xf32>,
      %add3A_971 = arith.addf %add3A_966, %get3A_970 : vector<16xf32>
      %add3A_972 = arith.constant 47040 : i32
      %add3A_973 = arith.addi %add3A_972, %add3A_899 : i32
      %get3A_974 = arith.index_cast %add3A_973 : i32 to index
      %get3A_975 = tpu.vector_load %arg4[%get3A_974] {strides = array<i32>} : memref<106624xf32, #tpu.memory_space<vmem>>, vector<16xf32>,
      %add3A_976 = arith.addf %add3A_971, %get3A_975 : vector<16xf32>
      %add3A_977 = arith.constant 50176 : i32
      %add3A_978 = arith.addi %add3A_977, %add3A_899 : i32
      %get3A_979 = arith.index_cast %add3A_978 : i32 to index
      %get3A_980 = tpu.vector_load %arg4[%get3A_979] {strides = array<i32>} : memref<106624xf32, #tpu.memory_space<vmem>>, vector<16xf32>,
      %add3A_981 = arith.addf %add3A_976, %get3A_980 : vector<16xf32>
      %add3A_982 = arith.constant 53312 : i32
      %add3A_983 = arith.addi %add3A_982, %add3A_899 : i32
      %get3A_984 = arith.index_cast %add3A_983 : i32 to index
      %get3A_985 = tpu.vector_load %arg4[%get3A_984] {strides = array<i32>} : memref<106624xf32, #tpu.memory_space<vmem>>, vector<16xf32>,
      %add3A_986 = arith.addf %add3A_981, %get3A_985 : vector<16xf32>
      %add3A_987 = arith.constant 56448 : i32
      %add3A_988 = arith.addi %add3A_987, %add3A_899 : i32
      %get3A_989 = arith.index_cast %add3A_988 : i32 to index
      %get3A_990 = tpu.vector_load %arg4[%get3A_989] {strides = array<i32>} : memref<106624xf32, #tpu.memory_space<vmem>>, vector<16xf32>,
      %add3A_991 = arith.addf %add3A_986, %get3A_990 : vector<16xf32>
      %add3A_992 = arith.constant 59584 : i32
      %add3A_993 = arith.addi %add3A_992, %add3A_899 : i32
      %get3A_994 = arith.index_cast %add3A_993 : i32 to index
      %get3A_995 = tpu.vector_load %arg4[%get3A_994] {strides = array<i32>} : memref<106624xf32, #tpu.memory_space<vmem>>, vector<16xf32>,
      %add3A_996 = arith.addf %add3A_991, %get3A_995 : vector<16xf32>
      %add3A_997 = arith.constant 62720 : i32
      %add3A_998 = arith.addi %add3A_997, %add3A_899 : i32
      %get3A_999 = arith.index_cast %add3A_998 : i32 to index
      %get3A_1000 = tpu.vector_load %arg4[%get3A_999] {strides = array<i32>} : memref<106624xf32, #tpu.memory_space<vmem>>, vector<16xf32>,
      %add3A_1001 = arith.addf %add3A_996, %get3A_1000 : vector<16xf32>
      %add3A_1002 = arith.constant 65856 : i32
      %add3A_1003 = arith.addi %add3A_1002, %add3A_899 : i32
      %get3A_1004 = arith.index_cast %add3A_1003 : i32 to index
      %get3A_1005 = tpu.vector_load %arg4[%get3A_1004] {strides = array<i32>} : memref<106624xf32, #tpu.memory_space<vmem>>, vector<16xf32>,
      %add3A_1006 = arith.addf %add3A_1001, %get3A_1005 : vector<16xf32>
      %add3A_1007 = arith.constant 68992 : i32
      %add3A_1008 = arith.addi %add3A_1007, %add3A_899 : i32
      %get3A_1009 = arith.index_cast %add3A_1008 : i32 to index
      %get3A_1010 = tpu.vector_load %arg4[%get3A_1009] {strides = array<i32>} : memref<106624xf32, #tpu.memory_space<vmem>>, vector<16xf32>,
      %add3A_1011 = arith.addf %add3A_1006, %get3A_1010 : vector<16xf32>
      %add3A_1012 = arith.constant 72128 : i32
      %add3A_1013 = arith.addi %add3A_1012, %add3A_899 : i32
      %get3A_1014 = arith.index_cast %add3A_1013 : i32 to index
      %get3A_1015 = tpu.vector_load %arg4[%get3A_1014] {strides = array<i32>} : memref<106624xf32, #tpu.memory_space<vmem>>, vector<16xf32>,
      %add3A_1016 = arith.addf %add3A_1011, %get3A_1015 : vector<16xf32>
      %add3A_1017 = arith.constant 75264 : i32
      %add3A_1018 = arith.addi %add3A_1017, %add3A_899 : i32
      %get3A_1019 = arith.index_cast %add3A_1018 : i32 to index
      %get3A_1020 = tpu.vector_load %arg4[%get3A_1019] {strides = array<i32>} : memref<106624xf32, #tpu.memory_space<vmem>>, vector<16xf32>,
      %add3A_1021 = arith.addf %add3A_1016, %get3A_1020 : vector<16xf32>
      %add3A_1022 = arith.constant 78400 : i32
      %add3A_1023 = arith.addi %add3A_1022, %add3A_899 : i32
      %get3A_1024 = arith.index_cast %add3A_1023 : i32 to index
      %get3A_1025 = tpu.vector_load %arg4[%get3A_1024] {strides = array<i32>} : memref<106624xf32, #tpu.memory_space<vmem>>, vector<16xf32>,
      %add3A_1026 = arith.addf %add3A_1021, %get3A_1025 : vector<16xf32>
      %add3A_1027 = arith.constant 81536 : i32
      %add3A_1028 = arith.addi %add3A_1027, %add3A_899 : i32
      %get3A_1029 = arith.index_cast %add3A_1028 : i32 to index
      %get3A_1030 = tpu.vector_load %arg4[%get3A_1029] {strides = array<i32>} : memref<106624xf32, #tpu.memory_space<vmem>>, vector<16xf32>,
      %add3A_1031 = arith.addf %add3A_1026, %get3A_1030 : vector<16xf32>
      %add3A_1032 = arith.constant 84672 : i32
      %add3A_1033 = arith.addi %add3A_1032, %add3A_899 : i32
      %get3A_1034 = arith.index_cast %add3A_1033 : i32 to index
      %get3A_1035 = tpu.vector_load %arg4[%get3A_1034] {strides = array<i32>} : memref<106624xf32, #tpu.memory_space<vmem>>, vector<16xf32>,
      %add3A_1036 = arith.addf %add3A_1031, %get3A_1035 : vector<16xf32>
      %add3A_1037 = arith.constant 87808 : i32
      %add3A_1038 = arith.addi %add3A_1037, %add3A_899 : i32
      %get3A_1039 = arith.index_cast %add3A_1038 : i32 to index
      %get3A_1040 = tpu.vector_load %arg4[%get3A_1039] {strides = array<i32>} : memref<106624xf32, #tpu.memory_space<vmem>>, vector<16xf32>,
      %add3A_1041 = arith.addf %add3A_1036, %get3A_1040 : vector<16xf32>
      %add3A_1042 = arith.constant 90944 : i32
      %add3A_1043 = arith.addi %add3A_1042, %add3A_899 : i32
      %get3A_1044 = arith.index_cast %add3A_1043 : i32 to index
      %get3A_1045 = tpu.vector_load %arg4[%get3A_1044] {strides = array<i32>} : memref<106624xf32, #tpu.memory_space<vmem>>, vector<16xf32>,
      %add3A_1046 = arith.addf %add3A_1041, %get3A_1045 : vector<16xf32>
      %add3A_1047 = arith.constant 94080 : i32
      %add3A_1048 = arith.addi %add3A_1047, %add3A_899 : i32
      %get3A_1049 = arith.index_cast %add3A_1048 : i32 to index
      %get3A_1050 = tpu.vector_load %arg4[%get3A_1049] {strides = array<i32>} : memref<106624xf32, #tpu.memory_space<vmem>>, vector<16xf32>,
      %add3A_1051 = arith.addf %add3A_1046, %get3A_1050 : vector<16xf32>
      %add3A_1052 = arith.constant 97216 : i32
      %add3A_1053 = arith.addi %add3A_1052, %add3A_899 : i32
      %get3A_1054 = arith.index_cast %add3A_1053 : i32 to index
      %get3A_1055 = tpu.vector_load %arg4[%get3A_1054] {strides = array<i32>} : memref<106624xf32, #tpu.memory_space<vmem>>, vector<16xf32>,
      %add3A_1056 = arith.addf %add3A_1051, %get3A_1055 : vector<16xf32>
      %add3A_1057 = arith.constant 100352 : i32
      %add3A_1058 = arith.addi %add3A_1057, %add3A_899 : i32
      %get3A_1059 = arith.index_cast %add3A_1058 : i32 to index
      %get3A_1060 = tpu.vector_load %arg4[%get3A_1059] {strides = array<i32>} : memref<106624xf32, #tpu.memory_space<vmem>>, vector<16xf32>,
      %add3A_1061 = arith.addf %add3A_1056, %get3A_1060 : vector<16xf32>
      %add3A_1062 = arith.constant 103488 : i32
      %add3A_1063 = arith.addi %add3A_1062, %add3A_899 : i32
      %get3A_1064 = arith.index_cast %add3A_1063 : i32 to index
      %get3A_1065 = tpu.vector_load %arg4[%get3A_1064] {strides = array<i32>} : memref<106624xf32, #tpu.memory_space<vmem>>, vector<16xf32>,
      %add3A_1066 = arith.addf %add3A_1061, %get3A_1065 : vector<16xf32>
      %div3A_1067 = arith.constant 1.000000e+00 : f32
      %div3A_1068 = vector.broadcast %div3A_1067 : f32 to vector<16xf32>
      %div3A_1069 = arith.divf %div3A_1068, %add3A_1066 : vector<16xf32>
      %swap3A_1070 = arith.index_cast %add3A_899 : i32 to index
      %swap3A_1071 = tpu.vector_load %arg5[%swap3A_1070] {strides = array<i32>} : memref<3136xf32, #tpu.memory_space<vmem>>, vector<16xf32>,
      tpu.vector_store %arg5[%swap3A_1070], %div3A_1069 {strides = array<i32>} : memref<3136xf32, #tpu.memory_space<vmem>>, vector<16xf32>,
      %add3A_1072 = arith.constant 48 : i32
      %add3A_1073 = arith.addi %mul3A_552, %add3A_1072 : i32
      %get3A_1074 = arith.index_cast %add3A_1073 : i32 to index
      %get3A_1075 = tpu.vector_load %arg4[%get3A_1074] {strides = array<i32>} : memref<106624xf32, #tpu.memory_space<vmem>>, vector<16xf32>,
      %add3A_1076 = arith.constant 3136 : i32
      %add3A_1077 = arith.addi %add3A_1076, %add3A_1073 : i32
      %get3A_1078 = arith.index_cast %add3A_1077 : i32 to index
      %get3A_1079 = tpu.vector_load %arg4[%get3A_1078] {strides = array<i32>} : memref<106624xf32, #tpu.memory_space<vmem>>, vector<16xf32>,
      %add3A_1080 = arith.addf %get3A_1075, %get3A_1079 : vector<16xf32>
      %add3A_1081 = arith.constant 6272 : i32
      %add3A_1082 = arith.addi %add3A_1081, %add3A_1073 : i32
      %get3A_1083 = arith.index_cast %add3A_1082 : i32 to index
      %get3A_1084 = tpu.vector_load %arg4[%get3A_1083] {strides = array<i32>} : memref<106624xf32, #tpu.memory_space<vmem>>, vector<16xf32>,
      %add3A_1085 = arith.addf %add3A_1080, %get3A_1084 : vector<16xf32>
      %add3A_1086 = arith.constant 9408 : i32
      %add3A_1087 = arith.addi %add3A_1086, %add3A_1073 : i32
      %get3A_1088 = arith.index_cast %add3A_1087 : i32 to index
      %get3A_1089 = tpu.vector_load %arg4[%get3A_1088] {strides = array<i32>} : memref<106624xf32, #tpu.memory_space<vmem>>, vector<16xf32>,
      %add3A_1090 = arith.addf %add3A_1085, %get3A_1089 : vector<16xf32>
      %add3A_1091 = arith.constant 12544 : i32
      %add3A_1092 = arith.addi %add3A_1091, %add3A_1073 : i32
      %get3A_1093 = arith.index_cast %add3A_1092 : i32 to index
      %get3A_1094 = tpu.vector_load %arg4[%get3A_1093] {strides = array<i32>} : memref<106624xf32, #tpu.memory_space<vmem>>, vector<16xf32>,
      %add3A_1095 = arith.addf %add3A_1090, %get3A_1094 : vector<16xf32>
      %add3A_1096 = arith.constant 15680 : i32
      %add3A_1097 = arith.addi %add3A_1096, %add3A_1073 : i32
      %get3A_1098 = arith.index_cast %add3A_1097 : i32 to index
      %get3A_1099 = tpu.vector_load %arg4[%get3A_1098] {strides = array<i32>} : memref<106624xf32, #tpu.memory_space<vmem>>, vector<16xf32>,
      %add3A_1100 = arith.addf %add3A_1095, %get3A_1099 : vector<16xf32>
      %add3A_1101 = arith.constant 18816 : i32
      %add3A_1102 = arith.addi %add3A_1101, %add3A_1073 : i32
      %get3A_1103 = arith.index_cast %add3A_1102 : i32 to index
      %get3A_1104 = tpu.vector_load %arg4[%get3A_1103] {strides = array<i32>} : memref<106624xf32, #tpu.memory_space<vmem>>, vector<16xf32>,
      %add3A_1105 = arith.addf %add3A_1100, %get3A_1104 : vector<16xf32>
      %add3A_1106 = arith.constant 21952 : i32
      %add3A_1107 = arith.addi %add3A_1106, %add3A_1073 : i32
      %get3A_1108 = arith.index_cast %add3A_1107 : i32 to index
      %get3A_1109 = tpu.vector_load %arg4[%get3A_1108] {strides = array<i32>} : memref<106624xf32, #tpu.memory_space<vmem>>, vector<16xf32>,
      %add3A_1110 = arith.addf %add3A_1105, %get3A_1109 : vector<16xf32>
      %add3A_1111 = arith.constant 25088 : i32
      %add3A_1112 = arith.addi %add3A_1111, %add3A_1073 : i32
      %get3A_1113 = arith.index_cast %add3A_1112 : i32 to index
      %get3A_1114 = tpu.vector_load %arg4[%get3A_1113] {strides = array<i32>} : memref<106624xf32, #tpu.memory_space<vmem>>, vector<16xf32>,
      %add3A_1115 = arith.addf %add3A_1110, %get3A_1114 : vector<16xf32>
      %add3A_1116 = arith.constant 28224 : i32
      %add3A_1117 = arith.addi %add3A_1116, %add3A_1073 : i32
      %get3A_1118 = arith.index_cast %add3A_1117 : i32 to index
      %get3A_1119 = tpu.vector_load %arg4[%get3A_1118] {strides = array<i32>} : memref<106624xf32, #tpu.memory_space<vmem>>, vector<16xf32>,
      %add3A_1120 = arith.addf %add3A_1115, %get3A_1119 : vector<16xf32>
      %add3A_1121 = arith.constant 31360 : i32
      %add3A_1122 = arith.addi %add3A_1121, %add3A_1073 : i32
      %get3A_1123 = arith.index_cast %add3A_1122 : i32 to index
      %get3A_1124 = tpu.vector_load %arg4[%get3A_1123] {strides = array<i32>} : memref<106624xf32, #tpu.memory_space<vmem>>, vector<16xf32>,
      %add3A_1125 = arith.addf %add3A_1120, %get3A_1124 : vector<16xf32>
      %add3A_1126 = arith.constant 34496 : i32
      %add3A_1127 = arith.addi %add3A_1126, %add3A_1073 : i32
      %get3A_1128 = arith.index_cast %add3A_1127 : i32 to index
      %get3A_1129 = tpu.vector_load %arg4[%get3A_1128] {strides = array<i32>} : memref<106624xf32, #tpu.memory_space<vmem>>, vector<16xf32>,
      %add3A_1130 = arith.addf %add3A_1125, %get3A_1129 : vector<16xf32>
      %add3A_1131 = arith.constant 37632 : i32
      %add3A_1132 = arith.addi %add3A_1131, %add3A_1073 : i32
      %get3A_1133 = arith.index_cast %add3A_1132 : i32 to index
      %get3A_1134 = tpu.vector_load %arg4[%get3A_1133] {strides = array<i32>} : memref<106624xf32, #tpu.memory_space<vmem>>, vector<16xf32>,
      %add3A_1135 = arith.addf %add3A_1130, %get3A_1134 : vector<16xf32>
      %add3A_1136 = arith.constant 40768 : i32
      %add3A_1137 = arith.addi %add3A_1136, %add3A_1073 : i32
      %get3A_1138 = arith.index_cast %add3A_1137 : i32 to index
      %get3A_1139 = tpu.vector_load %arg4[%get3A_1138] {strides = array<i32>} : memref<106624xf32, #tpu.memory_space<vmem>>, vector<16xf32>,
      %add3A_1140 = arith.addf %add3A_1135, %get3A_1139 : vector<16xf32>
      %add3A_1141 = arith.constant 43904 : i32
      %add3A_1142 = arith.addi %add3A_1141, %add3A_1073 : i32
      %get3A_1143 = arith.index_cast %add3A_1142 : i32 to index
      %get3A_1144 = tpu.vector_load %arg4[%get3A_1143] {strides = array<i32>} : memref<106624xf32, #tpu.memory_space<vmem>>, vector<16xf32>,
      %add3A_1145 = arith.addf %add3A_1140, %get3A_1144 : vector<16xf32>
      %add3A_1146 = arith.constant 47040 : i32
      %add3A_1147 = arith.addi %add3A_1146, %add3A_1073 : i32
      %get3A_1148 = arith.index_cast %add3A_1147 : i32 to index
      %get3A_1149 = tpu.vector_load %arg4[%get3A_1148] {strides = array<i32>} : memref<106624xf32, #tpu.memory_space<vmem>>, vector<16xf32>,
      %add3A_1150 = arith.addf %add3A_1145, %get3A_1149 : vector<16xf32>
      %add3A_1151 = arith.constant 50176 : i32
      %add3A_1152 = arith.addi %add3A_1151, %add3A_1073 : i32
      %get3A_1153 = arith.index_cast %add3A_1152 : i32 to index
      %get3A_1154 = tpu.vector_load %arg4[%get3A_1153] {strides = array<i32>} : memref<106624xf32, #tpu.memory_space<vmem>>, vector<16xf32>,
      %add3A_1155 = arith.addf %add3A_1150, %get3A_1154 : vector<16xf32>
      %add3A_1156 = arith.constant 53312 : i32
      %add3A_1157 = arith.addi %add3A_1156, %add3A_1073 : i32
      %get3A_1158 = arith.index_cast %add3A_1157 : i32 to index
      %get3A_1159 = tpu.vector_load %arg4[%get3A_1158] {strides = array<i32>} : memref<106624xf32, #tpu.memory_space<vmem>>, vector<16xf32>,
      %add3A_1160 = arith.addf %add3A_1155, %get3A_1159 : vector<16xf32>
      %add3A_1161 = arith.constant 56448 : i32
      %add3A_1162 = arith.addi %add3A_1161, %add3A_1073 : i32
      %get3A_1163 = arith.index_cast %add3A_1162 : i32 to index
      %get3A_1164 = tpu.vector_load %arg4[%get3A_1163] {strides = array<i32>} : memref<106624xf32, #tpu.memory_space<vmem>>, vector<16xf32>,
      %add3A_1165 = arith.addf %add3A_1160, %get3A_1164 : vector<16xf32>
      %add3A_1166 = arith.constant 59584 : i32
      %add3A_1167 = arith.addi %add3A_1166, %add3A_1073 : i32
      %get3A_1168 = arith.index_cast %add3A_1167 : i32 to index
      %get3A_1169 = tpu.vector_load %arg4[%get3A_1168] {strides = array<i32>} : memref<106624xf32, #tpu.memory_space<vmem>>, vector<16xf32>,
      %add3A_1170 = arith.addf %add3A_1165, %get3A_1169 : vector<16xf32>
      %add3A_1171 = arith.constant 62720 : i32
      %add3A_1172 = arith.addi %add3A_1171, %add3A_1073 : i32
      %get3A_1173 = arith.index_cast %add3A_1172 : i32 to index
      %get3A_1174 = tpu.vector_load %arg4[%get3A_1173] {strides = array<i32>} : memref<106624xf32, #tpu.memory_space<vmem>>, vector<16xf32>,
      %add3A_1175 = arith.addf %add3A_1170, %get3A_1174 : vector<16xf32>
      %add3A_1176 = arith.constant 65856 : i32
      %add3A_1177 = arith.addi %add3A_1176, %add3A_1073 : i32
      %get3A_1178 = arith.index_cast %add3A_1177 : i32 to index
      %get3A_1179 = tpu.vector_load %arg4[%get3A_1178] {strides = array<i32>} : memref<106624xf32, #tpu.memory_space<vmem>>, vector<16xf32>,
      %add3A_1180 = arith.addf %add3A_1175, %get3A_1179 : vector<16xf32>
      %add3A_1181 = arith.constant 68992 : i32
      %add3A_1182 = arith.addi %add3A_1181, %add3A_1073 : i32
      %get3A_1183 = arith.index_cast %add3A_1182 : i32 to index
      %get3A_1184 = tpu.vector_load %arg4[%get3A_1183] {strides = array<i32>} : memref<106624xf32, #tpu.memory_space<vmem>>, vector<16xf32>,
      %add3A_1185 = arith.addf %add3A_1180, %get3A_1184 : vector<16xf32>
      %add3A_1186 = arith.constant 72128 : i32
      %add3A_1187 = arith.addi %add3A_1186, %add3A_1073 : i32
      %get3A_1188 = arith.index_cast %add3A_1187 : i32 to index
      %get3A_1189 = tpu.vector_load %arg4[%get3A_1188] {strides = array<i32>} : memref<106624xf32, #tpu.memory_space<vmem>>, vector<16xf32>,
      %add3A_1190 = arith.addf %add3A_1185, %get3A_1189 : vector<16xf32>
      %add3A_1191 = arith.constant 75264 : i32
      %add3A_1192 = arith.addi %add3A_1191, %add3A_1073 : i32
      %get3A_1193 = arith.index_cast %add3A_1192 : i32 to index
      %get3A_1194 = tpu.vector_load %arg4[%get3A_1193] {strides = array<i32>} : memref<106624xf32, #tpu.memory_space<vmem>>, vector<16xf32>,
      %add3A_1195 = arith.addf %add3A_1190, %get3A_1194 : vector<16xf32>
      %add3A_1196 = arith.constant 78400 : i32
      %add3A_1197 = arith.addi %add3A_1196, %add3A_1073 : i32
      %get3A_1198 = arith.index_cast %add3A_1197 : i32 to index
      %get3A_1199 = tpu.vector_load %arg4[%get3A_1198] {strides = array<i32>} : memref<106624xf32, #tpu.memory_space<vmem>>, vector<16xf32>,
      %add3A_1200 = arith.addf %add3A_1195, %get3A_1199 : vector<16xf32>
      %add3A_1201 = arith.constant 81536 : i32
      %add3A_1202 = arith.addi %add3A_1201, %add3A_1073 : i32
      %get3A_1203 = arith.index_cast %add3A_1202 : i32 to index
      %get3A_1204 = tpu.vector_load %arg4[%get3A_1203] {strides = array<i32>} : memref<106624xf32, #tpu.memory_space<vmem>>, vector<16xf32>,
      %add3A_1205 = arith.addf %add3A_1200, %get3A_1204 : vector<16xf32>
      %add3A_1206 = arith.constant 84672 : i32
      %add3A_1207 = arith.addi %add3A_1206, %add3A_1073 : i32
      %get3A_1208 = arith.index_cast %add3A_1207 : i32 to index
      %get3A_1209 = tpu.vector_load %arg4[%get3A_1208] {strides = array<i32>} : memref<106624xf32, #tpu.memory_space<vmem>>, vector<16xf32>,
      %add3A_1210 = arith.addf %add3A_1205, %get3A_1209 : vector<16xf32>
      %add3A_1211 = arith.constant 87808 : i32
      %add3A_1212 = arith.addi %add3A_1211, %add3A_1073 : i32
      %get3A_1213 = arith.index_cast %add3A_1212 : i32 to index
      %get3A_1214 = tpu.vector_load %arg4[%get3A_1213] {strides = array<i32>} : memref<106624xf32, #tpu.memory_space<vmem>>, vector<16xf32>,
      %add3A_1215 = arith.addf %add3A_1210, %get3A_1214 : vector<16xf32>
      %add3A_1216 = arith.constant 90944 : i32
      %add3A_1217 = arith.addi %add3A_1216, %add3A_1073 : i32
      %get3A_1218 = arith.index_cast %add3A_1217 : i32 to index
      %get3A_1219 = tpu.vector_load %arg4[%get3A_1218] {strides = array<i32>} : memref<106624xf32, #tpu.memory_space<vmem>>, vector<16xf32>,
      %add3A_1220 = arith.addf %add3A_1215, %get3A_1219 : vector<16xf32>
      %add3A_1221 = arith.constant 94080 : i32
      %add3A_1222 = arith.addi %add3A_1221, %add3A_1073 : i32
      %get3A_1223 = arith.index_cast %add3A_1222 : i32 to index
      %get3A_1224 = tpu.vector_load %arg4[%get3A_1223] {strides = array<i32>} : memref<106624xf32, #tpu.memory_space<vmem>>, vector<16xf32>,
      %add3A_1225 = arith.addf %add3A_1220, %get3A_1224 : vector<16xf32>
      %add3A_1226 = arith.constant 97216 : i32
      %add3A_1227 = arith.addi %add3A_1226, %add3A_1073 : i32
      %get3A_1228 = arith.index_cast %add3A_1227 : i32 to index
      %get3A_1229 = tpu.vector_load %arg4[%get3A_1228] {strides = array<i32>} : memref<106624xf32, #tpu.memory_space<vmem>>, vector<16xf32>,
      %add3A_1230 = arith.addf %add3A_1225, %get3A_1229 : vector<16xf32>
      %add3A_1231 = arith.constant 100352 : i32
      %add3A_1232 = arith.addi %add3A_1231, %add3A_1073 : i32
      %get3A_1233 = arith.index_cast %add3A_1232 : i32 to index
      %get3A_1234 = tpu.vector_load %arg4[%get3A_1233] {strides = array<i32>} : memref<106624xf32, #tpu.memory_space<vmem>>, vector<16xf32>,
      %add3A_1235 = arith.addf %add3A_1230, %get3A_1234 : vector<16xf32>
      %add3A_1236 = arith.constant 103488 : i32
      %add3A_1237 = arith.addi %add3A_1236, %add3A_1073 : i32
      %get3A_1238 = arith.index_cast %add3A_1237 : i32 to index
      %get3A_1239 = tpu.vector_load %arg4[%get3A_1238] {strides = array<i32>} : memref<106624xf32, #tpu.memory_space<vmem>>, vector<16xf32>,
      %add3A_1240 = arith.addf %add3A_1235, %get3A_1239 : vector<16xf32>
      %div3A_1241 = arith.constant 1.000000e+00 : f32
      %div3A_1242 = vector.broadcast %div3A_1241 : f32 to vector<16xf32>
      %div3A_1243 = arith.divf %div3A_1242, %add3A_1240 : vector<16xf32>
      %swap3A_1244 = arith.index_cast %add3A_1073 : i32 to index
      %swap3A_1245 = tpu.vector_load %arg5[%swap3A_1244] {strides = array<i32>} : memref<3136xf32, #tpu.memory_space<vmem>>, vector<16xf32>,
      tpu.vector_store %arg5[%swap3A_1244], %div3A_1243 {strides = array<i32>} : memref<3136xf32, #tpu.memory_space<vmem>>, vector<16xf32>,
    }
    %scan3A_549 = arith.constant 49 : i32
    "tpu.region"() ({
      %run_scoped3A = tpu.sem_alloc : memref<!tpu.dma_semaphore, #tpu.memory_space<semaphore_mem>>
      %dma_start3A_550 = tpu.memref_slice %arg3[%mul3A_2] : memref<100352xf32, #tpu.memory_space<hbm>> -> memref<3136xf32, #tpu.memory_space<hbm>>
      %dma_start3A_551 = tpu.memref_slice %arg3[%mul3A_2] : memref<100352xf32, #tpu.memory_space<hbm>> -> memref<3136xf32, #tpu.memory_space<hbm>>
      tpu.enqueue_dma source(%arg5 : memref<3136xf32, #tpu.memory_space<vmem>>) target(%dma_start3A_551 : memref<3136xf32, #tpu.memory_space<hbm>>) target_semaphore(%run_scoped3A : memref<!tpu.dma_semaphore, #tpu.memory_space<semaphore_mem>>)
      %dma_wait3A_552 = tpu.memref_slice %arg3[%mul3A_2] : memref<100352xf32, #tpu.memory_space<hbm>> -> memref<3136xf32, #tpu.memory_space<hbm>>
      %dma_wait3A_553 = tpu.memref_slice %arg3[%mul3A_2] : memref<100352xf32, #tpu.memory_space<hbm>> -> memref<3136xf32, #tpu.memory_space<hbm>>
      tpu.wait_dma2 semaphore(%run_scoped3A : memref<!tpu.dma_semaphore, #tpu.memory_space<semaphore_mem>>) src(%arg5 : memref<3136xf32, #tpu.memory_space<vmem>>) dst(%dma_wait3A_553 : memref<3136xf32, #tpu.memory_space<hbm>>)
      tpu.yield
    }) : () -> ()
    return
  }
}

#map = affine_map<(d0, d1) -> (0)>
module attributes {stable_mosaic.version = 14 : i64} {
  func.func @_k1_body(%arg0: i32, %arg1: i32, %arg2: memref<6400000xf32, #tpu.memory_space<hbm>>, %arg3: memref<6400000xi32, #tpu.memory_space<hbm>>, %arg4: memref<3411968xf32, #tpu.memory_space<hbm>>, %arg5: memref<2000xf32, #tpu.memory_space<vmem>>, %arg6: memref<2000xf32, #tpu.memory_space<vmem>>, %arg7: memref<2000xi32, #tpu.memory_space<vmem>>, %arg8: memref<2000xi32, #tpu.memory_space<vmem>>, %arg9: memref<2000xf32, #tpu.memory_space<vmem>>, %arg10: memref<2000xi32, #tpu.memory_space<vmem>>, %arg11: memref<100352xf32, #tpu.memory_space<vmem>>, %arg12: memref<!tpu.dma_semaphore, #tpu.memory_space<semaphore_mem>>, %arg13: memref<!tpu.dma_semaphore, #tpu.memory_space<semaphore_mem>>, %arg14: memref<!tpu.dma_semaphore, #tpu.memory_space<semaphore_mem>>, %arg15: memref<!tpu.dma_semaphore, #tpu.memory_space<semaphore_mem>>, %arg16: memref<!tpu.dma_semaphore, #tpu.memory_space<semaphore_mem>>, %arg17: memref<!tpu.dma_semaphore, #tpu.memory_space<semaphore_mem>>, %arg18: memref<!tpu.dma_semaphore, #tpu.memory_space<semaphore_mem>>, %arg19: memref<!tpu.dma_semaphore, #tpu.memory_space<semaphore_mem>>, %arg20: memref<100352xf32, #tpu.memory_space<vmem_shared>>) attributes {dimension_semantics = [#tpu.dimension_semantics<core_parallel>, #tpu.dimension_semantics<subcore_parallel>], iteration_bounds = array<i64: 2, 16>, scalar_prefetch = 0 : i64, scratch_operands = 16 : i64, tpu.core_type = #tpu.core_type<sc_vector_subcore>, window_params = [{transform_indices = #map}, {transform_indices = #map}, {transform_indices = #map}]} {
    %mul3A = arith.constant 16 : i32
    %mul3A_0 = arith.muli %arg0, %mul3A : i32
    %add3A = arith.addi %mul3A_0, %arg1 : i32
    %mul3A_1 = arith.constant 200000 : i32
    %mul3A_2 = arith.muli %add3A, %mul3A_1 : i32
    %broadcast_in_dim3A = arith.constant 0.000000e+00 : f32
    %broadcast_in_dim3A_3 = vector.broadcast %broadcast_in_dim3A : f32 to vector<16xf32>
    %scan3A = arith.constant 0 : i32
    %scan3A_4 = arith.constant 0 : i32
    %scan3A_5 = arith.constant 784 : i32
    %scan3A_6 = arith.addi %scan3A_4, %scan3A_5 : i32
    %scan3A_7 = arith.constant 1 : i32
    scf.for %scan3A_57 = %scan3A_4 to %scan3A_6 step %scan3A_7  : i32 {
      %mul3A_58 = arith.constant 128 : i32
      %mul3A_59 = arith.muli %scan3A_57, %mul3A_58 : i32
      %add3A_60 = arith.constant 0 : i32
      %add3A_61 = arith.addi %mul3A_59, %add3A_60 : i32
      %swap3A = arith.index_cast %add3A_61 : i32 to index
      %swap3A_62 = tpu.vector_load %arg11[%swap3A] {strides = array<i32>} : memref<100352xf32, #tpu.memory_space<vmem>>, vector<16xf32>,
      tpu.vector_store %arg11[%swap3A], %broadcast_in_dim3A_3 {strides = array<i32>} : memref<100352xf32, #tpu.memory_space<vmem>>, vector<16xf32>,
      %add3A_63 = arith.constant 16 : i32
      %add3A_64 = arith.addi %mul3A_59, %add3A_63 : i32
      %swap3A_65 = arith.index_cast %add3A_64 : i32 to index
      %swap3A_66 = tpu.vector_load %arg11[%swap3A_65] {strides = array<i32>} : memref<100352xf32, #tpu.memory_space<vmem>>, vector<16xf32>,
      tpu.vector_store %arg11[%swap3A_65], %broadcast_in_dim3A_3 {strides = array<i32>} : memref<100352xf32, #tpu.memory_space<vmem>>, vector<16xf32>,
      %add3A_67 = arith.constant 32 : i32
      %add3A_68 = arith.addi %mul3A_59, %add3A_67 : i32
      %swap3A_69 = arith.index_cast %add3A_68 : i32 to index
      %swap3A_70 = tpu.vector_load %arg11[%swap3A_69] {strides = array<i32>} : memref<100352xf32, #tpu.memory_space<vmem>>, vector<16xf32>,
      tpu.vector_store %arg11[%swap3A_69], %broadcast_in_dim3A_3 {strides = array<i32>} : memref<100352xf32, #tpu.memory_space<vmem>>, vector<16xf32>,
      %add3A_71 = arith.constant 48 : i32
      %add3A_72 = arith.addi %mul3A_59, %add3A_71 : i32
      %swap3A_73 = arith.index_cast %add3A_72 : i32 to index
      %swap3A_74 = tpu.vector_load %arg11[%swap3A_73] {strides = array<i32>} : memref<100352xf32, #tpu.memory_space<vmem>>, vector<16xf32>,
      tpu.vector_store %arg11[%swap3A_73], %broadcast_in_dim3A_3 {strides = array<i32>} : memref<100352xf32, #tpu.memory_space<vmem>>, vector<16xf32>,
      %add3A_75 = arith.constant 64 : i32
      %add3A_76 = arith.addi %mul3A_59, %add3A_75 : i32
      %swap3A_77 = arith.index_cast %add3A_76 : i32 to index
      %swap3A_78 = tpu.vector_load %arg11[%swap3A_77] {strides = array<i32>} : memref<100352xf32, #tpu.memory_space<vmem>>, vector<16xf32>,
      tpu.vector_store %arg11[%swap3A_77], %broadcast_in_dim3A_3 {strides = array<i32>} : memref<100352xf32, #tpu.memory_space<vmem>>, vector<16xf32>,
      %add3A_79 = arith.constant 80 : i32
      %add3A_80 = arith.addi %mul3A_59, %add3A_79 : i32
      %swap3A_81 = arith.index_cast %add3A_80 : i32 to index
      %swap3A_82 = tpu.vector_load %arg11[%swap3A_81] {strides = array<i32>} : memref<100352xf32, #tpu.memory_space<vmem>>, vector<16xf32>,
      tpu.vector_store %arg11[%swap3A_81], %broadcast_in_dim3A_3 {strides = array<i32>} : memref<100352xf32, #tpu.memory_space<vmem>>, vector<16xf32>,
      %add3A_83 = arith.constant 96 : i32
      %add3A_84 = arith.addi %mul3A_59, %add3A_83 : i32
      %swap3A_85 = arith.index_cast %add3A_84 : i32 to index
      %swap3A_86 = tpu.vector_load %arg11[%swap3A_85] {strides = array<i32>} : memref<100352xf32, #tpu.memory_space<vmem>>, vector<16xf32>,
      tpu.vector_store %arg11[%swap3A_85], %broadcast_in_dim3A_3 {strides = array<i32>} : memref<100352xf32, #tpu.memory_space<vmem>>, vector<16xf32>,
      %add3A_87 = arith.constant 112 : i32
      %add3A_88 = arith.addi %mul3A_59, %add3A_87 : i32
      %swap3A_89 = arith.index_cast %add3A_88 : i32 to index
      %swap3A_90 = tpu.vector_load %arg11[%swap3A_89] {strides = array<i32>} : memref<100352xf32, #tpu.memory_space<vmem>>, vector<16xf32>,
      tpu.vector_store %arg11[%swap3A_89], %broadcast_in_dim3A_3 {strides = array<i32>} : memref<100352xf32, #tpu.memory_space<vmem>>, vector<16xf32>,
    }
    %scan3A_8 = arith.constant 784 : i32
    %scan3A_9 = arith.constant 0 : i32
    %scan3A_10 = arith.constant 0 : i32
    %scan3A_11 = arith.constant 15 : i32
    %scan3A_12 = arith.addi %scan3A_10, %scan3A_11 : i32
    %scan3A_13 = arith.constant 1 : i32
    scf.for %scan3A_57 = %scan3A_10 to %scan3A_12 step %scan3A_13  : i32 {
      %mul3A_58 = arith.constant 128 : i32
      %mul3A_59 = arith.muli %scan3A_57, %mul3A_58 : i32
      %add3A_60 = arith.constant 0 : i32
      %add3A_61 = arith.addi %mul3A_59, %add3A_60 : i32
      %swap3A = arith.index_cast %add3A_61 : i32 to index
      %swap3A_62 = tpu.vector_load %arg9[%swap3A] {strides = array<i32>} : memref<2000xf32, #tpu.memory_space<vmem>>, vector<16xf32>,
      tpu.vector_store %arg9[%swap3A], %broadcast_in_dim3A_3 {strides = array<i32>} : memref<2000xf32, #tpu.memory_space<vmem>>, vector<16xf32>,
      %add3A_63 = arith.constant 16 : i32
      %add3A_64 = arith.addi %mul3A_59, %add3A_63 : i32
      %swap3A_65 = arith.index_cast %add3A_64 : i32 to index
      %swap3A_66 = tpu.vector_load %arg9[%swap3A_65] {strides = array<i32>} : memref<2000xf32, #tpu.memory_space<vmem>>, vector<16xf32>,
      tpu.vector_store %arg9[%swap3A_65], %broadcast_in_dim3A_3 {strides = array<i32>} : memref<2000xf32, #tpu.memory_space<vmem>>, vector<16xf32>,
      %add3A_67 = arith.constant 32 : i32
      %add3A_68 = arith.addi %mul3A_59, %add3A_67 : i32
      %swap3A_69 = arith.index_cast %add3A_68 : i32 to index
      %swap3A_70 = tpu.vector_load %arg9[%swap3A_69] {strides = array<i32>} : memref<2000xf32, #tpu.memory_space<vmem>>, vector<16xf32>,
      tpu.vector_store %arg9[%swap3A_69], %broadcast_in_dim3A_3 {strides = array<i32>} : memref<2000xf32, #tpu.memory_space<vmem>>, vector<16xf32>,
      %add3A_71 = arith.constant 48 : i32
      %add3A_72 = arith.addi %mul3A_59, %add3A_71 : i32
      %swap3A_73 = arith.index_cast %add3A_72 : i32 to index
      %swap3A_74 = tpu.vector_load %arg9[%swap3A_73] {strides = array<i32>} : memref<2000xf32, #tpu.memory_space<vmem>>, vector<16xf32>,
      tpu.vector_store %arg9[%swap3A_73], %broadcast_in_dim3A_3 {strides = array<i32>} : memref<2000xf32, #tpu.memory_space<vmem>>, vector<16xf32>,
      %add3A_75 = arith.constant 64 : i32
      %add3A_76 = arith.addi %mul3A_59, %add3A_75 : i32
      %swap3A_77 = arith.index_cast %add3A_76 : i32 to index
      %swap3A_78 = tpu.vector_load %arg9[%swap3A_77] {strides = array<i32>} : memref<2000xf32, #tpu.memory_space<vmem>>, vector<16xf32>,
      tpu.vector_store %arg9[%swap3A_77], %broadcast_in_dim3A_3 {strides = array<i32>} : memref<2000xf32, #tpu.memory_space<vmem>>, vector<16xf32>,
      %add3A_79 = arith.constant 80 : i32
      %add3A_80 = arith.addi %mul3A_59, %add3A_79 : i32
      %swap3A_81 = arith.index_cast %add3A_80 : i32 to index
      %swap3A_82 = tpu.vector_load %arg9[%swap3A_81] {strides = array<i32>} : memref<2000xf32, #tpu.memory_space<vmem>>, vector<16xf32>,
      tpu.vector_store %arg9[%swap3A_81], %broadcast_in_dim3A_3 {strides = array<i32>} : memref<2000xf32, #tpu.memory_space<vmem>>, vector<16xf32>,
      %add3A_83 = arith.constant 96 : i32
      %add3A_84 = arith.addi %mul3A_59, %add3A_83 : i32
      %swap3A_85 = arith.index_cast %add3A_84 : i32 to index
      %swap3A_86 = tpu.vector_load %arg9[%swap3A_85] {strides = array<i32>} : memref<2000xf32, #tpu.memory_space<vmem>>, vector<16xf32>,
      tpu.vector_store %arg9[%swap3A_85], %broadcast_in_dim3A_3 {strides = array<i32>} : memref<2000xf32, #tpu.memory_space<vmem>>, vector<16xf32>,
      %add3A_87 = arith.constant 112 : i32
      %add3A_88 = arith.addi %mul3A_59, %add3A_87 : i32
      %swap3A_89 = arith.index_cast %add3A_88 : i32 to index
      %swap3A_90 = tpu.vector_load %arg9[%swap3A_89] {strides = array<i32>} : memref<2000xf32, #tpu.memory_space<vmem>>, vector<16xf32>,
      tpu.vector_store %arg9[%swap3A_89], %broadcast_in_dim3A_3 {strides = array<i32>} : memref<2000xf32, #tpu.memory_space<vmem>>, vector<16xf32>,
    }
    %scan3A_14 = arith.constant 15 : i32
    %mul3A_15 = arith.constant 6272 : i32
    %mul3A_16 = arith.muli %arg1, %mul3A_15 : i32
    %add3A_17 = arith.constant 0 : i32
    %add3A_18 = arith.addi %mul3A_16, %add3A_17 : i32
    "tpu.region"() ({
      %run_scoped3A = tpu.sem_alloc : memref<!tpu.dma_semaphore, #tpu.memory_space<semaphore_mem>>
      %dma_start3A_57 = arith.constant 0 : i32
      %dma_start3A_58 = tpu.memref_slice %arg9[%dma_start3A_57] : memref<2000xf32, #tpu.memory_space<vmem>> -> memref<1568xf32, #tpu.memory_space<vmem>>
      %dma_start3A_59 = tpu.memref_slice %arg20[%add3A_18] : memref<100352xf32, #tpu.memory_space<vmem_shared>> -> memref<1568xf32, #tpu.memory_space<vmem_shared>>
      %dma_start3A_60 = tpu.memref_slice %arg20[%add3A_18] : memref<100352xf32, #tpu.memory_space<vmem_shared>> -> memref<1568xf32, #tpu.memory_space<vmem_shared>>
      %dma_start3A_61 = arith.constant 0 : i32
      %dma_start3A_62 = tpu.memref_slice %arg9[%dma_start3A_61] : memref<2000xf32, #tpu.memory_space<vmem>> -> memref<1568xf32, #tpu.memory_space<vmem>>
      tpu.enqueue_dma source(%dma_start3A_62 : memref<1568xf32, #tpu.memory_space<vmem>>) target(%dma_start3A_60 : memref<1568xf32, #tpu.memory_space<vmem_shared>>) target_semaphore(%run_scoped3A : memref<!tpu.dma_semaphore, #tpu.memory_space<semaphore_mem>>)
      %dma_wait3A_63 = arith.constant 0 : i32
      %dma_wait3A_64 = tpu.memref_slice %arg9[%dma_wait3A_63] : memref<2000xf32, #tpu.memory_space<vmem>> -> memref<1568xf32, #tpu.memory_space<vmem>>
      %dma_wait3A_65 = tpu.memref_slice %arg20[%add3A_18] : memref<100352xf32, #tpu.memory_space<vmem_shared>> -> memref<1568xf32, #tpu.memory_space<vmem_shared>>
      %dma_wait3A_66 = tpu.memref_slice %arg20[%add3A_18] : memref<100352xf32, #tpu.memory_space<vmem_shared>> -> memref<1568xf32, #tpu.memory_space<vmem_shared>>
      %dma_wait3A_67 = arith.constant 0 : i32
      %dma_wait3A_68 = tpu.memref_slice %arg9[%dma_wait3A_67] : memref<2000xf32, #tpu.memory_space<vmem>> -> memref<1568xf32, #tpu.memory_space<vmem>>
      tpu.wait_dma2 semaphore(%run_scoped3A : memref<!tpu.dma_semaphore, #tpu.memory_space<semaphore_mem>>) src(%dma_wait3A_68 : memref<1568xf32, #tpu.memory_space<vmem>>) dst(%dma_wait3A_66 : memref<1568xf32, #tpu.memory_space<vmem_shared>>)
      tpu.yield
    }) : () -> ()
    %mul3A_19 = arith.constant 6272 : i32
    %mul3A_20 = arith.muli %arg1, %mul3A_19 : i32
    %add3A_21 = arith.constant 1568 : i32
    %add3A_22 = arith.addi %mul3A_20, %add3A_21 : i32
    "tpu.region"() ({
      %run_scoped3A = tpu.sem_alloc : memref<!tpu.dma_semaphore, #tpu.memory_space<semaphore_mem>>
      %dma_start3A_57 = arith.constant 0 : i32
      %dma_start3A_58 = tpu.memref_slice %arg9[%dma_start3A_57] : memref<2000xf32, #tpu.memory_space<vmem>> -> memref<1568xf32, #tpu.memory_space<vmem>>
      %dma_start3A_59 = tpu.memref_slice %arg20[%add3A_22] : memref<100352xf32, #tpu.memory_space<vmem_shared>> -> memref<1568xf32, #tpu.memory_space<vmem_shared>>
      %dma_start3A_60 = tpu.memref_slice %arg20[%add3A_22] : memref<100352xf32, #tpu.memory_space<vmem_shared>> -> memref<1568xf32, #tpu.memory_space<vmem_shared>>
      %dma_start3A_61 = arith.constant 0 : i32
      %dma_start3A_62 = tpu.memref_slice %arg9[%dma_start3A_61] : memref<2000xf32, #tpu.memory_space<vmem>> -> memref<1568xf32, #tpu.memory_space<vmem>>
      tpu.enqueue_dma source(%dma_start3A_62 : memref<1568xf32, #tpu.memory_space<vmem>>) target(%dma_start3A_60 : memref<1568xf32, #tpu.memory_space<vmem_shared>>) target_semaphore(%run_scoped3A : memref<!tpu.dma_semaphore, #tpu.memory_space<semaphore_mem>>)
      %dma_wait3A_63 = arith.constant 0 : i32
      %dma_wait3A_64 = tpu.memref_slice %arg9[%dma_wait3A_63] : memref<2000xf32, #tpu.memory_space<vmem>> -> memref<1568xf32, #tpu.memory_space<vmem>>
      %dma_wait3A_65 = tpu.memref_slice %arg20[%add3A_22] : memref<100352xf32, #tpu.memory_space<vmem_shared>> -> memref<1568xf32, #tpu.memory_space<vmem_shared>>
      %dma_wait3A_66 = tpu.memref_slice %arg20[%add3A_22] : memref<100352xf32, #tpu.memory_space<vmem_shared>> -> memref<1568xf32, #tpu.memory_space<vmem_shared>>
      %dma_wait3A_67 = arith.constant 0 : i32
      %dma_wait3A_68 = tpu.memref_slice %arg9[%dma_wait3A_67] : memref<2000xf32, #tpu.memory_space<vmem>> -> memref<1568xf32, #tpu.memory_space<vmem>>
      tpu.wait_dma2 semaphore(%run_scoped3A : memref<!tpu.dma_semaphore, #tpu.memory_space<semaphore_mem>>) src(%dma_wait3A_68 : memref<1568xf32, #tpu.memory_space<vmem>>) dst(%dma_wait3A_66 : memref<1568xf32, #tpu.memory_space<vmem_shared>>)
      tpu.yield
    }) : () -> ()
    %mul3A_23 = arith.constant 6272 : i32
    %mul3A_24 = arith.muli %arg1, %mul3A_23 : i32
    %add3A_25 = arith.constant 3136 : i32
    %add3A_26 = arith.addi %mul3A_24, %add3A_25 : i32
    "tpu.region"() ({
      %run_scoped3A = tpu.sem_alloc : memref<!tpu.dma_semaphore, #tpu.memory_space<semaphore_mem>>
      %dma_start3A_57 = arith.constant 0 : i32
      %dma_start3A_58 = tpu.memref_slice %arg9[%dma_start3A_57] : memref<2000xf32, #tpu.memory_space<vmem>> -> memref<1568xf32, #tpu.memory_space<vmem>>
      %dma_start3A_59 = tpu.memref_slice %arg20[%add3A_26] : memref<100352xf32, #tpu.memory_space<vmem_shared>> -> memref<1568xf32, #tpu.memory_space<vmem_shared>>
      %dma_start3A_60 = tpu.memref_slice %arg20[%add3A_26] : memref<100352xf32, #tpu.memory_space<vmem_shared>> -> memref<1568xf32, #tpu.memory_space<vmem_shared>>
      %dma_start3A_61 = arith.constant 0 : i32
      %dma_start3A_62 = tpu.memref_slice %arg9[%dma_start3A_61] : memref<2000xf32, #tpu.memory_space<vmem>> -> memref<1568xf32, #tpu.memory_space<vmem>>
      tpu.enqueue_dma source(%dma_start3A_62 : memref<1568xf32, #tpu.memory_space<vmem>>) target(%dma_start3A_60 : memref<1568xf32, #tpu.memory_space<vmem_shared>>) target_semaphore(%run_scoped3A : memref<!tpu.dma_semaphore, #tpu.memory_space<semaphore_mem>>)
      %dma_wait3A_63 = arith.constant 0 : i32
      %dma_wait3A_64 = tpu.memref_slice %arg9[%dma_wait3A_63] : memref<2000xf32, #tpu.memory_space<vmem>> -> memref<1568xf32, #tpu.memory_space<vmem>>
      %dma_wait3A_65 = tpu.memref_slice %arg20[%add3A_26] : memref<100352xf32, #tpu.memory_space<vmem_shared>> -> memref<1568xf32, #tpu.memory_space<vmem_shared>>
      %dma_wait3A_66 = tpu.memref_slice %arg20[%add3A_26] : memref<100352xf32, #tpu.memory_space<vmem_shared>> -> memref<1568xf32, #tpu.memory_space<vmem_shared>>
      %dma_wait3A_67 = arith.constant 0 : i32
      %dma_wait3A_68 = tpu.memref_slice %arg9[%dma_wait3A_67] : memref<2000xf32, #tpu.memory_space<vmem>> -> memref<1568xf32, #tpu.memory_space<vmem>>
      tpu.wait_dma2 semaphore(%run_scoped3A : memref<!tpu.dma_semaphore, #tpu.memory_space<semaphore_mem>>) src(%dma_wait3A_68 : memref<1568xf32, #tpu.memory_space<vmem>>) dst(%dma_wait3A_66 : memref<1568xf32, #tpu.memory_space<vmem_shared>>)
      tpu.yield
    }) : () -> ()
    %mul3A_27 = arith.constant 6272 : i32
    %mul3A_28 = arith.muli %arg1, %mul3A_27 : i32
    %add3A_29 = arith.constant 4704 : i32
    %add3A_30 = arith.addi %mul3A_28, %add3A_29 : i32
    "tpu.region"() ({
      %run_scoped3A = tpu.sem_alloc : memref<!tpu.dma_semaphore, #tpu.memory_space<semaphore_mem>>
      %dma_start3A_57 = arith.constant 0 : i32
      %dma_start3A_58 = tpu.memref_slice %arg9[%dma_start3A_57] : memref<2000xf32, #tpu.memory_space<vmem>> -> memref<1568xf32, #tpu.memory_space<vmem>>
      %dma_start3A_59 = tpu.memref_slice %arg20[%add3A_30] : memref<100352xf32, #tpu.memory_space<vmem_shared>> -> memref<1568xf32, #tpu.memory_space<vmem_shared>>
      %dma_start3A_60 = tpu.memref_slice %arg20[%add3A_30] : memref<100352xf32, #tpu.memory_space<vmem_shared>> -> memref<1568xf32, #tpu.memory_space<vmem_shared>>
      %dma_start3A_61 = arith.constant 0 : i32
      %dma_start3A_62 = tpu.memref_slice %arg9[%dma_start3A_61] : memref<2000xf32, #tpu.memory_space<vmem>> -> memref<1568xf32, #tpu.memory_space<vmem>>
      tpu.enqueue_dma source(%dma_start3A_62 : memref<1568xf32, #tpu.memory_space<vmem>>) target(%dma_start3A_60 : memref<1568xf32, #tpu.memory_space<vmem_shared>>) target_semaphore(%run_scoped3A : memref<!tpu.dma_semaphore, #tpu.memory_space<semaphore_mem>>)
      %dma_wait3A_63 = arith.constant 0 : i32
      %dma_wait3A_64 = tpu.memref_slice %arg9[%dma_wait3A_63] : memref<2000xf32, #tpu.memory_space<vmem>> -> memref<1568xf32, #tpu.memory_space<vmem>>
      %dma_wait3A_65 = tpu.memref_slice %arg20[%add3A_30] : memref<100352xf32, #tpu.memory_space<vmem_shared>> -> memref<1568xf32, #tpu.memory_space<vmem_shared>>
      %dma_wait3A_66 = tpu.memref_slice %arg20[%add3A_30] : memref<100352xf32, #tpu.memory_space<vmem_shared>> -> memref<1568xf32, #tpu.memory_space<vmem_shared>>
      %dma_wait3A_67 = arith.constant 0 : i32
      %dma_wait3A_68 = tpu.memref_slice %arg9[%dma_wait3A_67] : memref<2000xf32, #tpu.memory_space<vmem>> -> memref<1568xf32, #tpu.memory_space<vmem>>
      tpu.wait_dma2 semaphore(%run_scoped3A : memref<!tpu.dma_semaphore, #tpu.memory_space<semaphore_mem>>) src(%dma_wait3A_68 : memref<1568xf32, #tpu.memory_space<vmem>>) dst(%dma_wait3A_66 : memref<1568xf32, #tpu.memory_space<vmem_shared>>)
      tpu.yield
    }) : () -> ()
    %barrier3A = arith.constant 0 : index
    tpu.barrier barrier_id(%barrier3A)
    %add3A_31 = arith.constant 0 : i32
    %add3A_32 = arith.addi %mul3A_2, %add3A_31 : i32
    %dma_start3A = tpu.memref_slice %arg2[%add3A_32] : memref<6400000xf32, #tpu.memory_space<hbm>> -> memref<2000xf32, #tpu.memory_space<hbm>>
    %dma_start3A_33 = tpu.memref_slice %arg2[%add3A_32] : memref<6400000xf32, #tpu.memory_space<hbm>> -> memref<2000xf32, #tpu.memory_space<hbm>>
    tpu.enqueue_dma source(%dma_start3A_33 : memref<2000xf32, #tpu.memory_space<hbm>>) target(%arg5 : memref<2000xf32, #tpu.memory_space<vmem>>) target_semaphore(%arg12 : memref<!tpu.dma_semaphore, #tpu.memory_space<semaphore_mem>>)
    %dma_start3A_34 = tpu.memref_slice %arg3[%add3A_32] : memref<6400000xi32, #tpu.memory_space<hbm>> -> memref<2000xi32, #tpu.memory_space<hbm>>
    %dma_start3A_35 = tpu.memref_slice %arg3[%add3A_32] : memref<6400000xi32, #tpu.memory_space<hbm>> -> memref<2000xi32, #tpu.memory_space<hbm>>
    tpu.enqueue_dma source(%dma_start3A_35 : memref<2000xi32, #tpu.memory_space<hbm>>) target(%arg7 : memref<2000xi32, #tpu.memory_space<vmem>>) target_semaphore(%arg14 : memref<!tpu.dma_semaphore, #tpu.memory_space<semaphore_mem>>)
    %scan3A_36 = arith.constant 0 : i32
    %scan3A_37 = arith.constant 0 : i32
    %scan3A_38 = arith.constant 10 : i32
    %scan3A_39 = arith.addi %scan3A_37, %scan3A_38 : i32
    %scan3A_40 = arith.constant 1 : i32
    scf.for %scan3A_57 = %scan3A_37 to %scan3A_39 step %scan3A_40  : i32 {
      %mul3A_58 = arith.constant 10 : i32
      %mul3A_59 = arith.muli %scan3A_57, %mul3A_58 : i32
      %add3A_60 = arith.constant 1 : i32
      %add3A_61 = arith.addi %mul3A_59, %add3A_60 : i32
      %mul3A_62 = arith.constant 2000 : i32
      %mul3A_63 = arith.muli %add3A_61, %mul3A_62 : i32
      %add3A_64 = arith.addi %mul3A_2, %mul3A_63 : i32
      %dma_start3A_65 = tpu.memref_slice %arg2[%add3A_64] : memref<6400000xf32, #tpu.memory_space<hbm>> -> memref<2000xf32, #tpu.memory_space<hbm>>
      %dma_start3A_66 = tpu.memref_slice %arg2[%add3A_64] : memref<6400000xf32, #tpu.memory_space<hbm>> -> memref<2000xf32, #tpu.memory_space<hbm>>
      tpu.enqueue_dma source(%dma_start3A_66 : memref<2000xf32, #tpu.memory_space<hbm>>) target(%arg9 : memref<2000xf32, #tpu.memory_space<vmem>>) target_semaphore(%arg16 : memref<!tpu.dma_semaphore, #tpu.memory_space<semaphore_mem>>)
      %dma_start3A_67 = tpu.memref_slice %arg3[%add3A_64] : memref<6400000xi32, #tpu.memory_space<hbm>> -> memref<2000xi32, #tpu.memory_space<hbm>>
      %dma_start3A_68 = tpu.memref_slice %arg3[%add3A_64] : memref<6400000xi32, #tpu.memory_space<hbm>> -> memref<2000xi32, #tpu.memory_space<hbm>>
      tpu.enqueue_dma source(%dma_start3A_68 : memref<2000xi32, #tpu.memory_space<hbm>>) target(%arg10 : memref<2000xi32, #tpu.memory_space<vmem>>) target_semaphore(%arg17 : memref<!tpu.dma_semaphore, #tpu.memory_space<semaphore_mem>>)
      %add3A_69 = arith.constant 0 : i32
      %add3A_70 = arith.addi %mul3A_59, %add3A_69 : i32
      %mul3A_71 = arith.constant 2000 : i32
      %mul3A_72 = arith.muli %add3A_70, %mul3A_71 : i32
      %add3A_73 = arith.addi %mul3A_2, %mul3A_72 : i32
      %dma_wait3A_74 = tpu.memref_slice %arg2[%add3A_73] : memref<6400000xf32, #tpu.memory_space<hbm>> -> memref<2000xf32, #tpu.memory_space<hbm>>
      %dma_wait3A_75 = tpu.memref_slice %arg2[%add3A_73] : memref<6400000xf32, #tpu.memory_space<hbm>> -> memref<2000xf32, #tpu.memory_space<hbm>>
      tpu.wait_dma2 semaphore(%arg12 : memref<!tpu.dma_semaphore, #tpu.memory_space<semaphore_mem>>) src(%dma_wait3A_75 : memref<2000xf32, #tpu.memory_space<hbm>>) dst(%arg5 : memref<2000xf32, #tpu.memory_space<vmem>>)
      %dma_wait3A_76 = tpu.memref_slice %arg3[%add3A_73] : memref<6400000xi32, #tpu.memory_space<hbm>> -> memref<2000xi32, #tpu.memory_space<hbm>>
      %dma_wait3A_77 = tpu.memref_slice %arg3[%add3A_73] : memref<6400000xi32, #tpu.memory_space<hbm>> -> memref<2000xi32, #tpu.memory_space<hbm>>
      tpu.wait_dma2 semaphore(%arg14 : memref<!tpu.dma_semaphore, #tpu.memory_space<semaphore_mem>>) src(%dma_wait3A_77 : memref<2000xi32, #tpu.memory_space<hbm>>) dst(%arg7 : memref<2000xi32, #tpu.memory_space<vmem>>)
      %scan3A_78 = arith.constant 0 : i32
      %scan3A_79 = arith.constant 0 : i32
      %scan3A_80 = arith.constant 25 : i32
      %scan3A_81 = arith.addi %scan3A_79, %scan3A_80 : i32
      %scan3A_82 = arith.constant 1 : i32
      scf.for %scan3A_317 = %scan3A_79 to %scan3A_81 step %scan3A_82  : i32 {
        %mul3A_318 = arith.constant 80 : i32
        %mul3A_319 = arith.muli %scan3A_317, %mul3A_318 : i32
        %add3A_320 = arith.constant 0 : i32
        %add3A_321 = arith.addi %mul3A_319, %add3A_320 : i32
        %get3A = arith.index_cast %add3A_321 : i32 to index
        %get3A_322 = tpu.vector_load %arg5[%get3A] {strides = array<i32>} : memref<2000xf32, #tpu.memory_space<vmem>>, vector<16xf32>,
        %exp3A = math.exp %get3A_322 : vector<16xf32>
        %swap3A = arith.index_cast %add3A_321 : i32 to index
        %swap3A_323 = tpu.vector_load %arg5[%swap3A] {strides = array<i32>} : memref<2000xf32, #tpu.memory_space<vmem>>, vector<16xf32>,
        tpu.vector_store %arg5[%swap3A], %exp3A {strides = array<i32>} : memref<2000xf32, #tpu.memory_space<vmem>>, vector<16xf32>,
        %add3A_324 = arith.constant 16 : i32
        %add3A_325 = arith.addi %mul3A_319, %add3A_324 : i32
        %get3A_326 = arith.index_cast %add3A_325 : i32 to index
        %get3A_327 = tpu.vector_load %arg5[%get3A_326] {strides = array<i32>} : memref<2000xf32, #tpu.memory_space<vmem>>, vector<16xf32>,
        %exp3A_328 = math.exp %get3A_327 : vector<16xf32>
        %swap3A_329 = arith.index_cast %add3A_325 : i32 to index
        %swap3A_330 = tpu.vector_load %arg5[%swap3A_329] {strides = array<i32>} : memref<2000xf32, #tpu.memory_space<vmem>>, vector<16xf32>,
        tpu.vector_store %arg5[%swap3A_329], %exp3A_328 {strides = array<i32>} : memref<2000xf32, #tpu.memory_space<vmem>>, vector<16xf32>,
        %add3A_331 = arith.constant 32 : i32
        %add3A_332 = arith.addi %mul3A_319, %add3A_331 : i32
        %get3A_333 = arith.index_cast %add3A_332 : i32 to index
        %get3A_334 = tpu.vector_load %arg5[%get3A_333] {strides = array<i32>} : memref<2000xf32, #tpu.memory_space<vmem>>, vector<16xf32>,
        %exp3A_335 = math.exp %get3A_334 : vector<16xf32>
        %swap3A_336 = arith.index_cast %add3A_332 : i32 to index
        %swap3A_337 = tpu.vector_load %arg5[%swap3A_336] {strides = array<i32>} : memref<2000xf32, #tpu.memory_space<vmem>>, vector<16xf32>,
        tpu.vector_store %arg5[%swap3A_336], %exp3A_335 {strides = array<i32>} : memref<2000xf32, #tpu.memory_space<vmem>>, vector<16xf32>,
        %add3A_338 = arith.constant 48 : i32
        %add3A_339 = arith.addi %mul3A_319, %add3A_338 : i32
        %get3A_340 = arith.index_cast %add3A_339 : i32 to index
        %get3A_341 = tpu.vector_load %arg5[%get3A_340] {strides = array<i32>} : memref<2000xf32, #tpu.memory_space<vmem>>, vector<16xf32>,
        %exp3A_342 = math.exp %get3A_341 : vector<16xf32>
        %swap3A_343 = arith.index_cast %add3A_339 : i32 to index
        %swap3A_344 = tpu.vector_load %arg5[%swap3A_343] {strides = array<i32>} : memref<2000xf32, #tpu.memory_space<vmem>>, vector<16xf32>,
        tpu.vector_store %arg5[%swap3A_343], %exp3A_342 {strides = array<i32>} : memref<2000xf32, #tpu.memory_space<vmem>>, vector<16xf32>,
        %add3A_345 = arith.constant 64 : i32
        %add3A_346 = arith.addi %mul3A_319, %add3A_345 : i32
        %get3A_347 = arith.index_cast %add3A_346 : i32 to index
        %get3A_348 = tpu.vector_load %arg5[%get3A_347] {strides = array<i32>} : memref<2000xf32, #tpu.memory_space<vmem>>, vector<16xf32>,
        %exp3A_349 = math.exp %get3A_348 : vector<16xf32>
        %swap3A_350 = arith.index_cast %add3A_346 : i32 to index
        %swap3A_351 = tpu.vector_load %arg5[%swap3A_350] {strides = array<i32>} : memref<2000xf32, #tpu.memory_space<vmem>>, vector<16xf32>,
        tpu.vector_store %arg5[%swap3A_350], %exp3A_349 {strides = array<i32>} : memref<2000xf32, #tpu.memory_space<vmem>>, vector<16xf32>,
      }
      %scan3A_83 = arith.constant 25 : i32
      %dma_start3A_84 = arith.constant 0 : i32
      %dma_start3A_85 = tpu.memref_slice %arg20[%dma_start3A_84] : memref<100352xf32, #tpu.memory_space<vmem_shared>> -> memref<100352xf32, #tpu.memory_space<vmem_shared>>
      tpu.enqueue_indirect_dma source(%arg5 : memref<2000xf32, #tpu.memory_space<vmem>>) target(%dma_start3A_85 : memref<100352xf32, #tpu.memory_space<vmem_shared>>) offsets(%arg7 : memref<2000xi32, #tpu.memory_space<vmem>>) semaphore(%arg18 : memref<!tpu.dma_semaphore, #tpu.memory_space<semaphore_mem>>) {add = true}
      %gt3A = arith.constant 0 : i32
      %gt3A_86 = arith.cmpi sgt, %scan3A_57, %gt3A : i32
      %convert_element_type3A = arith.extui %gt3A_86 : i1 to i32
      %cond3A = arith.constant 0 : i32
      %cond3A_87 = arith.cmpi ne, %convert_element_type3A, %cond3A : i32
      scf.if %cond3A_87 {
        %dma_wait3A_317 = arith.constant 0 : i32
        %dma_wait3A_318 = tpu.memref_slice %arg20[%dma_wait3A_317] : memref<100352xf32, #tpu.memory_space<vmem_shared>> -> memref<100352xf32, #tpu.memory_space<vmem_shared>>
        tpu.wait_indirect_dma semaphore(%arg19 : memref<!tpu.dma_semaphore, #tpu.memory_space<semaphore_mem>>) src(%arg6 : memref<2000xf32, #tpu.memory_space<vmem>>) dst(%dma_wait3A_318 : memref<100352xf32, #tpu.memory_space<vmem_shared>>)
      } else {
      }
      %add3A_88 = arith.constant 2 : i32
      %add3A_89 = arith.addi %mul3A_59, %add3A_88 : i32
      %mul3A_90 = arith.constant 2000 : i32
      %mul3A_91 = arith.muli %add3A_89, %mul3A_90 : i32
      %add3A_92 = arith.addi %mul3A_2, %mul3A_91 : i32
      %dma_start3A_93 = tpu.memref_slice %arg2[%add3A_92] : memref<6400000xf32, #tpu.memory_space<hbm>> -> memref<2000xf32, #tpu.memory_space<hbm>>
      %dma_start3A_94 = tpu.memref_slice %arg2[%add3A_92] : memref<6400000xf32, #tpu.memory_space<hbm>> -> memref<2000xf32, #tpu.memory_space<hbm>>
      tpu.enqueue_dma source(%dma_start3A_94 : memref<2000xf32, #tpu.memory_space<hbm>>) target(%arg6 : memref<2000xf32, #tpu.memory_space<vmem>>) target_semaphore(%arg13 : memref<!tpu.dma_semaphore, #tpu.memory_space<semaphore_mem>>)
      %dma_start3A_95 = tpu.memref_slice %arg3[%add3A_92] : memref<6400000xi32, #tpu.memory_space<hbm>> -> memref<2000xi32, #tpu.memory_space<hbm>>
      %dma_start3A_96 = tpu.memref_slice %arg3[%add3A_92] : memref<6400000xi32, #tpu.memory_space<hbm>> -> memref<2000xi32, #tpu.memory_space<hbm>>
      tpu.enqueue_dma source(%dma_start3A_96 : memref<2000xi32, #tpu.memory_space<hbm>>) target(%arg8 : memref<2000xi32, #tpu.memory_space<vmem>>) target_semaphore(%arg15 : memref<!tpu.dma_semaphore, #tpu.memory_space<semaphore_mem>>)
      %add3A_97 = arith.constant 1 : i32
      %add3A_98 = arith.addi %mul3A_59, %add3A_97 : i32
      %mul3A_99 = arith.constant 2000 : i32
      %mul3A_100 = arith.muli %add3A_98, %mul3A_99 : i32
      %add3A_101 = arith.addi %mul3A_2, %mul3A_100 : i32
      %dma_wait3A_102 = tpu.memref_slice %arg2[%add3A_101] : memref<6400000xf32, #tpu.memory_space<hbm>> -> memref<2000xf32, #tpu.memory_space<hbm>>
      %dma_wait3A_103 = tpu.memref_slice %arg2[%add3A_101] : memref<6400000xf32, #tpu.memory_space<hbm>> -> memref<2000xf32, #tpu.memory_space<hbm>>
      tpu.wait_dma2 semaphore(%arg16 : memref<!tpu.dma_semaphore, #tpu.memory_space<semaphore_mem>>) src(%dma_wait3A_103 : memref<2000xf32, #tpu.memory_space<hbm>>) dst(%arg9 : memref<2000xf32, #tpu.memory_space<vmem>>)
      %dma_wait3A_104 = tpu.memref_slice %arg3[%add3A_101] : memref<6400000xi32, #tpu.memory_space<hbm>> -> memref<2000xi32, #tpu.memory_space<hbm>>
      %dma_wait3A_105 = tpu.memref_slice %arg3[%add3A_101] : memref<6400000xi32, #tpu.memory_space<hbm>> -> memref<2000xi32, #tpu.memory_space<hbm>>
      tpu.wait_dma2 semaphore(%arg17 : memref<!tpu.dma_semaphore, #tpu.memory_space<semaphore_mem>>) src(%dma_wait3A_105 : memref<2000xi32, #tpu.memory_space<hbm>>) dst(%arg10 : memref<2000xi32, #tpu.memory_space<vmem>>)
      %scan3A_106 = arith.constant 0 : i32
      %scan3A_107 = arith.constant 0 : i32
      %scan3A_108 = arith.constant 25 : i32
      %scan3A_109 = arith.addi %scan3A_107, %scan3A_108 : i32
      %scan3A_110 = arith.constant 1 : i32
      scf.for %scan3A_317 = %scan3A_107 to %scan3A_109 step %scan3A_110  : i32 {
        %mul3A_318 = arith.constant 5 : i32
        %mul3A_319 = arith.muli %scan3A_317, %mul3A_318 : i32
        %add3A_320 = arith.constant 0 : i32
        %add3A_321 = arith.addi %mul3A_319, %add3A_320 : i32
        %mul3A_322 = arith.constant 16 : i32
        %mul3A_323 = arith.muli %add3A_321, %mul3A_322 : i32
        %get3A = arith.index_cast %mul3A_323 : i32 to index
        %get3A_324 = tpu.vector_load %arg9[%get3A] {strides = array<i32>} : memref<2000xf32, #tpu.memory_space<vmem>>, vector<16xf32>,
        %exp3A = math.exp %get3A_324 : vector<16xf32>
        %get3A_325 = arith.index_cast %mul3A_323 : i32 to index
        %get3A_326 = tpu.vector_load %arg10[%get3A_325] {strides = array<i32>} : memref<2000xi32, #tpu.memory_space<vmem>>, vector<16xi32>,
        tpu.vector_store_idx %arg11[%get3A_326], %exp3A {add = true} : memref<100352xf32, #tpu.memory_space<vmem>>[vector<16xi32>], vector<16xf32>,
        %mul3A_327 = arith.constant 5 : i32
        %mul3A_328 = arith.muli %scan3A_317, %mul3A_327 : i32
        %add3A_329 = arith.constant 1 : i32
        %add3A_330 = arith.addi %mul3A_328, %add3A_329 : i32
        %mul3A_331 = arith.constant 16 : i32
        %mul3A_332 = arith.muli %add3A_330, %mul3A_331 : i32
        %get3A_333 = arith.index_cast %mul3A_332 : i32 to index
        %get3A_334 = tpu.vector_load %arg9[%get3A_333] {strides = array<i32>} : memref<2000xf32, #tpu.memory_space<vmem>>, vector<16xf32>,
        %exp3A_335 = math.exp %get3A_334 : vector<16xf32>
        %get3A_336 = arith.index_cast %mul3A_332 : i32 to index
        %get3A_337 = tpu.vector_load %arg10[%get3A_336] {strides = array<i32>} : memref<2000xi32, #tpu.memory_space<vmem>>, vector<16xi32>,
        tpu.vector_store_idx %arg11[%get3A_337], %exp3A_335 {add = true} : memref<100352xf32, #tpu.memory_space<vmem>>[vector<16xi32>], vector<16xf32>,
        %mul3A_338 = arith.constant 5 : i32
        %mul3A_339 = arith.muli %scan3A_317, %mul3A_338 : i32
        %add3A_340 = arith.constant 2 : i32
        %add3A_341 = arith.addi %mul3A_339, %add3A_340 : i32
        %mul3A_342 = arith.constant 16 : i32
        %mul3A_343 = arith.muli %add3A_341, %mul3A_342 : i32
        %get3A_344 = arith.index_cast %mul3A_343 : i32 to index
        %get3A_345 = tpu.vector_load %arg9[%get3A_344] {strides = array<i32>} : memref<2000xf32, #tpu.memory_space<vmem>>, vector<16xf32>,
        %exp3A_346 = math.exp %get3A_345 : vector<16xf32>
        %get3A_347 = arith.index_cast %mul3A_343 : i32 to index
        %get3A_348 = tpu.vector_load %arg10[%get3A_347] {strides = array<i32>} : memref<2000xi32, #tpu.memory_space<vmem>>, vector<16xi32>,
        tpu.vector_store_idx %arg11[%get3A_348], %exp3A_346 {add = true} : memref<100352xf32, #tpu.memory_space<vmem>>[vector<16xi32>], vector<16xf32>,
        %mul3A_349 = arith.constant 5 : i32
        %mul3A_350 = arith.muli %scan3A_317, %mul3A_349 : i32
        %add3A_351 = arith.constant 3 : i32
        %add3A_352 = arith.addi %mul3A_350, %add3A_351 : i32
        %mul3A_353 = arith.constant 16 : i32
        %mul3A_354 = arith.muli %add3A_352, %mul3A_353 : i32
        %get3A_355 = arith.index_cast %mul3A_354 : i32 to index
        %get3A_356 = tpu.vector_load %arg9[%get3A_355] {strides = array<i32>} : memref<2000xf32, #tpu.memory_space<vmem>>, vector<16xf32>,
        %exp3A_357 = math.exp %get3A_356 : vector<16xf32>
        %get3A_358 = arith.index_cast %mul3A_354 : i32 to index
        %get3A_359 = tpu.vector_load %arg10[%get3A_358] {strides = array<i32>} : memref<2000xi32, #tpu.memory_space<vmem>>, vector<16xi32>,
        tpu.vector_store_idx %arg11[%get3A_359], %exp3A_357 {add = true} : memref<100352xf32, #tpu.memory_space<vmem>>[vector<16xi32>], vector<16xf32>,
        %mul3A_360 = arith.constant 5 : i32
        %mul3A_361 = arith.muli %scan3A_317, %mul3A_360 : i32
        %add3A_362 = arith.constant 4 : i32
        %add3A_363 = arith.addi %mul3A_361, %add3A_362 : i32
        %mul3A_364 = arith.constant 16 : i32
        %mul3A_365 = arith.muli %add3A_363, %mul3A_364 : i32
        %get3A_366 = arith.index_cast %mul3A_365 : i32 to index
        %get3A_367 = tpu.vector_load %arg9[%get3A_366] {strides = array<i32>} : memref<2000xf32, #tpu.memory_space<vmem>>, vector<16xf32>,
        %exp3A_368 = math.exp %get3A_367 : vector<16xf32>
        %get3A_369 = arith.index_cast %mul3A_365 : i32 to index
        %get3A_370 = tpu.vector_load %arg10[%get3A_369] {strides = array<i32>} : memref<2000xi32, #tpu.memory_space<vmem>>, vector<16xi32>,
        tpu.vector_store_idx %arg11[%get3A_370], %exp3A_368 {add = true} : memref<100352xf32, #tpu.memory_space<vmem>>[vector<16xi32>], vector<16xf32>,
      }
      %scan3A_111 = arith.constant 25 : i32
      %add3A_112 = arith.constant 3 : i32
      %add3A_113 = arith.addi %mul3A_59, %add3A_112 : i32
      %mul3A_114 = arith.constant 2000 : i32
      %mul3A_115 = arith.muli %add3A_113, %mul3A_114 : i32
      %add3A_116 = arith.addi %mul3A_2, %mul3A_115 : i32
      %dma_start3A_117 = tpu.memref_slice %arg2[%add3A_116] : memref<6400000xf32, #tpu.memory_space<hbm>> -> memref<2000xf32, #tpu.memory_space<hbm>>
      %dma_start3A_118 = tpu.memref_slice %arg2[%add3A_116] : memref<6400000xf32, #tpu.memory_space<hbm>> -> memref<2000xf32, #tpu.memory_space<hbm>>
      tpu.enqueue_dma source(%dma_start3A_118 : memref<2000xf32, #tpu.memory_space<hbm>>) target(%arg9 : memref<2000xf32, #tpu.memory_space<vmem>>) target_semaphore(%arg16 : memref<!tpu.dma_semaphore, #tpu.memory_space<semaphore_mem>>)
      %dma_start3A_119 = tpu.memref_slice %arg3[%add3A_116] : memref<6400000xi32, #tpu.memory_space<hbm>> -> memref<2000xi32, #tpu.memory_space<hbm>>
      %dma_start3A_120 = tpu.memref_slice %arg3[%add3A_116] : memref<6400000xi32, #tpu.memory_space<hbm>> -> memref<2000xi32, #tpu.memory_space<hbm>>
      tpu.enqueue_dma source(%dma_start3A_120 : memref<2000xi32, #tpu.memory_space<hbm>>) target(%arg10 : memref<2000xi32, #tpu.memory_space<vmem>>) target_semaphore(%arg17 : memref<!tpu.dma_semaphore, #tpu.memory_space<semaphore_mem>>)
      %add3A_121 = arith.constant 2 : i32
      %add3A_122 = arith.addi %mul3A_59, %add3A_121 : i32
      %mul3A_123 = arith.constant 2000 : i32
      %mul3A_124 = arith.muli %add3A_122, %mul3A_123 : i32
      %add3A_125 = arith.addi %mul3A_2, %mul3A_124 : i32
      %dma_wait3A_126 = tpu.memref_slice %arg2[%add3A_125] : memref<6400000xf32, #tpu.memory_space<hbm>> -> memref<2000xf32, #tpu.memory_space<hbm>>
      %dma_wait3A_127 = tpu.memref_slice %arg2[%add3A_125] : memref<6400000xf32, #tpu.memory_space<hbm>> -> memref<2000xf32, #tpu.memory_space<hbm>>
      tpu.wait_dma2 semaphore(%arg13 : memref<!tpu.dma_semaphore, #tpu.memory_space<semaphore_mem>>) src(%dma_wait3A_127 : memref<2000xf32, #tpu.memory_space<hbm>>) dst(%arg6 : memref<2000xf32, #tpu.memory_space<vmem>>)
      %dma_wait3A_128 = tpu.memref_slice %arg3[%add3A_125] : memref<6400000xi32, #tpu.memory_space<hbm>> -> memref<2000xi32, #tpu.memory_space<hbm>>
      %dma_wait3A_129 = tpu.memref_slice %arg3[%add3A_125] : memref<6400000xi32, #tpu.memory_space<hbm>> -> memref<2000xi32, #tpu.memory_space<hbm>>
      tpu.wait_dma2 semaphore(%arg15 : memref<!tpu.dma_semaphore, #tpu.memory_space<semaphore_mem>>) src(%dma_wait3A_129 : memref<2000xi32, #tpu.memory_space<hbm>>) dst(%arg8 : memref<2000xi32, #tpu.memory_space<vmem>>)
      %scan3A_130 = arith.constant 0 : i32
      %scan3A_131 = arith.constant 0 : i32
      %scan3A_132 = arith.constant 25 : i32
      %scan3A_133 = arith.addi %scan3A_131, %scan3A_132 : i32
      %scan3A_134 = arith.constant 1 : i32
      scf.for %scan3A_317 = %scan3A_131 to %scan3A_133 step %scan3A_134  : i32 {
        %mul3A_318 = arith.constant 80 : i32
        %mul3A_319 = arith.muli %scan3A_317, %mul3A_318 : i32
        %add3A_320 = arith.constant 0 : i32
        %add3A_321 = arith.addi %mul3A_319, %add3A_320 : i32
        %get3A = arith.index_cast %add3A_321 : i32 to index
        %get3A_322 = tpu.vector_load %arg6[%get3A] {strides = array<i32>} : memref<2000xf32, #tpu.memory_space<vmem>>, vector<16xf32>,
        %exp3A = math.exp %get3A_322 : vector<16xf32>
        %swap3A = arith.index_cast %add3A_321 : i32 to index
        %swap3A_323 = tpu.vector_load %arg6[%swap3A] {strides = array<i32>} : memref<2000xf32, #tpu.memory_space<vmem>>, vector<16xf32>,
        tpu.vector_store %arg6[%swap3A], %exp3A {strides = array<i32>} : memref<2000xf32, #tpu.memory_space<vmem>>, vector<16xf32>,
        %add3A_324 = arith.constant 16 : i32
        %add3A_325 = arith.addi %mul3A_319, %add3A_324 : i32
        %get3A_326 = arith.index_cast %add3A_325 : i32 to index
        %get3A_327 = tpu.vector_load %arg6[%get3A_326] {strides = array<i32>} : memref<2000xf32, #tpu.memory_space<vmem>>, vector<16xf32>,
        %exp3A_328 = math.exp %get3A_327 : vector<16xf32>
        %swap3A_329 = arith.index_cast %add3A_325 : i32 to index
        %swap3A_330 = tpu.vector_load %arg6[%swap3A_329] {strides = array<i32>} : memref<2000xf32, #tpu.memory_space<vmem>>, vector<16xf32>,
        tpu.vector_store %arg6[%swap3A_329], %exp3A_328 {strides = array<i32>} : memref<2000xf32, #tpu.memory_space<vmem>>, vector<16xf32>,
        %add3A_331 = arith.constant 32 : i32
        %add3A_332 = arith.addi %mul3A_319, %add3A_331 : i32
        %get3A_333 = arith.index_cast %add3A_332 : i32 to index
        %get3A_334 = tpu.vector_load %arg6[%get3A_333] {strides = array<i32>} : memref<2000xf32, #tpu.memory_space<vmem>>, vector<16xf32>,
        %exp3A_335 = math.exp %get3A_334 : vector<16xf32>
        %swap3A_336 = arith.index_cast %add3A_332 : i32 to index
        %swap3A_337 = tpu.vector_load %arg6[%swap3A_336] {strides = array<i32>} : memref<2000xf32, #tpu.memory_space<vmem>>, vector<16xf32>,
        tpu.vector_store %arg6[%swap3A_336], %exp3A_335 {strides = array<i32>} : memref<2000xf32, #tpu.memory_space<vmem>>, vector<16xf32>,
        %add3A_338 = arith.constant 48 : i32
        %add3A_339 = arith.addi %mul3A_319, %add3A_338 : i32
        %get3A_340 = arith.index_cast %add3A_339 : i32 to index
        %get3A_341 = tpu.vector_load %arg6[%get3A_340] {strides = array<i32>} : memref<2000xf32, #tpu.memory_space<vmem>>, vector<16xf32>,
        %exp3A_342 = math.exp %get3A_341 : vector<16xf32>
        %swap3A_343 = arith.index_cast %add3A_339 : i32 to index
        %swap3A_344 = tpu.vector_load %arg6[%swap3A_343] {strides = array<i32>} : memref<2000xf32, #tpu.memory_space<vmem>>, vector<16xf32>,
        tpu.vector_store %arg6[%swap3A_343], %exp3A_342 {strides = array<i32>} : memref<2000xf32, #tpu.memory_space<vmem>>, vector<16xf32>,
        %add3A_345 = arith.constant 64 : i32
        %add3A_346 = arith.addi %mul3A_319, %add3A_345 : i32
        %get3A_347 = arith.index_cast %add3A_346 : i32 to index
        %get3A_348 = tpu.vector_load %arg6[%get3A_347] {strides = array<i32>} : memref<2000xf32, #tpu.memory_space<vmem>>, vector<16xf32>,
        %exp3A_349 = math.exp %get3A_348 : vector<16xf32>
        %swap3A_350 = arith.index_cast %add3A_346 : i32 to index
        %swap3A_351 = tpu.vector_load %arg6[%swap3A_350] {strides = array<i32>} : memref<2000xf32, #tpu.memory_space<vmem>>, vector<16xf32>,
        tpu.vector_store %arg6[%swap3A_350], %exp3A_349 {strides = array<i32>} : memref<2000xf32, #tpu.memory_space<vmem>>, vector<16xf32>,
      }
      %scan3A_135 = arith.constant 25 : i32
      %dma_start3A_136 = arith.constant 0 : i32
      %dma_start3A_137 = tpu.memref_slice %arg20[%dma_start3A_136] : memref<100352xf32, #tpu.memory_space<vmem_shared>> -> memref<100352xf32, #tpu.memory_space<vmem_shared>>
      tpu.enqueue_indirect_dma source(%arg6 : memref<2000xf32, #tpu.memory_space<vmem>>) target(%dma_start3A_137 : memref<100352xf32, #tpu.memory_space<vmem_shared>>) offsets(%arg8 : memref<2000xi32, #tpu.memory_space<vmem>>) semaphore(%arg19 : memref<!tpu.dma_semaphore, #tpu.memory_space<semaphore_mem>>) {add = true}
      %dma_wait3A_138 = arith.constant 0 : i32
      %dma_wait3A_139 = tpu.memref_slice %arg20[%dma_wait3A_138] : memref<100352xf32, #tpu.memory_space<vmem_shared>> -> memref<100352xf32, #tpu.memory_space<vmem_shared>>
      tpu.wait_indirect_dma semaphore(%arg18 : memref<!tpu.dma_semaphore, #tpu.memory_space<semaphore_mem>>) src(%arg5 : memref<2000xf32, #tpu.memory_space<vmem>>) dst(%dma_wait3A_139 : memref<100352xf32, #tpu.memory_space<vmem_shared>>)
      %add3A_140 = arith.constant 4 : i32
      %add3A_141 = arith.addi %mul3A_59, %add3A_140 : i32
      %mul3A_142 = arith.constant 2000 : i32
      %mul3A_143 = arith.muli %add3A_141, %mul3A_142 : i32
      %add3A_144 = arith.addi %mul3A_2, %mul3A_143 : i32
      %dma_start3A_145 = tpu.memref_slice %arg2[%add3A_144] : memref<6400000xf32, #tpu.memory_space<hbm>> -> memref<2000xf32, #tpu.memory_space<hbm>>
      %dma_start3A_146 = tpu.memref_slice %arg2[%add3A_144] : memref<6400000xf32, #tpu.memory_space<hbm>> -> memref<2000xf32, #tpu.memory_space<hbm>>
      tpu.enqueue_dma source(%dma_start3A_146 : memref<2000xf32, #tpu.memory_space<hbm>>) target(%arg5 : memref<2000xf32, #tpu.memory_space<vmem>>) target_semaphore(%arg12 : memref<!tpu.dma_semaphore, #tpu.memory_space<semaphore_mem>>)
      %dma_start3A_147 = tpu.memref_slice %arg3[%add3A_144] : memref<6400000xi32, #tpu.memory_space<hbm>> -> memref<2000xi32, #tpu.memory_space<hbm>>
      %dma_start3A_148 = tpu.memref_slice %arg3[%add3A_144] : memref<6400000xi32, #tpu.memory_space<hbm>> -> memref<2000xi32, #tpu.memory_space<hbm>>
      tpu.enqueue_dma source(%dma_start3A_148 : memref<2000xi32, #tpu.memory_space<hbm>>) target(%arg7 : memref<2000xi32, #tpu.memory_space<vmem>>) target_semaphore(%arg14 : memref<!tpu.dma_semaphore, #tpu.memory_space<semaphore_mem>>)
      %add3A_149 = arith.constant 3 : i32
      %add3A_150 = arith.addi %mul3A_59, %add3A_149 : i32
      %mul3A_151 = arith.constant 2000 : i32
      %mul3A_152 = arith.muli %add3A_150, %mul3A_151 : i32
      %add3A_153 = arith.addi %mul3A_2, %mul3A_152 : i32
      %dma_wait3A_154 = tpu.memref_slice %arg2[%add3A_153] : memref<6400000xf32, #tpu.memory_space<hbm>> -> memref<2000xf32, #tpu.memory_space<hbm>>
      %dma_wait3A_155 = tpu.memref_slice %arg2[%add3A_153] : memref<6400000xf32, #tpu.memory_space<hbm>> -> memref<2000xf32, #tpu.memory_space<hbm>>
      tpu.wait_dma2 semaphore(%arg16 : memref<!tpu.dma_semaphore, #tpu.memory_space<semaphore_mem>>) src(%dma_wait3A_155 : memref<2000xf32, #tpu.memory_space<hbm>>) dst(%arg9 : memref<2000xf32, #tpu.memory_space<vmem>>)
      %dma_wait3A_156 = tpu.memref_slice %arg3[%add3A_153] : memref<6400000xi32, #tpu.memory_space<hbm>> -> memref<2000xi32, #tpu.memory_space<hbm>>
      %dma_wait3A_157 = tpu.memref_slice %arg3[%add3A_153] : memref<6400000xi32, #tpu.memory_space<hbm>> -> memref<2000xi32, #tpu.memory_space<hbm>>
      tpu.wait_dma2 semaphore(%arg17 : memref<!tpu.dma_semaphore, #tpu.memory_space<semaphore_mem>>) src(%dma_wait3A_157 : memref<2000xi32, #tpu.memory_space<hbm>>) dst(%arg10 : memref<2000xi32, #tpu.memory_space<vmem>>)
      %scan3A_158 = arith.constant 0 : i32
      %scan3A_159 = arith.constant 0 : i32
      %scan3A_160 = arith.constant 25 : i32
      %scan3A_161 = arith.addi %scan3A_159, %scan3A_160 : i32
      %scan3A_162 = arith.constant 1 : i32
      scf.for %scan3A_317 = %scan3A_159 to %scan3A_161 step %scan3A_162  : i32 {
        %mul3A_318 = arith.constant 5 : i32
        %mul3A_319 = arith.muli %scan3A_317, %mul3A_318 : i32
        %add3A_320 = arith.constant 0 : i32
        %add3A_321 = arith.addi %mul3A_319, %add3A_320 : i32
        %mul3A_322 = arith.constant 16 : i32
        %mul3A_323 = arith.muli %add3A_321, %mul3A_322 : i32
        %get3A = arith.index_cast %mul3A_323 : i32 to index
        %get3A_324 = tpu.vector_load %arg9[%get3A] {strides = array<i32>} : memref<2000xf32, #tpu.memory_space<vmem>>, vector<16xf32>,
        %exp3A = math.exp %get3A_324 : vector<16xf32>
        %get3A_325 = arith.index_cast %mul3A_323 : i32 to index
        %get3A_326 = tpu.vector_load %arg10[%get3A_325] {strides = array<i32>} : memref<2000xi32, #tpu.memory_space<vmem>>, vector<16xi32>,
        tpu.vector_store_idx %arg11[%get3A_326], %exp3A {add = true} : memref<100352xf32, #tpu.memory_space<vmem>>[vector<16xi32>], vector<16xf32>,
        %mul3A_327 = arith.constant 5 : i32
        %mul3A_328 = arith.muli %scan3A_317, %mul3A_327 : i32
        %add3A_329 = arith.constant 1 : i32
        %add3A_330 = arith.addi %mul3A_328, %add3A_329 : i32
        %mul3A_331 = arith.constant 16 : i32
        %mul3A_332 = arith.muli %add3A_330, %mul3A_331 : i32
        %get3A_333 = arith.index_cast %mul3A_332 : i32 to index
        %get3A_334 = tpu.vector_load %arg9[%get3A_333] {strides = array<i32>} : memref<2000xf32, #tpu.memory_space<vmem>>, vector<16xf32>,
        %exp3A_335 = math.exp %get3A_334 : vector<16xf32>
        %get3A_336 = arith.index_cast %mul3A_332 : i32 to index
        %get3A_337 = tpu.vector_load %arg10[%get3A_336] {strides = array<i32>} : memref<2000xi32, #tpu.memory_space<vmem>>, vector<16xi32>,
        tpu.vector_store_idx %arg11[%get3A_337], %exp3A_335 {add = true} : memref<100352xf32, #tpu.memory_space<vmem>>[vector<16xi32>], vector<16xf32>,
        %mul3A_338 = arith.constant 5 : i32
        %mul3A_339 = arith.muli %scan3A_317, %mul3A_338 : i32
        %add3A_340 = arith.constant 2 : i32
        %add3A_341 = arith.addi %mul3A_339, %add3A_340 : i32
        %mul3A_342 = arith.constant 16 : i32
        %mul3A_343 = arith.muli %add3A_341, %mul3A_342 : i32
        %get3A_344 = arith.index_cast %mul3A_343 : i32 to index
        %get3A_345 = tpu.vector_load %arg9[%get3A_344] {strides = array<i32>} : memref<2000xf32, #tpu.memory_space<vmem>>, vector<16xf32>,
        %exp3A_346 = math.exp %get3A_345 : vector<16xf32>
        %get3A_347 = arith.index_cast %mul3A_343 : i32 to index
        %get3A_348 = tpu.vector_load %arg10[%get3A_347] {strides = array<i32>} : memref<2000xi32, #tpu.memory_space<vmem>>, vector<16xi32>,
        tpu.vector_store_idx %arg11[%get3A_348], %exp3A_346 {add = true} : memref<100352xf32, #tpu.memory_space<vmem>>[vector<16xi32>], vector<16xf32>,
        %mul3A_349 = arith.constant 5 : i32
        %mul3A_350 = arith.muli %scan3A_317, %mul3A_349 : i32
        %add3A_351 = arith.constant 3 : i32
        %add3A_352 = arith.addi %mul3A_350, %add3A_351 : i32
        %mul3A_353 = arith.constant 16 : i32
        %mul3A_354 = arith.muli %add3A_352, %mul3A_353 : i32
        %get3A_355 = arith.index_cast %mul3A_354 : i32 to index
        %get3A_356 = tpu.vector_load %arg9[%get3A_355] {strides = array<i32>} : memref<2000xf32, #tpu.memory_space<vmem>>, vector<16xf32>,
        %exp3A_357 = math.exp %get3A_356 : vector<16xf32>
        %get3A_358 = arith.index_cast %mul3A_354 : i32 to index
        %get3A_359 = tpu.vector_load %arg10[%get3A_358] {strides = array<i32>} : memref<2000xi32, #tpu.memory_space<vmem>>, vector<16xi32>,
        tpu.vector_store_idx %arg11[%get3A_359], %exp3A_357 {add = true} : memref<100352xf32, #tpu.memory_space<vmem>>[vector<16xi32>], vector<16xf32>,
        %mul3A_360 = arith.constant 5 : i32
        %mul3A_361 = arith.muli %scan3A_317, %mul3A_360 : i32
        %add3A_362 = arith.constant 4 : i32
        %add3A_363 = arith.addi %mul3A_361, %add3A_362 : i32
        %mul3A_364 = arith.constant 16 : i32
        %mul3A_365 = arith.muli %add3A_363, %mul3A_364 : i32
        %get3A_366 = arith.index_cast %mul3A_365 : i32 to index
        %get3A_367 = tpu.vector_load %arg9[%get3A_366] {strides = array<i32>} : memref<2000xf32, #tpu.memory_space<vmem>>, vector<16xf32>,
        %exp3A_368 = math.exp %get3A_367 : vector<16xf32>
        %get3A_369 = arith.index_cast %mul3A_365 : i32 to index
        %get3A_370 = tpu.vector_load %arg10[%get3A_369] {strides = array<i32>} : memref<2000xi32, #tpu.memory_space<vmem>>, vector<16xi32>,
        tpu.vector_store_idx %arg11[%get3A_370], %exp3A_368 {add = true} : memref<100352xf32, #tpu.memory_space<vmem>>[vector<16xi32>], vector<16xf32>,
      }
      %scan3A_163 = arith.constant 25 : i32
      %dma_wait3A_164 = arith.constant 0 : i32
      %dma_wait3A_165 = tpu.memref_slice %arg20[%dma_wait3A_164] : memref<100352xf32, #tpu.memory_space<vmem_shared>> -> memref<100352xf32, #tpu.memory_space<vmem_shared>>
      tpu.wait_indirect_dma semaphore(%arg19 : memref<!tpu.dma_semaphore, #tpu.memory_space<semaphore_mem>>) src(%arg6 : memref<2000xf32, #tpu.memory_space<vmem>>) dst(%dma_wait3A_165 : memref<100352xf32, #tpu.memory_space<vmem_shared>>)
      %add3A_166 = arith.constant 5 : i32
      %add3A_167 = arith.addi %mul3A_59, %add3A_166 : i32
      %mul3A_168 = arith.constant 2000 : i32
      %mul3A_169 = arith.muli %add3A_167, %mul3A_168 : i32
      %add3A_170 = arith.addi %mul3A_2, %mul3A_169 : i32
      %dma_start3A_171 = tpu.memref_slice %arg2[%add3A_170] : memref<6400000xf32, #tpu.memory_space<hbm>> -> memref<2000xf32, #tpu.memory_space<hbm>>
      %dma_start3A_172 = tpu.memref_slice %arg2[%add3A_170] : memref<6400000xf32, #tpu.memory_space<hbm>> -> memref<2000xf32, #tpu.memory_space<hbm>>
      tpu.enqueue_dma source(%dma_start3A_172 : memref<2000xf32, #tpu.memory_space<hbm>>) target(%arg6 : memref<2000xf32, #tpu.memory_space<vmem>>) target_semaphore(%arg13 : memref<!tpu.dma_semaphore, #tpu.memory_space<semaphore_mem>>)
      %dma_start3A_173 = tpu.memref_slice %arg3[%add3A_170] : memref<6400000xi32, #tpu.memory_space<hbm>> -> memref<2000xi32, #tpu.memory_space<hbm>>
      %dma_start3A_174 = tpu.memref_slice %arg3[%add3A_170] : memref<6400000xi32, #tpu.memory_space<hbm>> -> memref<2000xi32, #tpu.memory_space<hbm>>
      tpu.enqueue_dma source(%dma_start3A_174 : memref<2000xi32, #tpu.memory_space<hbm>>) target(%arg8 : memref<2000xi32, #tpu.memory_space<vmem>>) target_semaphore(%arg15 : memref<!tpu.dma_semaphore, #tpu.memory_space<semaphore_mem>>)
      %add3A_175 = arith.constant 4 : i32
      %add3A_176 = arith.addi %mul3A_59, %add3A_175 : i32
      %mul3A_177 = arith.constant 2000 : i32
      %mul3A_178 = arith.muli %add3A_176, %mul3A_177 : i32
      %add3A_179 = arith.addi %mul3A_2, %mul3A_178 : i32
      %dma_wait3A_180 = tpu.memref_slice %arg2[%add3A_179] : memref<6400000xf32, #tpu.memory_space<hbm>> -> memref<2000xf32, #tpu.memory_space<hbm>>
      %dma_wait3A_181 = tpu.memref_slice %arg2[%add3A_179] : memref<6400000xf32, #tpu.memory_space<hbm>> -> memref<2000xf32, #tpu.memory_space<hbm>>
      tpu.wait_dma2 semaphore(%arg12 : memref<!tpu.dma_semaphore, #tpu.memory_space<semaphore_mem>>) src(%dma_wait3A_181 : memref<2000xf32, #tpu.memory_space<hbm>>) dst(%arg5 : memref<2000xf32, #tpu.memory_space<vmem>>)
      %dma_wait3A_182 = tpu.memref_slice %arg3[%add3A_179] : memref<6400000xi32, #tpu.memory_space<hbm>> -> memref<2000xi32, #tpu.memory_space<hbm>>
      %dma_wait3A_183 = tpu.memref_slice %arg3[%add3A_179] : memref<6400000xi32, #tpu.memory_space<hbm>> -> memref<2000xi32, #tpu.memory_space<hbm>>
      tpu.wait_dma2 semaphore(%arg14 : memref<!tpu.dma_semaphore, #tpu.memory_space<semaphore_mem>>) src(%dma_wait3A_183 : memref<2000xi32, #tpu.memory_space<hbm>>) dst(%arg7 : memref<2000xi32, #tpu.memory_space<vmem>>)
      %scan3A_184 = arith.constant 0 : i32
      %scan3A_185 = arith.constant 0 : i32
      %scan3A_186 = arith.constant 25 : i32
      %scan3A_187 = arith.addi %scan3A_185, %scan3A_186 : i32
      %scan3A_188 = arith.constant 1 : i32
      scf.for %scan3A_317 = %scan3A_185 to %scan3A_187 step %scan3A_188  : i32 {
        %mul3A_318 = arith.constant 80 : i32
        %mul3A_319 = arith.muli %scan3A_317, %mul3A_318 : i32
        %add3A_320 = arith.constant 0 : i32
        %add3A_321 = arith.addi %mul3A_319, %add3A_320 : i32
        %get3A = arith.index_cast %add3A_321 : i32 to index
        %get3A_322 = tpu.vector_load %arg5[%get3A] {strides = array<i32>} : memref<2000xf32, #tpu.memory_space<vmem>>, vector<16xf32>,
        %exp3A = math.exp %get3A_322 : vector<16xf32>
        %swap3A = arith.index_cast %add3A_321 : i32 to index
        %swap3A_323 = tpu.vector_load %arg5[%swap3A] {strides = array<i32>} : memref<2000xf32, #tpu.memory_space<vmem>>, vector<16xf32>,
        tpu.vector_store %arg5[%swap3A], %exp3A {strides = array<i32>} : memref<2000xf32, #tpu.memory_space<vmem>>, vector<16xf32>,
        %add3A_324 = arith.constant 16 : i32
        %add3A_325 = arith.addi %mul3A_319, %add3A_324 : i32
        %get3A_326 = arith.index_cast %add3A_325 : i32 to index
        %get3A_327 = tpu.vector_load %arg5[%get3A_326] {strides = array<i32>} : memref<2000xf32, #tpu.memory_space<vmem>>, vector<16xf32>,
        %exp3A_328 = math.exp %get3A_327 : vector<16xf32>
        %swap3A_329 = arith.index_cast %add3A_325 : i32 to index
        %swap3A_330 = tpu.vector_load %arg5[%swap3A_329] {strides = array<i32>} : memref<2000xf32, #tpu.memory_space<vmem>>, vector<16xf32>,
        tpu.vector_store %arg5[%swap3A_329], %exp3A_328 {strides = array<i32>} : memref<2000xf32, #tpu.memory_space<vmem>>, vector<16xf32>,
        %add3A_331 = arith.constant 32 : i32
        %add3A_332 = arith.addi %mul3A_319, %add3A_331 : i32
        %get3A_333 = arith.index_cast %add3A_332 : i32 to index
        %get3A_334 = tpu.vector_load %arg5[%get3A_333] {strides = array<i32>} : memref<2000xf32, #tpu.memory_space<vmem>>, vector<16xf32>,
        %exp3A_335 = math.exp %get3A_334 : vector<16xf32>
        %swap3A_336 = arith.index_cast %add3A_332 : i32 to index
        %swap3A_337 = tpu.vector_load %arg5[%swap3A_336] {strides = array<i32>} : memref<2000xf32, #tpu.memory_space<vmem>>, vector<16xf32>,
        tpu.vector_store %arg5[%swap3A_336], %exp3A_335 {strides = array<i32>} : memref<2000xf32, #tpu.memory_space<vmem>>, vector<16xf32>,
        %add3A_338 = arith.constant 48 : i32
        %add3A_339 = arith.addi %mul3A_319, %add3A_338 : i32
        %get3A_340 = arith.index_cast %add3A_339 : i32 to index
        %get3A_341 = tpu.vector_load %arg5[%get3A_340] {strides = array<i32>} : memref<2000xf32, #tpu.memory_space<vmem>>, vector<16xf32>,
        %exp3A_342 = math.exp %get3A_341 : vector<16xf32>
        %swap3A_343 = arith.index_cast %add3A_339 : i32 to index
        %swap3A_344 = tpu.vector_load %arg5[%swap3A_343] {strides = array<i32>} : memref<2000xf32, #tpu.memory_space<vmem>>, vector<16xf32>,
        tpu.vector_store %arg5[%swap3A_343], %exp3A_342 {strides = array<i32>} : memref<2000xf32, #tpu.memory_space<vmem>>, vector<16xf32>,
        %add3A_345 = arith.constant 64 : i32
        %add3A_346 = arith.addi %mul3A_319, %add3A_345 : i32
        %get3A_347 = arith.index_cast %add3A_346 : i32 to index
        %get3A_348 = tpu.vector_load %arg5[%get3A_347] {strides = array<i32>} : memref<2000xf32, #tpu.memory_space<vmem>>, vector<16xf32>,
        %exp3A_349 = math.exp %get3A_348 : vector<16xf32>
        %swap3A_350 = arith.index_cast %add3A_346 : i32 to index
        %swap3A_351 = tpu.vector_load %arg5[%swap3A_350] {strides = array<i32>} : memref<2000xf32, #tpu.memory_space<vmem>>, vector<16xf32>,
        tpu.vector_store %arg5[%swap3A_350], %exp3A_349 {strides = array<i32>} : memref<2000xf32, #tpu.memory_space<vmem>>, vector<16xf32>,
      }
      %scan3A_189 = arith.constant 25 : i32
      %dma_start3A_190 = arith.constant 0 : i32
      %dma_start3A_191 = tpu.memref_slice %arg20[%dma_start3A_190] : memref<100352xf32, #tpu.memory_space<vmem_shared>> -> memref<100352xf32, #tpu.memory_space<vmem_shared>>
      tpu.enqueue_indirect_dma source(%arg5 : memref<2000xf32, #tpu.memory_space<vmem>>) target(%dma_start3A_191 : memref<100352xf32, #tpu.memory_space<vmem_shared>>) offsets(%arg7 : memref<2000xi32, #tpu.memory_space<vmem>>) semaphore(%arg18 : memref<!tpu.dma_semaphore, #tpu.memory_space<semaphore_mem>>) {add = true}
      %add3A_192 = arith.constant 6 : i32
      %add3A_193 = arith.addi %mul3A_59, %add3A_192 : i32
      %mul3A_194 = arith.constant 2000 : i32
      %mul3A_195 = arith.muli %add3A_193, %mul3A_194 : i32
      %add3A_196 = arith.addi %mul3A_2, %mul3A_195 : i32
      %dma_start3A_197 = tpu.memref_slice %arg2[%add3A_196] : memref<6400000xf32, #tpu.memory_space<hbm>> -> memref<2000xf32, #tpu.memory_space<hbm>>
      %dma_start3A_198 = tpu.memref_slice %arg2[%add3A_196] : memref<6400000xf32, #tpu.memory_space<hbm>> -> memref<2000xf32, #tpu.memory_space<hbm>>
      tpu.enqueue_dma source(%dma_start3A_198 : memref<2000xf32, #tpu.memory_space<hbm>>) target(%arg9 : memref<2000xf32, #tpu.memory_space<vmem>>) target_semaphore(%arg16 : memref<!tpu.dma_semaphore, #tpu.memory_space<semaphore_mem>>)
      %dma_start3A_199 = tpu.memref_slice %arg3[%add3A_196] : memref<6400000xi32, #tpu.memory_space<hbm>> -> memref<2000xi32, #tpu.memory_space<hbm>>
      %dma_start3A_200 = tpu.memref_slice %arg3[%add3A_196] : memref<6400000xi32, #tpu.memory_space<hbm>> -> memref<2000xi32, #tpu.memory_space<hbm>>
      tpu.enqueue_dma source(%dma_start3A_200 : memref<2000xi32, #tpu.memory_space<hbm>>) target(%arg10 : memref<2000xi32, #tpu.memory_space<vmem>>) target_semaphore(%arg17 : memref<!tpu.dma_semaphore, #tpu.memory_space<semaphore_mem>>)
      %add3A_201 = arith.constant 5 : i32
      %add3A_202 = arith.addi %mul3A_59, %add3A_201 : i32
      %mul3A_203 = arith.constant 2000 : i32
      %mul3A_204 = arith.muli %add3A_202, %mul3A_203 : i32
      %add3A_205 = arith.addi %mul3A_2, %mul3A_204 : i32
      %dma_wait3A_206 = tpu.memref_slice %arg2[%add3A_205] : memref<6400000xf32, #tpu.memory_space<hbm>> -> memref<2000xf32, #tpu.memory_space<hbm>>
      %dma_wait3A_207 = tpu.memref_slice %arg2[%add3A_205] : memref<6400000xf32, #tpu.memory_space<hbm>> -> memref<2000xf32, #tpu.memory_space<hbm>>
      tpu.wait_dma2 semaphore(%arg13 : memref<!tpu.dma_semaphore, #tpu.memory_space<semaphore_mem>>) src(%dma_wait3A_207 : memref<2000xf32, #tpu.memory_space<hbm>>) dst(%arg6 : memref<2000xf32, #tpu.memory_space<vmem>>)
      %dma_wait3A_208 = tpu.memref_slice %arg3[%add3A_205] : memref<6400000xi32, #tpu.memory_space<hbm>> -> memref<2000xi32, #tpu.memory_space<hbm>>
      %dma_wait3A_209 = tpu.memref_slice %arg3[%add3A_205] : memref<6400000xi32, #tpu.memory_space<hbm>> -> memref<2000xi32, #tpu.memory_space<hbm>>
      tpu.wait_dma2 semaphore(%arg15 : memref<!tpu.dma_semaphore, #tpu.memory_space<semaphore_mem>>) src(%dma_wait3A_209 : memref<2000xi32, #tpu.memory_space<hbm>>) dst(%arg8 : memref<2000xi32, #tpu.memory_space<vmem>>)
      %scan3A_210 = arith.constant 0 : i32
      %scan3A_211 = arith.constant 0 : i32
      %scan3A_212 = arith.constant 25 : i32
      %scan3A_213 = arith.addi %scan3A_211, %scan3A_212 : i32
      %scan3A_214 = arith.constant 1 : i32
      scf.for %scan3A_317 = %scan3A_211 to %scan3A_213 step %scan3A_214  : i32 {
        %mul3A_318 = arith.constant 80 : i32
        %mul3A_319 = arith.muli %scan3A_317, %mul3A_318 : i32
        %add3A_320 = arith.constant 0 : i32
        %add3A_321 = arith.addi %mul3A_319, %add3A_320 : i32
        %get3A = arith.index_cast %add3A_321 : i32 to index
        %get3A_322 = tpu.vector_load %arg6[%get3A] {strides = array<i32>} : memref<2000xf32, #tpu.memory_space<vmem>>, vector<16xf32>,
        %exp3A = math.exp %get3A_322 : vector<16xf32>
        %swap3A = arith.index_cast %add3A_321 : i32 to index
        %swap3A_323 = tpu.vector_load %arg6[%swap3A] {strides = array<i32>} : memref<2000xf32, #tpu.memory_space<vmem>>, vector<16xf32>,
        tpu.vector_store %arg6[%swap3A], %exp3A {strides = array<i32>} : memref<2000xf32, #tpu.memory_space<vmem>>, vector<16xf32>,
        %add3A_324 = arith.constant 16 : i32
        %add3A_325 = arith.addi %mul3A_319, %add3A_324 : i32
        %get3A_326 = arith.index_cast %add3A_325 : i32 to index
        %get3A_327 = tpu.vector_load %arg6[%get3A_326] {strides = array<i32>} : memref<2000xf32, #tpu.memory_space<vmem>>, vector<16xf32>,
        %exp3A_328 = math.exp %get3A_327 : vector<16xf32>
        %swap3A_329 = arith.index_cast %add3A_325 : i32 to index
        %swap3A_330 = tpu.vector_load %arg6[%swap3A_329] {strides = array<i32>} : memref<2000xf32, #tpu.memory_space<vmem>>, vector<16xf32>,
        tpu.vector_store %arg6[%swap3A_329], %exp3A_328 {strides = array<i32>} : memref<2000xf32, #tpu.memory_space<vmem>>, vector<16xf32>,
        %add3A_331 = arith.constant 32 : i32
        %add3A_332 = arith.addi %mul3A_319, %add3A_331 : i32
        %get3A_333 = arith.index_cast %add3A_332 : i32 to index
        %get3A_334 = tpu.vector_load %arg6[%get3A_333] {strides = array<i32>} : memref<2000xf32, #tpu.memory_space<vmem>>, vector<16xf32>,
        %exp3A_335 = math.exp %get3A_334 : vector<16xf32>
        %swap3A_336 = arith.index_cast %add3A_332 : i32 to index
        %swap3A_337 = tpu.vector_load %arg6[%swap3A_336] {strides = array<i32>} : memref<2000xf32, #tpu.memory_space<vmem>>, vector<16xf32>,
        tpu.vector_store %arg6[%swap3A_336], %exp3A_335 {strides = array<i32>} : memref<2000xf32, #tpu.memory_space<vmem>>, vector<16xf32>,
        %add3A_338 = arith.constant 48 : i32
        %add3A_339 = arith.addi %mul3A_319, %add3A_338 : i32
        %get3A_340 = arith.index_cast %add3A_339 : i32 to index
        %get3A_341 = tpu.vector_load %arg6[%get3A_340] {strides = array<i32>} : memref<2000xf32, #tpu.memory_space<vmem>>, vector<16xf32>,
        %exp3A_342 = math.exp %get3A_341 : vector<16xf32>
        %swap3A_343 = arith.index_cast %add3A_339 : i32 to index
        %swap3A_344 = tpu.vector_load %arg6[%swap3A_343] {strides = array<i32>} : memref<2000xf32, #tpu.memory_space<vmem>>, vector<16xf32>,
        tpu.vector_store %arg6[%swap3A_343], %exp3A_342 {strides = array<i32>} : memref<2000xf32, #tpu.memory_space<vmem>>, vector<16xf32>,
        %add3A_345 = arith.constant 64 : i32
        %add3A_346 = arith.addi %mul3A_319, %add3A_345 : i32
        %get3A_347 = arith.index_cast %add3A_346 : i32 to index
        %get3A_348 = tpu.vector_load %arg6[%get3A_347] {strides = array<i32>} : memref<2000xf32, #tpu.memory_space<vmem>>, vector<16xf32>,
        %exp3A_349 = math.exp %get3A_348 : vector<16xf32>
        %swap3A_350 = arith.index_cast %add3A_346 : i32 to index
        %swap3A_351 = tpu.vector_load %arg6[%swap3A_350] {strides = array<i32>} : memref<2000xf32, #tpu.memory_space<vmem>>, vector<16xf32>,
        tpu.vector_store %arg6[%swap3A_350], %exp3A_349 {strides = array<i32>} : memref<2000xf32, #tpu.memory_space<vmem>>, vector<16xf32>,
      }
      %scan3A_215 = arith.constant 25 : i32
      %dma_start3A_216 = arith.constant 0 : i32
      %dma_start3A_217 = tpu.memref_slice %arg20[%dma_start3A_216] : memref<100352xf32, #tpu.memory_space<vmem_shared>> -> memref<100352xf32, #tpu.memory_space<vmem_shared>>
      tpu.enqueue_indirect_dma source(%arg6 : memref<2000xf32, #tpu.memory_space<vmem>>) target(%dma_start3A_217 : memref<100352xf32, #tpu.memory_space<vmem_shared>>) offsets(%arg8 : memref<2000xi32, #tpu.memory_space<vmem>>) semaphore(%arg19 : memref<!tpu.dma_semaphore, #tpu.memory_space<semaphore_mem>>) {add = true}
      %dma_wait3A_218 = arith.constant 0 : i32
      %dma_wait3A_219 = tpu.memref_slice %arg20[%dma_wait3A_218] : memref<100352xf32, #tpu.memory_space<vmem_shared>> -> memref<100352xf32, #tpu.memory_space<vmem_shared>>
      tpu.wait_indirect_dma semaphore(%arg18 : memref<!tpu.dma_semaphore, #tpu.memory_space<semaphore_mem>>) src(%arg5 : memref<2000xf32, #tpu.memory_space<vmem>>) dst(%dma_wait3A_219 : memref<100352xf32, #tpu.memory_space<vmem_shared>>)
      %add3A_220 = arith.constant 7 : i32
      %add3A_221 = arith.addi %mul3A_59, %add3A_220 : i32
      %mul3A_222 = arith.constant 2000 : i32
      %mul3A_223 = arith.muli %add3A_221, %mul3A_222 : i32
      %add3A_224 = arith.addi %mul3A_2, %mul3A_223 : i32
      %dma_start3A_225 = tpu.memref_slice %arg2[%add3A_224] : memref<6400000xf32, #tpu.memory_space<hbm>> -> memref<2000xf32, #tpu.memory_space<hbm>>
      %dma_start3A_226 = tpu.memref_slice %arg2[%add3A_224] : memref<6400000xf32, #tpu.memory_space<hbm>> -> memref<2000xf32, #tpu.memory_space<hbm>>
      tpu.enqueue_dma source(%dma_start3A_226 : memref<2000xf32, #tpu.memory_space<hbm>>) target(%arg5 : memref<2000xf32, #tpu.memory_space<vmem>>) target_semaphore(%arg12 : memref<!tpu.dma_semaphore, #tpu.memory_space<semaphore_mem>>)
      %dma_start3A_227 = tpu.memref_slice %arg3[%add3A_224] : memref<6400000xi32, #tpu.memory_space<hbm>> -> memref<2000xi32, #tpu.memory_space<hbm>>
      %dma_start3A_228 = tpu.memref_slice %arg3[%add3A_224] : memref<6400000xi32, #tpu.memory_space<hbm>> -> memref<2000xi32, #tpu.memory_space<hbm>>
      tpu.enqueue_dma source(%dma_start3A_228 : memref<2000xi32, #tpu.memory_space<hbm>>) target(%arg7 : memref<2000xi32, #tpu.memory_space<vmem>>) target_semaphore(%arg14 : memref<!tpu.dma_semaphore, #tpu.memory_space<semaphore_mem>>)
      %add3A_229 = arith.constant 6 : i32
      %add3A_230 = arith.addi %mul3A_59, %add3A_229 : i32
      %mul3A_231 = arith.constant 2000 : i32
      %mul3A_232 = arith.muli %add3A_230, %mul3A_231 : i32
      %add3A_233 = arith.addi %mul3A_2, %mul3A_232 : i32
      %dma_wait3A_234 = tpu.memref_slice %arg2[%add3A_233] : memref<6400000xf32, #tpu.memory_space<hbm>> -> memref<2000xf32, #tpu.memory_space<hbm>>
      %dma_wait3A_235 = tpu.memref_slice %arg2[%add3A_233] : memref<6400000xf32, #tpu.memory_space<hbm>> -> memref<2000xf32, #tpu.memory_space<hbm>>
      tpu.wait_dma2 semaphore(%arg16 : memref<!tpu.dma_semaphore, #tpu.memory_space<semaphore_mem>>) src(%dma_wait3A_235 : memref<2000xf32, #tpu.memory_space<hbm>>) dst(%arg9 : memref<2000xf32, #tpu.memory_space<vmem>>)
      %dma_wait3A_236 = tpu.memref_slice %arg3[%add3A_233] : memref<6400000xi32, #tpu.memory_space<hbm>> -> memref<2000xi32, #tpu.memory_space<hbm>>
      %dma_wait3A_237 = tpu.memref_slice %arg3[%add3A_233] : memref<6400000xi32, #tpu.memory_space<hbm>> -> memref<2000xi32, #tpu.memory_space<hbm>>
      tpu.wait_dma2 semaphore(%arg17 : memref<!tpu.dma_semaphore, #tpu.memory_space<semaphore_mem>>) src(%dma_wait3A_237 : memref<2000xi32, #tpu.memory_space<hbm>>) dst(%arg10 : memref<2000xi32, #tpu.memory_space<vmem>>)
      %scan3A_238 = arith.constant 0 : i32
      %scan3A_239 = arith.constant 0 : i32
      %scan3A_240 = arith.constant 25 : i32
      %scan3A_241 = arith.addi %scan3A_239, %scan3A_240 : i32
      %scan3A_242 = arith.constant 1 : i32
      scf.for %scan3A_317 = %scan3A_239 to %scan3A_241 step %scan3A_242  : i32 {
        %mul3A_318 = arith.constant 5 : i32
        %mul3A_319 = arith.muli %scan3A_317, %mul3A_318 : i32
        %add3A_320 = arith.constant 0 : i32
        %add3A_321 = arith.addi %mul3A_319, %add3A_320 : i32
        %mul3A_322 = arith.constant 16 : i32
        %mul3A_323 = arith.muli %add3A_321, %mul3A_322 : i32
        %get3A = arith.index_cast %mul3A_323 : i32 to index
        %get3A_324 = tpu.vector_load %arg9[%get3A] {strides = array<i32>} : memref<2000xf32, #tpu.memory_space<vmem>>, vector<16xf32>,
        %exp3A = math.exp %get3A_324 : vector<16xf32>
        %get3A_325 = arith.index_cast %mul3A_323 : i32 to index
        %get3A_326 = tpu.vector_load %arg10[%get3A_325] {strides = array<i32>} : memref<2000xi32, #tpu.memory_space<vmem>>, vector<16xi32>,
        tpu.vector_store_idx %arg11[%get3A_326], %exp3A {add = true} : memref<100352xf32, #tpu.memory_space<vmem>>[vector<16xi32>], vector<16xf32>,
        %mul3A_327 = arith.constant 5 : i32
        %mul3A_328 = arith.muli %scan3A_317, %mul3A_327 : i32
        %add3A_329 = arith.constant 1 : i32
        %add3A_330 = arith.addi %mul3A_328, %add3A_329 : i32
        %mul3A_331 = arith.constant 16 : i32
        %mul3A_332 = arith.muli %add3A_330, %mul3A_331 : i32
        %get3A_333 = arith.index_cast %mul3A_332 : i32 to index
        %get3A_334 = tpu.vector_load %arg9[%get3A_333] {strides = array<i32>} : memref<2000xf32, #tpu.memory_space<vmem>>, vector<16xf32>,
        %exp3A_335 = math.exp %get3A_334 : vector<16xf32>
        %get3A_336 = arith.index_cast %mul3A_332 : i32 to index
        %get3A_337 = tpu.vector_load %arg10[%get3A_336] {strides = array<i32>} : memref<2000xi32, #tpu.memory_space<vmem>>, vector<16xi32>,
        tpu.vector_store_idx %arg11[%get3A_337], %exp3A_335 {add = true} : memref<100352xf32, #tpu.memory_space<vmem>>[vector<16xi32>], vector<16xf32>,
        %mul3A_338 = arith.constant 5 : i32
        %mul3A_339 = arith.muli %scan3A_317, %mul3A_338 : i32
        %add3A_340 = arith.constant 2 : i32
        %add3A_341 = arith.addi %mul3A_339, %add3A_340 : i32
        %mul3A_342 = arith.constant 16 : i32
        %mul3A_343 = arith.muli %add3A_341, %mul3A_342 : i32
        %get3A_344 = arith.index_cast %mul3A_343 : i32 to index
        %get3A_345 = tpu.vector_load %arg9[%get3A_344] {strides = array<i32>} : memref<2000xf32, #tpu.memory_space<vmem>>, vector<16xf32>,
        %exp3A_346 = math.exp %get3A_345 : vector<16xf32>
        %get3A_347 = arith.index_cast %mul3A_343 : i32 to index
        %get3A_348 = tpu.vector_load %arg10[%get3A_347] {strides = array<i32>} : memref<2000xi32, #tpu.memory_space<vmem>>, vector<16xi32>,
        tpu.vector_store_idx %arg11[%get3A_348], %exp3A_346 {add = true} : memref<100352xf32, #tpu.memory_space<vmem>>[vector<16xi32>], vector<16xf32>,
        %mul3A_349 = arith.constant 5 : i32
        %mul3A_350 = arith.muli %scan3A_317, %mul3A_349 : i32
        %add3A_351 = arith.constant 3 : i32
        %add3A_352 = arith.addi %mul3A_350, %add3A_351 : i32
        %mul3A_353 = arith.constant 16 : i32
        %mul3A_354 = arith.muli %add3A_352, %mul3A_353 : i32
        %get3A_355 = arith.index_cast %mul3A_354 : i32 to index
        %get3A_356 = tpu.vector_load %arg9[%get3A_355] {strides = array<i32>} : memref<2000xf32, #tpu.memory_space<vmem>>, vector<16xf32>,
        %exp3A_357 = math.exp %get3A_356 : vector<16xf32>
        %get3A_358 = arith.index_cast %mul3A_354 : i32 to index
        %get3A_359 = tpu.vector_load %arg10[%get3A_358] {strides = array<i32>} : memref<2000xi32, #tpu.memory_space<vmem>>, vector<16xi32>,
        tpu.vector_store_idx %arg11[%get3A_359], %exp3A_357 {add = true} : memref<100352xf32, #tpu.memory_space<vmem>>[vector<16xi32>], vector<16xf32>,
        %mul3A_360 = arith.constant 5 : i32
        %mul3A_361 = arith.muli %scan3A_317, %mul3A_360 : i32
        %add3A_362 = arith.constant 4 : i32
        %add3A_363 = arith.addi %mul3A_361, %add3A_362 : i32
        %mul3A_364 = arith.constant 16 : i32
        %mul3A_365 = arith.muli %add3A_363, %mul3A_364 : i32
        %get3A_366 = arith.index_cast %mul3A_365 : i32 to index
        %get3A_367 = tpu.vector_load %arg9[%get3A_366] {strides = array<i32>} : memref<2000xf32, #tpu.memory_space<vmem>>, vector<16xf32>,
        %exp3A_368 = math.exp %get3A_367 : vector<16xf32>
        %get3A_369 = arith.index_cast %mul3A_365 : i32 to index
        %get3A_370 = tpu.vector_load %arg10[%get3A_369] {strides = array<i32>} : memref<2000xi32, #tpu.memory_space<vmem>>, vector<16xi32>,
        tpu.vector_store_idx %arg11[%get3A_370], %exp3A_368 {add = true} : memref<100352xf32, #tpu.memory_space<vmem>>[vector<16xi32>], vector<16xf32>,
      }
      %scan3A_243 = arith.constant 25 : i32
      %add3A_244 = arith.constant 8 : i32
      %add3A_245 = arith.addi %mul3A_59, %add3A_244 : i32
      %mul3A_246 = arith.constant 2000 : i32
      %mul3A_247 = arith.muli %add3A_245, %mul3A_246 : i32
      %add3A_248 = arith.addi %mul3A_2, %mul3A_247 : i32
      %dma_start3A_249 = tpu.memref_slice %arg2[%add3A_248] : memref<6400000xf32, #tpu.memory_space<hbm>> -> memref<2000xf32, #tpu.memory_space<hbm>>
      %dma_start3A_250 = tpu.memref_slice %arg2[%add3A_248] : memref<6400000xf32, #tpu.memory_space<hbm>> -> memref<2000xf32, #tpu.memory_space<hbm>>
      tpu.enqueue_dma source(%dma_start3A_250 : memref<2000xf32, #tpu.memory_space<hbm>>) target(%arg9 : memref<2000xf32, #tpu.memory_space<vmem>>) target_semaphore(%arg16 : memref<!tpu.dma_semaphore, #tpu.memory_space<semaphore_mem>>)
      %dma_start3A_251 = tpu.memref_slice %arg3[%add3A_248] : memref<6400000xi32, #tpu.memory_space<hbm>> -> memref<2000xi32, #tpu.memory_space<hbm>>
      %dma_start3A_252 = tpu.memref_slice %arg3[%add3A_248] : memref<6400000xi32, #tpu.memory_space<hbm>> -> memref<2000xi32, #tpu.memory_space<hbm>>
      tpu.enqueue_dma source(%dma_start3A_252 : memref<2000xi32, #tpu.memory_space<hbm>>) target(%arg10 : memref<2000xi32, #tpu.memory_space<vmem>>) target_semaphore(%arg17 : memref<!tpu.dma_semaphore, #tpu.memory_space<semaphore_mem>>)
      %add3A_253 = arith.constant 7 : i32
      %add3A_254 = arith.addi %mul3A_59, %add3A_253 : i32
      %mul3A_255 = arith.constant 2000 : i32
      %mul3A_256 = arith.muli %add3A_254, %mul3A_255 : i32
      %add3A_257 = arith.addi %mul3A_2, %mul3A_256 : i32
      %dma_wait3A_258 = tpu.memref_slice %arg2[%add3A_257] : memref<6400000xf32, #tpu.memory_space<hbm>> -> memref<2000xf32, #tpu.memory_space<hbm>>
      %dma_wait3A_259 = tpu.memref_slice %arg2[%add3A_257] : memref<6400000xf32, #tpu.memory_space<hbm>> -> memref<2000xf32, #tpu.memory_space<hbm>>
      tpu.wait_dma2 semaphore(%arg12 : memref<!tpu.dma_semaphore, #tpu.memory_space<semaphore_mem>>) src(%dma_wait3A_259 : memref<2000xf32, #tpu.memory_space<hbm>>) dst(%arg5 : memref<2000xf32, #tpu.memory_space<vmem>>)
      %dma_wait3A_260 = tpu.memref_slice %arg3[%add3A_257] : memref<6400000xi32, #tpu.memory_space<hbm>> -> memref<2000xi32, #tpu.memory_space<hbm>>
      %dma_wait3A_261 = tpu.memref_slice %arg3[%add3A_257] : memref<6400000xi32, #tpu.memory_space<hbm>> -> memref<2000xi32, #tpu.memory_space<hbm>>
      tpu.wait_dma2 semaphore(%arg14 : memref<!tpu.dma_semaphore, #tpu.memory_space<semaphore_mem>>) src(%dma_wait3A_261 : memref<2000xi32, #tpu.memory_space<hbm>>) dst(%arg7 : memref<2000xi32, #tpu.memory_space<vmem>>)
      %scan3A_262 = arith.constant 0 : i32
      %scan3A_263 = arith.constant 0 : i32
      %scan3A_264 = arith.constant 25 : i32
      %scan3A_265 = arith.addi %scan3A_263, %scan3A_264 : i32
      %scan3A_266 = arith.constant 1 : i32
      scf.for %scan3A_317 = %scan3A_263 to %scan3A_265 step %scan3A_266  : i32 {
        %mul3A_318 = arith.constant 80 : i32
        %mul3A_319 = arith.muli %scan3A_317, %mul3A_318 : i32
        %add3A_320 = arith.constant 0 : i32
        %add3A_321 = arith.addi %mul3A_319, %add3A_320 : i32
        %get3A = arith.index_cast %add3A_321 : i32 to index
        %get3A_322 = tpu.vector_load %arg5[%get3A] {strides = array<i32>} : memref<2000xf32, #tpu.memory_space<vmem>>, vector<16xf32>,
        %exp3A = math.exp %get3A_322 : vector<16xf32>
        %swap3A = arith.index_cast %add3A_321 : i32 to index
        %swap3A_323 = tpu.vector_load %arg5[%swap3A] {strides = array<i32>} : memref<2000xf32, #tpu.memory_space<vmem>>, vector<16xf32>,
        tpu.vector_store %arg5[%swap3A], %exp3A {strides = array<i32>} : memref<2000xf32, #tpu.memory_space<vmem>>, vector<16xf32>,
        %add3A_324 = arith.constant 16 : i32
        %add3A_325 = arith.addi %mul3A_319, %add3A_324 : i32
        %get3A_326 = arith.index_cast %add3A_325 : i32 to index
        %get3A_327 = tpu.vector_load %arg5[%get3A_326] {strides = array<i32>} : memref<2000xf32, #tpu.memory_space<vmem>>, vector<16xf32>,
        %exp3A_328 = math.exp %get3A_327 : vector<16xf32>
        %swap3A_329 = arith.index_cast %add3A_325 : i32 to index
        %swap3A_330 = tpu.vector_load %arg5[%swap3A_329] {strides = array<i32>} : memref<2000xf32, #tpu.memory_space<vmem>>, vector<16xf32>,
        tpu.vector_store %arg5[%swap3A_329], %exp3A_328 {strides = array<i32>} : memref<2000xf32, #tpu.memory_space<vmem>>, vector<16xf32>,
        %add3A_331 = arith.constant 32 : i32
        %add3A_332 = arith.addi %mul3A_319, %add3A_331 : i32
        %get3A_333 = arith.index_cast %add3A_332 : i32 to index
        %get3A_334 = tpu.vector_load %arg5[%get3A_333] {strides = array<i32>} : memref<2000xf32, #tpu.memory_space<vmem>>, vector<16xf32>,
        %exp3A_335 = math.exp %get3A_334 : vector<16xf32>
        %swap3A_336 = arith.index_cast %add3A_332 : i32 to index
        %swap3A_337 = tpu.vector_load %arg5[%swap3A_336] {strides = array<i32>} : memref<2000xf32, #tpu.memory_space<vmem>>, vector<16xf32>,
        tpu.vector_store %arg5[%swap3A_336], %exp3A_335 {strides = array<i32>} : memref<2000xf32, #tpu.memory_space<vmem>>, vector<16xf32>,
        %add3A_338 = arith.constant 48 : i32
        %add3A_339 = arith.addi %mul3A_319, %add3A_338 : i32
        %get3A_340 = arith.index_cast %add3A_339 : i32 to index
        %get3A_341 = tpu.vector_load %arg5[%get3A_340] {strides = array<i32>} : memref<2000xf32, #tpu.memory_space<vmem>>, vector<16xf32>,
        %exp3A_342 = math.exp %get3A_341 : vector<16xf32>
        %swap3A_343 = arith.index_cast %add3A_339 : i32 to index
        %swap3A_344 = tpu.vector_load %arg5[%swap3A_343] {strides = array<i32>} : memref<2000xf32, #tpu.memory_space<vmem>>, vector<16xf32>,
        tpu.vector_store %arg5[%swap3A_343], %exp3A_342 {strides = array<i32>} : memref<2000xf32, #tpu.memory_space<vmem>>, vector<16xf32>,
        %add3A_345 = arith.constant 64 : i32
        %add3A_346 = arith.addi %mul3A_319, %add3A_345 : i32
        %get3A_347 = arith.index_cast %add3A_346 : i32 to index
        %get3A_348 = tpu.vector_load %arg5[%get3A_347] {strides = array<i32>} : memref<2000xf32, #tpu.memory_space<vmem>>, vector<16xf32>,
        %exp3A_349 = math.exp %get3A_348 : vector<16xf32>
        %swap3A_350 = arith.index_cast %add3A_346 : i32 to index
        %swap3A_351 = tpu.vector_load %arg5[%swap3A_350] {strides = array<i32>} : memref<2000xf32, #tpu.memory_space<vmem>>, vector<16xf32>,
        tpu.vector_store %arg5[%swap3A_350], %exp3A_349 {strides = array<i32>} : memref<2000xf32, #tpu.memory_space<vmem>>, vector<16xf32>,
      }
      %scan3A_267 = arith.constant 25 : i32
      %dma_start3A_268 = arith.constant 0 : i32
      %dma_start3A_269 = tpu.memref_slice %arg20[%dma_start3A_268] : memref<100352xf32, #tpu.memory_space<vmem_shared>> -> memref<100352xf32, #tpu.memory_space<vmem_shared>>
      tpu.enqueue_indirect_dma source(%arg5 : memref<2000xf32, #tpu.memory_space<vmem>>) target(%dma_start3A_269 : memref<100352xf32, #tpu.memory_space<vmem_shared>>) offsets(%arg7 : memref<2000xi32, #tpu.memory_space<vmem>>) semaphore(%arg18 : memref<!tpu.dma_semaphore, #tpu.memory_space<semaphore_mem>>) {add = true}
      %dma_wait3A_270 = arith.constant 0 : i32
      %dma_wait3A_271 = tpu.memref_slice %arg20[%dma_wait3A_270] : memref<100352xf32, #tpu.memory_space<vmem_shared>> -> memref<100352xf32, #tpu.memory_space<vmem_shared>>
      tpu.wait_indirect_dma semaphore(%arg19 : memref<!tpu.dma_semaphore, #tpu.memory_space<semaphore_mem>>) src(%arg6 : memref<2000xf32, #tpu.memory_space<vmem>>) dst(%dma_wait3A_271 : memref<100352xf32, #tpu.memory_space<vmem_shared>>)
      %add3A_272 = arith.constant 9 : i32
      %add3A_273 = arith.addi %mul3A_59, %add3A_272 : i32
      %mul3A_274 = arith.constant 2000 : i32
      %mul3A_275 = arith.muli %add3A_273, %mul3A_274 : i32
      %add3A_276 = arith.addi %mul3A_2, %mul3A_275 : i32
      %dma_start3A_277 = tpu.memref_slice %arg2[%add3A_276] : memref<6400000xf32, #tpu.memory_space<hbm>> -> memref<2000xf32, #tpu.memory_space<hbm>>
      %dma_start3A_278 = tpu.memref_slice %arg2[%add3A_276] : memref<6400000xf32, #tpu.memory_space<hbm>> -> memref<2000xf32, #tpu.memory_space<hbm>>
      tpu.enqueue_dma source(%dma_start3A_278 : memref<2000xf32, #tpu.memory_space<hbm>>) target(%arg6 : memref<2000xf32, #tpu.memory_space<vmem>>) target_semaphore(%arg13 : memref<!tpu.dma_semaphore, #tpu.memory_space<semaphore_mem>>)
      %dma_start3A_279 = tpu.memref_slice %arg3[%add3A_276] : memref<6400000xi32, #tpu.memory_space<hbm>> -> memref<2000xi32, #tpu.memory_space<hbm>>
      %dma_start3A_280 = tpu.memref_slice %arg3[%add3A_276] : memref<6400000xi32, #tpu.memory_space<hbm>> -> memref<2000xi32, #tpu.memory_space<hbm>>
      tpu.enqueue_dma source(%dma_start3A_280 : memref<2000xi32, #tpu.memory_space<hbm>>) target(%arg8 : memref<2000xi32, #tpu.memory_space<vmem>>) target_semaphore(%arg15 : memref<!tpu.dma_semaphore, #tpu.memory_space<semaphore_mem>>)
      %add3A_281 = arith.constant 8 : i32
      %add3A_282 = arith.addi %mul3A_59, %add3A_281 : i32
      %mul3A_283 = arith.constant 2000 : i32
      %mul3A_284 = arith.muli %add3A_282, %mul3A_283 : i32
      %add3A_285 = arith.addi %mul3A_2, %mul3A_284 : i32
      %dma_wait3A_286 = tpu.memref_slice %arg2[%add3A_285] : memref<6400000xf32, #tpu.memory_space<hbm>> -> memref<2000xf32, #tpu.memory_space<hbm>>
      %dma_wait3A_287 = tpu.memref_slice %arg2[%add3A_285] : memref<6400000xf32, #tpu.memory_space<hbm>> -> memref<2000xf32, #tpu.memory_space<hbm>>
      tpu.wait_dma2 semaphore(%arg16 : memref<!tpu.dma_semaphore, #tpu.memory_space<semaphore_mem>>) src(%dma_wait3A_287 : memref<2000xf32, #tpu.memory_space<hbm>>) dst(%arg9 : memref<2000xf32, #tpu.memory_space<vmem>>)
      %dma_wait3A_288 = tpu.memref_slice %arg3[%add3A_285] : memref<6400000xi32, #tpu.memory_space<hbm>> -> memref<2000xi32, #tpu.memory_space<hbm>>
      %dma_wait3A_289 = tpu.memref_slice %arg3[%add3A_285] : memref<6400000xi32, #tpu.memory_space<hbm>> -> memref<2000xi32, #tpu.memory_space<hbm>>
      tpu.wait_dma2 semaphore(%arg17 : memref<!tpu.dma_semaphore, #tpu.memory_space<semaphore_mem>>) src(%dma_wait3A_289 : memref<2000xi32, #tpu.memory_space<hbm>>) dst(%arg10 : memref<2000xi32, #tpu.memory_space<vmem>>)
      %scan3A_290 = arith.constant 0 : i32
      %scan3A_291 = arith.constant 0 : i32
      %scan3A_292 = arith.constant 25 : i32
      %scan3A_293 = arith.addi %scan3A_291, %scan3A_292 : i32
      %scan3A_294 = arith.constant 1 : i32
      scf.for %scan3A_317 = %scan3A_291 to %scan3A_293 step %scan3A_294  : i32 {
        %mul3A_318 = arith.constant 5 : i32
        %mul3A_319 = arith.muli %scan3A_317, %mul3A_318 : i32
        %add3A_320 = arith.constant 0 : i32
        %add3A_321 = arith.addi %mul3A_319, %add3A_320 : i32
        %mul3A_322 = arith.constant 16 : i32
        %mul3A_323 = arith.muli %add3A_321, %mul3A_322 : i32
        %get3A = arith.index_cast %mul3A_323 : i32 to index
        %get3A_324 = tpu.vector_load %arg9[%get3A] {strides = array<i32>} : memref<2000xf32, #tpu.memory_space<vmem>>, vector<16xf32>,
        %exp3A = math.exp %get3A_324 : vector<16xf32>
        %get3A_325 = arith.index_cast %mul3A_323 : i32 to index
        %get3A_326 = tpu.vector_load %arg10[%get3A_325] {strides = array<i32>} : memref<2000xi32, #tpu.memory_space<vmem>>, vector<16xi32>,
        tpu.vector_store_idx %arg11[%get3A_326], %exp3A {add = true} : memref<100352xf32, #tpu.memory_space<vmem>>[vector<16xi32>], vector<16xf32>,
        %mul3A_327 = arith.constant 5 : i32
        %mul3A_328 = arith.muli %scan3A_317, %mul3A_327 : i32
        %add3A_329 = arith.constant 1 : i32
        %add3A_330 = arith.addi %mul3A_328, %add3A_329 : i32
        %mul3A_331 = arith.constant 16 : i32
        %mul3A_332 = arith.muli %add3A_330, %mul3A_331 : i32
        %get3A_333 = arith.index_cast %mul3A_332 : i32 to index
        %get3A_334 = tpu.vector_load %arg9[%get3A_333] {strides = array<i32>} : memref<2000xf32, #tpu.memory_space<vmem>>, vector<16xf32>,
        %exp3A_335 = math.exp %get3A_334 : vector<16xf32>
        %get3A_336 = arith.index_cast %mul3A_332 : i32 to index
        %get3A_337 = tpu.vector_load %arg10[%get3A_336] {strides = array<i32>} : memref<2000xi32, #tpu.memory_space<vmem>>, vector<16xi32>,
        tpu.vector_store_idx %arg11[%get3A_337], %exp3A_335 {add = true} : memref<100352xf32, #tpu.memory_space<vmem>>[vector<16xi32>], vector<16xf32>,
        %mul3A_338 = arith.constant 5 : i32
        %mul3A_339 = arith.muli %scan3A_317, %mul3A_338 : i32
        %add3A_340 = arith.constant 2 : i32
        %add3A_341 = arith.addi %mul3A_339, %add3A_340 : i32
        %mul3A_342 = arith.constant 16 : i32
        %mul3A_343 = arith.muli %add3A_341, %mul3A_342 : i32
        %get3A_344 = arith.index_cast %mul3A_343 : i32 to index
        %get3A_345 = tpu.vector_load %arg9[%get3A_344] {strides = array<i32>} : memref<2000xf32, #tpu.memory_space<vmem>>, vector<16xf32>,
        %exp3A_346 = math.exp %get3A_345 : vector<16xf32>
        %get3A_347 = arith.index_cast %mul3A_343 : i32 to index
        %get3A_348 = tpu.vector_load %arg10[%get3A_347] {strides = array<i32>} : memref<2000xi32, #tpu.memory_space<vmem>>, vector<16xi32>,
        tpu.vector_store_idx %arg11[%get3A_348], %exp3A_346 {add = true} : memref<100352xf32, #tpu.memory_space<vmem>>[vector<16xi32>], vector<16xf32>,
        %mul3A_349 = arith.constant 5 : i32
        %mul3A_350 = arith.muli %scan3A_317, %mul3A_349 : i32
        %add3A_351 = arith.constant 3 : i32
        %add3A_352 = arith.addi %mul3A_350, %add3A_351 : i32
        %mul3A_353 = arith.constant 16 : i32
        %mul3A_354 = arith.muli %add3A_352, %mul3A_353 : i32
        %get3A_355 = arith.index_cast %mul3A_354 : i32 to index
        %get3A_356 = tpu.vector_load %arg9[%get3A_355] {strides = array<i32>} : memref<2000xf32, #tpu.memory_space<vmem>>, vector<16xf32>,
        %exp3A_357 = math.exp %get3A_356 : vector<16xf32>
        %get3A_358 = arith.index_cast %mul3A_354 : i32 to index
        %get3A_359 = tpu.vector_load %arg10[%get3A_358] {strides = array<i32>} : memref<2000xi32, #tpu.memory_space<vmem>>, vector<16xi32>,
        tpu.vector_store_idx %arg11[%get3A_359], %exp3A_357 {add = true} : memref<100352xf32, #tpu.memory_space<vmem>>[vector<16xi32>], vector<16xf32>,
        %mul3A_360 = arith.constant 5 : i32
        %mul3A_361 = arith.muli %scan3A_317, %mul3A_360 : i32
        %add3A_362 = arith.constant 4 : i32
        %add3A_363 = arith.addi %mul3A_361, %add3A_362 : i32
        %mul3A_364 = arith.constant 16 : i32
        %mul3A_365 = arith.muli %add3A_363, %mul3A_364 : i32
        %get3A_366 = arith.index_cast %mul3A_365 : i32 to index
        %get3A_367 = tpu.vector_load %arg9[%get3A_366] {strides = array<i32>} : memref<2000xf32, #tpu.memory_space<vmem>>, vector<16xf32>,
        %exp3A_368 = math.exp %get3A_367 : vector<16xf32>
        %get3A_369 = arith.index_cast %mul3A_365 : i32 to index
        %get3A_370 = tpu.vector_load %arg10[%get3A_369] {strides = array<i32>} : memref<2000xi32, #tpu.memory_space<vmem>>, vector<16xi32>,
        tpu.vector_store_idx %arg11[%get3A_370], %exp3A_368 {add = true} : memref<100352xf32, #tpu.memory_space<vmem>>[vector<16xi32>], vector<16xf32>,
      }
      %scan3A_295 = arith.constant 25 : i32
      %lt3A = arith.constant 9 : i32
      %lt3A_296 = arith.cmpi slt, %scan3A_57, %lt3A : i32
      %convert_element_type3A_297 = arith.extui %lt3A_296 : i1 to i32
      %cond3A_298 = arith.constant 0 : i32
      %cond3A_299 = arith.cmpi ne, %convert_element_type3A_297, %cond3A_298 : i32
      scf.if %cond3A_299 {
        %dma_wait3A_317 = arith.constant 0 : i32
        %dma_wait3A_318 = tpu.memref_slice %arg20[%dma_wait3A_317] : memref<100352xf32, #tpu.memory_space<vmem_shared>> -> memref<100352xf32, #tpu.memory_space<vmem_shared>>
        tpu.wait_indirect_dma semaphore(%arg18 : memref<!tpu.dma_semaphore, #tpu.memory_space<semaphore_mem>>) src(%arg5 : memref<2000xf32, #tpu.memory_space<vmem>>) dst(%dma_wait3A_318 : memref<100352xf32, #tpu.memory_space<vmem_shared>>)
        %add3A_319 = arith.constant 10 : i32
        %add3A_320 = arith.addi %mul3A_59, %add3A_319 : i32
        %mul3A_321 = arith.constant 2000 : i32
        %mul3A_322 = arith.muli %add3A_320, %mul3A_321 : i32
        %add3A_323 = arith.addi %mul3A_2, %mul3A_322 : i32
        %dma_start3A_324 = tpu.memref_slice %arg2[%add3A_323] : memref<6400000xf32, #tpu.memory_space<hbm>> -> memref<2000xf32, #tpu.memory_space<hbm>>
        %dma_start3A_325 = tpu.memref_slice %arg2[%add3A_323] : memref<6400000xf32, #tpu.memory_space<hbm>> -> memref<2000xf32, #tpu.memory_space<hbm>>
        tpu.enqueue_dma source(%dma_start3A_325 : memref<2000xf32, #tpu.memory_space<hbm>>) target(%arg5 : memref<2000xf32, #tpu.memory_space<vmem>>) target_semaphore(%arg12 : memref<!tpu.dma_semaphore, #tpu.memory_space<semaphore_mem>>)
        %dma_start3A_326 = tpu.memref_slice %arg3[%add3A_323] : memref<6400000xi32, #tpu.memory_space<hbm>> -> memref<2000xi32, #tpu.memory_space<hbm>>
        %dma_start3A_327 = tpu.memref_slice %arg3[%add3A_323] : memref<6400000xi32, #tpu.memory_space<hbm>> -> memref<2000xi32, #tpu.memory_space<hbm>>
        tpu.enqueue_dma source(%dma_start3A_327 : memref<2000xi32, #tpu.memory_space<hbm>>) target(%arg7 : memref<2000xi32, #tpu.memory_space<vmem>>) target_semaphore(%arg14 : memref<!tpu.dma_semaphore, #tpu.memory_space<semaphore_mem>>)
      } else {
      }
      %add3A_300 = arith.constant 9 : i32
      %add3A_301 = arith.addi %mul3A_59, %add3A_300 : i32
      %mul3A_302 = arith.constant 2000 : i32
      %mul3A_303 = arith.muli %add3A_301, %mul3A_302 : i32
      %add3A_304 = arith.addi %mul3A_2, %mul3A_303 : i32
      %dma_wait3A_305 = tpu.memref_slice %arg2[%add3A_304] : memref<6400000xf32, #tpu.memory_space<hbm>> -> memref<2000xf32, #tpu.memory_space<hbm>>
      %dma_wait3A_306 = tpu.memref_slice %arg2[%add3A_304] : memref<6400000xf32, #tpu.memory_space<hbm>> -> memref<2000xf32, #tpu.memory_space<hbm>>
      tpu.wait_dma2 semaphore(%arg13 : memref<!tpu.dma_semaphore, #tpu.memory_space<semaphore_mem>>) src(%dma_wait3A_306 : memref<2000xf32, #tpu.memory_space<hbm>>) dst(%arg6 : memref<2000xf32, #tpu.memory_space<vmem>>)
      %dma_wait3A_307 = tpu.memref_slice %arg3[%add3A_304] : memref<6400000xi32, #tpu.memory_space<hbm>> -> memref<2000xi32, #tpu.memory_space<hbm>>
      %dma_wait3A_308 = tpu.memref_slice %arg3[%add3A_304] : memref<6400000xi32, #tpu.memory_space<hbm>> -> memref<2000xi32, #tpu.memory_space<hbm>>
      tpu.wait_dma2 semaphore(%arg15 : memref<!tpu.dma_semaphore, #tpu.memory_space<semaphore_mem>>) src(%dma_wait3A_308 : memref<2000xi32, #tpu.memory_space<hbm>>) dst(%arg8 : memref<2000xi32, #tpu.memory_space<vmem>>)
      %scan3A_309 = arith.constant 0 : i32
      %scan3A_310 = arith.constant 0 : i32
      %scan3A_311 = arith.constant 25 : i32
      %scan3A_312 = arith.addi %scan3A_310, %scan3A_311 : i32
      %scan3A_313 = arith.constant 1 : i32
      scf.for %scan3A_317 = %scan3A_310 to %scan3A_312 step %scan3A_313  : i32 {
        %mul3A_318 = arith.constant 80 : i32
        %mul3A_319 = arith.muli %scan3A_317, %mul3A_318 : i32
        %add3A_320 = arith.constant 0 : i32
        %add3A_321 = arith.addi %mul3A_319, %add3A_320 : i32
        %get3A = arith.index_cast %add3A_321 : i32 to index
        %get3A_322 = tpu.vector_load %arg6[%get3A] {strides = array<i32>} : memref<2000xf32, #tpu.memory_space<vmem>>, vector<16xf32>,
        %exp3A = math.exp %get3A_322 : vector<16xf32>
        %swap3A = arith.index_cast %add3A_321 : i32 to index
        %swap3A_323 = tpu.vector_load %arg6[%swap3A] {strides = array<i32>} : memref<2000xf32, #tpu.memory_space<vmem>>, vector<16xf32>,
        tpu.vector_store %arg6[%swap3A], %exp3A {strides = array<i32>} : memref<2000xf32, #tpu.memory_space<vmem>>, vector<16xf32>,
        %add3A_324 = arith.constant 16 : i32
        %add3A_325 = arith.addi %mul3A_319, %add3A_324 : i32
        %get3A_326 = arith.index_cast %add3A_325 : i32 to index
        %get3A_327 = tpu.vector_load %arg6[%get3A_326] {strides = array<i32>} : memref<2000xf32, #tpu.memory_space<vmem>>, vector<16xf32>,
        %exp3A_328 = math.exp %get3A_327 : vector<16xf32>
        %swap3A_329 = arith.index_cast %add3A_325 : i32 to index
        %swap3A_330 = tpu.vector_load %arg6[%swap3A_329] {strides = array<i32>} : memref<2000xf32, #tpu.memory_space<vmem>>, vector<16xf32>,
        tpu.vector_store %arg6[%swap3A_329], %exp3A_328 {strides = array<i32>} : memref<2000xf32, #tpu.memory_space<vmem>>, vector<16xf32>,
        %add3A_331 = arith.constant 32 : i32
        %add3A_332 = arith.addi %mul3A_319, %add3A_331 : i32
        %get3A_333 = arith.index_cast %add3A_332 : i32 to index
        %get3A_334 = tpu.vector_load %arg6[%get3A_333] {strides = array<i32>} : memref<2000xf32, #tpu.memory_space<vmem>>, vector<16xf32>,
        %exp3A_335 = math.exp %get3A_334 : vector<16xf32>
        %swap3A_336 = arith.index_cast %add3A_332 : i32 to index
        %swap3A_337 = tpu.vector_load %arg6[%swap3A_336] {strides = array<i32>} : memref<2000xf32, #tpu.memory_space<vmem>>, vector<16xf32>,
        tpu.vector_store %arg6[%swap3A_336], %exp3A_335 {strides = array<i32>} : memref<2000xf32, #tpu.memory_space<vmem>>, vector<16xf32>,
        %add3A_338 = arith.constant 48 : i32
        %add3A_339 = arith.addi %mul3A_319, %add3A_338 : i32
        %get3A_340 = arith.index_cast %add3A_339 : i32 to index
        %get3A_341 = tpu.vector_load %arg6[%get3A_340] {strides = array<i32>} : memref<2000xf32, #tpu.memory_space<vmem>>, vector<16xf32>,
        %exp3A_342 = math.exp %get3A_341 : vector<16xf32>
        %swap3A_343 = arith.index_cast %add3A_339 : i32 to index
        %swap3A_344 = tpu.vector_load %arg6[%swap3A_343] {strides = array<i32>} : memref<2000xf32, #tpu.memory_space<vmem>>, vector<16xf32>,
        tpu.vector_store %arg6[%swap3A_343], %exp3A_342 {strides = array<i32>} : memref<2000xf32, #tpu.memory_space<vmem>>, vector<16xf32>,
        %add3A_345 = arith.constant 64 : i32
        %add3A_346 = arith.addi %mul3A_319, %add3A_345 : i32
        %get3A_347 = arith.index_cast %add3A_346 : i32 to index
        %get3A_348 = tpu.vector_load %arg6[%get3A_347] {strides = array<i32>} : memref<2000xf32, #tpu.memory_space<vmem>>, vector<16xf32>,
        %exp3A_349 = math.exp %get3A_348 : vector<16xf32>
        %swap3A_350 = arith.index_cast %add3A_346 : i32 to index
        %swap3A_351 = tpu.vector_load %arg6[%swap3A_350] {strides = array<i32>} : memref<2000xf32, #tpu.memory_space<vmem>>, vector<16xf32>,
        tpu.vector_store %arg6[%swap3A_350], %exp3A_349 {strides = array<i32>} : memref<2000xf32, #tpu.memory_space<vmem>>, vector<16xf32>,
      }
      %scan3A_314 = arith.constant 25 : i32
      %dma_start3A_315 = arith.constant 0 : i32
      %dma_start3A_316 = tpu.memref_slice %arg20[%dma_start3A_315] : memref<100352xf32, #tpu.memory_space<vmem_shared>> -> memref<100352xf32, #tpu.memory_space<vmem_shared>>
      tpu.enqueue_indirect_dma source(%arg6 : memref<2000xf32, #tpu.memory_space<vmem>>) target(%dma_start3A_316 : memref<100352xf32, #tpu.memory_space<vmem_shared>>) offsets(%arg8 : memref<2000xi32, #tpu.memory_space<vmem>>) semaphore(%arg19 : memref<!tpu.dma_semaphore, #tpu.memory_space<semaphore_mem>>) {add = true}
    }
    %scan3A_41 = arith.constant 10 : i32
    %dma_wait3A = arith.constant 0 : i32
    %dma_wait3A_42 = tpu.memref_slice %arg20[%dma_wait3A] : memref<100352xf32, #tpu.memory_space<vmem_shared>> -> memref<100352xf32, #tpu.memory_space<vmem_shared>>
    tpu.wait_indirect_dma semaphore(%arg18 : memref<!tpu.dma_semaphore, #tpu.memory_space<semaphore_mem>>) src(%arg5 : memref<2000xf32, #tpu.memory_space<vmem>>) dst(%dma_wait3A_42 : memref<100352xf32, #tpu.memory_space<vmem_shared>>)
    %dma_wait3A_43 = arith.constant 0 : i32
    %dma_wait3A_44 = tpu.memref_slice %arg20[%dma_wait3A_43] : memref<100352xf32, #tpu.memory_space<vmem_shared>> -> memref<100352xf32, #tpu.memory_space<vmem_shared>>
    tpu.wait_indirect_dma semaphore(%arg19 : memref<!tpu.dma_semaphore, #tpu.memory_space<semaphore_mem>>) src(%arg6 : memref<2000xf32, #tpu.memory_space<vmem>>) dst(%dma_wait3A_44 : memref<100352xf32, #tpu.memory_space<vmem_shared>>)
    %barrier3A_45 = arith.constant 0 : index
    tpu.barrier barrier_id(%barrier3A_45)
    %mul3A_46 = arith.constant 100352 : i32
    %mul3A_47 = arith.muli %add3A, %mul3A_46 : i32
    "tpu.region"() ({
      %run_scoped3A = tpu.sem_alloc : memref<!tpu.dma_semaphore, #tpu.memory_space<semaphore_mem>>
      %dma_start3A_57 = tpu.memref_slice %arg4[%mul3A_47] : memref<3411968xf32, #tpu.memory_space<hbm>> -> memref<100352xf32, #tpu.memory_space<hbm>>
      %dma_start3A_58 = tpu.memref_slice %arg4[%mul3A_47] : memref<3411968xf32, #tpu.memory_space<hbm>> -> memref<100352xf32, #tpu.memory_space<hbm>>
      tpu.enqueue_dma source(%arg11 : memref<100352xf32, #tpu.memory_space<vmem>>) target(%dma_start3A_58 : memref<100352xf32, #tpu.memory_space<hbm>>) target_semaphore(%run_scoped3A : memref<!tpu.dma_semaphore, #tpu.memory_space<semaphore_mem>>)
      %dma_wait3A_59 = tpu.memref_slice %arg4[%mul3A_47] : memref<3411968xf32, #tpu.memory_space<hbm>> -> memref<100352xf32, #tpu.memory_space<hbm>>
      %dma_wait3A_60 = tpu.memref_slice %arg4[%mul3A_47] : memref<3411968xf32, #tpu.memory_space<hbm>> -> memref<100352xf32, #tpu.memory_space<hbm>>
      tpu.wait_dma2 semaphore(%run_scoped3A : memref<!tpu.dma_semaphore, #tpu.memory_space<semaphore_mem>>) src(%arg11 : memref<100352xf32, #tpu.memory_space<vmem>>) dst(%dma_wait3A_60 : memref<100352xf32, #tpu.memory_space<hbm>>)
      tpu.yield
    }) : () -> ()
    %mul3A_48 = arith.constant 6272 : i32
    %mul3A_49 = arith.muli %arg1, %mul3A_48 : i32
    %add3A_50 = arith.constant 32 : i32
    %add3A_51 = arith.addi %add3A_50, %arg0 : i32
    %mul3A_52 = arith.constant 100352 : i32
    %mul3A_53 = arith.muli %add3A_51, %mul3A_52 : i32
    %mul3A_54 = arith.constant 6272 : i32
    %mul3A_55 = arith.muli %arg1, %mul3A_54 : i32
    %add3A_56 = arith.addi %mul3A_53, %mul3A_55 : i32
    "tpu.region"() ({
      %run_scoped3A = tpu.sem_alloc : memref<!tpu.dma_semaphore, #tpu.memory_space<semaphore_mem>>
      %dma_start3A_57 = tpu.memref_slice %arg4[%add3A_56] : memref<3411968xf32, #tpu.memory_space<hbm>> -> memref<6272xf32, #tpu.memory_space<hbm>>
      %dma_start3A_58 = tpu.memref_slice %arg20[%mul3A_49] : memref<100352xf32, #tpu.memory_space<vmem_shared>> -> memref<6272xf32, #tpu.memory_space<vmem_shared>>
      tpu.enqueue_dma source(%dma_start3A_58 : memref<6272xf32, #tpu.memory_space<vmem_shared>>) target(%dma_start3A_57 : memref<6272xf32, #tpu.memory_space<hbm>>) target_semaphore(%run_scoped3A : memref<!tpu.dma_semaphore, #tpu.memory_space<semaphore_mem>>)
      %dma_wait3A_59 = tpu.memref_slice %arg4[%add3A_56] : memref<3411968xf32, #tpu.memory_space<hbm>> -> memref<6272xf32, #tpu.memory_space<hbm>>
      %dma_wait3A_60 = tpu.memref_slice %arg20[%mul3A_49] : memref<100352xf32, #tpu.memory_space<vmem_shared>> -> memref<6272xf32, #tpu.memory_space<vmem_shared>>
      tpu.wait_dma2 semaphore(%run_scoped3A : memref<!tpu.dma_semaphore, #tpu.memory_space<semaphore_mem>>) src(%dma_wait3A_60 : memref<6272xf32, #tpu.memory_space<vmem_shared>>) dst(%dma_wait3A_59 : memref<6272xf32, #tpu.memory_space<hbm>>)
      tpu.yield
    }) : () -> ()
    return
  }
}

</mosaic_0001>

<sc_bundles>
// kernel: kernel.11.cloned.1.call-start
scs
__scs_entry_jumppad:
0x0: {  	(pc) =	sbr.rel $0x88, $3  }
0x1: {  	(tag) =	ssettag $0x0;
	lr =	simm.s32 $0x1  }
0x2: {  	[smem:$0x3F9F] =	sst lr;
	_ =	strace $0xD0000000  }
0x3: {  	_ = 	snop  }
0x4: {  	_ = 	snop  }
0x5: {  	_ = 	snop  }
0x6: {  	_ = 	snop  }
0x7: {  	_ = 	snop  }
__scs_overlays_trampoline_lowered:
0x8: {  	[smem:$0x3FAE] =	sst s0  }
0x9: {  	[smem:$0x3FAF] =	sst s1  }
0xa: {  	[smem:$0x3FB0] =	sst s2  }
0xb: {  	[smem:$0x3FB1] =	sst s3  }
0xc: {  	[smem:$0x3FB2] =	sst s4  }
0xd: {  	[smem:$0x3FB3] =	sst s5  }
0xe: {  	[smem:$0x3FB4] =	sst s6  }
0xf: {  	[smem:$0x3FB5] =	sst s7  }
0x10: {  	[smem:$0x3FB6] =	sst s8  }
0x11: {  	[smem:$0x3FB7] =	sst s9;
	s0 =	simm.s32 @!p0 $0x0  }
0x12: {  	s1 =	sld [smem:$0x3F9D];
	s0 =	simm.s32 @p0 $0x1  }
0x13: {  	[smem:$0x3FB8] =	sst s0;
	s0 =	simm.s32 @!p1 $0x0  }
0x14: {  	s2 =	sld [smem:$0x3F9C];
	s0 =	simm.s32 @p1 $0x1  }
0x15: {  	[smem:$0x3FB9] =	sst s0;
	s0 =	simm.s32 @!p2 $0x0  }
0x16: {  	s3 =	sld [smem:$0x3FDB];
	s0 =	simm.s32 @p2 $0x1  }
0x17: {  	s4 =	simm.s32 $0x1BF5;
	[smem:$0x3FBB] =	sst s0  }
0x18: {  	s0 =	sld [smem:$0x3F9E];
	_ =	swait.ge [sflag:s4], $0x0  }
0x19: {  	s7 =	sld [smem:$0x3F9F]  }
0x1a: {  	s8 =	sadd.s32 $0xFFFFE003, lr  }
0x1b: {  	s9 =	sadd.s32 $0xFFFFFEF7, lr;
	s5 =	simm.s32 $0xFFFFFFFF;
	p2 =	slt.u32 s8, $0xFFFFF086  }
0x1c: {  	p1 =	slt.u32 s9, $0xF7A;
	s5 =	simm.s32 @!p2 $0x0  }
0x1d: {  	s5 =	simm.s32 @p1 $0x1;
	p0 =	seq.s32 s7, s2  }
0x1e: {  	s7 =	smul.u32 @!p0 $0xF7A, s2;
	p2 =	seq.s32 @!p0 s5, $0x0  }
0x1f: {  	s9 =	smul.u32 $0xF7A, s1;
	s8 =	simm.s32 @!p0 $0x1BF5;
	p2 =	por !p2, p0  }
0x20: {  	[sflag:s8] =	ssyncset.s32 @!p0 $0xFFFFF086;
	s6 =	sadd.s32 @!p0 s3, s7;
	s7 =	simm.s32 @!p0 $0x108  }
0x21: {  	s3 =	sadd.s32 s3, s9;
	s6 =	sadd.s32 @!p0 $0x88, s6;
	s7 =	simm.s32 @p2 $0x1082  }
0x22: {  	[simem:s7], [sflag:s8] =	dma.local @!p0 [hbm:s6], $0xF7A  }
0x23: {  	s9 =	sor.u32 $0xD0000000, s2;
	s6 =	simm.s32 $0x108;
	_ =	swait.ge @!p0 [sflag:s8], $0x0  }
0x24: {  	s3 =	sadd.s32 $0x88, s3;
	s6 =	simm.s32 @!p1 $0x1082;
	[sflag:s4] =	ssyncset.s32 $0xFFFFF086  }
0x25: {  	[simem:s6], [sflag:s4] =	dma.local [hbm:s3], $0xF7A  }
0x26: {  	[smem:$0x3F9F] =	sst s1;
	(tag) =	ssettag s2;
	_ =	strace s9  }
0x27: {  	s1 =	sld [smem:$0x3FAF]  }
0x28: {  	s2 =	sld [smem:$0x3FB0]  }
0x29: {  	s4 =	sld [smem:$0x3FB2]  }
0x2a: {  	p0 =	seq.s32 s5, $0x0;
	s5 =	sld [smem:$0x3FB3]  }
0x2b: {  	s6 =	sld [smem:$0x3FB4]  }
0x2c: {  	s7 =	sld [smem:$0x3FB5]  }
0x2d: {  	s3 =	simm.s32 $0x108;
	s8 =	sld [smem:$0x3FB6]  }
0x2e: {  	s3 =	simm.s32 @!p0 $0x1082;
	s9 =	sld [smem:$0x3FB7]  }
0x2f: {  	lr =	sadd.s32 s0, s3;
	s0 =	sld [smem:$0x3FAE]  }
0x30: {  	s3 =	sld [smem:$0x3FB1]  }
0x31: {  	[smem:$0x3FBA] =	sst s10  }
0x32: {  	s10 =	sld [smem:$0x3FB8];
	_ =	sdelay $0x3  }
0x33: {  	p0 =	seq.s32 s10, $0x1;
	s10 =	sld [smem:$0x3FBA];
	_ =	sdelay $0x3  }
0x34: {  	[smem:$0x3FBA] =	sst s10  }
0x35: {  	s10 =	sld [smem:$0x3FB9];
	_ =	sdelay $0x3  }
0x36: {  	p1 =	seq.s32 s10, $0x1;
	s10 =	sld [smem:$0x3FBA];
	_ =	sdelay $0x3  }
0x37: {  	[smem:$0x3FBA] =	sst s10  }
0x38: {  	s10 =	sld [smem:$0x3FBB]  }
0x39: {  	_ = 	snop;
	(pc) =	sbr.ind lr, $3  }
0x3a: {  	_ = 	snop  }
0x3b: {  	_ = 	snop  }
0x3c: {  	p2 =	seq.s32 s10, $0x1;
	s10 =	sld [smem:$0x3FBA]  }
0x3d: {  	_ =	shalt  }
0x3e: {  	_ =	shalt  }
0x3f: {  	_ =	shalt  }
0x40: {  	_ =	shalt  }
0x41: {  	_ =	shalt  }
0x42: {  	_ =	shalt  }
0x43: {  	_ =	shalt  }
0x44: {  	_ =	shalt  }
0x45: {  	_ =	shalt  }
0x46: {  	_ =	shalt  }
0x47: {  	_ =	shalt  }
0x48: {  	_ =	shalt  }
0x49: {  	_ =	shalt  }
0x4a: {  	_ =	shalt  }
0x4b: {  	_ =	shalt  }
0x4c: {  	_ =	shalt  }
0x4d: {  	_ =	shalt  }
0x4e: {  	_ =	shalt  }
0x4f: {  	_ =	shalt  }
0x50: {  	_ =	shalt  }
0x51: {  	_ =	shalt  }
0x52: {  	_ =	shalt  }
0x53: {  	_ =	shalt  }
0x54: {  	_ =	shalt  }
0x55: {  	_ =	shalt  }
0x56: {  	_ =	shalt  }
0x57: {  	_ =	shalt  }
0x58: {  	_ =	shalt  }
0x59: {  	_ =	shalt  }
0x5a: {  	_ =	shalt  }
0x5b: {  	_ =	shalt  }
0x5c: {  	_ =	shalt  }
0x5d: {  	_ =	shalt  }
0x5e: {  	_ =	shalt  }
0x5f: {  	_ =	shalt  }
0x60: {  	_ =	shalt  }
0x61: {  	_ =	shalt  }
0x62: {  	_ =	shalt  }
0x63: {  	_ =	shalt  }
0x64: {  	_ =	shalt  }
0x65: {  	_ =	shalt  }
0x66: {  	_ =	shalt  }
0x67: {  	_ =	shalt  }
0x68: {  	_ =	shalt  }
0x69: {  	_ =	shalt  }
0x6a: {  	_ =	shalt  }
0x6b: {  	_ =	shalt  }
0x6c: {  	_ =	shalt  }
0x6d: {  	_ =	shalt  }
0x6e: {  	_ =	shalt  }
0x6f: {  	_ =	shalt  }
0x70: {  	_ =	shalt  }
0x71: {  	_ =	shalt  }
0x72: {  	_ =	shalt  }
0x73: {  	_ =	shalt  }
0x74: {  	_ =	shalt  }
0x75: {  	_ =	shalt  }
0x76: {  	_ =	shalt  }
0x77: {  	_ =	shalt  }
0x78: {  	_ =	shalt  }
0x79: {  	_ =	shalt  }
0x7a: {  	_ =	shalt  }
0x7b: {  	_ =	shalt  }
0x7c: {  	_ =	shalt  }
0x7d: {  	_ =	shalt  }
0x7e: {  	_ =	shalt  }
0x7f: {  	_ =	shalt  }
0x80: {  	_ =	shalt  }
0x81: {  	_ =	shalt  }
0x82: {  	_ =	shalt  }
0x83: {  	_ =	shalt  }
0x84: {  	_ =	shalt  }
0x85: {  	_ =	shalt  }
0x86: {  	_ =	shalt  }
0x87: {  	_ =	shalt  }
.Lfunc_end0:
.L_simem_size_0:
called_computation.2_lowered:
.L_overlay_start_0:
0x88: {  	s2 =	sld [smem:$0x3FD9]  }
0x89: {  	s3 =	sld [smem:$0x3FFE];
	_ =	sdelay $0x1  }
0x8a: {  	s1 =	srdreg.scid  }
0x8b: {  	s0 =	sand.u32 $0x1, s1  }
0x8c: {  	s17 =	sshll.u32 s0, $0xA;
	s2 =	sadd.s32 s3, s2  }
0x8d: {  	s2 =	sadd.s32 s2, s17  }
0x8e: {  	[smem:$0x3FC6] =	sst s2  }
0x8f: {  	_ = 	snop  }
0x90: {  	s2 =	sld [smem:$0x3FC9]  }
0x91: {  	s18 =	sld [smem:$0x3FC8]  }
0x92: {  	s4 =	sld [smem:$0x3FD0];
	(tm) =	ssettm $0x1  }
0x93: {  	s5 =	sld [smem:$0x3FFB];
	_ =	sdelay $0x3  }
0x94: {  	_ =	strace s5  }
0x95: {  	s5 =	sld [smem:$0x3FFC];
	_ =	sdelay $0x3  }
0x96: {  	_ =	strace s5  }
0x97: {  	s5 =	sld [smem:$0x3FFD];
	_ =	sdelay $0x3  }
0x98: {  	_ =	strace s5  }
0x99: {  	_ =	strace $0x8FFFFFFF  }
0x9a: {  	s19 =	sld [smem:$0x3FDB];
	_ =	sdelay $0x1  }
0x9b: {  	s6 =	simm.s32 $_scs_section_size  }
0x9c: {  	s7 =	simm.s32 $_size__tile_overlayer_lowered;
	s8 =	simm.s32 $_tile_overlayer_lowered  }
0x9d: {  	s22 =	simm.s32 $0x1BFF;
	s21 =	sshll.u32 s8, $0x1;
	s5 =	sadd.s32 s6, s19  }
0x9e: {  	s9 =	simm.s32 $0x0;
	s20 =	sshll.u32 s7, $0x1;
	s7 =	sadd.s32 s21, s5  }
0x9f: {  	[timem:s9], [sflag:s22] =	dma.local [hbm:s7], s20  }
0xa0: {  	_ =	swait.ge [sflag:s22], s20  }
0xa1: {  	s6 =	ssub.s32 $0x0, s20;
	[sflag:s22] =	ssyncset.done $0x0  }
0xa2: {  	[sflag:s22] =	ssyncadd.s32 s6;
	_ =	sdelay $0x1  }
0xa3: {  	s23 =	simm.s32 $0x1B8B  }
0xa4: {  	_ =	swait.ge [sflag:s23], $0x1  }
0xa5: {  	[sflag:s23] =	ssyncset.done $0x0  }
0xa6: {  	s25 =	simm.s32 $0x1B8E;
	s24 =	sld [smem:$0x3FFE];
	[sflag:s23] =	ssyncadd.s32 $0xFFFFFFFF  }
0xa7: {  	s26 =	simm.s32 $execute0_lowered;
	[smem:$0x3FD2] =	sst s25  }
0xa8: {  	s7 =	sshll.u32 s26, $0x1;
	_ =	strace $0x8000004C;
	[dreg:$0x1] =	wrdreg $0xFFFFFFFF  }
0xa9: {  	s28 =	simm.s32 $_size_execute0_lowered;
	s5 =	sadd.s32 s5, s7;
	[dreg:$0x0] =	wrdreg $0x0  }
0xaa: {  	s7 =	sshll.u32 s28, $0x1;
	[dreg:$0x2] =	wrdreg s5  }
0xab: {  	[dreg:$0x3] =	wrdreg s7  }
0xac: {  	[dreg:$0x4] =	wrdreg $0xC0  }
0xad: {  	_ =	task [dreg:s9], $0x5FFFF  }
0xae: {  	[dreg:$0x1] =	wrdreg $0xFFFFFFFF  }
0xaf: {  	[dreg:$0x0] =	wrdreg $0x60  }
0xb0: {  	[dreg:$0x2] =	wrdreg s2  }
0xb1: {  	[dreg:$0x3] =	wrdreg s18  }
0xb2: {  	[dreg:$0x4] =	wrdreg s24  }
0xb3: {  	[dreg:$0x5] =	wrdreg s4  }
0xb4: {  	[dreg:$0x6] =	wrdreg $0x9  }
0xb5: {  	_ =	task.clear_ibuf [dreg:s9], $0x7FFFF;
	_ =	strace $0x9000004C  }
0xb6: {  	s29 =	simm.s32 $0x9;
	_ =	strace $0x8000004E  }
0xb7: {  	_ =	swait.ge [sflag:s29], $0x1  }
0xb8: {  	[sflag:s29] =	ssyncadd.s32 $0xFFFFFFFF  }
0xb9: {  	_ =	strace $0x9000004E  }
0xba: {  	_ =	sfence  }
0xbb: {  	s30 =	sld [smem:$0x0];
	_ =	sdelay $0x2  }
0xbc: {  	s31 =	sshll.u32 s1, $0xD;
	s1 =	sshrl.u32 s1, $0x2  }
0xbd: {  	s3 =	sand.u32 $0x4000, s31;
	s1 =	sadd.s32 s1, s30  }
0xbe: {  	s0 =	sor.u32 s3, s0;
	s1 =	sshll.u32 s1, $0x11  }
0xbf: {  	s0 =	sor.u32 s1, s0  }
0xc0: {  	s0 =	sadd.s32 $0x8F2B, s0  }
0xc1: {  	[sflag:s0] =	ssyncadd.remote.s32 $0x1  }
0xc2: {  	_ =	sfence.sel $0xFFFF  }
0xc3: {  	[dreg:$0x0] =	wrdreg $0xFFFFFFFF;
	(pc) =	sbr.abs _section_cstart, $3  }
0xc4: {  	[dreg:$0x1] =	wrdreg $0xFFFFFFFF  }
0xc5: {  	_ =	task.clear_ibuf [dreg:s9], $0x2FFFF;
	_ =	strace $0x9FFFFFFF  }
0xc6: {  	(tm) =	ssettm $0x7FFFFFFF  }
0xc7: {  	_ =	shalt  }
tec
execute0_lowered:
.L_overlay_start_1:
0x0: {  	(tag) =	ssettag $0x1  }
0x1: {  	s0 =	rddreg [dreg:$0x0]  }
0x2: {  	s1 =	rddreg [dreg:$0x1]  }
0x3: {  	s2 =	srdreg.scid;
	s7 =	rddreg [dreg:$0x2]  }
0x4: {  	s4 =	rddreg [dreg:$0x3];
	s3 =	stileid.u32  }
0x5: {  	s5 =	simm.s32 $0x0;
	s12 =	simm.s32 $0x6000;
	s13 =	simm.s32 $0x7  }
0x6: {  	s14 =	simm.s32 $0x2000;
	s15 =	simm.s32 $0x1;
	s16 =	simm.s32 $0x3  }
0x7: {  	s17 =	simm.s32 $0x1000;
	s18 =	simm.s32 $0x3000;
	s19 =	simm.s32 $0x4000  }
0x8: {  	s20 =	simm.s32 $0x2;
	s21 =	simm.s32 $0x4;
	s2 =	sand.u32 $0x1, s2  }
0x9: {  	s22 =	simm.s32 $0x5000;
	s23 =	simm.s32 $0x5;
	s6 =	sshll.u32 s2, $0x4  }
0xa: {  	s24 =	simm.s32 $0x6;
	s2 =	ssub.s32 $0x2, s2;
	s6 =	sor.u32 s3, s6  }
0xb: {  	s25 =	simm.s32 $0x0;
	s8 =	sshrl.u32 s2, $0x1;
	s6 =	smul.u32 $0x30D40, s6  }
0xc: {  	[smem:$0x7FF] =	sst s5;
	s7 =	sadd.s32 $0xC00, s7;
	s2 =	ssub.s32 s2, s8  }
0xd: {  	_ =	strace $0x8000004D;
	s11 =	smax.u32 s2, $0x1;
	s9 =	sshrl.u32 s6, $0x3  }
0xe: {  	s10 =	sadd.s32 $0xFA0, s6;
	s8 =	sadd.s32 s0, s9;
	s9 =	sadd.s32 s1, s9  }
.LBB2_1:
0xf: {  	[tilespmem:s12], [sflag:$0x7] =	stream.linear.gather [hbm4b:s7+s5], $0x18800, $0x38;
	[tilespmem:$0x1E800] =	vst v63  }
0x10: {  	_ =	swait.ge [sflag:s13], $0x18800  }
0x11: {  	[sflag:s13] =	ssyncset.done $0x0  }
0x12: {  	[sflag:s13] =	ssyncadd.s32 $0xFFFE7800  }
0x13: {  	[tilespmem:s5], [sflag:$0x1] =	stream.linear.gather [hbm4b:s8+s5], $0xFA0, $0x38;
	[tilespmem:$0x1E800] =	vst v63  }
0x14: {  	s26 =	simm.s32 $0x0  }
0x15: {  	[tilespmem:s14], [sflag:$0x3] =	stream.linear.gather [hbm4b:s9+s5], $0xFA0, $0x38;
	[tilespmem:$0x1E800] =	vst v63  }
.LBB2_2:
0x16: {  	s28 =	smul.u32 $0x1F40, s26;
	_ =	swait.ge [sflag:s15], $0xFA0  }
0x17: {  	[sflag:s15] =	ssyncset.done $0x0  }
0x18: {  	s2 =	sadd.s32 s6, s28;
	[sflag:s15] =	ssyncadd.s32 $0xFFFFF060  }
0x19: {  	_ =	swait.ge [sflag:s16], $0xFA0;
	s29 =	sshrl.u32 s2, $0x3  }
0x1a: {  	[sflag:s16] =	ssyncset.done $0x0;
	s2 =	sadd.s32 $0x1F4, s29  }
0x1b: {  	[sflag:s16] =	ssyncadd.s32 $0xFFFFF060;
	s30 =	sadd.s32 s0, s2  }
0x1c: {  	[tilespmem:s17], [sflag:$0x2] =	stream.linear.gather [hbm4b:s30+s5], $0xFA0, $0x38;
	[tilespmem:$0x1E800] =	vst v63  }
0x1d: {  	p0 =	seq.s32 s26, $0x0;
	s2 =	sadd.s32 s1, s2  }
0x1e: {  	[tilespmem:s18], [sflag:$0x4] =	stream.linear.gather [hbm4b:s2+s5], $0xFA0, $0x38;
	[tilespmem:$0x1E800] =	vst v63  }
0x1f: {  	s2 =	simm.s32 @!p0 $0x5  }
0x20: {  	_ =	swait.ge @!p0 [sflag:s2], $0xFA0  }
0x21: {  	[sflag:s2] =	ssyncset.done @!p0 $0x0  }
0x22: {  	s30 =	simm.s32 $0x0;
	[sflag:s2] =	ssyncadd.s32 @!p0 $0xFFFFF060  }
0x23: {  	v0 =	vld [tilespmem:s30+$0x0];
	_ =	sdelay $0x3  }
0x24: {  	v1 =	vld [tilespmem:s30+$0x2000]  }
0x25: {  	v0 =	vmul.f32 $1.442695020e+00, v0;
	_ =	sdelay $0x1  }
0x26: {  	(erf) = vpow2.f32 v0;
	_ =	sdelay $0x1  }
0x27: {  	v0 =	vld [tilespmem:s30+$0x10];
	_ =	sdelay $0x1  }
0x28: {  	v2 =	vld [tilespmem:s30+$0x2010]  }
0x29: {  	v1 =	vld.idx.msk [tilespmem:v1+s12+$0x0], $0xffff;
	_ =	sdelay $0x1  }
0x2a: {  	v0 =	vmul.f32 $1.442695020e+00, v0;
	_ =	sdelay $0x1  }
0x2b: {  	(erf) = vpow2.f32 v0;
	v3 =	vpop (erf)  }
0x2c: {  	v0 =	vmul.f32 v3, v1  }
0x2d: {  	v1 =	vld [tilespmem:s30+$0x20]  }
0x2e: {  	[tilespmem:s30+$0x4000] =	vst v0  }
0x2f: {  	v0 =	vld.idx.msk [tilespmem:v2+s12+$0x0], $0xffff  }
0x30: {  	v2 =	vld [tilespmem:s30+$0x2020];
	_ =	sdelay $0x1  }
0x31: {  	v1 =	vmul.f32 $1.442695020e+00, v1;
	_ =	sdelay $0x1  }
0x32: {  	v3 =	vpop (erf);
	(erf) = vpow2.f32 v1;
	v1 =	vld [tilespmem:s30+$0x30]  }
0x33: {  	v0 =	vmul.f32 v3, v0;
	_ =	sdelay $0x1  }
0x34: {  	[tilespmem:s30+$0x4010] =	vst v0  }
0x35: {  	v0 =	vld.idx.msk [tilespmem:v2+s12+$0x0], $0xffff  }
0x36: {  	v2 =	vld [tilespmem:s30+$0x2030];
	v1 =	vmul.f32 $1.442695020e+00, v1;
	_ =	sdelay $0x2  }
0x37: {  	(erf) = vpow2.f32 v1  }
0x38: {  	v1 =	vpop (erf)  }
0x39: {  	v0 =	vmul.f32 v1, v0;
	v1 =	vld [tilespmem:s30+$0x40];
	_ =	sdelay $0x1  }
0x3a: {  	[tilespmem:s30+$0x4020] =	vst v0;
	v0 =	vld [tilespmem:s30+$0x2040]  }
0x3b: {  	v2 =	vld.idx.msk [tilespmem:v2+s12+$0x0], $0xffff;
	_ =	sdelay $0x1  }
0x3c: {  	v1 =	vmul.f32 $1.442695020e+00, v1;
	_ =	sdelay $0x1  }
0x3d: {  	v3 =	vpop (erf);
	(erf) = vpow2.f32 v1  }
0x3e: {  	s31 =	simm.s32 $0x280;
	s2 =	simm.s32 $0x50;
	v1 =	vmul.f32 v3, v2  }
.LBB2_3:
0x3f: {  	p0 =	sne.s32 s31, $0x3D40;
	v2 =	vld [tilespmem:s2+$0x0]  }
0x40: {  	[tilespmem:s30+$0x4030] =	vst v1  }
0x41: {  	v0 =	vld.idx.msk [tilespmem:v0+s12+$0x0], $0xffff  }
0x42: {  	v1 =	vld [tilespmem:s2+$0x2000];
	_ =	sdelay $0x1  }
0x43: {  	v3 =	vmul.f32 $1.442695020e+00, v2;
	_ =	sdelay $0x1  }
0x44: {  	(erf) = vpow2.f32 v3;
	v2 =	vpop (erf)  }
0x45: {  	v0 =	vmul.f32 v2, v0  }
0x46: {  	v2 =	vld [tilespmem:s2+$0x10]  }
0x47: {  	[tilespmem:s30+$0x4040] =	vst v0;
	s30 =	smov.u32 s2  }
0x48: {  	v0 =	vld.idx.msk [tilespmem:v1+s12+$0x0], $0xffff  }
0x49: {  	v1 =	vld [tilespmem:s30+$0x2010];
	_ =	sdelay $0x1  }
0x4a: {  	v2 =	vmul.f32 $1.442695020e+00, v2;
	_ =	sdelay $0x1  }
0x4b: {  	v3 =	vpop (erf);
	(erf) = vpow2.f32 v2  }
0x4c: {  	v0 =	vmul.f32 v3, v0  }
0x4d: {  	v2 =	vld [tilespmem:s30+$0x20]  }
0x4e: {  	[tilespmem:s30+$0x4000] =	vst v0  }
0x4f: {  	v0 =	vld.idx.msk [tilespmem:v1+s12+$0x0], $0xffff  }
0x50: {  	v1 =	vld [tilespmem:s30+$0x2020];
	_ =	sdelay $0x1  }
0x51: {  	v2 =	vmul.f32 $1.442695020e+00, v2;
	_ =	sdelay $0x1  }
0x52: {  	v3 =	vpop (erf);
	(erf) = vpow2.f32 v2  }
0x53: {  	v0 =	vmul.f32 v3, v0  }
0x54: {  	v2 =	vld [tilespmem:s30+$0x30]  }
0x55: {  	[tilespmem:s30+$0x4010] =	vst v0  }
0x56: {  	v0 =	vld.idx.msk [tilespmem:v1+s12+$0x0], $0xffff  }
0x57: {  	v1 =	vld [tilespmem:s30+$0x2030];
	_ =	sdelay $0x1  }
0x58: {  	v2 =	vmul.f32 $1.442695020e+00, v2;
	_ =	sdelay $0x1  }
0x59: {  	v3 =	vpop (erf);
	(erf) = vpow2.f32 v2  }
0x5a: {  	v0 =	vmul.f32 v3, v0  }
0x5b: {  	v2 =	vld [tilespmem:s30+$0x40]  }
0x5c: {  	[tilespmem:s30+$0x4020] =	vst v0  }
0x5d: {  	v1 =	vld.idx.msk [tilespmem:v1+s12+$0x0], $0xffff  }
0x5e: {  	v0 =	vld [tilespmem:s30+$0x2040]  }
.Ltmp0:
0x5f: {  	(pc) =	sbr.rel @p0 .LBB2_3-.Ltmp0, $3  }
0x60: {  	v2 =	vmul.f32 $1.442695020e+00, v2;
	_ =	sdelay $0x1  }
0x61: {  	v3 =	vpop (erf);
	(erf) = vpow2.f32 v2  }
0x62: {  	s2 =	sshra.s32 s31, $0x2;
	s31 =	sadd.s32 $0x140, s31;
	v1 =	vmul.f32 v3, v1  }
0x63: {  	v2 =	vld [tilespmem:s2+$0x0];
	_ =	sdelay $0x2  }
0x64: {  	[tilespmem:s30+$0x4030] =	vst v1  }
0x65: {  	v0 =	vld.idx.msk [tilespmem:v0+s12+$0x0], $0xffff  }
0x66: {  	v1 =	vld [tilespmem:s2+$0x2000];
	v2 =	vmul.f32 $1.442695020e+00, v2;
	_ =	sdelay $0x3  }
0x67: {  	(erf) = vpow2.f32 v2;
	v2 =	vpop (erf)  }
0x68: {  	v0 =	vmul.f32 v2, v0  }
0x69: {  	v2 =	vld [tilespmem:s2+$0x10]  }
0x6a: {  	[tilespmem:s30+$0x4040] =	vst v0  }
0x6b: {  	v0 =	vld.idx.msk [tilespmem:v1+s12+$0x0], $0xffff  }
0x6c: {  	v1 =	vld [tilespmem:s2+$0x2010];
	_ =	sdelay $0x1  }
0x6d: {  	v2 =	vmul.f32 $1.442695020e+00, v2;
	_ =	sdelay $0x1  }
0x6e: {  	v3 =	vpop (erf);
	(erf) = vpow2.f32 v2  }
0x6f: {  	v0 =	vmul.f32 v3, v0  }
0x70: {  	v2 =	vld [tilespmem:s2+$0x20]  }
0x71: {  	[tilespmem:s2+$0x4000] =	vst v0  }
0x72: {  	v0 =	vld.idx.msk [tilespmem:v1+s12+$0x0], $0xffff  }
0x73: {  	v1 =	vld [tilespmem:s2+$0x2020];
	_ =	sdelay $0x1  }
0x74: {  	v2 =	vmul.f32 $1.442695020e+00, v2;
	_ =	sdelay $0x1  }
0x75: {  	v3 =	vpop (erf);
	(erf) = vpow2.f32 v2  }
0x76: {  	v0 =	vmul.f32 v3, v0  }
0x77: {  	v2 =	vld [tilespmem:s2+$0x30]  }
0x78: {  	[tilespmem:s2+$0x4010] =	vst v0  }
0x79: {  	v0 =	vld.idx.msk [tilespmem:v1+s12+$0x0], $0xffff  }
0x7a: {  	v1 =	vld [tilespmem:s2+$0x2030];
	_ =	sdelay $0x1  }
0x7b: {  	v2 =	vmul.f32 $1.442695020e+00, v2;
	_ =	sdelay $0x1  }
0x7c: {  	(erf) = vpow2.f32 v2;
	v2 =	vld [tilespmem:s2+$0x40];
	v3 =	vpop (erf)  }
0x7d: {  	v0 =	vmul.f32 v3, v0;
	_ =	sdelay $0x1  }
0x7e: {  	[tilespmem:s2+$0x4020] =	vst v0  }
0x7f: {  	v0 =	vld.idx.msk [tilespmem:v1+s12+$0x0], $0xffff  }
0x80: {  	v2 =	vmul.f32 $1.442695020e+00, v2;
	v1 =	vld [tilespmem:s2+$0x2040];
	_ =	sdelay $0x2  }
0x81: {  	(erf) = vpow2.f32 v2  }
0x82: {  	v2 =	vpop (erf)  }
0x83: {  	v0 =	vmul.f32 v2, v0;
	_ =	sdelay $0x1  }
0x84: {  	[tilespmem:s2+$0x4030] =	vst v0  }
0x85: {  	v0 =	vld.idx.msk [tilespmem:v1+s12+$0x0], $0xffff;
	_ =	sdelay $0x3  }
0x86: {  	v1 =	vpop (erf)  }
0x87: {  	v0 =	vmul.f32 v1, v0;
	_ =	sdelay $0x1  }
0x88: {  	[tilespmem:s2+$0x4040] =	vst v0;
	s2 =	sadd.s32 s4, s29  }
0x89: {  	[hbm4b:s2+s5] =	stream.linear.scatter [tilespmem:s19], [sflag:$0x5], $0xFA0, $0x38;
	[tilespmem:$0x1E800] =	vst v63  }
0x8a: {  	_ =	swait.ge [sflag:s20], $0xFA0  }
0x8b: {  	[sflag:s20] =	ssyncset.done $0x0  }
0x8c: {  	p0 =	seq.s32 s26, $0x18;
	s28 =	sadd.s32 s28, s10;
	[sflag:s20] =	ssyncadd.s32 $0xFFFFF060  }
0x8d: {  	s2 =	sshrl.u32 @!p0 s28, $0x3;
	_ =	swait.ge [sflag:s21], $0xFA0  }
0x8e: {  	s2 =	sadd.s32 @!p0 $0x1F4, s2;
	[sflag:s21] =	ssyncset.done $0x0  }
0x8f: {  	s30 =	simm.s32 @!p0 $0x0;
	s29 =	sadd.s32 @!p0 s0, s2;
	[sflag:s21] =	ssyncadd.s32 $0xFFFFF060  }
0x90: {  	[tilespmem:s30], [sflag:$0x1] =	stream.linear.gather @!p0 [hbm4b:s29+s30], $0xFA0, $0x38;
	[tilespmem:$0x1E800] =	vst v63  }
0x91: {  	p1 =	seq.s32 @!p0 s26, $0x0;
	s2 =	sadd.s32 @!p0 s1, s2;
	s29 =	simm.s32 @!p0 $0x2000  }
0x92: {  	[tilespmem:s29], [sflag:$0x3] =	stream.linear.gather @!p0 [hbm4b:s2+s30], $0xFA0, $0x38;
	[tilespmem:$0x1E800] =	vst v63  }
0x93: {  	p0 =	por p0, !p1  }
0x94: {  	_ =	swait.ge @p0 [sflag:s24], $0xFA0  }
0x95: {  	[sflag:s24] =	ssyncset.done @p0 $0x0  }
0x96: {  	s29 =	simm.s32 $0x0;
	[sflag:s24] =	ssyncadd.s32 @p0 $0xFFFFF060  }
0x97: {  	v0 =	vld [tilespmem:s29+$0x1000];
	_ =	sdelay $0x3  }
0x98: {  	v1 =	vld [tilespmem:s29+$0x3000]  }
0x99: {  	v0 =	vmul.f32 $1.442695020e+00, v0;
	_ =	sdelay $0x1  }
0x9a: {  	(erf) = vpow2.f32 v0;
	_ =	sdelay $0x1  }
0x9b: {  	v0 =	vld [tilespmem:s29+$0x1010];
	_ =	sdelay $0x1  }
0x9c: {  	v2 =	vld [tilespmem:s29+$0x3010]  }
0x9d: {  	v1 =	vld.idx.msk [tilespmem:v1+s12+$0x0], $0xffff;
	_ =	sdelay $0x1  }
0x9e: {  	v0 =	vmul.f32 $1.442695020e+00, v0;
	_ =	sdelay $0x1  }
0x9f: {  	v3 =	vpop (erf);
	(erf) = vpow2.f32 v0  }
0xa0: {  	v0 =	vmul.f32 v3, v1  }
0xa1: {  	v1 =	vld [tilespmem:s29+$0x1020]  }
0xa2: {  	[tilespmem:s29+$0x5000] =	vst v0  }
0xa3: {  	v0 =	vld.idx.msk [tilespmem:v2+s12+$0x0], $0xffff  }
0xa4: {  	v2 =	vld [tilespmem:s29+$0x3020];
	_ =	sdelay $0x1  }
0xa5: {  	v1 =	vmul.f32 $1.442695020e+00, v1;
	_ =	sdelay $0x1  }
0xa6: {  	(erf) = vpow2.f32 v1;
	v1 =	vld [tilespmem:s29+$0x1030];
	v3 =	vpop (erf)  }
0xa7: {  	v0 =	vmul.f32 v3, v0;
	_ =	sdelay $0x1  }
0xa8: {  	[tilespmem:s29+$0x5010] =	vst v0  }
0xa9: {  	v0 =	vld.idx.msk [tilespmem:v2+s12+$0x0], $0xffff  }
0xaa: {  	v2 =	vld [tilespmem:s29+$0x3030];
	v1 =	vmul.f32 $1.442695020e+00, v1;
	_ =	sdelay $0x2  }
0xab: {  	(erf) = vpow2.f32 v1  }
0xac: {  	v1 =	vpop (erf)  }
0xad: {  	v0 =	vmul.f32 v1, v0;
	v1 =	vld [tilespmem:s29+$0x1040];
	_ =	sdelay $0x1  }
0xae: {  	[tilespmem:s29+$0x5020] =	vst v0;
	v0 =	vld [tilespmem:s29+$0x3040]  }
0xaf: {  	v2 =	vld.idx.msk [tilespmem:v2+s12+$0x0], $0xffff;
	_ =	sdelay $0x1  }
0xb0: {  	v1 =	vmul.f32 $1.442695020e+00, v1;
	_ =	sdelay $0x1  }
0xb1: {  	v3 =	vpop (erf);
	(erf) = vpow2.f32 v1  }
0xb2: {  	s31 =	simm.s32 $0x50;
	s30 =	simm.s32 $0x280;
	v1 =	vmul.f32 v3, v2  }
.LBB2_5:
0xb3: {  	p0 =	sne.s32 s30, $0x3D40;
	v2 =	vld [tilespmem:s31+$0x1000]  }
0xb4: {  	[tilespmem:s29+$0x5030] =	vst v1  }
0xb5: {  	v0 =	vld.idx.msk [tilespmem:v0+s12+$0x0], $0xffff  }
0xb6: {  	v1 =	vld [tilespmem:s31+$0x3000];
	_ =	sdelay $0x1  }
0xb7: {  	v3 =	vmul.f32 $1.442695020e+00, v2;
	_ =	sdelay $0x1  }
0xb8: {  	(erf) = vpow2.f32 v3;
	v2 =	vpop (erf)  }
0xb9: {  	v0 =	vmul.f32 v2, v0  }
0xba: {  	v2 =	vld [tilespmem:s31+$0x1010]  }
0xbb: {  	[tilespmem:s29+$0x5040] =	vst v0;
	s29 =	smov.u32 s31  }
0xbc: {  	v0 =	vld.idx.msk [tilespmem:v1+s12+$0x0], $0xffff  }
0xbd: {  	v1 =	vld [tilespmem:s29+$0x3010];
	_ =	sdelay $0x1  }
0xbe: {  	v2 =	vmul.f32 $1.442695020e+00, v2;
	_ =	sdelay $0x1  }
0xbf: {  	v3 =	vpop (erf);
	(erf) = vpow2.f32 v2  }
0xc0: {  	v0 =	vmul.f32 v3, v0  }
0xc1: {  	v2 =	vld [tilespmem:s29+$0x1020]  }
0xc2: {  	[tilespmem:s29+$0x5000] =	vst v0  }
0xc3: {  	v0 =	vld.idx.msk [tilespmem:v1+s12+$0x0], $0xffff  }
0xc4: {  	v1 =	vld [tilespmem:s29+$0x3020];
	_ =	sdelay $0x1  }
0xc5: {  	v2 =	vmul.f32 $1.442695020e+00, v2;
	_ =	sdelay $0x1  }
0xc6: {  	v3 =	vpop (erf);
	(erf) = vpow2.f32 v2  }
0xc7: {  	v0 =	vmul.f32 v3, v0  }
0xc8: {  	v2 =	vld [tilespmem:s29+$0x1030]  }
0xc9: {  	[tilespmem:s29+$0x5010] =	vst v0  }
0xca: {  	v0 =	vld.idx.msk [tilespmem:v1+s12+$0x0], $0xffff  }
0xcb: {  	v1 =	vld [tilespmem:s29+$0x3030];
	_ =	sdelay $0x1  }
0xcc: {  	v2 =	vmul.f32 $1.442695020e+00, v2;
	_ =	sdelay $0x1  }
0xcd: {  	v3 =	vpop (erf);
	(erf) = vpow2.f32 v2  }
0xce: {  	v0 =	vmul.f32 v3, v0  }
0xcf: {  	v2 =	vld [tilespmem:s29+$0x1040]  }
0xd0: {  	[tilespmem:s29+$0x5020] =	vst v0  }
0xd1: {  	v1 =	vld.idx.msk [tilespmem:v1+s12+$0x0], $0xffff  }
0xd2: {  	v0 =	vld [tilespmem:s29+$0x3040]  }
.Ltmp1:
0xd3: {  	(pc) =	sbr.rel @p0 .LBB2_5-.Ltmp1, $3  }
0xd4: {  	v2 =	vmul.f32 $1.442695020e+00, v2;
	_ =	sdelay $0x1  }
0xd5: {  	v3 =	vpop (erf);
	(erf) = vpow2.f32 v2  }
0xd6: {  	s31 =	sshra.s32 s30, $0x2;
	s30 =	sadd.s32 $0x140, s30;
	v1 =	vmul.f32 v3, v1  }
0xd7: {  	v2 =	vld [tilespmem:s31+$0x1000];
	_ =	sdelay $0x2  }
0xd8: {  	[tilespmem:s29+$0x5030] =	vst v1  }
0xd9: {  	v0 =	vld.idx.msk [tilespmem:v0+s12+$0x0], $0xffff  }
0xda: {  	v1 =	vld [tilespmem:s31+$0x3000];
	v2 =	vmul.f32 $1.442695020e+00, v2;
	_ =	sdelay $0x1  }
0xdb: {  	(erf) = vpow2.f32 v2;
	_ =	sdelay $0x1  }
0xdc: {  	v52 =	vld [tilespmem:s31+$0x1010];
	v51 =	vpop (erf)  }
0xdd: {  	v0 =	vmul.f32 v51, v0;
	_ =	sdelay $0x1  }
0xde: {  	[tilespmem:s29+$0x5040] =	vst v0  }
0xdf: {  	v0 =	vld.idx.msk [tilespmem:v1+s12+$0x0], $0xffff  }
0xe0: {  	v2 =	vmul.f32 $1.442695020e+00, v52;
	v53 =	vld [tilespmem:s31+$0x3010];
	_ =	sdelay $0x1  }
0xe1: {  	v3 =	vpop (erf);
	(erf) = vpow2.f32 v2;
	_ =	sdelay $0x1  }
0xe2: {  	v54 =	vld [tilespmem:s31+$0x1020]  }
0xe3: {  	v0 =	vmul.f32 v3, v0;
	_ =	sdelay $0x1  }
0xe4: {  	v55 =	vld [tilespmem:s31+$0x3020];
	[tilespmem:s31+$0x5000] =	vst v0  }
0xe5: {  	v0 =	vld.idx.msk [tilespmem:v53+s12+$0x0], $0xffff  }
0xe6: {  	v2 =	vmul.f32 $1.442695020e+00, v54;
	_ =	sdelay $0x1  }
0xe7: {  	v56 =	vpop (erf);
	(erf) = vpow2.f32 v2  }
0xe8: {  	v57 =	vld [tilespmem:s31+$0x1030]  }
0xe9: {  	v0 =	vmul.f32 v56, v0;
	_ =	sdelay $0x1  }
0xea: {  	v58 =	vld [tilespmem:s31+$0x3030];
	[tilespmem:s31+$0x5010] =	vst v0  }
0xeb: {  	v0 =	vld.idx.msk [tilespmem:v55+s12+$0x0], $0xffff  }
0xec: {  	v2 =	vmul.f32 $1.442695020e+00, v57;
	_ =	sdelay $0x1  }
0xed: {  	(erf) = vpow2.f32 v2  }
0xee: {  	v60 =	vld [tilespmem:s31+$0x1040];
	v59 =	vpop (erf)  }
0xef: {  	v0 =	vmul.f32 v59, v0;
	_ =	sdelay $0x1  }
0xf0: {  	v61 =	vld [tilespmem:s31+$0x3040];
	[tilespmem:s31+$0x5020] =	vst v0  }
0xf1: {  	v0 =	vld.idx.msk [tilespmem:v58+s12+$0x0], $0xffff  }
0xf2: {  	v2 =	vmul.f32 $1.442695020e+00, v60;
	_ =	sdelay $0x1  }
0xf3: {  	(erf) = vpow2.f32 v2  }
0xf4: {  	v62 =	vpop (erf)  }
0xf5: {  	v0 =	vmul.f32 v62, v0;
	_ =	sdelay $0x1  }
0xf6: {  	[tilespmem:s31+$0x5030] =	vst v0  }
0xf7: {  	v0 =	vld.idx.msk [tilespmem:v61+s12+$0x0], $0xffff;
	_ =	sdelay $0x1  }
0xf8: {  	s26 =	sadd.s32 $0x1, s26  }
0xf9: {  	p0 =	sne.s32 s26, $0x19  }
.Ltmp2:
0xfa: {  	v63 =	vpop (erf);
	(pc) =	sbr.rel @p0 .LBB2_2-.Ltmp2, $4  }
0xfb: {  	v0 =	vmul.f32 v63, v0  }
0xfc: {  	s2 =	sshrl.u32 s28, $0x3  }
0xfd: {  	s2 =	sadd.s32 s4, s2;
	[tilespmem:s31+$0x5040] =	vst v0  }
0xfe: {  	[hbm4b:s2+s5] =	stream.linear.scatter [tilespmem:s22], [sflag:$0x6], $0xFA0, $0x38;
	[tilespmem:$0x1E800] =	vst v63  }
0xff: {  	s25 =	sadd.s32 $0x1, s25  }
0x100: {  	_ =	swait.ge [sflag:s23], $0xFA0;
	p0 =	sne.s32 s25, s11  }
.Ltmp3:
0x101: {  	[sflag:s23] =	ssyncset.done $0x0;
	(pc) =	sbr.rel @p0 .LBB2_1-.Ltmp3, $4  }
0x102: {  	[sflag:s23] =	ssyncadd.s32 $0xFFFFF060  }
0x103: {  	_ =	swait.ge [sflag:s24], $0xFA0  }
0x104: {  	[sflag:s24] =	ssyncset.done $0x0  }
0x105: {  	[sflag:s24] =	ssyncadd.s32 $0xFFFFF060  }
0x106: {  	_ =	sfence.sel $0x180000  }
0x107: {  	[bflag:$0x0] =	sbarrier.arrive $0xFFFF  }
0x108: {  	_ =	strace $0x9000004D  }
0x109: {  	[bflag:$0x2] =	sbarrier.arrive $0xFFFF  }
0x10a: {  	p0 =	sne.s32 s3, $0x0;
	s0 =	rddreg [dreg:$0x4]  }
0x10b: {  	s0 =	sadd.s32 @!p0 $0x100000, s0  }
0x10c: {  	[sflag:s0] =	ssyncadd.tile.s32 @!p0 $0x1;
	_ =	shalt  }
.Lfunc_end2:
_tile_overlayer_lowered:
.L_overlay_start_2:
0x10d: {  	(tag) =	ssettag $0x2  }
0x10e: {  	s0 =	rddreg [dreg:$0x0];
	s2 =	stileid.u32  }
0x10f: {  	s1 =	rddreg [dreg:$0x1];
	p0 =	sne.s32 s2, $0x0  }
0x110: {  	s3 =	rddreg [dreg:$0x2];
	[bflag:$0x3] =	sbarrier.arrive $0xFFFF;
	s2 =	simm.s32 @!p0 $0x1C07  }
0x111: {  	[timem:s3], [sflag:s2] =	dma.local @!p0 [hbm:s0], s1  }
0x112: {  	s0 =	simm.s32 @!p0 $0x7  }
0x113: {  	_ =	swait.ge @!p0 [sflag:s0], s1  }
0x114: {  	s1 =	ssub.s32 @!p0 $0x0, s1;
	[sflag:s0] =	ssyncset.done @!p0 $0x0  }
0x115: {  	[sflag:s0] =	ssyncadd.s32 @!p0 s1  }
0x116: {  	[bflag:$0x3] =	sbarrier.arrive $0xFFFF  }
0x117: {  	_ =	shalt  }

// kernel: kernel.5.cloned.1.call-start
scs
__scs_entry_jumppad:
0x0: {  	(pc) =	sbr.rel $0x88, $3  }
0x1: {  	(tag) =	ssettag $0x0;
	lr =	simm.s32 $0x1  }
0x2: {  	[smem:$0x3F9F] =	sst lr;
	_ =	strace $0xD0000000  }
0x3: {  	_ = 	snop  }
0x4: {  	_ = 	snop  }
0x5: {  	_ = 	snop  }
0x6: {  	_ = 	snop  }
0x7: {  	_ = 	snop  }
__scs_overlays_trampoline_lowered:
0x8: {  	[smem:$0x3FAE] =	sst s0  }
0x9: {  	[smem:$0x3FAF] =	sst s1  }
0xa: {  	[smem:$0x3FB0] =	sst s2  }
0xb: {  	[smem:$0x3FB1] =	sst s3  }
0xc: {  	[smem:$0x3FB2] =	sst s4  }
0xd: {  	[smem:$0x3FB3] =	sst s5  }
0xe: {  	[smem:$0x3FB4] =	sst s6  }
0xf: {  	[smem:$0x3FB5] =	sst s7  }
0x10: {  	[smem:$0x3FB6] =	sst s8  }
0x11: {  	[smem:$0x3FB7] =	sst s9;
	s0 =	simm.s32 @!p0 $0x0  }
0x12: {  	s1 =	sld [smem:$0x3F9D];
	s0 =	simm.s32 @p0 $0x1  }
0x13: {  	[smem:$0x3FB8] =	sst s0;
	s0 =	simm.s32 @!p1 $0x0  }
0x14: {  	s2 =	sld [smem:$0x3F9C];
	s0 =	simm.s32 @p1 $0x1  }
0x15: {  	[smem:$0x3FB9] =	sst s0;
	s0 =	simm.s32 @!p2 $0x0  }
0x16: {  	s3 =	sld [smem:$0x3FDB];
	s0 =	simm.s32 @p2 $0x1  }
0x17: {  	s4 =	simm.s32 $0x1BF5;
	[smem:$0x3FBB] =	sst s0  }
0x18: {  	s0 =	sld [smem:$0x3F9E];
	_ =	swait.ge [sflag:s4], $0x0  }
0x19: {  	s7 =	sld [smem:$0x3F9F]  }
0x1a: {  	s8 =	sadd.s32 $0xFFFFE003, lr  }
0x1b: {  	s9 =	sadd.s32 $0xFFFFFEF7, lr;
	s5 =	simm.s32 $0xFFFFFFFF;
	p2 =	slt.u32 s8, $0xFFFFF086  }
0x1c: {  	p1 =	slt.u32 s9, $0xF7A;
	s5 =	simm.s32 @!p2 $0x0  }
0x1d: {  	s5 =	simm.s32 @p1 $0x1;
	p0 =	seq.s32 s7, s2  }
0x1e: {  	s7 =	smul.u32 @!p0 $0xF7A, s2;
	p2 =	seq.s32 @!p0 s5, $0x0  }
0x1f: {  	s9 =	smul.u32 $0xF7A, s1;
	s8 =	simm.s32 @!p0 $0x1BF5;
	p2 =	por !p2, p0  }
0x20: {  	[sflag:s8] =	ssyncset.s32 @!p0 $0xFFFFF086;
	s6 =	sadd.s32 @!p0 s3, s7;
	s7 =	simm.s32 @!p0 $0x108  }
0x21: {  	s3 =	sadd.s32 s3, s9;
	s6 =	sadd.s32 @!p0 $0x88, s6;
	s7 =	simm.s32 @p2 $0x1082  }
0x22: {  	[simem:s7], [sflag:s8] =	dma.local @!p0 [hbm:s6], $0xF7A  }
0x23: {  	s9 =	sor.u32 $0xD0000000, s2;
	s6 =	simm.s32 $0x108;
	_ =	swait.ge @!p0 [sflag:s8], $0x0  }
0x24: {  	s3 =	sadd.s32 $0x88, s3;
	s6 =	simm.s32 @!p1 $0x1082;
	[sflag:s4] =	ssyncset.s32 $0xFFFFF086  }
0x25: {  	[simem:s6], [sflag:s4] =	dma.local [hbm:s3], $0xF7A  }
0x26: {  	[smem:$0x3F9F] =	sst s1;
	(tag) =	ssettag s2;
	_ =	strace s9  }
0x27: {  	s1 =	sld [smem:$0x3FAF]  }
0x28: {  	s2 =	sld [smem:$0x3FB0]  }
0x29: {  	s4 =	sld [smem:$0x3FB2]  }
0x2a: {  	p0 =	seq.s32 s5, $0x0;
	s5 =	sld [smem:$0x3FB3]  }
0x2b: {  	s6 =	sld [smem:$0x3FB4]  }
0x2c: {  	s7 =	sld [smem:$0x3FB5]  }
0x2d: {  	s3 =	simm.s32 $0x108;
	s8 =	sld [smem:$0x3FB6]  }
0x2e: {  	s3 =	simm.s32 @!p0 $0x1082;
	s9 =	sld [smem:$0x3FB7]  }
0x2f: {  	lr =	sadd.s32 s0, s3;
	s0 =	sld [smem:$0x3FAE]  }
0x30: {  	s3 =	sld [smem:$0x3FB1]  }
0x31: {  	[smem:$0x3FBA] =	sst s10  }
0x32: {  	s10 =	sld [smem:$0x3FB8];
	_ =	sdelay $0x3  }
0x33: {  	p0 =	seq.s32 s10, $0x1;
	s10 =	sld [smem:$0x3FBA];
	_ =	sdelay $0x3  }
0x34: {  	[smem:$0x3FBA] =	sst s10  }
0x35: {  	s10 =	sld [smem:$0x3FB9];
	_ =	sdelay $0x3  }
0x36: {  	p1 =	seq.s32 s10, $0x1;
	s10 =	sld [smem:$0x3FBA];
	_ =	sdelay $0x3  }
0x37: {  	[smem:$0x3FBA] =	sst s10  }
0x38: {  	s10 =	sld [smem:$0x3FBB]  }
0x39: {  	_ = 	snop;
	(pc) =	sbr.ind lr, $3  }
0x3a: {  	_ = 	snop  }
0x3b: {  	_ = 	snop  }
0x3c: {  	p2 =	seq.s32 s10, $0x1;
	s10 =	sld [smem:$0x3FBA]  }
0x3d: {  	_ =	shalt  }
0x3e: {  	_ =	shalt  }
0x3f: {  	_ =	shalt  }
0x40: {  	_ =	shalt  }
0x41: {  	_ =	shalt  }
0x42: {  	_ =	shalt  }
0x43: {  	_ =	shalt  }
0x44: {  	_ =	shalt  }
0x45: {  	_ =	shalt  }
0x46: {  	_ =	shalt  }
0x47: {  	_ =	shalt  }
0x48: {  	_ =	shalt  }
0x49: {  	_ =	shalt  }
0x4a: {  	_ =	shalt  }
0x4b: {  	_ =	shalt  }
0x4c: {  	_ =	shalt  }
0x4d: {  	_ =	shalt  }
0x4e: {  	_ =	shalt  }
0x4f: {  	_ =	shalt  }
0x50: {  	_ =	shalt  }
0x51: {  	_ =	shalt  }
0x52: {  	_ =	shalt  }
0x53: {  	_ =	shalt  }
0x54: {  	_ =	shalt  }
0x55: {  	_ =	shalt  }
0x56: {  	_ =	shalt  }
0x57: {  	_ =	shalt  }
0x58: {  	_ =	shalt  }
0x59: {  	_ =	shalt  }
0x5a: {  	_ =	shalt  }
0x5b: {  	_ =	shalt  }
0x5c: {  	_ =	shalt  }
0x5d: {  	_ =	shalt  }
0x5e: {  	_ =	shalt  }
0x5f: {  	_ =	shalt  }
0x60: {  	_ =	shalt  }
0x61: {  	_ =	shalt  }
0x62: {  	_ =	shalt  }
0x63: {  	_ =	shalt  }
0x64: {  	_ =	shalt  }
0x65: {  	_ =	shalt  }
0x66: {  	_ =	shalt  }
0x67: {  	_ =	shalt  }
0x68: {  	_ =	shalt  }
0x69: {  	_ =	shalt  }
0x6a: {  	_ =	shalt  }
0x6b: {  	_ =	shalt  }
0x6c: {  	_ =	shalt  }
0x6d: {  	_ =	shalt  }
0x6e: {  	_ =	shalt  }
0x6f: {  	_ =	shalt  }
0x70: {  	_ =	shalt  }
0x71: {  	_ =	shalt  }
0x72: {  	_ =	shalt  }
0x73: {  	_ =	shalt  }
0x74: {  	_ =	shalt  }
0x75: {  	_ =	shalt  }
0x76: {  	_ =	shalt  }
0x77: {  	_ =	shalt  }
0x78: {  	_ =	shalt  }
0x79: {  	_ =	shalt  }
0x7a: {  	_ =	shalt  }
0x7b: {  	_ =	shalt  }
0x7c: {  	_ =	shalt  }
0x7d: {  	_ =	shalt  }
0x7e: {  	_ =	shalt  }
0x7f: {  	_ =	shalt  }
0x80: {  	_ =	shalt  }
0x81: {  	_ =	shalt  }
0x82: {  	_ =	shalt  }
0x83: {  	_ =	shalt  }
0x84: {  	_ =	shalt  }
0x85: {  	_ =	shalt  }
0x86: {  	_ =	shalt  }
0x87: {  	_ =	shalt  }
.Lfunc_end0:
.L_simem_size_0:
called_computation_lowered:
.L_overlay_start_0:
0x88: {  	s2 =	sld [smem:$0x3FD9]  }
0x89: {  	s3 =	sld [smem:$0x3FFE];
	_ =	sdelay $0x1  }
0x8a: {  	s1 =	srdreg.scid  }
0x8b: {  	s0 =	sand.u32 $0x1, s1  }
0x8c: {  	s18 =	sshll.u32 s0, $0xA;
	s2 =	sadd.s32 s3, s2  }
0x8d: {  	s2 =	sadd.s32 s2, s18  }
0x8e: {  	[smem:$0x3FC6] =	sst s2  }
0x8f: {  	_ = 	snop  }
0x90: {  	s2 =	sld [smem:$0x3FC9]  }
0x91: {  	s19 =	sld [smem:$0x3FC8]  }
0x92: {  	s4 =	sld [smem:$0x3FD0];
	(tm) =	ssettm $0x1  }
0x93: {  	s5 =	sld [smem:$0x3FFB];
	_ =	sdelay $0x3  }
0x94: {  	_ =	strace s5  }
0x95: {  	s5 =	sld [smem:$0x3FFC];
	_ =	sdelay $0x3  }
0x96: {  	_ =	strace s5  }
0x97: {  	s5 =	sld [smem:$0x3FFD];
	_ =	sdelay $0x3  }
0x98: {  	_ =	strace s5  }
0x99: {  	_ =	strace $0x8FFFFFFF  }
0x9a: {  	s20 =	sld [smem:$0x3FDB];
	_ =	sdelay $0x1  }
0x9b: {  	s6 =	simm.s32 $_scs_section_size  }
0x9c: {  	s7 =	simm.s32 $_size__tile_overlayer_lowered;
	s8 =	simm.s32 $_tile_overlayer_lowered  }
0x9d: {  	s23 =	simm.s32 $0x1BFF;
	s22 =	sshll.u32 s8, $0x1;
	s5 =	sadd.s32 s6, s20  }
0x9e: {  	s9 =	simm.s32 $0x0;
	s21 =	sshll.u32 s7, $0x1;
	s7 =	sadd.s32 s22, s5  }
0x9f: {  	[timem:s9], [sflag:s23] =	dma.local [hbm:s7], s21  }
0xa0: {  	_ =	swait.ge [sflag:s23], s21  }
0xa1: {  	s6 =	ssub.s32 $0x0, s21;
	[sflag:s23] =	ssyncset.done $0x0  }
0xa2: {  	[sflag:s23] =	ssyncadd.s32 s6;
	_ =	sdelay $0x1  }
0xa3: {  	s24 =	simm.s32 $0x1B8B  }
0xa4: {  	_ =	swait.ge [sflag:s24], $0x1  }
0xa5: {  	[sflag:s24] =	ssyncset.done $0x0  }
0xa6: {  	s25 =	simm.s32 $0x1B8E;
	[sflag:s24] =	ssyncadd.s32 $0xFFFFFFFF  }
0xa7: {  	s26 =	simm.s32 $execute0_lowered;
	[smem:$0x3FD2] =	sst s25  }
0xa8: {  	s6 =	sshll.u32 s26, $0x1;
	_ =	strace $0x80000046;
	[dreg:$0x1] =	wrdreg $0xFFFFFFFF  }
0xa9: {  	s28 =	simm.s32 $_size_execute0_lowered;
	s5 =	sadd.s32 s5, s6;
	[dreg:$0x0] =	wrdreg $0x0  }
0xaa: {  	s6 =	sshll.u32 s28, $0x1;
	[dreg:$0x2] =	wrdreg s5  }
0xab: {  	[dreg:$0x3] =	wrdreg s6  }
0xac: {  	[dreg:$0x4] =	wrdreg $0xC0  }
0xad: {  	_ =	task [dreg:s9], $0x5FFFF  }
0xae: {  	[dreg:$0x1] =	wrdreg $0xFFFFFFFF  }
0xaf: {  	[dreg:$0x0] =	wrdreg $0x60  }
0xb0: {  	[dreg:$0x2] =	wrdreg s2  }
0xb1: {  	[dreg:$0x3] =	wrdreg s19  }
0xb2: {  	[dreg:$0x4] =	wrdreg s4  }
0xb3: {  	[dreg:$0x5] =	wrdreg $0x1B8000  }
0xb4: {  	[dreg:$0x6] =	wrdreg $0x9  }
0xb5: {  	_ =	task.clear_ibuf [dreg:s9], $0x7FFFF;
	_ =	strace $0x90000046  }
0xb6: {  	s29 =	simm.s32 $0x9;
	_ =	strace $0x80000048  }
0xb7: {  	_ =	swait.ge [sflag:s29], $0x1  }
0xb8: {  	[sflag:s29] =	ssyncadd.s32 $0xFFFFFFFF  }
0xb9: {  	_ =	strace $0x90000048  }
0xba: {  	_ =	sfence  }
0xbb: {  	s30 =	sld [smem:$0x0];
	_ =	sdelay $0x2  }
0xbc: {  	s31 =	sshll.u32 s1, $0xD;
	s1 =	sshrl.u32 s1, $0x2  }
0xbd: {  	s3 =	sand.u32 $0x4000, s31;
	s1 =	sadd.s32 s1, s30  }
0xbe: {  	s0 =	sor.u32 s3, s0;
	s1 =	sshll.u32 s1, $0x11  }
0xbf: {  	s0 =	sor.u32 s1, s0  }
0xc0: {  	s0 =	sadd.s32 $0x8F2B, s0  }
0xc1: {  	[sflag:s0] =	ssyncadd.remote.s32 $0x1  }
0xc2: {  	_ =	sfence.sel $0xFFFF  }
0xc3: {  	[dreg:$0x0] =	wrdreg $0xFFFFFFFF;
	(pc) =	sbr.abs _section_cstart, $3  }
0xc4: {  	[dreg:$0x1] =	wrdreg $0xFFFFFFFF  }
0xc5: {  	_ =	task.clear_ibuf [dreg:s9], $0x2FFFF;
	_ =	strace $0x9FFFFFFF  }
0xc6: {  	(tm) =	ssettm $0x7FFFFFFF  }
0xc7: {  	_ =	shalt  }
tec
execute0_lowered:
.L_overlay_start_1:
0x0: {  	(tag) =	ssettag $0x1  }
0x1: {  	s1 =	rddreg [dreg:$0x0]  }
0x2: {  	s2 =	rddreg [dreg:$0x1]  }
0x3: {  	s0 =	rddreg [dreg:$0x2]  }
0x4: {  	s3 =	srdreg.scid;
	s4 =	rddreg [dreg:$0x3]  }
0x5: {  	s6 =	stileid.u32;
	s7 =	simm.s32 $0x0;
	s14 =	simm.s32 $0x9  }
0x6: {  	s28 =	simm.s32 $0x1000;
	s29 =	simm.s32 $0x2800;
	s30 =	simm.s32 $0x1  }
0x7: {  	s31 =	simm.s32 $0x3;
	s11 =	simm.s32 $0x2;
	s3 =	sand.u32 $0x1, s3  }
0x8: {  	s5 =	sshll.u32 s3, $0x4;
	s17 =	ssub.s32 $0x2, s3;
	s3 =	smul.u32 $0x18800, s3  }
0x9: {  	[smem:$0x7FF] =	sst s7;
	s5 =	sor.u32 s6, s5;
	s6 =	smul.u32 $0x1880, s6  }
0xa: {  	_ =	strace $0x80000047;
	s9 =	sshrl.u32 s17, $0x1;
	s8 =	smul.u32 $0x30D40, s5  }
0xb: {  	s7 =	ssub.s32 s17, s9;
	s5 =	smul.u32 $0x3100, s5;
	s12 =	sadd.s32 s6, s4  }
0xc: {  	s3 =	sadd.s32 s6, s3;
	s26 =	smax.u32 s7, $0x1;
	s7 =	simm.s32 $0x1800  }
0xd: {  	s6 =	simm.s32 $0x0;
	s18 =	sadd.s32 $0x620, s12;
	[dreg:$0x10] =	wrdreg s26  }
0xe: {  	s19 =	sshrl.u32 s8, $0x3;
	s10 =	sadd.s32 $0xC40, s12;
	[dreg:$0x5] =	wrdreg s12  }
0xf: {  	s20 =	sadd.s32 $0x1260, s12;
	s22 =	sadd.s32 $0x7D0, s8;
	[dreg:$0x6] =	wrdreg s18  }
0x10: {  	s23 =	sadd.s32 $0xFA0, s8;
	s24 =	sadd.s32 $0x1770, s8;
	[dreg:$0x7] =	wrdreg s10  }
0x11: {  	s15 =	sadd.s32 $0x1F40, s8;
	s16 =	sadd.s32 $0x2710, s8;
	[dreg:$0x8] =	wrdreg s20  }
0x12: {  	s17 =	sadd.s32 $0x2EE0, s8;
	s3 =	sshrl.u32 s3, $0x3;
	[dreg:$0xb] =	wrdreg s22  }
0x13: {  	s21 =	sadd.s32 s1, s19;
	s9 =	sadd.s32 s2, s19;
	[dreg:$0xc] =	wrdreg s23  }
0x14: {  	[dreg:$0xd] =	wrdreg s24;
	s18 =	sadd.s32 $0x36B0, s8;
	s19 =	sadd.s32 $0x3E80, s8  }
0x15: {  	s20 =	sadd.s32 $0x4650, s8;
	s3 =	sadd.s32 s0, s3;
	s0 =	sadd.s32 s0, s5  }
0x16: {  	s10 =	simm.s32 $0x3000;
	s22 =	simm.s32 $0x4;
	[dreg:$0x9] =	wrdreg s21  }
0x17: {  	s23 =	simm.s32 $0x7;
	s24 =	simm.s32 $0x8;
	[dreg:$0xa] =	wrdreg s9  }
0x18: {  	s21 =	sadd.s32 $0x4E20, s8;
	[dreg:$0xe] =	wrdreg s0;
	s25 =	sadd.s32 $0x62000, s3  }
0x19: {  	s0 =	simm.s32 $0x7D0;
	s3 =	simm.s32 $0x800;
	s8 =	simm.s32 $0x5  }
0x1a: {  	v0 =	vimm.f32 $0.0e+00;
	s9 =	simm.s32 $0x6;
	[dreg:$0xf] =	wrdreg s25;
	s25 =	simm.s32 $0x2000  }
.LBB2_1:
0x1b: {  	[dreg:$0x11] =	wrdreg s6;
	s5 =	simm.s32 $0x0;
	s6 =	simm.s32 $0x200  }
.LBB2_2:
0x1c: {  	p0 =	sne.s32 s6, $0x61E00;
	[tilespmem:s5+$0x3070] =	vst v0  }
0x1d: {  	[tilespmem:s5+$0x3000] =	vst v0  }
0x1e: {  	[tilespmem:s5+$0x3010] =	vst v0  }
.Ltmp0:
0x1f: {  	[tilespmem:s5+$0x3020] =	vst v0;
	(pc) =	sbr.rel @p0 .LBB2_2-.Ltmp0, $4  }
0x20: {  	[tilespmem:s5+$0x3030] =	vst v0  }
0x21: {  	[tilespmem:s5+$0x3040] =	vst v0  }
0x22: {  	[tilespmem:s5+$0x3050] =	vst v0  }
0x23: {  	[tilespmem:s5+$0x3060] =	vst v0;
	s5 =	sshra.s32 s6, $0x2;
	s6 =	sadd.s32 $0x200, s6  }
0x24: {  	[tilespmem:s5+$0x3070] =	vst v0  }
0x25: {  	[tilespmem:s5+$0x3000] =	vst v0  }
0x26: {  	[tilespmem:s5+$0x3010] =	vst v0  }
0x27: {  	[tilespmem:s5+$0x3020] =	vst v0  }
0x28: {  	[tilespmem:s5+$0x3030] =	vst v0  }
0x29: {  	[tilespmem:s5+$0x3040] =	vst v0  }
0x2a: {  	[tilespmem:s5+$0x3050] =	vst v0  }
0x2b: {  	[tilespmem:s5+$0x3060] =	vst v0;
	s5 =	simm.s32 $0x0;
	s6 =	simm.s32 $0x200  }
.LBB2_4:
0x2c: {  	p0 =	sne.s32 s6, $0x1C00;
	[tilespmem:s5+$0x2070] =	vst v0  }
0x2d: {  	[tilespmem:s5+$0x2000] =	vst v0  }
0x2e: {  	[tilespmem:s5+$0x2010] =	vst v0  }
.Ltmp1:
0x2f: {  	[tilespmem:s5+$0x2020] =	vst v0;
	(pc) =	sbr.rel @p0 .LBB2_4-.Ltmp1, $4  }
0x30: {  	[tilespmem:s5+$0x2030] =	vst v0  }
0x31: {  	[tilespmem:s5+$0x2040] =	vst v0  }
0x32: {  	[tilespmem:s5+$0x2050] =	vst v0  }
0x33: {  	[tilespmem:s5+$0x2060] =	vst v0;
	s5 =	sshra.s32 s6, $0x2;
	s6 =	sadd.s32 $0x200, s6  }
0x34: {  	[tilespmem:s5+$0x2070] =	vst v0  }
0x35: {  	[tilespmem:s5+$0x2000] =	vst v0  }
0x36: {  	[tilespmem:s5+$0x2010] =	vst v0  }
0x37: {  	[tilespmem:s5+$0x2020] =	vst v0  }
0x38: {  	[tilespmem:s5+$0x2030] =	vst v0  }
0x39: {  	[tilespmem:s5+$0x2040] =	vst v0  }
0x3a: {  	[tilespmem:s5+$0x2050] =	vst v0  }
0x3b: {  	[tilespmem:s5+$0x2060] =	vst v0  }
0x3c: {  	[spmem:s12] =	stream.linear.scatter [tilespmem:s25], [sflag:$0x9], $0x620, $0x38;
	[tilespmem:$0x1D080] =	vst v63  }
0x3d: {  	_ =	swait.ge [sflag:s14], $0x620  }
0x3e: {  	[sflag:s14] =	ssyncset.done $0x0  }
0x3f: {  	s6 =	rddreg [dreg:$0x6];
	[sflag:s14] =	ssyncadd.s32 $0xFFFFF9E0  }
0x40: {  	[spmem:s6] =	stream.linear.scatter [tilespmem:s25], [sflag:$0x9], $0x620, $0x38;
	[tilespmem:$0x1D080] =	vst v63  }
0x41: {  	_ =	swait.ge [sflag:s14], $0x620  }
0x42: {  	[sflag:s14] =	ssyncset.done $0x0  }
0x43: {  	s12 =	rddreg [dreg:$0x7];
	[sflag:s14] =	ssyncadd.s32 $0xFFFFF9E0  }
0x44: {  	[spmem:s12] =	stream.linear.scatter [tilespmem:s25], [sflag:$0x9], $0x620, $0x38;
	[tilespmem:$0x1D080] =	vst v63  }
0x45: {  	_ =	swait.ge [sflag:s14], $0x620  }
0x46: {  	[sflag:s14] =	ssyncset.done $0x0  }
0x47: {  	s13 =	rddreg [dreg:$0x8];
	[sflag:s14] =	ssyncadd.s32 $0xFFFFF9E0  }
0x48: {  	[spmem:s13] =	stream.linear.scatter [tilespmem:s25], [sflag:$0x9], $0x620, $0x38;
	[tilespmem:$0x1D080] =	vst v63  }
0x49: {  	_ =	swait.ge [sflag:s14], $0x620  }
0x4a: {  	[sflag:s14] =	ssyncset.done $0x0  }
0x4b: {  	[sflag:s14] =	ssyncadd.s32 $0xFFFFF9E0  }
0x4c: {  	[bflag:$0x0] =	sbarrier.arrive $0xFFFF  }
0x4d: {  	s6 =	simm.s32 $0x0;
	s14 =	rddreg [dreg:$0x9]  }
0x4e: {  	[tilespmem:s6], [sflag:$0x1] =	stream.linear.gather [hbm4b:s14+s6], $0x7D0, $0x38;
	[tilespmem:$0x1D080] =	vst v63  }
0x4f: {  	s26 =	rddreg [dreg:$0xa]  }
0x50: {  	[tilespmem:s28], [sflag:$0x3] =	stream.linear.gather [hbm4b:s26+s6], $0x7D0, $0x38;
	[tilespmem:$0x1D080] =	vst v63  }
0x51: {  	s26 =	simm.s32 $0x0  }
.LBB2_6:
0x52: {  	s5 =	smul.u32 $0x4E20, s26  }
0x53: {  	s12 =	rddreg [dreg:$0xb]  }
0x54: {  	s12 =	sadd.s32 s5, s12  }
0x55: {  	s12 =	sshrl.u32 s12, $0x3  }
0x56: {  	s13 =	sadd.s32 s1, s12  }
0x57: {  	[tilespmem:s25], [sflag:$0x5] =	stream.linear.gather [hbm4b:s13+s6], $0x7D0, $0x38;
	[tilespmem:$0x1D080] =	vst v63  }
0x58: {  	s12 =	sadd.s32 s2, s12  }
0x59: {  	[tilespmem:s29], [sflag:$0x6] =	stream.linear.gather [hbm4b:s12+s6], $0x7D0, $0x38;
	[tilespmem:$0x1D080] =	vst v63  }
0x5a: {  	_ =	swait.ge [sflag:s30], $0x7D0  }
0x5b: {  	[sflag:s30] =	ssyncset.done $0x0  }
0x5c: {  	[sflag:s30] =	ssyncadd.s32 $0xFFFFF830  }
0x5d: {  	_ =	swait.ge [sflag:s31], $0x7D0  }
0x5e: {  	[sflag:s31] =	ssyncset.done $0x0  }
0x5f: {  	s12 =	simm.s32 $0x0;
	[sflag:s31] =	ssyncadd.s32 $0xFFFFF830  }
0x60: {  	v1 =	vld [tilespmem:s12+$0x0]  }
0x61: {  	v2 =	vld [tilespmem:s12+$0x10]  }
0x62: {  	v3 =	vld [tilespmem:s12+$0x20]  }
0x63: {  	s13 =	simm.s32 $0x140;
	v4 =	vld [tilespmem:s12+$0x30]  }
.LBB2_7:
0x64: {  	p0 =	sne.s32 s13, $0x1E00;
	v5 =	vld [tilespmem:s12+$0x40]  }
0x65: {  	v1 =	vmul.f32 $1.442695020e+00, v1  }
0x66: {  	v2 =	vmul.f32 $1.442695020e+00, v2  }
0x67: {  	v3 =	vmul.f32 $1.442695020e+00, v3;
	(erf) = vpow2.f32 v1  }
0x68: {  	v1 =	vmul.f32 $1.442695020e+00, v4;
	(erf) = vpow2.f32 v2  }
0x69: {  	v2 =	vmul.f32 $1.442695020e+00, v5;
	(erf) = vpow2.f32 v3  }
0x6a: {  	(erf) = vpow2.f32 v1  }
0x6b: {  	(erf) = vpow2.f32 v2;
	_ =	sdelay $0x4  }
0x6c: {  	v1 =	vpop (erf)  }
.Ltmp2:
0x6d: {  	s14 =	sshra.s32 s13, $0x2;
	[tilespmem:s12+$0x0] =	vst v1;
	v2 =	vpop (erf);
	(pc) =	sbr.rel @p0 .LBB2_7-.Ltmp2, $4  }
0x6e: {  	v1 =	vld [tilespmem:s14+$0x0];
	[tilespmem:s12+$0x10] =	vst v2;
	v3 =	vpop (erf)  }
0x6f: {  	v2 =	vld [tilespmem:s14+$0x10];
	[tilespmem:s12+$0x20] =	vst v3;
	v4 =	vpop (erf)  }
0x70: {  	v3 =	vld [tilespmem:s14+$0x20];
	[tilespmem:s12+$0x30] =	vst v4;
	v5 =	vpop (erf)  }
0x71: {  	s13 =	sadd.s32 $0x140, s13;
	v4 =	vld [tilespmem:s14+$0x30];
	[tilespmem:s12+$0x40] =	vst v5;
	s12 =	smov.u32 s14  }
0x72: {  	v5 =	vld [tilespmem:s12+$0x40]  }
0x73: {  	v1 =	vmul.f32 $1.442695020e+00, v1  }
0x74: {  	v2 =	vmul.f32 $1.442695020e+00, v2  }
0x75: {  	v3 =	vmul.f32 $1.442695020e+00, v3;
	(erf) = vpow2.f32 v1  }
0x76: {  	v1 =	vmul.f32 $1.442695020e+00, v4;
	(erf) = vpow2.f32 v2  }
0x77: {  	v2 =	vmul.f32 $1.442695020e+00, v5;
	(erf) = vpow2.f32 v3  }
0x78: {  	(erf) = vpow2.f32 v1  }
0x79: {  	(erf) = vpow2.f32 v2;
	_ =	sdelay $0x4  }
0x7a: {  	v1 =	vpop (erf)  }
0x7b: {  	[tilespmem:s12+$0x0] =	vst v1;
	v1 =	vpop (erf)  }
0x7c: {  	[tilespmem:s12+$0x10] =	vst v1;
	v1 =	vpop (erf)  }
0x7d: {  	[tilespmem:s12+$0x20] =	vst v1;
	v1 =	vpop (erf)  }
0x7e: {  	p0 =	seq.s32 s26, $0x0;
	[tilespmem:s12+$0x30] =	vst v1;
	v1 =	vpop (erf)  }
0x7f: {  	s14 =	simm.s32 $0x0;
	[tilespmem:s12+$0x40] =	vst v1;
	s12 =	simm.s32 @!p0 $0x8  }
0x80: {  	[spmem:s4] =	stream.indirect.scatter.add.f32 [tilespmem:s14], [sflag:$0x7], $0x1, s28, s0, $0xb8;
	[tilespmem:$0x1D080] =	vst v63  }
0x81: {  	_ =	swait.ge @!p0 [sflag:s12], $0x7D0  }
0x82: {  	s13 =	rddreg [dreg:$0xc]  }
0x83: {  	s13 =	sadd.s32 s5, s13  }
0x84: {  	[sflag:s12] =	ssyncset.done @!p0 $0x0;
	s13 =	sshrl.u32 s13, $0x3  }
0x85: {  	s14 =	simm.s32 $0x0;
	[sflag:s12] =	ssyncadd.s32 @!p0 $0xFFFFF830;
	s12 =	sadd.s32 s1, s13  }
0x86: {  	[tilespmem:s3], [sflag:$0x2] =	stream.linear.gather [hbm4b:s12+s14], $0x7D0, $0x38;
	[tilespmem:$0x1D080] =	vst v63  }
0x87: {  	s13 =	sadd.s32 s2, s13  }
0x88: {  	[tilespmem:s7], [sflag:$0x4] =	stream.linear.gather [hbm4b:s13+s14], $0x7D0, $0x38;
	[tilespmem:$0x1D080] =	vst v63  }
0x89: {  	_ =	swait.ge [sflag:s8], $0x7D0  }
0x8a: {  	[sflag:s8] =	ssyncset.done $0x0  }
0x8b: {  	[sflag:s8] =	ssyncadd.s32 $0xFFFFF830  }
0x8c: {  	_ =	swait.ge [sflag:s9], $0x7D0  }
0x8d: {  	[sflag:s9] =	ssyncset.done $0x0  }
0x8e: {  	s12 =	simm.s32 $0x0;
	s13 =	simm.s32 $0x140;
	[sflag:s9] =	ssyncadd.s32 $0xFFFFF830  }
.LBB2_9:
0x8f: {  	p0 =	sne.s32 s13, $0x1E00;
	v1 =	vld [tilespmem:s12+$0x2000]  }
0x90: {  	v2 =	vld [tilespmem:s12+$0x2800];
	_ =	sdelay $0x3  }
0x91: {  	v1 =	vmul.f32 $1.442695020e+00, v1;
	_ =	sdelay $0x1  }
0x92: {  	(erf) = vpow2.f32 v1;
	_ =	sdelay $0x8  }
0x93: {  	v1 =	vpop (erf)  }
0x94: {  	[tilespmem:v2+s10+$0x0] =	vst.idx.add.f32.msk $0xffff, v1  }
0x95: {  	v1 =	vld [tilespmem:s12+$0x2010];
	_ =	sdelay $0x4  }
0x96: {  	v1 =	vmul.f32 $1.442695020e+00, v1;
	_ =	sdelay $0x1  }
0x97: {  	(erf) = vpow2.f32 v1;
	_ =	sdelay $0x1  }
0x98: {  	v1 =	vld [tilespmem:s12+$0x2810];
	_ =	sdelay $0x6  }
0x99: {  	v2 =	vpop (erf)  }
0x9a: {  	[tilespmem:v1+s10+$0x0] =	vst.idx.add.f32.msk $0xffff, v2  }
0x9b: {  	v1 =	vld [tilespmem:s12+$0x2020];
	_ =	sdelay $0x4  }
0x9c: {  	v1 =	vmul.f32 $1.442695020e+00, v1;
	_ =	sdelay $0x1  }
0x9d: {  	(erf) = vpow2.f32 v1;
	_ =	sdelay $0x1  }
0x9e: {  	v1 =	vld [tilespmem:s12+$0x2820];
	_ =	sdelay $0x6  }
0x9f: {  	v2 =	vpop (erf)  }
0xa0: {  	[tilespmem:v1+s10+$0x0] =	vst.idx.add.f32.msk $0xffff, v2  }
0xa1: {  	v1 =	vld [tilespmem:s12+$0x2030];
	_ =	sdelay $0x4  }
0xa2: {  	v1 =	vmul.f32 $1.442695020e+00, v1;
	_ =	sdelay $0x1  }
0xa3: {  	(erf) = vpow2.f32 v1;
	_ =	sdelay $0x1  }
0xa4: {  	v1 =	vld [tilespmem:s12+$0x2830];
	_ =	sdelay $0x6  }
0xa5: {  	v2 =	vpop (erf)  }
0xa6: {  	[tilespmem:v1+s10+$0x0] =	vst.idx.add.f32.msk $0xffff, v2  }
0xa7: {  	v1 =	vld [tilespmem:s12+$0x2040]  }
0xa8: {  	v2 =	vld [tilespmem:s12+$0x2840];
	_ =	sdelay $0x3  }
0xa9: {  	v1 =	vmul.f32 $1.442695020e+00, v1;
	_ =	sdelay $0x1  }
0xaa: {  	(erf) = vpow2.f32 v1;
	_ =	sdelay $0x5  }
.Ltmp3:
0xab: {  	(pc) =	sbr.rel @p0 .LBB2_9-.Ltmp3, $3  }
0xac: {  	_ =	sdelay $0x1  }
0xad: {  	v1 =	vpop (erf)  }
0xae: {  	s12 =	sshra.s32 s13, $0x2;
	s13 =	sadd.s32 $0x140, s13;
	[tilespmem:v2+s10+$0x0] =	vst.idx.add.f32.msk $0xffff, v1  }
0xaf: {  	v1 =	vld [tilespmem:s12+$0x2000];
	_ =	sdelay $0x4  }
0xb0: {  	v1 =	vmul.f32 $1.442695020e+00, v1;
	_ =	sdelay $0x1  }
0xb1: {  	(erf) = vpow2.f32 v1;
	_ =	sdelay $0x1  }
0xb2: {  	v1 =	vld [tilespmem:s12+$0x2800];
	_ =	sdelay $0x6  }
0xb3: {  	v2 =	vpop (erf)  }
0xb4: {  	[tilespmem:v1+s10+$0x0] =	vst.idx.add.f32.msk $0xffff, v2  }
0xb5: {  	v1 =	vld [tilespmem:s12+$0x2010];
	_ =	sdelay $0x4  }
0xb6: {  	v1 =	vmul.f32 $1.442695020e+00, v1;
	_ =	sdelay $0x1  }
0xb7: {  	(erf) = vpow2.f32 v1;
	_ =	sdelay $0x1  }
0xb8: {  	v1 =	vld [tilespmem:s12+$0x2810];
	_ =	sdelay $0x6  }
0xb9: {  	v2 =	vpop (erf)  }
0xba: {  	[tilespmem:v1+s10+$0x0] =	vst.idx.add.f32.msk $0xffff, v2  }
0xbb: {  	v1 =	vld [tilespmem:s12+$0x2020];
	_ =	sdelay $0x4  }
0xbc: {  	v1 =	vmul.f32 $1.442695020e+00, v1;
	_ =	sdelay $0x1  }
0xbd: {  	(erf) = vpow2.f32 v1;
	_ =	sdelay $0x1  }
0xbe: {  	v1 =	vld [tilespmem:s12+$0x2820];
	_ =	sdelay $0x6  }
0xbf: {  	v2 =	vpop (erf)  }
0xc0: {  	[tilespmem:v1+s10+$0x0] =	vst.idx.add.f32.msk $0xffff, v2  }
0xc1: {  	v1 =	vld [tilespmem:s12+$0x2030];
	_ =	sdelay $0x4  }
0xc2: {  	v1 =	vmul.f32 $1.442695020e+00, v1;
	_ =	sdelay $0x1  }
0xc3: {  	(erf) = vpow2.f32 v1;
	_ =	sdelay $0x1  }
0xc4: {  	v1 =	vld [tilespmem:s12+$0x2830];
	_ =	sdelay $0x6  }
0xc5: {  	v2 =	vpop (erf)  }
0xc6: {  	[tilespmem:v1+s10+$0x0] =	vst.idx.add.f32.msk $0xffff, v2  }
0xc7: {  	v1 =	vld [tilespmem:s12+$0x2040];
	_ =	sdelay $0x4  }
0xc8: {  	v1 =	vmul.f32 $1.442695020e+00, v1;
	_ =	sdelay $0x1  }
0xc9: {  	(erf) = vpow2.f32 v1;
	_ =	sdelay $0x1  }
0xca: {  	v1 =	vld [tilespmem:s12+$0x2840];
	_ =	sdelay $0x4  }
0xcb: {  	s14 =	rddreg [dreg:$0xd]  }
0xcc: {  	s12 =	sadd.s32 s5, s14  }
0xcd: {  	s12 =	sshrl.u32 s12, $0x3;
	v2 =	vpop (erf)  }
0xce: {  	s14 =	simm.s32 $0x0;
	s13 =	sadd.s32 s1, s12;
	[tilespmem:v1+s10+$0x0] =	vst.idx.add.f32.msk $0xffff, v2  }
0xcf: {  	[tilespmem:s25], [sflag:$0x5] =	stream.linear.gather [hbm4b:s13+s14], $0x7D0, $0x38;
	[tilespmem:$0x1D080] =	vst v63  }
0xd0: {  	s12 =	sadd.s32 s2, s12  }
0xd1: {  	[tilespmem:s29], [sflag:$0x6] =	stream.linear.gather [hbm4b:s12+s14], $0x7D0, $0x38;
	[tilespmem:$0x1D080] =	vst v63  }
0xd2: {  	_ =	swait.ge [sflag:s11], $0x7D0  }
0xd3: {  	[sflag:s11] =	ssyncset.done $0x0  }
0xd4: {  	[sflag:s11] =	ssyncadd.s32 $0xFFFFF830  }
0xd5: {  	_ =	swait.ge [sflag:s22], $0x7D0  }
0xd6: {  	[sflag:s22] =	ssyncset.done $0x0  }
0xd7: {  	s12 =	simm.s32 $0x0;
	[sflag:s22] =	ssyncadd.s32 $0xFFFFF830  }
0xd8: {  	v1 =	vld [tilespmem:s12+$0x800]  }
0xd9: {  	v2 =	vld [tilespmem:s12+$0x810]  }
0xda: {  	v3 =	vld [tilespmem:s12+$0x820]  }
0xdb: {  	s13 =	simm.s32 $0x140;
	v4 =	vld [tilespmem:s12+$0x830]  }
.LBB2_11:
0xdc: {  	p0 =	sne.s32 s13, $0x1E00;
	v5 =	vld [tilespmem:s12+$0x840]  }
0xdd: {  	v1 =	vmul.f32 $1.442695020e+00, v1  }
0xde: {  	v2 =	vmul.f32 $1.442695020e+00, v2  }
0xdf: {  	v3 =	vmul.f32 $1.442695020e+00, v3;
	(erf) = vpow2.f32 v1  }
0xe0: {  	v1 =	vmul.f32 $1.442695020e+00, v4;
	(erf) = vpow2.f32 v2  }
0xe1: {  	v2 =	vmul.f32 $1.442695020e+00, v5;
	(erf) = vpow2.f32 v3  }
0xe2: {  	(erf) = vpow2.f32 v1  }
0xe3: {  	(erf) = vpow2.f32 v2;
	_ =	sdelay $0x4  }
0xe4: {  	v1 =	vpop (erf)  }
.Ltmp4:
0xe5: {  	s14 =	sshra.s32 s13, $0x2;
	[tilespmem:s12+$0x800] =	vst v1;
	v2 =	vpop (erf);
	(pc) =	sbr.rel @p0 .LBB2_11-.Ltmp4, $4  }
0xe6: {  	v1 =	vld [tilespmem:s14+$0x800];
	[tilespmem:s12+$0x810] =	vst v2;
	v3 =	vpop (erf)  }
0xe7: {  	v2 =	vld [tilespmem:s14+$0x810];
	[tilespmem:s12+$0x820] =	vst v3;
	v4 =	vpop (erf)  }
0xe8: {  	v3 =	vld [tilespmem:s14+$0x820];
	[tilespmem:s12+$0x830] =	vst v4;
	v5 =	vpop (erf)  }
0xe9: {  	s13 =	sadd.s32 $0x140, s13;
	v4 =	vld [tilespmem:s14+$0x830];
	[tilespmem:s12+$0x840] =	vst v5;
	s12 =	smov.u32 s14  }
0xea: {  	v5 =	vld [tilespmem:s12+$0x840]  }
0xeb: {  	v1 =	vmul.f32 $1.442695020e+00, v1  }
0xec: {  	v2 =	vmul.f32 $1.442695020e+00, v2  }
0xed: {  	v3 =	vmul.f32 $1.442695020e+00, v3;
	(erf) = vpow2.f32 v1  }
0xee: {  	v1 =	vmul.f32 $1.442695020e+00, v4;
	(erf) = vpow2.f32 v2  }
0xef: {  	v2 =	vmul.f32 $1.442695020e+00, v5;
	(erf) = vpow2.f32 v3  }
0xf0: {  	(erf) = vpow2.f32 v1  }
0xf1: {  	(erf) = vpow2.f32 v2;
	_ =	sdelay $0x4  }
0xf2: {  	v1 =	vpop (erf)  }
0xf3: {  	[tilespmem:s12+$0x800] =	vst v1;
	v1 =	vpop (erf)  }
0xf4: {  	[tilespmem:s12+$0x810] =	vst v1;
	v1 =	vpop (erf)  }
0xf5: {  	[tilespmem:s12+$0x820] =	vst v1;
	v1 =	vpop (erf)  }
0xf6: {  	[tilespmem:s12+$0x830] =	vst v1;
	v1 =	vpop (erf)  }
0xf7: {  	[tilespmem:s12+$0x840] =	vst v1  }
0xf8: {  	[spmem:s4] =	stream.indirect.scatter.add.f32 [tilespmem:s3], [sflag:$0x8], $0x1, s7, s0, $0xb8;
	[tilespmem:$0x1D080] =	vst v63  }
0xf9: {  	s14 =	sadd.s32 s5, s15;
	_ =	swait.ge [sflag:s23], $0x7D0  }
0xfa: {  	s12 =	sshrl.u32 s14, $0x3;
	[sflag:s23] =	ssyncset.done $0x0  }
0xfb: {  	s14 =	simm.s32 $0x0;
	s13 =	sadd.s32 s1, s12;
	[sflag:s23] =	ssyncadd.s32 $0xFFFFF830  }
0xfc: {  	[tilespmem:s14], [sflag:$0x1] =	stream.linear.gather [hbm4b:s13+s14], $0x7D0, $0x38;
	[tilespmem:$0x1D080] =	vst v63  }
0xfd: {  	s12 =	sadd.s32 s2, s12  }
0xfe: {  	[tilespmem:s28], [sflag:$0x3] =	stream.linear.gather [hbm4b:s12+s14], $0x7D0, $0x38;
	[tilespmem:$0x1D080] =	vst v63  }
0xff: {  	_ =	swait.ge [sflag:s8], $0x7D0  }
0x100: {  	[sflag:s8] =	ssyncset.done $0x0  }
0x101: {  	[sflag:s8] =	ssyncadd.s32 $0xFFFFF830  }
0x102: {  	_ =	swait.ge [sflag:s9], $0x7D0  }
0x103: {  	[sflag:s9] =	ssyncset.done $0x0  }
0x104: {  	s13 =	simm.s32 $0x140;
	s12 =	simm.s32 $0x0;
	[sflag:s9] =	ssyncadd.s32 $0xFFFFF830  }
.LBB2_13:
0x105: {  	p0 =	sne.s32 s13, $0x1E00;
	v1 =	vld [tilespmem:s12+$0x2000]  }
0x106: {  	v2 =	vld [tilespmem:s12+$0x2800];
	_ =	sdelay $0x3  }
0x107: {  	v1 =	vmul.f32 $1.442695020e+00, v1;
	_ =	sdelay $0x1  }
0x108: {  	(erf) = vpow2.f32 v1;
	_ =	sdelay $0x8  }
0x109: {  	v1 =	vpop (erf)  }
0x10a: {  	[tilespmem:v2+s10+$0x0] =	vst.idx.add.f32.msk $0xffff, v1  }
0x10b: {  	v1 =	vld [tilespmem:s12+$0x2010];
	_ =	sdelay $0x4  }
0x10c: {  	v1 =	vmul.f32 $1.442695020e+00, v1;
	_ =	sdelay $0x1  }
0x10d: {  	(erf) = vpow2.f32 v1;
	_ =	sdelay $0x1  }
0x10e: {  	v1 =	vld [tilespmem:s12+$0x2810];
	_ =	sdelay $0x6  }
0x10f: {  	v2 =	vpop (erf)  }
0x110: {  	[tilespmem:v1+s10+$0x0] =	vst.idx.add.f32.msk $0xffff, v2  }
0x111: {  	v1 =	vld [tilespmem:s12+$0x2020];
	_ =	sdelay $0x4  }
0x112: {  	v1 =	vmul.f32 $1.442695020e+00, v1;
	_ =	sdelay $0x1  }
0x113: {  	(erf) = vpow2.f32 v1;
	_ =	sdelay $0x1  }
0x114: {  	v1 =	vld [tilespmem:s12+$0x2820];
	_ =	sdelay $0x6  }
0x115: {  	v2 =	vpop (erf)  }
0x116: {  	[tilespmem:v1+s10+$0x0] =	vst.idx.add.f32.msk $0xffff, v2  }
0x117: {  	v1 =	vld [tilespmem:s12+$0x2030];
	_ =	sdelay $0x4  }
0x118: {  	v1 =	vmul.f32 $1.442695020e+00, v1;
	_ =	sdelay $0x1  }
0x119: {  	(erf) = vpow2.f32 v1;
	_ =	sdelay $0x1  }
0x11a: {  	v1 =	vld [tilespmem:s12+$0x2830];
	_ =	sdelay $0x6  }
0x11b: {  	v2 =	vpop (erf)  }
0x11c: {  	[tilespmem:v1+s10+$0x0] =	vst.idx.add.f32.msk $0xffff, v2  }
0x11d: {  	v1 =	vld [tilespmem:s12+$0x2040]  }
0x11e: {  	v2 =	vld [tilespmem:s12+$0x2840];
	_ =	sdelay $0x3  }
0x11f: {  	v1 =	vmul.f32 $1.442695020e+00, v1;
	_ =	sdelay $0x1  }
0x120: {  	(erf) = vpow2.f32 v1;
	_ =	sdelay $0x5  }
.Ltmp5:
0x121: {  	(pc) =	sbr.rel @p0 .LBB2_13-.Ltmp5, $3  }
0x122: {  	_ =	sdelay $0x1  }
0x123: {  	v1 =	vpop (erf)  }
0x124: {  	s12 =	sshra.s32 s13, $0x2;
	s13 =	sadd.s32 $0x140, s13;
	[tilespmem:v2+s10+$0x0] =	vst.idx.add.f32.msk $0xffff, v1  }
0x125: {  	v1 =	vld [tilespmem:s12+$0x2000];
	_ =	sdelay $0x4  }
0x126: {  	v1 =	vmul.f32 $1.442695020e+00, v1;
	_ =	sdelay $0x1  }
0x127: {  	(erf) = vpow2.f32 v1;
	_ =	sdelay $0x1  }
0x128: {  	v1 =	vld [tilespmem:s12+$0x2800];
	_ =	sdelay $0x6  }
0x129: {  	v2 =	vpop (erf)  }
0x12a: {  	[tilespmem:v1+s10+$0x0] =	vst.idx.add.f32.msk $0xffff, v2  }
0x12b: {  	v1 =	vld [tilespmem:s12+$0x2010];
	_ =	sdelay $0x4  }
0x12c: {  	v1 =	vmul.f32 $1.442695020e+00, v1;
	_ =	sdelay $0x1  }
0x12d: {  	(erf) = vpow2.f32 v1;
	_ =	sdelay $0x1  }
0x12e: {  	v1 =	vld [tilespmem:s12+$0x2810];
	_ =	sdelay $0x6  }
0x12f: {  	v2 =	vpop (erf)  }
0x130: {  	[tilespmem:v1+s10+$0x0] =	vst.idx.add.f32.msk $0xffff, v2  }
0x131: {  	v1 =	vld [tilespmem:s12+$0x2020];
	_ =	sdelay $0x4  }
0x132: {  	v1 =	vmul.f32 $1.442695020e+00, v1;
	_ =	sdelay $0x1  }
0x133: {  	(erf) = vpow2.f32 v1;
	_ =	sdelay $0x1  }
0x134: {  	v1 =	vld [tilespmem:s12+$0x2820];
	_ =	sdelay $0x6  }
0x135: {  	v2 =	vpop (erf)  }
0x136: {  	[tilespmem:v1+s10+$0x0] =	vst.idx.add.f32.msk $0xffff, v2  }
0x137: {  	v1 =	vld [tilespmem:s12+$0x2030];
	_ =	sdelay $0x4  }
0x138: {  	v1 =	vmul.f32 $1.442695020e+00, v1;
	_ =	sdelay $0x1  }
0x139: {  	(erf) = vpow2.f32 v1;
	_ =	sdelay $0x1  }
0x13a: {  	v1 =	vld [tilespmem:s12+$0x2830];
	_ =	sdelay $0x6  }
0x13b: {  	v2 =	vpop (erf)  }
0x13c: {  	[tilespmem:v1+s10+$0x0] =	vst.idx.add.f32.msk $0xffff, v2  }
0x13d: {  	v1 =	vld [tilespmem:s12+$0x2040];
	_ =	sdelay $0x4  }
0x13e: {  	v1 =	vmul.f32 $1.442695020e+00, v1;
	_ =	sdelay $0x1  }
0x13f: {  	(erf) = vpow2.f32 v1;
	_ =	sdelay $0x1  }
0x140: {  	v1 =	vld [tilespmem:s12+$0x2840];
	_ =	sdelay $0x6  }
0x141: {  	v2 =	vpop (erf)  }
0x142: {  	[tilespmem:v1+s10+$0x0] =	vst.idx.add.f32.msk $0xffff, v2  }
0x143: {  	s14 =	sadd.s32 s5, s16;
	_ =	swait.ge [sflag:s24], $0x7D0  }
0x144: {  	s12 =	sshrl.u32 s14, $0x3;
	[sflag:s24] =	ssyncset.done $0x0  }
0x145: {  	s14 =	simm.s32 $0x0;
	s13 =	sadd.s32 s1, s12;
	[sflag:s24] =	ssyncadd.s32 $0xFFFFF830  }
0x146: {  	[tilespmem:s3], [sflag:$0x2] =	stream.linear.gather [hbm4b:s13+s14], $0x7D0, $0x38;
	[tilespmem:$0x1D080] =	vst v63  }
0x147: {  	s12 =	sadd.s32 s2, s12  }
0x148: {  	[tilespmem:s7], [sflag:$0x4] =	stream.linear.gather [hbm4b:s12+s14], $0x7D0, $0x38;
	[tilespmem:$0x1D080] =	vst v63  }
0x149: {  	_ =	swait.ge [sflag:s30], $0x7D0  }
0x14a: {  	[sflag:s30] =	ssyncset.done $0x0  }
0x14b: {  	[sflag:s30] =	ssyncadd.s32 $0xFFFFF830  }
0x14c: {  	_ =	swait.ge [sflag:s31], $0x7D0  }
0x14d: {  	[sflag:s31] =	ssyncset.done $0x0  }
0x14e: {  	s12 =	simm.s32 $0x0;
	[sflag:s31] =	ssyncadd.s32 $0xFFFFF830  }
0x14f: {  	v1 =	vld [tilespmem:s12+$0x0]  }
0x150: {  	v2 =	vld [tilespmem:s12+$0x10]  }
0x151: {  	v3 =	vld [tilespmem:s12+$0x20]  }
0x152: {  	s13 =	simm.s32 $0x140;
	v4 =	vld [tilespmem:s12+$0x30]  }
.LBB2_15:
0x153: {  	p0 =	sne.s32 s13, $0x1E00;
	v5 =	vld [tilespmem:s12+$0x40]  }
0x154: {  	v1 =	vmul.f32 $1.442695020e+00, v1  }
0x155: {  	v2 =	vmul.f32 $1.442695020e+00, v2  }
0x156: {  	v3 =	vmul.f32 $1.442695020e+00, v3;
	(erf) = vpow2.f32 v1  }
0x157: {  	v1 =	vmul.f32 $1.442695020e+00, v4;
	(erf) = vpow2.f32 v2  }
0x158: {  	v2 =	vmul.f32 $1.442695020e+00, v5;
	(erf) = vpow2.f32 v3  }
0x159: {  	(erf) = vpow2.f32 v1  }
0x15a: {  	(erf) = vpow2.f32 v2;
	_ =	sdelay $0x4  }
0x15b: {  	v1 =	vpop (erf)  }
.Ltmp6:
0x15c: {  	s14 =	sshra.s32 s13, $0x2;
	[tilespmem:s12+$0x0] =	vst v1;
	v2 =	vpop (erf);
	(pc) =	sbr.rel @p0 .LBB2_15-.Ltmp6, $4  }
0x15d: {  	v1 =	vld [tilespmem:s14+$0x0];
	[tilespmem:s12+$0x10] =	vst v2;
	v3 =	vpop (erf)  }
0x15e: {  	v2 =	vld [tilespmem:s14+$0x10];
	[tilespmem:s12+$0x20] =	vst v3;
	v4 =	vpop (erf)  }
0x15f: {  	v3 =	vld [tilespmem:s14+$0x20];
	[tilespmem:s12+$0x30] =	vst v4;
	v5 =	vpop (erf)  }
0x160: {  	s13 =	sadd.s32 $0x140, s13;
	v4 =	vld [tilespmem:s14+$0x30];
	[tilespmem:s12+$0x40] =	vst v5;
	s12 =	smov.u32 s14  }
0x161: {  	v5 =	vld [tilespmem:s12+$0x40]  }
0x162: {  	v1 =	vmul.f32 $1.442695020e+00, v1  }
0x163: {  	v2 =	vmul.f32 $1.442695020e+00, v2  }
0x164: {  	v3 =	vmul.f32 $1.442695020e+00, v3;
	(erf) = vpow2.f32 v1  }
0x165: {  	v1 =	vmul.f32 $1.442695020e+00, v4;
	(erf) = vpow2.f32 v2  }
0x166: {  	v2 =	vmul.f32 $1.442695020e+00, v5;
	(erf) = vpow2.f32 v3  }
0x167: {  	(erf) = vpow2.f32 v1  }
0x168: {  	(erf) = vpow2.f32 v2;
	_ =	sdelay $0x4  }
0x169: {  	v1 =	vpop (erf)  }
0x16a: {  	[tilespmem:s12+$0x0] =	vst v1;
	v1 =	vpop (erf)  }
0x16b: {  	[tilespmem:s12+$0x10] =	vst v1;
	v1 =	vpop (erf)  }
0x16c: {  	[tilespmem:s12+$0x20] =	vst v1;
	v1 =	vpop (erf)  }
0x16d: {  	s13 =	sadd.s32 s5, s17;
	[tilespmem:s12+$0x30] =	vst v1;
	v1 =	vpop (erf)  }
0x16e: {  	s13 =	sshrl.u32 s13, $0x3;
	[tilespmem:s12+$0x40] =	vst v1;
	s12 =	simm.s32 $0x0  }
0x16f: {  	[spmem:s4] =	stream.indirect.scatter.add.f32 [tilespmem:s12], [sflag:$0x7], $0x1, s28, s0, $0xb8;
	[tilespmem:$0x1D080] =	vst v63  }
0x170: {  	s14 =	sadd.s32 s1, s13  }
0x171: {  	[tilespmem:s25], [sflag:$0x5] =	stream.linear.gather [hbm4b:s14+s12], $0x7D0, $0x38;
	[tilespmem:$0x1D080] =	vst v63  }
0x172: {  	s13 =	sadd.s32 s2, s13  }
0x173: {  	[tilespmem:s29], [sflag:$0x6] =	stream.linear.gather [hbm4b:s13+s12], $0x7D0, $0x38;
	[tilespmem:$0x1D080] =	vst v63  }
0x174: {  	_ =	swait.ge [sflag:s11], $0x7D0  }
0x175: {  	[sflag:s11] =	ssyncset.done $0x0  }
0x176: {  	[sflag:s11] =	ssyncadd.s32 $0xFFFFF830  }
0x177: {  	_ =	swait.ge [sflag:s22], $0x7D0  }
0x178: {  	[sflag:s22] =	ssyncset.done $0x0  }
0x179: {  	s12 =	simm.s32 $0x0;
	[sflag:s22] =	ssyncadd.s32 $0xFFFFF830  }
0x17a: {  	v1 =	vld [tilespmem:s12+$0x800]  }
0x17b: {  	v2 =	vld [tilespmem:s12+$0x810]  }
0x17c: {  	v3 =	vld [tilespmem:s12+$0x820]  }
0x17d: {  	s13 =	simm.s32 $0x140;
	v4 =	vld [tilespmem:s12+$0x830]  }
.LBB2_17:
0x17e: {  	p0 =	sne.s32 s13, $0x1E00;
	v5 =	vld [tilespmem:s12+$0x840]  }
0x17f: {  	v1 =	vmul.f32 $1.442695020e+00, v1  }
0x180: {  	v2 =	vmul.f32 $1.442695020e+00, v2  }
0x181: {  	v3 =	vmul.f32 $1.442695020e+00, v3;
	(erf) = vpow2.f32 v1  }
0x182: {  	v1 =	vmul.f32 $1.442695020e+00, v4;
	(erf) = vpow2.f32 v2  }
0x183: {  	v2 =	vmul.f32 $1.442695020e+00, v5;
	(erf) = vpow2.f32 v3  }
0x184: {  	(erf) = vpow2.f32 v1  }
0x185: {  	(erf) = vpow2.f32 v2;
	_ =	sdelay $0x4  }
0x186: {  	v1 =	vpop (erf)  }
.Ltmp7:
0x187: {  	s14 =	sshra.s32 s13, $0x2;
	[tilespmem:s12+$0x800] =	vst v1;
	v2 =	vpop (erf);
	(pc) =	sbr.rel @p0 .LBB2_17-.Ltmp7, $4  }
0x188: {  	v1 =	vld [tilespmem:s14+$0x800];
	[tilespmem:s12+$0x810] =	vst v2;
	v3 =	vpop (erf)  }
0x189: {  	v2 =	vld [tilespmem:s14+$0x810];
	[tilespmem:s12+$0x820] =	vst v3;
	v4 =	vpop (erf)  }
0x18a: {  	v3 =	vld [tilespmem:s14+$0x820];
	[tilespmem:s12+$0x830] =	vst v4;
	v5 =	vpop (erf)  }
0x18b: {  	s13 =	sadd.s32 $0x140, s13;
	v4 =	vld [tilespmem:s14+$0x830];
	[tilespmem:s12+$0x840] =	vst v5;
	s12 =	smov.u32 s14  }
0x18c: {  	v5 =	vld [tilespmem:s12+$0x840]  }
0x18d: {  	v1 =	vmul.f32 $1.442695020e+00, v1  }
0x18e: {  	v2 =	vmul.f32 $1.442695020e+00, v2  }
0x18f: {  	v3 =	vmul.f32 $1.442695020e+00, v3;
	(erf) = vpow2.f32 v1  }
0x190: {  	v1 =	vmul.f32 $1.442695020e+00, v4;
	(erf) = vpow2.f32 v2  }
0x191: {  	v2 =	vmul.f32 $1.442695020e+00, v5;
	(erf) = vpow2.f32 v3  }
0x192: {  	(erf) = vpow2.f32 v1  }
0x193: {  	(erf) = vpow2.f32 v2;
	_ =	sdelay $0x4  }
0x194: {  	v1 =	vpop (erf)  }
0x195: {  	[tilespmem:s12+$0x800] =	vst v1;
	v1 =	vpop (erf)  }
0x196: {  	[tilespmem:s12+$0x810] =	vst v1;
	v1 =	vpop (erf)  }
0x197: {  	[tilespmem:s12+$0x820] =	vst v1;
	v1 =	vpop (erf)  }
0x198: {  	[tilespmem:s12+$0x830] =	vst v1;
	v1 =	vpop (erf)  }
0x199: {  	[tilespmem:s12+$0x840] =	vst v1  }
0x19a: {  	[spmem:s4] =	stream.indirect.scatter.add.f32 [tilespmem:s3], [sflag:$0x8], $0x1, s7, s0, $0xb8;
	[tilespmem:$0x1D080] =	vst v63  }
0x19b: {  	s14 =	sadd.s32 s5, s18;
	_ =	swait.ge [sflag:s23], $0x7D0  }
0x19c: {  	s12 =	sshrl.u32 s14, $0x3;
	[sflag:s23] =	ssyncset.done $0x0  }
0x19d: {  	s14 =	simm.s32 $0x0;
	s13 =	sadd.s32 s1, s12;
	[sflag:s23] =	ssyncadd.s32 $0xFFFFF830  }
0x19e: {  	[tilespmem:s14], [sflag:$0x1] =	stream.linear.gather [hbm4b:s13+s14], $0x7D0, $0x38;
	[tilespmem:$0x1D080] =	vst v63  }
0x19f: {  	s12 =	sadd.s32 s2, s12  }
0x1a0: {  	[tilespmem:s28], [sflag:$0x3] =	stream.linear.gather [hbm4b:s12+s14], $0x7D0, $0x38;
	[tilespmem:$0x1D080] =	vst v63  }
0x1a1: {  	_ =	swait.ge [sflag:s8], $0x7D0  }
0x1a2: {  	[sflag:s8] =	ssyncset.done $0x0  }
0x1a3: {  	[sflag:s8] =	ssyncadd.s32 $0xFFFFF830  }
0x1a4: {  	_ =	swait.ge [sflag:s9], $0x7D0  }
0x1a5: {  	[sflag:s9] =	ssyncset.done $0x0  }
0x1a6: {  	s13 =	simm.s32 $0x140;
	s12 =	simm.s32 $0x0;
	[sflag:s9] =	ssyncadd.s32 $0xFFFFF830  }
.LBB2_19:
0x1a7: {  	p0 =	sne.s32 s13, $0x1E00;
	v1 =	vld [tilespmem:s12+$0x2000]  }
0x1a8: {  	v2 =	vld [tilespmem:s12+$0x2800];
	_ =	sdelay $0x3  }
0x1a9: {  	v1 =	vmul.f32 $1.442695020e+00, v1;
	_ =	sdelay $0x1  }
0x1aa: {  	(erf) = vpow2.f32 v1;
	_ =	sdelay $0x8  }
0x1ab: {  	v1 =	vpop (erf)  }
0x1ac: {  	[tilespmem:v2+s10+$0x0] =	vst.idx.add.f32.msk $0xffff, v1  }
0x1ad: {  	v1 =	vld [tilespmem:s12+$0x2010];
	_ =	sdelay $0x4  }
0x1ae: {  	v1 =	vmul.f32 $1.442695020e+00, v1;
	_ =	sdelay $0x1  }
0x1af: {  	(erf) = vpow2.f32 v1;
	_ =	sdelay $0x1  }
0x1b0: {  	v1 =	vld [tilespmem:s12+$0x2810];
	_ =	sdelay $0x6  }
0x1b1: {  	v2 =	vpop (erf)  }
0x1b2: {  	[tilespmem:v1+s10+$0x0] =	vst.idx.add.f32.msk $0xffff, v2  }
0x1b3: {  	v1 =	vld [tilespmem:s12+$0x2020];
	_ =	sdelay $0x4  }
0x1b4: {  	v1 =	vmul.f32 $1.442695020e+00, v1;
	_ =	sdelay $0x1  }
0x1b5: {  	(erf) = vpow2.f32 v1;
	_ =	sdelay $0x1  }
0x1b6: {  	v1 =	vld [tilespmem:s12+$0x2820];
	_ =	sdelay $0x6  }
0x1b7: {  	v2 =	vpop (erf)  }
0x1b8: {  	[tilespmem:v1+s10+$0x0] =	vst.idx.add.f32.msk $0xffff, v2  }
0x1b9: {  	v1 =	vld [tilespmem:s12+$0x2030];
	_ =	sdelay $0x4  }
0x1ba: {  	v1 =	vmul.f32 $1.442695020e+00, v1;
	_ =	sdelay $0x1  }
0x1bb: {  	(erf) = vpow2.f32 v1;
	_ =	sdelay $0x1  }
0x1bc: {  	v1 =	vld [tilespmem:s12+$0x2830];
	_ =	sdelay $0x6  }
0x1bd: {  	v2 =	vpop (erf)  }
0x1be: {  	[tilespmem:v1+s10+$0x0] =	vst.idx.add.f32.msk $0xffff, v2  }
0x1bf: {  	v1 =	vld [tilespmem:s12+$0x2040]  }
0x1c0: {  	v2 =	vld [tilespmem:s12+$0x2840];
	_ =	sdelay $0x3  }
0x1c1: {  	v1 =	vmul.f32 $1.442695020e+00, v1;
	_ =	sdelay $0x1  }
0x1c2: {  	(erf) = vpow2.f32 v1;
	_ =	sdelay $0x5  }
.Ltmp8:
0x1c3: {  	(pc) =	sbr.rel @p0 .LBB2_19-.Ltmp8, $3  }
0x1c4: {  	_ =	sdelay $0x1  }
0x1c5: {  	v1 =	vpop (erf)  }
0x1c6: {  	s12 =	sshra.s32 s13, $0x2;
	s13 =	sadd.s32 $0x140, s13;
	[tilespmem:v2+s10+$0x0] =	vst.idx.add.f32.msk $0xffff, v1  }
0x1c7: {  	v1 =	vld [tilespmem:s12+$0x2000];
	_ =	sdelay $0x4  }
0x1c8: {  	v1 =	vmul.f32 $1.442695020e+00, v1;
	_ =	sdelay $0x1  }
0x1c9: {  	(erf) = vpow2.f32 v1;
	_ =	sdelay $0x1  }
0x1ca: {  	v1 =	vld [tilespmem:s12+$0x2800];
	_ =	sdelay $0x6  }
0x1cb: {  	v2 =	vpop (erf)  }
0x1cc: {  	[tilespmem:v1+s10+$0x0] =	vst.idx.add.f32.msk $0xffff, v2  }
0x1cd: {  	v1 =	vld [tilespmem:s12+$0x2010];
	_ =	sdelay $0x4  }
0x1ce: {  	v1 =	vmul.f32 $1.442695020e+00, v1;
	_ =	sdelay $0x1  }
0x1cf: {  	(erf) = vpow2.f32 v1;
	_ =	sdelay $0x1  }
0x1d0: {  	v1 =	vld [tilespmem:s12+$0x2810];
	_ =	sdelay $0x6  }
0x1d1: {  	v2 =	vpop (erf)  }
0x1d2: {  	[tilespmem:v1+s10+$0x0] =	vst.idx.add.f32.msk $0xffff, v2  }
0x1d3: {  	v1 =	vld [tilespmem:s12+$0x2020];
	_ =	sdelay $0x4  }
0x1d4: {  	v1 =	vmul.f32 $1.442695020e+00, v1;
	_ =	sdelay $0x1  }
0x1d5: {  	(erf) = vpow2.f32 v1;
	_ =	sdelay $0x1  }
0x1d6: {  	v1 =	vld [tilespmem:s12+$0x2820];
	_ =	sdelay $0x6  }
0x1d7: {  	v2 =	vpop (erf)  }
0x1d8: {  	[tilespmem:v1+s10+$0x0] =	vst.idx.add.f32.msk $0xffff, v2  }
0x1d9: {  	v1 =	vld [tilespmem:s12+$0x2030];
	_ =	sdelay $0x4  }
0x1da: {  	v1 =	vmul.f32 $1.442695020e+00, v1;
	_ =	sdelay $0x1  }
0x1db: {  	(erf) = vpow2.f32 v1;
	_ =	sdelay $0x1  }
0x1dc: {  	v1 =	vld [tilespmem:s12+$0x2830];
	_ =	sdelay $0x6  }
0x1dd: {  	v2 =	vpop (erf)  }
0x1de: {  	[tilespmem:v1+s10+$0x0] =	vst.idx.add.f32.msk $0xffff, v2  }
0x1df: {  	v1 =	vld [tilespmem:s12+$0x2040];
	_ =	sdelay $0x4  }
0x1e0: {  	v1 =	vmul.f32 $1.442695020e+00, v1;
	_ =	sdelay $0x1  }
0x1e1: {  	(erf) = vpow2.f32 v1;
	_ =	sdelay $0x1  }
0x1e2: {  	v1 =	vld [tilespmem:s12+$0x2840];
	_ =	sdelay $0x5  }
0x1e3: {  	s14 =	sadd.s32 s5, s19  }
0x1e4: {  	s12 =	sshrl.u32 s14, $0x3;
	v2 =	vpop (erf)  }
0x1e5: {  	s14 =	simm.s32 $0x0;
	s13 =	sadd.s32 s1, s12;
	[tilespmem:v1+s10+$0x0] =	vst.idx.add.f32.msk $0xffff, v2  }
0x1e6: {  	[tilespmem:s25], [sflag:$0x5] =	stream.linear.gather [hbm4b:s13+s14], $0x7D0, $0x38;
	[tilespmem:$0x1D080] =	vst v63  }
0x1e7: {  	s12 =	sadd.s32 s2, s12  }
0x1e8: {  	[tilespmem:s29], [sflag:$0x6] =	stream.linear.gather [hbm4b:s12+s14], $0x7D0, $0x38;
	[tilespmem:$0x1D080] =	vst v63  }
0x1e9: {  	_ =	swait.ge [sflag:s30], $0x7D0  }
0x1ea: {  	[sflag:s30] =	ssyncset.done $0x0  }
0x1eb: {  	[sflag:s30] =	ssyncadd.s32 $0xFFFFF830  }
0x1ec: {  	_ =	swait.ge [sflag:s31], $0x7D0  }
0x1ed: {  	[sflag:s31] =	ssyncset.done $0x0  }
0x1ee: {  	s12 =	simm.s32 $0x0;
	[sflag:s31] =	ssyncadd.s32 $0xFFFFF830  }
0x1ef: {  	v1 =	vld [tilespmem:s12+$0x0]  }
0x1f0: {  	v2 =	vld [tilespmem:s12+$0x10]  }
0x1f1: {  	v3 =	vld [tilespmem:s12+$0x20]  }
0x1f2: {  	s13 =	simm.s32 $0x140;
	v4 =	vld [tilespmem:s12+$0x30]  }
.LBB2_21:
0x1f3: {  	p0 =	sne.s32 s13, $0x1E00;
	v5 =	vld [tilespmem:s12+$0x40]  }
0x1f4: {  	v1 =	vmul.f32 $1.442695020e+00, v1  }
0x1f5: {  	v2 =	vmul.f32 $1.442695020e+00, v2  }
0x1f6: {  	v3 =	vmul.f32 $1.442695020e+00, v3;
	(erf) = vpow2.f32 v1  }
0x1f7: {  	v1 =	vmul.f32 $1.442695020e+00, v4;
	(erf) = vpow2.f32 v2  }
0x1f8: {  	v2 =	vmul.f32 $1.442695020e+00, v5;
	(erf) = vpow2.f32 v3  }
0x1f9: {  	(erf) = vpow2.f32 v1  }
0x1fa: {  	(erf) = vpow2.f32 v2;
	_ =	sdelay $0x4  }
0x1fb: {  	v1 =	vpop (erf)  }
.Ltmp9:
0x1fc: {  	s14 =	sshra.s32 s13, $0x2;
	[tilespmem:s12+$0x0] =	vst v1;
	v2 =	vpop (erf);
	(pc) =	sbr.rel @p0 .LBB2_21-.Ltmp9, $4  }
0x1fd: {  	v1 =	vld [tilespmem:s14+$0x0];
	[tilespmem:s12+$0x10] =	vst v2;
	v3 =	vpop (erf)  }
0x1fe: {  	v2 =	vld [tilespmem:s14+$0x10];
	[tilespmem:s12+$0x20] =	vst v3;
	v4 =	vpop (erf)  }
0x1ff: {  	v3 =	vld [tilespmem:s14+$0x20];
	[tilespmem:s12+$0x30] =	vst v4;
	v5 =	vpop (erf)  }
0x200: {  	s13 =	sadd.s32 $0x140, s13;
	v4 =	vld [tilespmem:s14+$0x30];
	[tilespmem:s12+$0x40] =	vst v5;
	s12 =	smov.u32 s14  }
0x201: {  	v5 =	vld [tilespmem:s12+$0x40]  }
0x202: {  	v1 =	vmul.f32 $1.442695020e+00, v1  }
0x203: {  	v2 =	vmul.f32 $1.442695020e+00, v2  }
0x204: {  	v3 =	vmul.f32 $1.442695020e+00, v3;
	(erf) = vpow2.f32 v1  }
0x205: {  	v1 =	vmul.f32 $1.442695020e+00, v4;
	(erf) = vpow2.f32 v2  }
0x206: {  	v2 =	vmul.f32 $1.442695020e+00, v5;
	(erf) = vpow2.f32 v3  }
0x207: {  	(erf) = vpow2.f32 v1  }
0x208: {  	(erf) = vpow2.f32 v2;
	_ =	sdelay $0x4  }
0x209: {  	v1 =	vpop (erf)  }
0x20a: {  	[tilespmem:s12+$0x0] =	vst v1;
	v1 =	vpop (erf)  }
0x20b: {  	[tilespmem:s12+$0x10] =	vst v1;
	v1 =	vpop (erf)  }
0x20c: {  	[tilespmem:s12+$0x20] =	vst v1;
	v1 =	vpop (erf)  }
0x20d: {  	[tilespmem:s12+$0x30] =	vst v1;
	v1 =	vpop (erf)  }
0x20e: {  	[tilespmem:s12+$0x40] =	vst v1;
	s12 =	simm.s32 $0x0  }
0x20f: {  	[spmem:s4] =	stream.indirect.scatter.add.f32 [tilespmem:s12], [sflag:$0x7], $0x1, s28, s0, $0xb8;
	[tilespmem:$0x1D080] =	vst v63  }
0x210: {  	s13 =	sadd.s32 s5, s20;
	_ =	swait.ge [sflag:s24], $0x7D0  }
0x211: {  	s13 =	sshrl.u32 s13, $0x3;
	[sflag:s24] =	ssyncset.done $0x0  }
0x212: {  	s14 =	sadd.s32 s1, s13;
	[sflag:s24] =	ssyncadd.s32 $0xFFFFF830  }
0x213: {  	[tilespmem:s3], [sflag:$0x2] =	stream.linear.gather [hbm4b:s14+s12], $0x7D0, $0x38;
	[tilespmem:$0x1D080] =	vst v63  }
0x214: {  	s13 =	sadd.s32 s2, s13  }
0x215: {  	[tilespmem:s7], [sflag:$0x4] =	stream.linear.gather [hbm4b:s13+s12], $0x7D0, $0x38;
	[tilespmem:$0x1D080] =	vst v63  }
0x216: {  	_ =	swait.ge [sflag:s8], $0x7D0  }
0x217: {  	[sflag:s8] =	ssyncset.done $0x0  }
0x218: {  	[sflag:s8] =	ssyncadd.s32 $0xFFFFF830  }
0x219: {  	_ =	swait.ge [sflag:s9], $0x7D0  }
0x21a: {  	[sflag:s9] =	ssyncset.done $0x0  }
0x21b: {  	s12 =	simm.s32 $0x0;
	s13 =	simm.s32 $0x140;
	[sflag:s9] =	ssyncadd.s32 $0xFFFFF830  }
.LBB2_23:
0x21c: {  	p0 =	sne.s32 s13, $0x1E00;
	v1 =	vld [tilespmem:s12+$0x2000]  }
0x21d: {  	v2 =	vld [tilespmem:s12+$0x2800];
	_ =	sdelay $0x3  }
0x21e: {  	v1 =	vmul.f32 $1.442695020e+00, v1;
	_ =	sdelay $0x1  }
0x21f: {  	(erf) = vpow2.f32 v1;
	_ =	sdelay $0x8  }
0x220: {  	v1 =	vpop (erf)  }
0x221: {  	[tilespmem:v2+s10+$0x0] =	vst.idx.add.f32.msk $0xffff, v1  }
0x222: {  	v1 =	vld [tilespmem:s12+$0x2010];
	_ =	sdelay $0x4  }
0x223: {  	v1 =	vmul.f32 $1.442695020e+00, v1;
	_ =	sdelay $0x1  }
0x224: {  	(erf) = vpow2.f32 v1;
	_ =	sdelay $0x1  }
0x225: {  	v1 =	vld [tilespmem:s12+$0x2810];
	_ =	sdelay $0x6  }
0x226: {  	v2 =	vpop (erf)  }
0x227: {  	[tilespmem:v1+s10+$0x0] =	vst.idx.add.f32.msk $0xffff, v2  }
0x228: {  	v1 =	vld [tilespmem:s12+$0x2020];
	_ =	sdelay $0x4  }
0x229: {  	v1 =	vmul.f32 $1.442695020e+00, v1;
	_ =	sdelay $0x1  }
0x22a: {  	(erf) = vpow2.f32 v1;
	_ =	sdelay $0x1  }
0x22b: {  	v1 =	vld [tilespmem:s12+$0x2820];
	_ =	sdelay $0x6  }
0x22c: {  	v2 =	vpop (erf)  }
0x22d: {  	[tilespmem:v1+s10+$0x0] =	vst.idx.add.f32.msk $0xffff, v2  }
0x22e: {  	v1 =	vld [tilespmem:s12+$0x2030];
	_ =	sdelay $0x4  }
0x22f: {  	v1 =	vmul.f32 $1.442695020e+00, v1;
	_ =	sdelay $0x1  }
0x230: {  	(erf) = vpow2.f32 v1;
	_ =	sdelay $0x1  }
0x231: {  	v1 =	vld [tilespmem:s12+$0x2830];
	_ =	sdelay $0x6  }
0x232: {  	v2 =	vpop (erf)  }
0x233: {  	[tilespmem:v1+s10+$0x0] =	vst.idx.add.f32.msk $0xffff, v2  }
0x234: {  	v1 =	vld [tilespmem:s12+$0x2040]  }
0x235: {  	v2 =	vld [tilespmem:s12+$0x2840];
	_ =	sdelay $0x3  }
0x236: {  	v1 =	vmul.f32 $1.442695020e+00, v1;
	_ =	sdelay $0x1  }
0x237: {  	(erf) = vpow2.f32 v1;
	_ =	sdelay $0x5  }
.Ltmp10:
0x238: {  	(pc) =	sbr.rel @p0 .LBB2_23-.Ltmp10, $3  }
0x239: {  	_ =	sdelay $0x1  }
0x23a: {  	v1 =	vpop (erf)  }
0x23b: {  	s12 =	sshra.s32 s13, $0x2;
	s13 =	sadd.s32 $0x140, s13;
	[tilespmem:v2+s10+$0x0] =	vst.idx.add.f32.msk $0xffff, v1  }
0x23c: {  	v1 =	vld [tilespmem:s12+$0x2000];
	_ =	sdelay $0x4  }
0x23d: {  	v1 =	vmul.f32 $1.442695020e+00, v1;
	_ =	sdelay $0x1  }
0x23e: {  	(erf) = vpow2.f32 v1;
	_ =	sdelay $0x1  }
0x23f: {  	v1 =	vld [tilespmem:s12+$0x2800];
	_ =	sdelay $0x6  }
0x240: {  	v2 =	vpop (erf)  }
0x241: {  	[tilespmem:v1+s10+$0x0] =	vst.idx.add.f32.msk $0xffff, v2  }
0x242: {  	v1 =	vld [tilespmem:s12+$0x2010];
	_ =	sdelay $0x4  }
0x243: {  	v1 =	vmul.f32 $1.442695020e+00, v1;
	_ =	sdelay $0x1  }
0x244: {  	(erf) = vpow2.f32 v1;
	_ =	sdelay $0x1  }
0x245: {  	v1 =	vld [tilespmem:s12+$0x2810];
	_ =	sdelay $0x6  }
0x246: {  	v2 =	vpop (erf)  }
0x247: {  	[tilespmem:v1+s10+$0x0] =	vst.idx.add.f32.msk $0xffff, v2  }
0x248: {  	v1 =	vld [tilespmem:s12+$0x2020];
	_ =	sdelay $0x4  }
0x249: {  	v1 =	vmul.f32 $1.442695020e+00, v1;
	_ =	sdelay $0x1  }
0x24a: {  	(erf) = vpow2.f32 v1;
	_ =	sdelay $0x1  }
0x24b: {  	v1 =	vld [tilespmem:s12+$0x2820];
	_ =	sdelay $0x6  }
0x24c: {  	v2 =	vpop (erf)  }
0x24d: {  	[tilespmem:v1+s10+$0x0] =	vst.idx.add.f32.msk $0xffff, v2  }
0x24e: {  	v1 =	vld [tilespmem:s12+$0x2030];
	_ =	sdelay $0x4  }
0x24f: {  	v1 =	vmul.f32 $1.442695020e+00, v1;
	_ =	sdelay $0x1  }
0x250: {  	(erf) = vpow2.f32 v1;
	_ =	sdelay $0x1  }
0x251: {  	v1 =	vld [tilespmem:s12+$0x2830];
	_ =	sdelay $0x6  }
0x252: {  	v2 =	vpop (erf)  }
0x253: {  	[tilespmem:v1+s10+$0x0] =	vst.idx.add.f32.msk $0xffff, v2  }
0x254: {  	v1 =	vld [tilespmem:s12+$0x2040];
	_ =	sdelay $0x4  }
0x255: {  	v1 =	vmul.f32 $1.442695020e+00, v1;
	_ =	sdelay $0x1  }
0x256: {  	(erf) = vpow2.f32 v1;
	_ =	sdelay $0x1  }
0x257: {  	v1 =	vld [tilespmem:s12+$0x2840];
	_ =	sdelay $0x6  }
0x258: {  	p0 =	seq.s32 s26, $0x9;
	v2 =	vpop (erf)  }
0x259: {  	s12 =	simm.s32 @!p0 $0x7;
	[tilespmem:v1+s10+$0x0] =	vst.idx.add.f32.msk $0xffff, v2  }
0x25a: {  	s5 =	sadd.s32 @!p0 s5, s21;
	_ =	swait.ge @!p0 [sflag:s12], $0x7D0  }
0x25b: {  	s5 =	sshrl.u32 @!p0 s5, $0x3;
	[sflag:s12] =	ssyncset.done @!p0 $0x0  }
0x25c: {  	s13 =	simm.s32 @!p0 $0x0;
	[sflag:s12] =	ssyncadd.s32 @!p0 $0xFFFFF830;
	s12 =	sadd.s32 @!p0 s1, s5  }
0x25d: {  	[tilespmem:s13], [sflag:$0x1] =	stream.linear.gather @!p0 [hbm4b:s12+s13], $0x7D0, $0x38;
	[tilespmem:$0x1D080] =	vst v63  }
0x25e: {  	s5 =	sadd.s32 @!p0 s2, s5;
	s12 =	simm.s32 @!p0 $0x1000  }
0x25f: {  	[tilespmem:s12], [sflag:$0x3] =	stream.linear.gather @!p0 [hbm4b:s5+s13], $0x7D0, $0x38;
	[tilespmem:$0x1D080] =	vst v63  }
0x260: {  	_ =	swait.ge [sflag:s11], $0x7D0  }
0x261: {  	[sflag:s11] =	ssyncset.done $0x0  }
0x262: {  	[sflag:s11] =	ssyncadd.s32 $0xFFFFF830  }
0x263: {  	_ =	swait.ge [sflag:s22], $0x7D0  }
0x264: {  	[sflag:s22] =	ssyncset.done $0x0  }
0x265: {  	s5 =	simm.s32 $0x0;
	[sflag:s22] =	ssyncadd.s32 $0xFFFFF830  }
0x266: {  	v1 =	vld [tilespmem:s5+$0x800]  }
0x267: {  	v2 =	vld [tilespmem:s5+$0x810]  }
0x268: {  	v3 =	vld [tilespmem:s5+$0x820]  }
0x269: {  	s12 =	simm.s32 $0x140;
	v4 =	vld [tilespmem:s5+$0x830]  }
.LBB2_25:
0x26a: {  	p0 =	sne.s32 s12, $0x1E00;
	v5 =	vld [tilespmem:s5+$0x840]  }
0x26b: {  	v1 =	vmul.f32 $1.442695020e+00, v1  }
0x26c: {  	v2 =	vmul.f32 $1.442695020e+00, v2  }
0x26d: {  	v3 =	vmul.f32 $1.442695020e+00, v3;
	(erf) = vpow2.f32 v1  }
0x26e: {  	v1 =	vmul.f32 $1.442695020e+00, v4;
	(erf) = vpow2.f32 v2  }
0x26f: {  	v2 =	vmul.f32 $1.442695020e+00, v5;
	(erf) = vpow2.f32 v3  }
0x270: {  	(erf) = vpow2.f32 v1  }
0x271: {  	(erf) = vpow2.f32 v2;
	_ =	sdelay $0x4  }
0x272: {  	v1 =	vpop (erf)  }
.Ltmp11:
0x273: {  	s13 =	sshra.s32 s12, $0x2;
	[tilespmem:s5+$0x800] =	vst v1;
	v2 =	vpop (erf);
	(pc) =	sbr.rel @p0 .LBB2_25-.Ltmp11, $4  }
0x274: {  	v1 =	vld [tilespmem:s13+$0x800];
	[tilespmem:s5+$0x810] =	vst v2;
	v3 =	vpop (erf)  }
0x275: {  	v2 =	vld [tilespmem:s13+$0x810];
	[tilespmem:s5+$0x820] =	vst v3;
	v4 =	vpop (erf)  }
0x276: {  	v3 =	vld [tilespmem:s13+$0x820];
	[tilespmem:s5+$0x830] =	vst v4;
	v5 =	vpop (erf)  }
0x277: {  	s12 =	sadd.s32 $0x140, s12;
	v4 =	vld [tilespmem:s13+$0x830];
	[tilespmem:s5+$0x840] =	vst v5;
	s5 =	smov.u32 s13  }
0x278: {  	v5 =	vld [tilespmem:s5+$0x840]  }
0x279: {  	v1 =	vmul.f32 $1.442695020e+00, v1  }
0x27a: {  	v2 =	vmul.f32 $1.442695020e+00, v2  }
0x27b: {  	v3 =	vmul.f32 $1.442695020e+00, v3;
	(erf) = vpow2.f32 v1  }
0x27c: {  	v1 =	vmul.f32 $1.442695020e+00, v4;
	(erf) = vpow2.f32 v2  }
0x27d: {  	v2 =	vmul.f32 $1.442695020e+00, v5;
	(erf) = vpow2.f32 v3  }
0x27e: {  	(erf) = vpow2.f32 v1  }
0x27f: {  	(erf) = vpow2.f32 v2;
	_ =	sdelay $0x4  }
0x280: {  	s26 =	sadd.s32 $0x1, s26;
	v1 =	vpop (erf)  }
0x281: {  	p0 =	sne.s32 s26, $0xA;
	[tilespmem:s5+$0x800] =	vst v1;
	v1 =	vpop (erf)  }
.Ltmp12:
0x282: {  	[tilespmem:s5+$0x810] =	vst v1;
	v1 =	vpop (erf);
	(pc) =	sbr.rel @p0 .LBB2_6-.Ltmp12, $4  }
0x283: {  	[tilespmem:s5+$0x820] =	vst v1;
	v1 =	vpop (erf)  }
0x284: {  	[tilespmem:s5+$0x830] =	vst v1;
	v1 =	vpop (erf)  }
0x285: {  	[tilespmem:s5+$0x840] =	vst v1  }
0x286: {  	[spmem:s4] =	stream.indirect.scatter.add.f32 [tilespmem:s3], [sflag:$0x8], $0x1, s7, s0, $0xb8;
	[tilespmem:$0x1D080] =	vst v63  }
0x287: {  	_ =	swait.ge [sflag:s23], $0x7D0  }
0x288: {  	[sflag:s23] =	ssyncset.done $0x0  }
0x289: {  	[sflag:s23] =	ssyncadd.s32 $0xFFFFF830  }
0x28a: {  	_ =	swait.ge [sflag:s24], $0x7D0  }
0x28b: {  	[sflag:s24] =	ssyncset.done $0x0  }
0x28c: {  	[sflag:s24] =	ssyncadd.s32 $0xFFFFF830  }
0x28d: {  	s5 =	simm.s32 $0x0;
	[bflag:$0x0] =	sbarrier.arrive $0xFFFF  }
0x28e: {  	s14 =	simm.s32 $0x9;
	s13 =	stileid.u32;
	s6 =	rddreg [dreg:$0xe]  }
0x28f: {  	[hbm4b:s6+s5] =	stream.linear.scatter [tilespmem:s10], [sflag:$0x9], $0x18800, $0x38;
	[tilespmem:$0x1D080] =	vst v63  }
0x290: {  	s5 =	sshll.u32 s13, $0x6;
	_ =	swait.ge [sflag:s14], $0x18800  }
0x291: {  	s5 =	sor.u32 $0x1C09, s5;
	[sflag:s14] =	ssyncset.done $0x0;
	s12 =	rddreg [dreg:$0x5]  }
0x292: {  	s13 =	rddreg [dreg:$0xf];
	[sflag:s14] =	ssyncadd.s32 $0xFFFE7800;
	s26 =	sshrl.u32 s12, $0x3  }
0x293: {  	[hbm:s13], [sflag:s5] =	dma.local [spmem:s26], $0x310  }
0x294: {  	_ =	swait.ge [sflag:s14], $0x310  }
0x295: {  	s13 =	rddreg [dreg:$0x11]  }
0x296: {  	s26 =	rddreg [dreg:$0x10];
	s6 =	sadd.s32 $0x1, s13  }
0x297: {  	p0 =	sne.s32 s6, s26  }
.Ltmp13:
0x298: {  	_ = 	snop;
	(pc) =	sbr.rel @p0 .LBB2_1-.Ltmp13, $3  }
0x299: {  	_ =	sdelay $0x1  }
0x29a: {  	[sflag:s14] =	ssyncset.done $0x0  }
0x29b: {  	[sflag:s14] =	ssyncadd.s32 $0xFFFFFCF0  }
0x29c: {  	_ =	sfence.sel $0x180000  }
0x29d: {  	[bflag:$0x0] =	sbarrier.arrive $0xFFFF  }
0x29e: {  	_ =	strace $0x90000047  }
0x29f: {  	s0 =	stileid.u32;
	[bflag:$0x2] =	sbarrier.arrive $0xFFFF  }
0x2a0: {  	p0 =	sne.s32 s0, $0x0;
	s0 =	rddreg [dreg:$0x4]  }
0x2a1: {  	s0 =	sadd.s32 @!p0 $0x100000, s0  }
0x2a2: {  	[sflag:s0] =	ssyncadd.tile.s32 @!p0 $0x1;
	_ =	shalt  }
.Lfunc_end2:
_tile_overlayer_lowered:
.L_overlay_start_2:
0x2a3: {  	(tag) =	ssettag $0x2  }
0x2a4: {  	s0 =	rddreg [dreg:$0x0];
	s2 =	stileid.u32  }
0x2a5: {  	s1 =	rddreg [dreg:$0x1];
	p0 =	sne.s32 s2, $0x0  }
0x2a6: {  	s3 =	rddreg [dreg:$0x2];
	[bflag:$0x3] =	sbarrier.arrive $0xFFFF;
	s2 =	simm.s32 @!p0 $0x1C09  }
0x2a7: {  	[timem:s3], [sflag:s2] =	dma.local @!p0 [hbm:s0], s1  }
0x2a8: {  	s0 =	simm.s32 @!p0 $0x9  }
0x2a9: {  	_ =	swait.ge @!p0 [sflag:s0], s1  }
0x2aa: {  	s1 =	ssub.s32 @!p0 $0x0, s1;
	[sflag:s0] =	ssyncset.done @!p0 $0x0  }
0x2ab: {  	[sflag:s0] =	ssyncadd.s32 @!p0 s1  }
0x2ac: {  	[bflag:$0x3] =	sbarrier.arrive $0xFFFF  }
0x2ad: {  	_ =	shalt  }

// kernel: kernel.8.cloned.1.call-start
scs
__scs_entry_jumppad:
0x0: {  	(pc) =	sbr.rel $0x88, $3  }
0x1: {  	(tag) =	ssettag $0x0;
	lr =	simm.s32 $0x1  }
0x2: {  	[smem:$0x3F9F] =	sst lr;
	_ =	strace $0xD0000000  }
0x3: {  	_ = 	snop  }
0x4: {  	_ = 	snop  }
0x5: {  	_ = 	snop  }
0x6: {  	_ = 	snop  }
0x7: {  	_ = 	snop  }
__scs_overlays_trampoline_lowered:
0x8: {  	[smem:$0x3FAE] =	sst s0  }
0x9: {  	[smem:$0x3FAF] =	sst s1  }
0xa: {  	[smem:$0x3FB0] =	sst s2  }
0xb: {  	[smem:$0x3FB1] =	sst s3  }
0xc: {  	[smem:$0x3FB2] =	sst s4  }
0xd: {  	[smem:$0x3FB3] =	sst s5  }
0xe: {  	[smem:$0x3FB4] =	sst s6  }
0xf: {  	[smem:$0x3FB5] =	sst s7  }
0x10: {  	[smem:$0x3FB6] =	sst s8  }
0x11: {  	[smem:$0x3FB7] =	sst s9;
	s0 =	simm.s32 @!p0 $0x0  }
0x12: {  	s1 =	sld [smem:$0x3F9D];
	s0 =	simm.s32 @p0 $0x1  }
0x13: {  	[smem:$0x3FB8] =	sst s0;
	s0 =	simm.s32 @!p1 $0x0  }
0x14: {  	s2 =	sld [smem:$0x3F9C];
	s0 =	simm.s32 @p1 $0x1  }
0x15: {  	[smem:$0x3FB9] =	sst s0;
	s0 =	simm.s32 @!p2 $0x0  }
0x16: {  	s3 =	sld [smem:$0x3FDB];
	s0 =	simm.s32 @p2 $0x1  }
0x17: {  	s4 =	simm.s32 $0x1BF5;
	[smem:$0x3FBB] =	sst s0  }
0x18: {  	s0 =	sld [smem:$0x3F9E];
	_ =	swait.ge [sflag:s4], $0x0  }
0x19: {  	s7 =	sld [smem:$0x3F9F]  }
0x1a: {  	s8 =	sadd.s32 $0xFFFFE003, lr  }
0x1b: {  	s9 =	sadd.s32 $0xFFFFFEF7, lr;
	s5 =	simm.s32 $0xFFFFFFFF;
	p2 =	slt.u32 s8, $0xFFFFF086  }
0x1c: {  	p1 =	slt.u32 s9, $0xF7A;
	s5 =	simm.s32 @!p2 $0x0  }
0x1d: {  	s5 =	simm.s32 @p1 $0x1;
	p0 =	seq.s32 s7, s2  }
0x1e: {  	s7 =	smul.u32 @!p0 $0xF7A, s2;
	p2 =	seq.s32 @!p0 s5, $0x0  }
0x1f: {  	s9 =	smul.u32 $0xF7A, s1;
	s8 =	simm.s32 @!p0 $0x1BF5;
	p2 =	por !p2, p0  }
0x20: {  	[sflag:s8] =	ssyncset.s32 @!p0 $0xFFFFF086;
	s6 =	sadd.s32 @!p0 s3, s7;
	s7 =	simm.s32 @!p0 $0x108  }
0x21: {  	s3 =	sadd.s32 s3, s9;
	s6 =	sadd.s32 @!p0 $0x88, s6;
	s7 =	simm.s32 @p2 $0x1082  }
0x22: {  	[simem:s7], [sflag:s8] =	dma.local @!p0 [hbm:s6], $0xF7A  }
0x23: {  	s9 =	sor.u32 $0xD0000000, s2;
	s6 =	simm.s32 $0x108;
	_ =	swait.ge @!p0 [sflag:s8], $0x0  }
0x24: {  	s3 =	sadd.s32 $0x88, s3;
	s6 =	simm.s32 @!p1 $0x1082;
	[sflag:s4] =	ssyncset.s32 $0xFFFFF086  }
0x25: {  	[simem:s6], [sflag:s4] =	dma.local [hbm:s3], $0xF7A  }
0x26: {  	[smem:$0x3F9F] =	sst s1;
	(tag) =	ssettag s2;
	_ =	strace s9  }
0x27: {  	s1 =	sld [smem:$0x3FAF]  }
0x28: {  	s2 =	sld [smem:$0x3FB0]  }
0x29: {  	s4 =	sld [smem:$0x3FB2]  }
0x2a: {  	p0 =	seq.s32 s5, $0x0;
	s5 =	sld [smem:$0x3FB3]  }
0x2b: {  	s6 =	sld [smem:$0x3FB4]  }
0x2c: {  	s7 =	sld [smem:$0x3FB5]  }
0x2d: {  	s3 =	simm.s32 $0x108;
	s8 =	sld [smem:$0x3FB6]  }
0x2e: {  	s3 =	simm.s32 @!p0 $0x1082;
	s9 =	sld [smem:$0x3FB7]  }
0x2f: {  	lr =	sadd.s32 s0, s3;
	s0 =	sld [smem:$0x3FAE]  }
0x30: {  	s3 =	sld [smem:$0x3FB1]  }
0x31: {  	[smem:$0x3FBA] =	sst s10  }
0x32: {  	s10 =	sld [smem:$0x3FB8];
	_ =	sdelay $0x3  }
0x33: {  	p0 =	seq.s32 s10, $0x1;
	s10 =	sld [smem:$0x3FBA];
	_ =	sdelay $0x3  }
0x34: {  	[smem:$0x3FBA] =	sst s10  }
0x35: {  	s10 =	sld [smem:$0x3FB9];
	_ =	sdelay $0x3  }
0x36: {  	p1 =	seq.s32 s10, $0x1;
	s10 =	sld [smem:$0x3FBA];
	_ =	sdelay $0x3  }
0x37: {  	[smem:$0x3FBA] =	sst s10  }
0x38: {  	s10 =	sld [smem:$0x3FBB]  }
0x39: {  	_ = 	snop;
	(pc) =	sbr.ind lr, $3  }
0x3a: {  	_ = 	snop  }
0x3b: {  	_ = 	snop  }
0x3c: {  	p2 =	seq.s32 s10, $0x1;
	s10 =	sld [smem:$0x3FBA]  }
0x3d: {  	_ =	shalt  }
0x3e: {  	_ =	shalt  }
0x3f: {  	_ =	shalt  }
0x40: {  	_ =	shalt  }
0x41: {  	_ =	shalt  }
0x42: {  	_ =	shalt  }
0x43: {  	_ =	shalt  }
0x44: {  	_ =	shalt  }
0x45: {  	_ =	shalt  }
0x46: {  	_ =	shalt  }
0x47: {  	_ =	shalt  }
0x48: {  	_ =	shalt  }
0x49: {  	_ =	shalt  }
0x4a: {  	_ =	shalt  }
0x4b: {  	_ =	shalt  }
0x4c: {  	_ =	shalt  }
0x4d: {  	_ =	shalt  }
0x4e: {  	_ =	shalt  }
0x4f: {  	_ =	shalt  }
0x50: {  	_ =	shalt  }
0x51: {  	_ =	shalt  }
0x52: {  	_ =	shalt  }
0x53: {  	_ =	shalt  }
0x54: {  	_ =	shalt  }
0x55: {  	_ =	shalt  }
0x56: {  	_ =	shalt  }
0x57: {  	_ =	shalt  }
0x58: {  	_ =	shalt  }
0x59: {  	_ =	shalt  }
0x5a: {  	_ =	shalt  }
0x5b: {  	_ =	shalt  }
0x5c: {  	_ =	shalt  }
0x5d: {  	_ =	shalt  }
0x5e: {  	_ =	shalt  }
0x5f: {  	_ =	shalt  }
0x60: {  	_ =	shalt  }
0x61: {  	_ =	shalt  }
0x62: {  	_ =	shalt  }
0x63: {  	_ =	shalt  }
0x64: {  	_ =	shalt  }
0x65: {  	_ =	shalt  }
0x66: {  	_ =	shalt  }
0x67: {  	_ =	shalt  }
0x68: {  	_ =	shalt  }
0x69: {  	_ =	shalt  }
0x6a: {  	_ =	shalt  }
0x6b: {  	_ =	shalt  }
0x6c: {  	_ =	shalt  }
0x6d: {  	_ =	shalt  }
0x6e: {  	_ =	shalt  }
0x6f: {  	_ =	shalt  }
0x70: {  	_ =	shalt  }
0x71: {  	_ =	shalt  }
0x72: {  	_ =	shalt  }
0x73: {  	_ =	shalt  }
0x74: {  	_ =	shalt  }
0x75: {  	_ =	shalt  }
0x76: {  	_ =	shalt  }
0x77: {  	_ =	shalt  }
0x78: {  	_ =	shalt  }
0x79: {  	_ =	shalt  }
0x7a: {  	_ =	shalt  }
0x7b: {  	_ =	shalt  }
0x7c: {  	_ =	shalt  }
0x7d: {  	_ =	shalt  }
0x7e: {  	_ =	shalt  }
0x7f: {  	_ =	shalt  }
0x80: {  	_ =	shalt  }
0x81: {  	_ =	shalt  }
0x82: {  	_ =	shalt  }
0x83: {  	_ =	shalt  }
0x84: {  	_ =	shalt  }
0x85: {  	_ =	shalt  }
0x86: {  	_ =	shalt  }
0x87: {  	_ =	shalt  }
.Lfunc_end0:
.L_simem_size_0:
called_computation.1_lowered:
.L_overlay_start_0:
0x88: {  	s2 =	sld [smem:$0x3FD9]  }
0x89: {  	s3 =	sld [smem:$0x3FFE];
	_ =	sdelay $0x1  }
0x8a: {  	s1 =	srdreg.scid  }
0x8b: {  	s0 =	sand.u32 $0x1, s1  }
0x8c: {  	s17 =	sshll.u32 s0, $0xA;
	s2 =	sadd.s32 s3, s2  }
0x8d: {  	s2 =	sadd.s32 s2, s17  }
0x8e: {  	[smem:$0x3FC6] =	sst s2  }
0x8f: {  	_ = 	snop  }
0x90: {  	s2 =	sld [smem:$0x3FD0];
	(tm) =	ssettm $0x1  }
0x91: {  	s18 =	sld [smem:$0x3FFB];
	_ =	sdelay $0x3  }
0x92: {  	_ =	strace s18  }
0x93: {  	s3 =	sld [smem:$0x3FFC];
	_ =	sdelay $0x3  }
0x94: {  	_ =	strace s3  }
0x95: {  	s3 =	sld [smem:$0x3FFD];
	_ =	sdelay $0x3  }
0x96: {  	_ =	strace s3  }
0x97: {  	_ =	strace $0x8FFFFFFF  }
0x98: {  	s19 =	sld [smem:$0x3FDB];
	_ =	sdelay $0x1  }
0x99: {  	s4 =	simm.s32 $_scs_section_size  }
0x9a: {  	s5 =	simm.s32 $_size__tile_overlayer_lowered;
	s6 =	simm.s32 $_tile_overlayer_lowered  }
0x9b: {  	s22 =	simm.s32 $0x1BFF;
	s21 =	sshll.u32 s6, $0x1;
	s3 =	sadd.s32 s4, s19  }
0x9c: {  	s7 =	simm.s32 $0x0;
	s20 =	sshll.u32 s5, $0x1;
	s5 =	sadd.s32 s21, s3  }
0x9d: {  	[timem:s7], [sflag:s22] =	dma.local [hbm:s5], s20  }
0x9e: {  	_ =	swait.ge [sflag:s22], s20  }
0x9f: {  	s4 =	ssub.s32 $0x0, s20;
	[sflag:s22] =	ssyncset.done $0x0  }
0xa0: {  	[sflag:s22] =	ssyncadd.s32 s4;
	_ =	sdelay $0x1  }
0xa1: {  	s23 =	simm.s32 $0x1B8B  }
0xa2: {  	_ =	swait.ge [sflag:s23], $0x1  }
0xa3: {  	[sflag:s23] =	ssyncset.done $0x0  }
0xa4: {  	s25 =	simm.s32 $0x1B8E;
	s24 =	sld [smem:$0x3FFE];
	[sflag:s23] =	ssyncadd.s32 $0xFFFFFFFF  }
0xa5: {  	s26 =	simm.s32 $execute0_lowered;
	[smem:$0x3FD2] =	sst s25  }
0xa6: {  	s5 =	sshll.u32 s26, $0x1;
	_ =	strace $0x80000049;
	[dreg:$0x1] =	wrdreg $0xFFFFFFFF  }
0xa7: {  	s28 =	simm.s32 $_size_execute0_lowered;
	s3 =	sadd.s32 s3, s5;
	[dreg:$0x0] =	wrdreg $0x0  }
0xa8: {  	s5 =	sshll.u32 s28, $0x1;
	[dreg:$0x2] =	wrdreg s3  }
0xa9: {  	[dreg:$0x3] =	wrdreg s5  }
0xaa: {  	[dreg:$0x4] =	wrdreg $0xC0  }
0xab: {  	_ =	task [dreg:s7], $0x5FFFF  }
0xac: {  	[dreg:$0x1] =	wrdreg $0xFFFFFFFF  }
0xad: {  	[dreg:$0x0] =	wrdreg $0x60  }
0xae: {  	[dreg:$0x2] =	wrdreg s2  }
0xaf: {  	[dreg:$0x3] =	wrdreg s24  }
0xb0: {  	[dreg:$0x4] =	wrdreg $0x9  }
0xb1: {  	_ =	task.clear_ibuf [dreg:s7], $0x5FFFF;
	_ =	strace $0x90000049  }
0xb2: {  	s29 =	simm.s32 $0x9;
	_ =	strace $0x8000004B  }
0xb3: {  	_ =	swait.ge [sflag:s29], $0x1  }
0xb4: {  	[sflag:s29] =	ssyncadd.s32 $0xFFFFFFFF  }
0xb5: {  	_ =	strace $0x9000004B  }
0xb6: {  	_ =	sfence  }
0xb7: {  	s30 =	sld [smem:$0x0];
	_ =	sdelay $0x2  }
0xb8: {  	s31 =	sshll.u32 s1, $0xD;
	s1 =	sshrl.u32 s1, $0x2  }
0xb9: {  	s3 =	sand.u32 $0x4000, s31;
	s1 =	sadd.s32 s1, s30  }
0xba: {  	s0 =	sor.u32 s3, s0;
	s1 =	sshll.u32 s1, $0x11  }
0xbb: {  	s0 =	sor.u32 s1, s0  }
0xbc: {  	s0 =	sadd.s32 $0x8F2B, s0  }
0xbd: {  	[sflag:s0] =	ssyncadd.remote.s32 $0x1  }
0xbe: {  	_ =	sfence.sel $0xFFFF  }
0xbf: {  	[dreg:$0x0] =	wrdreg $0xFFFFFFFF;
	(pc) =	sbr.abs _section_cstart, $3  }
0xc0: {  	[dreg:$0x1] =	wrdreg $0xFFFFFFFF  }
0xc1: {  	_ =	task.clear_ibuf [dreg:s7], $0x2FFFF;
	_ =	strace $0x9FFFFFFF  }
0xc2: {  	(tm) =	ssettm $0x7FFFFFFF  }
0xc3: {  	_ =	shalt  }
tec
execute0_lowered:
.L_overlay_start_1:
0x0: {  	(tag) =	ssettag $0x1  }
0x1: {  	s0 =	srdreg.scid  }
0x2: {  	s0 =	sand.u32 $0x1, s0  }
0x3: {  	s4 =	stileid.u32;
	s2 =	sshll.u32 s0, $0x4  }
0x4: {  	s4 =	sor.u32 s4, s2  }
0x5: {  	s4 =	smul.u32 $0xC40, s4  }
0x6: {  	s1 =	rddreg [dreg:$0x0]  }
0x7: {  	s3 =	rddreg [dreg:$0x1];
	s4 =	sshrl.u32 s4, $0x3  }
0x8: {  	s2 =	simm.s32 $0x0;
	s6 =	sadd.s32 s4, s3;
	s3 =	sadd.s32 s1, s4  }
0x9: {  	s10 =	simm.s32 $0x1;
	[smem:$0x7FF] =	sst s2;
	s1 =	sadd.s32 $0x3100, s3  }
0xa: {  	_ =	strace $0x8000004A;
	s14 =	sadd.s32 $0x6200, s3;
	[dreg:$0x3] =	wrdreg s1  }
0xb: {  	s11 =	simm.s32 $0x2;
	s15 =	sadd.s32 $0x9300, s3;
	[dreg:$0x4] =	wrdreg s14  }
0xc: {  	s12 =	simm.s32 $0x0;
	s16 =	sadd.s32 $0xC400, s3;
	[dreg:$0x5] =	wrdreg s15  }
0xd: {  	s0 =	ssub.s32 $0x2, s0;
	s17 =	sadd.s32 $0xF500, s3;
	[dreg:$0x6] =	wrdreg s16  }
0xe: {  	s5 =	sshrl.u32 s0, $0x1;
	s18 =	sadd.s32 $0x12600, s3;
	[dreg:$0x7] =	wrdreg s17  }
0xf: {  	s0 =	ssub.s32 s0, s5;
	s19 =	sadd.s32 $0x15700, s3;
	[dreg:$0x8] =	wrdreg s18  }
0x10: {  	s20 =	sadd.s32 $0x18800, s3;
	s21 =	sadd.s32 $0x1B900, s3;
	[dreg:$0x9] =	wrdreg s19  }
0x11: {  	s22 =	sadd.s32 $0x1EA00, s3;
	s23 =	sadd.s32 $0x21B00, s3;
	[dreg:$0xa] =	wrdreg s20  }
0x12: {  	s24 =	sadd.s32 $0x24C00, s3;
	s25 =	sadd.s32 $0x27D00, s3;
	[dreg:$0xb] =	wrdreg s21  }
0x13: {  	s26 =	sadd.s32 $0x2AE00, s3;
	s28 =	sadd.s32 $0x43600, s3;
	[dreg:$0xc] =	wrdreg s22  }
0x14: {  	s29 =	sadd.s32 $0x46700, s3;
	s30 =	sadd.s32 $0x49800, s3;
	[dreg:$0xd] =	wrdreg s23  }
0x15: {  	s31 =	sadd.s32 $0x4C900, s3;
	s4 =	sadd.s32 $0x55C00, s3;
	[dreg:$0xe] =	wrdreg s24  }
0x16: {  	s5 =	sadd.s32 $0x58D00, s3;
	s7 =	sadd.s32 $0x5EF00, s3;
	[dreg:$0xf] =	wrdreg s25  }
0x17: {  	s8 =	sadd.s32 $0x62000, s3;
	s9 =	sadd.s32 $0x65100, s3;
	[dreg:$0x10] =	wrdreg s26  }
0x18: {  	s18 =	sadd.s32 $0x2DF00, s3;
	s19 =	sadd.s32 $0x31000, s3;
	s20 =	sadd.s32 $0x34100, s3  }
0x19: {  	s21 =	sadd.s32 $0x37200, s3;
	s22 =	sadd.s32 $0x3A300, s3;
	s23 =	sadd.s32 $0x3D400, s3  }
0x1a: {  	s24 =	sadd.s32 $0xC00, s6;
	s25 =	smax.u32 s0, $0x1;
	s26 =	sadd.s32 $0x40500, s3  }
0x1b: {  	s1 =	sadd.s32 $0x4FA00, s3;
	s0 =	sadd.s32 $0x52B00, s3;
	s6 =	sadd.s32 $0x5BE00, s3  }
.LBB2_1:
0x1c: {  	[tilespmem:s2], [sflag:$0x1] =	stream.linear.gather [hbm4b:s3+s2], $0xC40, $0x38;
	[tilespmem:$0x1AD00] =	vst v63  }
0x1d: {  	s13 =	rddreg [dreg:$0x3];
	s14 =	simm.s32 $0xC40  }
0x1e: {  	[tilespmem:s14], [sflag:$0x1] =	stream.linear.gather [hbm4b:s13+s2], $0xC40, $0x38;
	[tilespmem:$0x1AD00] =	vst v63  }
0x1f: {  	s16 =	rddreg [dreg:$0x4];
	s17 =	simm.s32 $0x1880  }
0x20: {  	[tilespmem:s17], [sflag:$0x1] =	stream.linear.gather [hbm4b:s16+s2], $0xC40, $0x38;
	[tilespmem:$0x1AD00] =	vst v63  }
0x21: {  	s15 =	simm.s32 $0x24C0;
	s14 =	rddreg [dreg:$0x5]  }
0x22: {  	[tilespmem:s15], [sflag:$0x1] =	stream.linear.gather [hbm4b:s14+s2], $0xC40, $0x38;
	[tilespmem:$0x1AD00] =	vst v63  }
0x23: {  	s16 =	rddreg [dreg:$0x6];
	s17 =	simm.s32 $0x3100  }
0x24: {  	[tilespmem:s17], [sflag:$0x1] =	stream.linear.gather [hbm4b:s16+s2], $0xC40, $0x38;
	[tilespmem:$0x1AD00] =	vst v63  }
0x25: {  	s14 =	rddreg [dreg:$0x7];
	s15 =	simm.s32 $0x3D40  }
0x26: {  	[tilespmem:s15], [sflag:$0x1] =	stream.linear.gather [hbm4b:s14+s2], $0xC40, $0x38;
	[tilespmem:$0x1AD00] =	vst v63  }
0x27: {  	s16 =	rddreg [dreg:$0x8];
	s17 =	simm.s32 $0x4980  }
0x28: {  	[tilespmem:s17], [sflag:$0x1] =	stream.linear.gather [hbm4b:s16+s2], $0xC40, $0x38;
	[tilespmem:$0x1AD00] =	vst v63  }
0x29: {  	s14 =	rddreg [dreg:$0x9];
	s15 =	simm.s32 $0x55C0  }
0x2a: {  	[tilespmem:s15], [sflag:$0x1] =	stream.linear.gather [hbm4b:s14+s2], $0xC40, $0x38;
	[tilespmem:$0x1AD00] =	vst v63  }
0x2b: {  	s16 =	rddreg [dreg:$0xa];
	s17 =	simm.s32 $0x6200  }
0x2c: {  	[tilespmem:s17], [sflag:$0x1] =	stream.linear.gather [hbm4b:s16+s2], $0xC40, $0x38;
	[tilespmem:$0x1AD00] =	vst v63  }
0x2d: {  	s14 =	rddreg [dreg:$0xb];
	s15 =	simm.s32 $0x6E40  }
0x2e: {  	[tilespmem:s15], [sflag:$0x1] =	stream.linear.gather [hbm4b:s14+s2], $0xC40, $0x38;
	[tilespmem:$0x1AD00] =	vst v63  }
0x2f: {  	s16 =	rddreg [dreg:$0xc];
	s17 =	simm.s32 $0x7A80  }
0x30: {  	[tilespmem:s17], [sflag:$0x1] =	stream.linear.gather [hbm4b:s16+s2], $0xC40, $0x38;
	[tilespmem:$0x1AD00] =	vst v63  }
0x31: {  	s14 =	rddreg [dreg:$0xd];
	s15 =	simm.s32 $0x86C0  }
0x32: {  	[tilespmem:s15], [sflag:$0x1] =	stream.linear.gather [hbm4b:s14+s2], $0xC40, $0x38;
	[tilespmem:$0x1AD00] =	vst v63  }
0x33: {  	s16 =	rddreg [dreg:$0xe];
	s17 =	simm.s32 $0x9300  }
0x34: {  	[tilespmem:s17], [sflag:$0x1] =	stream.linear.gather [hbm4b:s16+s2], $0xC40, $0x38;
	[tilespmem:$0x1AD00] =	vst v63  }
0x35: {  	s14 =	rddreg [dreg:$0xf];
	s15 =	simm.s32 $0x9F40  }
0x36: {  	[tilespmem:s15], [sflag:$0x1] =	stream.linear.gather [hbm4b:s14+s2], $0xC40, $0x38;
	[tilespmem:$0x1AD00] =	vst v63  }
0x37: {  	s16 =	rddreg [dreg:$0x10];
	s17 =	simm.s32 $0xAB80  }
0x38: {  	[tilespmem:s17], [sflag:$0x1] =	stream.linear.gather [hbm4b:s16+s2], $0xC40, $0x38;
	[tilespmem:$0x1AD00] =	vst v63  }
0x39: {  	s15 =	simm.s32 $0xB7C0  }
0x3a: {  	[tilespmem:s15], [sflag:$0x1] =	stream.linear.gather [hbm4b:s18+s2], $0xC40, $0x38;
	[tilespmem:$0x1AD00] =	vst v63  }
0x3b: {  	s16 =	simm.s32 $0xC400  }
0x3c: {  	[tilespmem:s16], [sflag:$0x1] =	stream.linear.gather [hbm4b:s19+s2], $0xC40, $0x38;
	[tilespmem:$0x1AD00] =	vst v63  }
0x3d: {  	s17 =	simm.s32 $0xD040  }
0x3e: {  	[tilespmem:s17], [sflag:$0x1] =	stream.linear.gather [hbm4b:s20+s2], $0xC40, $0x38;
	[tilespmem:$0x1AD00] =	vst v63  }
0x3f: {  	s14 =	simm.s32 $0xDC80  }
0x40: {  	[tilespmem:s14], [sflag:$0x1] =	stream.linear.gather [hbm4b:s21+s2], $0xC40, $0x38;
	[tilespmem:$0x1AD00] =	vst v63  }
0x41: {  	s15 =	simm.s32 $0xE8C0  }
0x42: {  	[tilespmem:s15], [sflag:$0x1] =	stream.linear.gather [hbm4b:s22+s2], $0xC40, $0x38;
	[tilespmem:$0x1AD00] =	vst v63  }
0x43: {  	s16 =	simm.s32 $0xF500  }
0x44: {  	[tilespmem:s16], [sflag:$0x1] =	stream.linear.gather [hbm4b:s23+s2], $0xC40, $0x38;
	[tilespmem:$0x1AD00] =	vst v63  }
0x45: {  	s17 =	simm.s32 $0x10140  }
0x46: {  	[tilespmem:s17], [sflag:$0x1] =	stream.linear.gather [hbm4b:s26+s2], $0xC40, $0x38;
	[tilespmem:$0x1AD00] =	vst v63  }
0x47: {  	s14 =	simm.s32 $0x10D80  }
0x48: {  	[tilespmem:s14], [sflag:$0x1] =	stream.linear.gather [hbm4b:s28+s2], $0xC40, $0x38;
	[tilespmem:$0x1AD00] =	vst v63  }
0x49: {  	s15 =	simm.s32 $0x119C0  }
0x4a: {  	[tilespmem:s15], [sflag:$0x1] =	stream.linear.gather [hbm4b:s29+s2], $0xC40, $0x38;
	[tilespmem:$0x1AD00] =	vst v63  }
0x4b: {  	s16 =	simm.s32 $0x12600  }
0x4c: {  	[tilespmem:s16], [sflag:$0x1] =	stream.linear.gather [hbm4b:s30+s2], $0xC40, $0x38;
	[tilespmem:$0x1AD00] =	vst v63  }
0x4d: {  	s17 =	simm.s32 $0x13240  }
0x4e: {  	[tilespmem:s17], [sflag:$0x1] =	stream.linear.gather [hbm4b:s31+s2], $0xC40, $0x38;
	[tilespmem:$0x1AD00] =	vst v63  }
0x4f: {  	s14 =	simm.s32 $0x13E80  }
0x50: {  	[tilespmem:s14], [sflag:$0x1] =	stream.linear.gather [hbm4b:s1+s2], $0xC40, $0x38;
	[tilespmem:$0x1AD00] =	vst v63  }
0x51: {  	s15 =	simm.s32 $0x14AC0  }
0x52: {  	[tilespmem:s15], [sflag:$0x1] =	stream.linear.gather [hbm4b:s0+s2], $0xC40, $0x38;
	[tilespmem:$0x1AD00] =	vst v63  }
0x53: {  	s16 =	simm.s32 $0x15700  }
0x54: {  	[tilespmem:s16], [sflag:$0x1] =	stream.linear.gather [hbm4b:s4+s2], $0xC40, $0x38;
	[tilespmem:$0x1AD00] =	vst v63  }
0x55: {  	s17 =	simm.s32 $0x16340  }
0x56: {  	[tilespmem:s17], [sflag:$0x1] =	stream.linear.gather [hbm4b:s5+s2], $0xC40, $0x38;
	[tilespmem:$0x1AD00] =	vst v63  }
0x57: {  	s14 =	simm.s32 $0x16F80  }
0x58: {  	[tilespmem:s14], [sflag:$0x1] =	stream.linear.gather [hbm4b:s6+s2], $0xC40, $0x38;
	[tilespmem:$0x1AD00] =	vst v63  }
0x59: {  	s15 =	simm.s32 $0x17BC0  }
0x5a: {  	[tilespmem:s15], [sflag:$0x1] =	stream.linear.gather [hbm4b:s7+s2], $0xC40, $0x38;
	[tilespmem:$0x1AD00] =	vst v63  }
0x5b: {  	s16 =	simm.s32 $0x18800  }
0x5c: {  	[tilespmem:s16], [sflag:$0x1] =	stream.linear.gather [hbm4b:s8+s2], $0xC40, $0x38;
	[tilespmem:$0x1AD00] =	vst v63  }
0x5d: {  	s17 =	simm.s32 $0x19440  }
0x5e: {  	[tilespmem:s17], [sflag:$0x1] =	stream.linear.gather [hbm4b:s9+s2], $0xC40, $0x38;
	[tilespmem:$0x1AD00] =	vst v63  }
0x5f: {  	_ =	swait.ge [sflag:s10], $0xC40  }
0x60: {  	[sflag:s10] =	ssyncset.done $0x0  }
0x61: {  	[sflag:s10] =	ssyncadd.s32 $0xFFFFF3C0  }
0x62: {  	_ =	swait.ge [sflag:s10], $0xC40  }
0x63: {  	[sflag:s10] =	ssyncset.done $0x0  }
0x64: {  	[sflag:s10] =	ssyncadd.s32 $0xFFFFF3C0  }
0x65: {  	_ =	swait.ge [sflag:s10], $0xC40  }
0x66: {  	[sflag:s10] =	ssyncset.done $0x0  }
0x67: {  	[sflag:s10] =	ssyncadd.s32 $0xFFFFF3C0  }
0x68: {  	_ =	swait.ge [sflag:s10], $0xC40  }
0x69: {  	[sflag:s10] =	ssyncset.done $0x0  }
0x6a: {  	[sflag:s10] =	ssyncadd.s32 $0xFFFFF3C0  }
0x6b: {  	_ =	swait.ge [sflag:s10], $0xC40  }
0x6c: {  	[sflag:s10] =	ssyncset.done $0x0  }
0x6d: {  	[sflag:s10] =	ssyncadd.s32 $0xFFFFF3C0  }
0x6e: {  	_ =	swait.ge [sflag:s10], $0xC40  }
0x6f: {  	[sflag:s10] =	ssyncset.done $0x0  }
0x70: {  	[sflag:s10] =	ssyncadd.s32 $0xFFFFF3C0  }
0x71: {  	_ =	swait.ge [sflag:s10], $0xC40  }
0x72: {  	[sflag:s10] =	ssyncset.done $0x0  }
0x73: {  	[sflag:s10] =	ssyncadd.s32 $0xFFFFF3C0  }
0x74: {  	_ =	swait.ge [sflag:s10], $0xC40  }
0x75: {  	[sflag:s10] =	ssyncset.done $0x0  }
0x76: {  	[sflag:s10] =	ssyncadd.s32 $0xFFFFF3C0  }
0x77: {  	_ =	swait.ge [sflag:s10], $0xC40  }
0x78: {  	[sflag:s10] =	ssyncset.done $0x0  }
0x79: {  	[sflag:s10] =	ssyncadd.s32 $0xFFFFF3C0  }
0x7a: {  	_ =	swait.ge [sflag:s10], $0xC40  }
0x7b: {  	[sflag:s10] =	ssyncset.done $0x0  }
0x7c: {  	[sflag:s10] =	ssyncadd.s32 $0xFFFFF3C0  }
0x7d: {  	_ =	swait.ge [sflag:s10], $0xC40  }
0x7e: {  	[sflag:s10] =	ssyncset.done $0x0  }
0x7f: {  	[sflag:s10] =	ssyncadd.s32 $0xFFFFF3C0  }
0x80: {  	_ =	swait.ge [sflag:s10], $0xC40  }
0x81: {  	[sflag:s10] =	ssyncset.done $0x0  }
0x82: {  	[sflag:s10] =	ssyncadd.s32 $0xFFFFF3C0  }
0x83: {  	_ =	swait.ge [sflag:s10], $0xC40  }
0x84: {  	[sflag:s10] =	ssyncset.done $0x0  }
0x85: {  	[sflag:s10] =	ssyncadd.s32 $0xFFFFF3C0  }
0x86: {  	_ =	swait.ge [sflag:s10], $0xC40  }
0x87: {  	[sflag:s10] =	ssyncset.done $0x0  }
0x88: {  	[sflag:s10] =	ssyncadd.s32 $0xFFFFF3C0  }
0x89: {  	_ =	swait.ge [sflag:s10], $0xC40  }
0x8a: {  	[sflag:s10] =	ssyncset.done $0x0  }
0x8b: {  	[sflag:s10] =	ssyncadd.s32 $0xFFFFF3C0  }
0x8c: {  	_ =	swait.ge [sflag:s10], $0xC40  }
0x8d: {  	[sflag:s10] =	ssyncset.done $0x0  }
0x8e: {  	[sflag:s10] =	ssyncadd.s32 $0xFFFFF3C0  }
0x8f: {  	_ =	swait.ge [sflag:s10], $0xC40  }
0x90: {  	[sflag:s10] =	ssyncset.done $0x0  }
0x91: {  	[sflag:s10] =	ssyncadd.s32 $0xFFFFF3C0  }
0x92: {  	_ =	swait.ge [sflag:s10], $0xC40  }
0x93: {  	[sflag:s10] =	ssyncset.done $0x0  }
0x94: {  	[sflag:s10] =	ssyncadd.s32 $0xFFFFF3C0  }
0x95: {  	_ =	swait.ge [sflag:s10], $0xC40  }
0x96: {  	[sflag:s10] =	ssyncset.done $0x0  }
0x97: {  	[sflag:s10] =	ssyncadd.s32 $0xFFFFF3C0  }
0x98: {  	_ =	swait.ge [sflag:s10], $0xC40  }
0x99: {  	[sflag:s10] =	ssyncset.done $0x0  }
0x9a: {  	[sflag:s10] =	ssyncadd.s32 $0xFFFFF3C0  }
0x9b: {  	_ =	swait.ge [sflag:s10], $0xC40  }
0x9c: {  	[sflag:s10] =	ssyncset.done $0x0  }
0x9d: {  	[sflag:s10] =	ssyncadd.s32 $0xFFFFF3C0  }
0x9e: {  	_ =	swait.ge [sflag:s10], $0xC40  }
0x9f: {  	[sflag:s10] =	ssyncset.done $0x0  }
0xa0: {  	[sflag:s10] =	ssyncadd.s32 $0xFFFFF3C0  }
0xa1: {  	_ =	swait.ge [sflag:s10], $0xC40  }
0xa2: {  	[sflag:s10] =	ssyncset.done $0x0  }
0xa3: {  	[sflag:s10] =	ssyncadd.s32 $0xFFFFF3C0  }
0xa4: {  	_ =	swait.ge [sflag:s10], $0xC40  }
0xa5: {  	[sflag:s10] =	ssyncset.done $0x0  }
0xa6: {  	[sflag:s10] =	ssyncadd.s32 $0xFFFFF3C0  }
0xa7: {  	_ =	swait.ge [sflag:s10], $0xC40  }
0xa8: {  	[sflag:s10] =	ssyncset.done $0x0  }
0xa9: {  	[sflag:s10] =	ssyncadd.s32 $0xFFFFF3C0  }
0xaa: {  	_ =	swait.ge [sflag:s10], $0xC40  }
0xab: {  	[sflag:s10] =	ssyncset.done $0x0  }
0xac: {  	[sflag:s10] =	ssyncadd.s32 $0xFFFFF3C0  }
0xad: {  	_ =	swait.ge [sflag:s10], $0xC40  }
0xae: {  	[sflag:s10] =	ssyncset.done $0x0  }
0xaf: {  	[sflag:s10] =	ssyncadd.s32 $0xFFFFF3C0  }
0xb0: {  	_ =	swait.ge [sflag:s10], $0xC40  }
0xb1: {  	[sflag:s10] =	ssyncset.done $0x0  }
0xb2: {  	[sflag:s10] =	ssyncadd.s32 $0xFFFFF3C0  }
0xb3: {  	_ =	swait.ge [sflag:s10], $0xC40  }
0xb4: {  	[sflag:s10] =	ssyncset.done $0x0  }
0xb5: {  	[sflag:s10] =	ssyncadd.s32 $0xFFFFF3C0  }
0xb6: {  	_ =	swait.ge [sflag:s10], $0xC40  }
0xb7: {  	[sflag:s10] =	ssyncset.done $0x0  }
0xb8: {  	[sflag:s10] =	ssyncadd.s32 $0xFFFFF3C0  }
0xb9: {  	_ =	swait.ge [sflag:s10], $0xC40  }
0xba: {  	[sflag:s10] =	ssyncset.done $0x0  }
0xbb: {  	[sflag:s10] =	ssyncadd.s32 $0xFFFFF3C0  }
0xbc: {  	_ =	swait.ge [sflag:s10], $0xC40  }
0xbd: {  	[sflag:s10] =	ssyncset.done $0x0  }
0xbe: {  	[sflag:s10] =	ssyncadd.s32 $0xFFFFF3C0  }
0xbf: {  	_ =	swait.ge [sflag:s10], $0xC40  }
0xc0: {  	[sflag:s10] =	ssyncset.done $0x0  }
0xc1: {  	[sflag:s10] =	ssyncadd.s32 $0xFFFFF3C0  }
0xc2: {  	_ =	swait.ge [sflag:s10], $0xC40  }
0xc3: {  	[sflag:s10] =	ssyncset.done $0x0  }
0xc4: {  	s13 =	simm.s32 $0x0;
	[sflag:s10] =	ssyncadd.s32 $0xFFFFF3C0  }
0xc5: {  	v2 =	vld [tilespmem:s13+$0x19470]  }
0xc6: {  	v0 =	vld [tilespmem:s13+$0x18830]  }
0xc7: {  	v1 =	vld [tilespmem:s13+$0x17BF0]  }
0xc8: {  	v3 =	vld [tilespmem:s13+$0x16FB0]  }
0xc9: {  	v4 =	vld [tilespmem:s13+$0x16370]  }
0xca: {  	v5 =	vld [tilespmem:s13+$0x15730]  }
0xcb: {  	v6 =	vld [tilespmem:s13+$0x14AF0]  }
0xcc: {  	v8 =	vld [tilespmem:s13+$0x13EB0]  }
0xcd: {  	v9 =	vld [tilespmem:s13+$0x13270]  }
0xce: {  	v11 =	vld [tilespmem:s13+$0x12630]  }
0xcf: {  	v12 =	vld [tilespmem:s13+$0x119F0]  }
0xd0: {  	v13 =	vld [tilespmem:s13+$0x10DB0]  }
0xd1: {  	v15 =	vld [tilespmem:s13+$0x10170]  }
0xd2: {  	v17 =	vld [tilespmem:s13+$0xF530]  }
0xd3: {  	v18 =	vld [tilespmem:s13+$0xE8F0]  }
0xd4: {  	v22 =	vld [tilespmem:s13+$0xDC90]  }
0xd5: {  	v19 =	vld [tilespmem:s13+$0xDCA0]  }
0xd6: {  	v23 =	vld [tilespmem:s13+$0xDCB0]  }
0xd7: {  	v25 =	vld [tilespmem:s13+$0xD050]  }
0xd8: {  	v26 =	vld [tilespmem:s13+$0xD060]  }
0xd9: {  	v27 =	vld [tilespmem:s13+$0xD070]  }
0xda: {  	v28 =	vld [tilespmem:s13+$0xC410]  }
0xdb: {  	v29 =	vld [tilespmem:s13+$0xC420]  }
0xdc: {  	v7 =	vld [tilespmem:s13+$0xC430]  }
0xdd: {  	v30 =	vld [tilespmem:s13+$0xB7D0]  }
0xde: {  	v32 =	vld [tilespmem:s13+$0xB7E0]  }
0xdf: {  	v10 =	vld [tilespmem:s13+$0xB7F0]  }
0xe0: {  	v31 =	vld [tilespmem:s13+$0xAB90]  }
0xe1: {  	v33 =	vld [tilespmem:s13+$0xABA0]  }
0xe2: {  	v34 =	vld [tilespmem:s13+$0xABB0]  }
0xe3: {  	v35 =	vld [tilespmem:s13+$0x9F50]  }
0xe4: {  	v37 =	vld [tilespmem:s13+$0x9F60]  }
0xe5: {  	v36 =	vld [tilespmem:s13+$0x9F70]  }
0xe6: {  	v21 =	vld [tilespmem:s13+$0x9330]  }
0xe7: {  	v16 =	vld [tilespmem:s13+$0x86F0]  }
0xe8: {  	v14 =	vld [tilespmem:s13+$0x7AB0]  }
0xe9: {  	v20 =	vld [tilespmem:s13+$0x6E70]  }
0xea: {  	v24 =	vld [tilespmem:s13+$0x6230]  }
0xeb: {  	v38 =	vld [tilespmem:s13+$0x55F0]  }
0xec: {  	v39 =	vld [tilespmem:s13+$0x49B0]  }
0xed: {  	v40 =	vld [tilespmem:s13+$0x3D70]  }
0xee: {  	v41 =	vld [tilespmem:s13+$0x3130]  }
0xef: {  	v42 =	vld [tilespmem:s13+$0x24F0]  }
0xf0: {  	v43 =	vld [tilespmem:s13+$0x18B0]  }
0xf1: {  	v44 =	vld [tilespmem:s13+$0x10]  }
0xf2: {  	v45 =	vld [tilespmem:s13+$0xC50]  }
0xf3: {  	v46 =	vld [tilespmem:s13+$0x30]  }
0xf4: {  	v47 =	vld [tilespmem:s13+$0xC70]  }
0xf5: {  	v48 =	vld [tilespmem:s13+$0x20]  }
0xf6: {  	v49 =	vld [tilespmem:s13+$0xC60]  }
0xf7: {  	v50 =	vld [tilespmem:s13+$0x1890]  }
0xf8: {  	v51 =	vld [tilespmem:s13+$0x18A0]  }
0xf9: {  	v52 =	vld [tilespmem:s13+$0x24D0]  }
0xfa: {  	v61 =	vld [tilespmem:s13+$0x24E0]  }
0xfb: {  	v53 =	vld [tilespmem:s13+$0x3110]  }
0xfc: {  	v62 =	vld [tilespmem:s13+$0x3120]  }
0xfd: {  	v54 =	vld [tilespmem:s13+$0x3D50]  }
0xfe: {  	v55 =	vld [tilespmem:s13+$0x3D60]  }
0xff: {  	v56 =	vld [tilespmem:s13+$0x4990];
	v46 =	vadd.f32 v47, v46  }
0x100: {  	v57 =	vld [tilespmem:s13+$0x49A0];
	v44 =	vadd.f32 v45, v44;
	v63 =	vadd.f32 v49, v48  }
0x101: {  	v58 =	vld [tilespmem:s13+$0x55D0];
	v43 =	vadd.f32 v43, v46  }
0x102: {  	v59 =	vld [tilespmem:s13+$0x55E0];
	v44 =	vadd.f32 v50, v44;
	v46 =	vadd.f32 v51, v63  }
0x103: {  	v60 =	vld [tilespmem:s13+$0x6210];
	v42 =	vadd.f32 v42, v43  }
0x104: {  	v48 =	vld [tilespmem:s13+$0x7A90];
	v44 =	vadd.f32 v52, v44;
	v46 =	vadd.f32 v61, v46  }
0x105: {  	v49 =	vld [tilespmem:s13+$0x7AA0];
	v41 =	vadd.f32 v41, v42  }
0x106: {  	v63 =	vld [tilespmem:s13+$0x6E60];
	v44 =	vadd.f32 v53, v44;
	v45 =	vadd.f32 v62, v46  }
0x107: {  	v50 =	vld [tilespmem:s13+$0x86D0];
	v40 =	vadd.f32 v40, v41  }
0x108: {  	v51 =	vld [tilespmem:s13+$0x9310];
	v44 =	vadd.f32 v54, v44;
	v43 =	vadd.f32 v55, v45  }
0x109: {  	v61 =	vld [tilespmem:s13+$0x6220];
	v39 =	vadd.f32 v39, v40  }
0x10a: {  	v52 =	vld [tilespmem:s13+$0x9320];
	v44 =	vadd.f32 v56, v44;
	v42 =	vadd.f32 v57, v43  }
0x10b: {  	v62 =	vld [tilespmem:s13+$0x6E50];
	v38 =	vadd.f32 v38, v39  }
0x10c: {  	s15 =	sand.u32 $0xFC0, s2;
	v46 =	vld [tilespmem:s13+$0x14AC0];
	v44 =	vadd.f32 v58, v44;
	v41 =	vadd.f32 v59, v42  }
0x10d: {  	v57 =	vld [tilespmem:s15+$0xDC80];
	v24 =	vadd.f32 v24, v38  }
0x10e: {  	v44 =	vadd.f32 v60, v44;
	v40 =	vadd.f32 v61, v41;
	v61 =	vld [tilespmem:s13+$0xE8D0]  }
0x10f: {  	v20 =	vadd.f32 v20, v24;
	v24 =	vld [tilespmem:s13+$0x86E0]  }
0x110: {  	v44 =	vadd.f32 v62, v44;
	v62 =	vld [tilespmem:s13+$0xF510]  }
0x111: {  	v39 =	vadd.f32 v63, v40;
	v63 =	vld [tilespmem:s13+$0x119C0];
	v20 =	vadd.f32 v14, v20  }
0x112: {  	v14 =	vld [tilespmem:s15+$0x4980]  }
0x113: {  	v53 =	vadd.f32 v48, v44;
	v54 =	vadd.f32 v16, v20;
	v16 =	vld [tilespmem:s15+$0x6200]  }
0x114: {  	v20 =	vld [tilespmem:s15+$0x7A80]  }
0x115: {  	v38 =	vadd.f32 v49, v39;
	v55 =	vadd.f32 v50, v53;
	v50 =	vld [tilespmem:s13+$0x10140]  }
0x116: {  	v53 =	vld [tilespmem:s13+$0xD040]  }
0x117: {  	v38 =	vadd.f32 v24, v38;
	v24 =	vld [tilespmem:s15+$0xAB80]  }
0x118: {  	v56 =	vadd.f32 v21, v54;
	v21 =	vld [tilespmem:s15+$0x9300]  }
0x119: {  	v39 =	vadd.f32 v51, v55;
	v51 =	vld [tilespmem:s13+$0xE8C0]  }
0x11a: {  	v58 =	vadd.f32 v52, v38;
	v38 =	vld [tilespmem:s15+$0xF500];
	v36 =	vadd.f32 v36, v56  }
0x11b: {  	v52 =	vld [tilespmem:s13+$0x13240];
	v35 =	vadd.f32 v35, v39  }
0x11c: {  	v59 =	vadd.f32 v34, v36;
	v36 =	vld [tilespmem:s15+$0x10D80]  }
0x11d: {  	v37 =	vadd.f32 v37, v58;
	v34 =	vld [tilespmem:s15+$0x12600];
	v35 =	vadd.f32 v31, v35  }
0x11e: {  	v31 =	vld [tilespmem:s15+$0x13E80];
	v39 =	vadd.f32 v10, v59  }
0x11f: {  	v33 =	vadd.f32 v33, v37;
	v37 =	vld [tilespmem:s15+$0x16F80];
	v30 =	vadd.f32 v30, v35  }
0x120: {  	v10 =	vld [tilespmem:s15+$0x15700];
	v60 =	vadd.f32 v7, v39  }
0x121: {  	v32 =	vadd.f32 v32, v33;
	v33 =	vld [tilespmem:s13+$0x16340];
	v28 =	vadd.f32 v28, v30  }
0x122: {  	v7 =	vld [tilespmem:s15+$0x18800];
	v27 =	vadd.f32 v27, v60  }
0x123: {  	v30 =	vld [tilespmem:s13+$0xE8E0];
	v29 =	vadd.f32 v29, v32;
	v25 =	vadd.f32 v25, v28  }
0x124: {  	v28 =	vld [tilespmem:s13+$0x10150];
	v23 =	vadd.f32 v23, v27  }
0x125: {  	v26 =	vadd.f32 v26, v29;
	v27 =	vld [tilespmem:s13+$0xF520];
	v22 =	vadd.f32 v22, v25  }
0x126: {  	v25 =	vld [tilespmem:s13+$0x10D90];
	v18 =	vadd.f32 v18, v23  }
0x127: {  	v19 =	vadd.f32 v19, v26;
	v26 =	vld [tilespmem:s13+$0x119D0];
	v22 =	vadd.f32 v61, v22  }
0x128: {  	v23 =	vld [tilespmem:s13+$0x10160];
	v17 =	vadd.f32 v17, v18  }
0x129: {  	v19 =	vadd.f32 v30, v19;
	v30 =	vld [tilespmem:s15+$0xC400];
	v22 =	vadd.f32 v62, v22  }
0x12a: {  	v18 =	vld [tilespmem:s13+$0x10DA0];
	v15 =	vadd.f32 v15, v17  }
0x12b: {  	v19 =	vadd.f32 v27, v19;
	v27 =	vld [tilespmem:s13+$0x12610];
	v22 =	vadd.f32 v28, v22  }
0x12c: {  	v17 =	vld [tilespmem:s13+$0x119E0];
	v13 =	vadd.f32 v13, v15  }
0x12d: {  	v19 =	vadd.f32 v23, v19;
	v23 =	vld [tilespmem:s13+$0x13250];
	v22 =	vadd.f32 v25, v22  }
0x12e: {  	v15 =	vld [tilespmem:s13+$0x12620];
	v12 =	vadd.f32 v12, v13  }
0x12f: {  	v18 =	vadd.f32 v18, v19;
	v19 =	vld [tilespmem:s13+$0x13E90];
	v22 =	vadd.f32 v26, v22  }
0x130: {  	v13 =	vld [tilespmem:s13+$0x13260];
	v11 =	vadd.f32 v11, v12  }
0x131: {  	v17 =	vadd.f32 v17, v18;
	v18 =	vld [tilespmem:s13+$0x14AD0];
	v22 =	vadd.f32 v27, v22  }
0x132: {  	v12 =	vld [tilespmem:s13+$0x13EA0];
	v9 =	vadd.f32 v9, v11  }
0x133: {  	v15 =	vadd.f32 v15, v17;
	v17 =	vld [tilespmem:s13+$0x15710];
	v22 =	vadd.f32 v23, v22  }
0x134: {  	v11 =	vld [tilespmem:s13+$0x14AE0];
	v8 =	vadd.f32 v8, v9  }
0x135: {  	v13 =	vadd.f32 v13, v15;
	v15 =	vld [tilespmem:s13+$0x16350];
	v19 =	vadd.f32 v19, v22  }
0x136: {  	v9 =	vld [tilespmem:s13+$0x15720];
	v6 =	vadd.f32 v6, v8  }
0x137: {  	v12 =	vadd.f32 v12, v13;
	v13 =	vld [tilespmem:s13+$0x16F90];
	v18 =	vadd.f32 v18, v19  }
0x138: {  	v8 =	vld [tilespmem:s13+$0x16360];
	v5 =	vadd.f32 v5, v6  }
0x139: {  	v11 =	vadd.f32 v11, v12;
	v12 =	vld [tilespmem:s13+$0x17BD0];
	v17 =	vadd.f32 v17, v18  }
0x13a: {  	v6 =	vld [tilespmem:s13+$0x16FA0];
	v4 =	vadd.f32 v4, v5  }
0x13b: {  	v9 =	vadd.f32 v9, v11;
	v11 =	vld [tilespmem:s13+$0x18810];
	v15 =	vadd.f32 v15, v17  }
0x13c: {  	v5 =	vld [tilespmem:s13+$0x17BE0];
	v3 =	vadd.f32 v3, v4  }
0x13d: {  	v28 =	vld [tilespmem:s13+$0xB7C0];
	v8 =	vadd.f32 v8, v9;
	v13 =	vadd.f32 v13, v15  }
0x13e: {  	v9 =	vld [tilespmem:s13+$0x19450];
	v1 =	vadd.f32 v1, v3  }
0x13f: {  	v4 =	vld [tilespmem:s13+$0x18820];
	v3 =	vadd.f32 v6, v8;
	v6 =	vadd.f32 v12, v13  }
0x140: {  	v25 =	vld [tilespmem:s13+$0x9F40];
	v8 =	vadd.f32 v0, v1  }
0x141: {  	v15 =	vld [tilespmem:s13+$0x19460];
	v3 =	vadd.f32 v5, v3;
	v5 =	vadd.f32 v11, v6  }
0x142: {  	v6 =	vadd.f32 v2, v8;
	v8 =	vld [tilespmem:s13+$0x0]  }
0x143: {  	v5 =	vadd.f32 v9, v5;
	v9 =	vld [tilespmem:s13+$0xC40]  }
0x144: {  	v26 =	vld [tilespmem:s13+$0x17BC0];
	v4 =	vadd.f32 v4, v3  }
0x145: {  	v11 =	vld [tilespmem:s15+$0x1880]  }
0x146: {  	v22 =	vld [tilespmem:s13+$0x86C0];
	(erf) = vrcp.f32 v6;
	v6 =	vadd.f32 v15, v4  }
0x147: {  	v13 =	vld [tilespmem:s13+$0x24C0];
	(erf) = vrcp.f32 v5  }
0x148: {  	v17 =	vld [tilespmem:s13+$0x55C0];
	(erf) = vrcp.f32 v6;
	v9 =	vadd.f32 v9, v8  }
0x149: {  	s14 =	simm.s32 $0x40;
	v12 =	vld [tilespmem:s15+$0x3100]  }
0x14a: {  	v1 =	vld [tilespmem:s14+$0x19470];
	v11 =	vadd.f32 v11, v9  }
0x14b: {  	v15 =	vld [tilespmem:s13+$0x3D40]  }
0x14c: {  	v0 =	vld [tilespmem:s14+$0x18830];
	v13 =	vadd.f32 v13, v11  }
0x14d: {  	v2 =	vld [tilespmem:s14+$0x17BF0]  }
0x14e: {  	v3 =	vld [tilespmem:s14+$0x16FB0];
	v13 =	vadd.f32 v12, v13  }
0x14f: {  	v4 =	vld [tilespmem:s14+$0x16370];
	v6 =	vpop (erf)  }
0x150: {  	v5 =	vld [tilespmem:s14+$0x15730];
	[tilespmem:s13+$0x1A0B0] =	vst v6;
	v6 =	vpop (erf);
	v15 =	vadd.f32 v15, v13  }
0x151: {  	v19 =	vld [tilespmem:s13+$0x19440];
	[tilespmem:s13+$0x1A090] =	vst v6;
	v6 =	vpop (erf)  }
0x152: {  	v18 =	vld [tilespmem:s13+$0x6E40];
	[tilespmem:s13+$0x1A0A0] =	vst v6;
	v15 =	vadd.f32 v14, v15  }
0x153: {  	v6 =	vld [tilespmem:s14+$0x14AF0]  }
0x154: {  	v8 =	vld [tilespmem:s14+$0x13EB0];
	v17 =	vadd.f32 v17, v15  }
0x155: {  	v9 =	vld [tilespmem:s14+$0x13270]  }
0x156: {  	v11 =	vld [tilespmem:s14+$0x12630];
	v17 =	vadd.f32 v16, v17  }
0x157: {  	v12 =	vld [tilespmem:s14+$0x119F0]  }
0x158: {  	v13 =	vld [tilespmem:s14+$0x10DB0];
	v23 =	vadd.f32 v18, v17  }
0x159: {  	v14 =	vld [tilespmem:s14+$0x10170]  }
0x15a: {  	v35 =	vld [tilespmem:s14+$0xAB90];
	v23 =	vadd.f32 v20, v23  }
0x15b: {  	v32 =	vld [tilespmem:s14+$0xABA0]  }
0x15c: {  	v39 =	vld [tilespmem:s14+$0xABB0];
	v23 =	vadd.f32 v22, v23  }
0x15d: {  	v42 =	vld [tilespmem:s14+$0x9F50]  }
0x15e: {  	v40 =	vld [tilespmem:s14+$0x9F60];
	v23 =	vadd.f32 v21, v23  }
0x15f: {  	v41 =	vld [tilespmem:s14+$0x9F70]  }
0x160: {  	v43 =	vld [tilespmem:s14+$0x9330];
	v27 =	vadd.f32 v25, v23  }
0x161: {  	v44 =	vld [tilespmem:s14+$0x7AB0]  }
0x162: {  	v45 =	vld [tilespmem:s14+$0x6E70];
	v29 =	vadd.f32 v24, v27  }
0x163: {  	v47 =	vld [tilespmem:s14+$0x6230]  }
0x164: {  	v48 =	vld [tilespmem:s14+$0x49B0];
	v54 =	vadd.f32 v28, v29  }
0x165: {  	v49 =	vld [tilespmem:s14+$0x3D70]  }
0x166: {  	v15 =	vld [tilespmem:s14+$0xF530];
	v55 =	vadd.f32 v30, v54  }
0x167: {  	v16 =	vld [tilespmem:s14+$0xE8F0]  }
0x168: {  	v18 =	vld [tilespmem:s14+$0xDC90];
	v56 =	vadd.f32 v53, v55  }
0x169: {  	v17 =	vld [tilespmem:s14+$0xDCA0]  }
0x16a: {  	v20 =	vld [tilespmem:s14+$0xDCB0];
	v57 =	vadd.f32 v57, v56  }
0x16b: {  	v22 =	vld [tilespmem:s14+$0xD050]  }
0x16c: {  	v21 =	vld [tilespmem:s14+$0xD060];
	v58 =	vadd.f32 v51, v57  }
0x16d: {  	v23 =	vld [tilespmem:s14+$0xD070]  }
0x16e: {  	v25 =	vld [tilespmem:s14+$0xC410];
	v59 =	vadd.f32 v38, v58  }
0x16f: {  	v24 =	vld [tilespmem:s14+$0xC420]  }
0x170: {  	v27 =	vld [tilespmem:s14+$0xC430];
	v60 =	vadd.f32 v50, v59  }
0x171: {  	v29 =	vld [tilespmem:s14+$0xB7D0]  }
0x172: {  	v28 =	vld [tilespmem:s14+$0xB7E0];
	v61 =	vadd.f32 v36, v60  }
0x173: {  	v30 =	vld [tilespmem:s14+$0xB7F0]  }
0x174: {  	v53 =	vld [tilespmem:s14+$0xC50];
	v62 =	vadd.f32 v63, v61  }
0x175: {  	v51 =	vld [tilespmem:s14+$0x18B0]  }
0x176: {  	v38 =	vld [tilespmem:s14+$0x86F0];
	v63 =	vadd.f32 v34, v62  }
0x177: {  	v50 =	vld [tilespmem:s14+$0x3130]  }
0x178: {  	v36 =	vld [tilespmem:s14+$0x55F0];
	v54 =	vadd.f32 v52, v63  }
0x179: {  	v34 =	vld [tilespmem:s14+$0x24F0]  }
0x17a: {  	v52 =	vld [tilespmem:s14+$0x10];
	v54 =	vadd.f32 v31, v54  }
0x17b: {  	s16 =	simm.s32 $0x200;
	s15 =	simm.s32 $0x0;
	v31 =	vld [tilespmem:s14+$0x30]  }
.LBB2_2:
0x17c: {  	p0 =	sne.s32 s16, $0x3000;
	v55 =	vld [tilespmem:s14+$0xC70];
	v46 =	vadd.f32 v46, v54  }
0x17d: {  	v54 =	vld [tilespmem:s14+$0x20]  }
0x17e: {  	v56 =	vld [tilespmem:s14+$0xC60];
	v10 =	vadd.f32 v10, v46  }
0x17f: {  	v46 =	vld [tilespmem:s14+$0x1890]  }
0x180: {  	v57 =	vld [tilespmem:s14+$0x18A0];
	v10 =	vadd.f32 v33, v10  }
0x181: {  	v33 =	vld [tilespmem:s14+$0x24D0];
	v31 =	vadd.f32 v55, v31  }
0x182: {  	v52 =	vadd.f32 v53, v52;
	v53 =	vld [tilespmem:s14+$0x24E0];
	v10 =	vadd.f32 v37, v10  }
0x183: {  	v37 =	vld [tilespmem:s14+$0x3110];
	v54 =	vadd.f32 v56, v54;
	v31 =	vadd.f32 v51, v31  }
0x184: {  	v46 =	vadd.f32 v46, v52;
	v51 =	vld [tilespmem:s14+$0x3120];
	v10 =	vadd.f32 v26, v10  }
0x185: {  	v26 =	vld [tilespmem:s14+$0x3D50];
	v52 =	vadd.f32 v57, v54;
	v31 =	vadd.f32 v34, v31  }
0x186: {  	v33 =	vadd.f32 v33, v46;
	v34 =	vld [tilespmem:s14+$0x3D60];
	v7 =	vadd.f32 v7, v10  }
0x187: {  	v10 =	vld [tilespmem:s14+$0x4990];
	v46 =	vadd.f32 v53, v52;
	v31 =	vadd.f32 v50, v31  }
0x188: {  	v33 =	vadd.f32 v37, v33;
	v37 =	vld [tilespmem:s14+$0x49A0];
	v7 =	vadd.f32 v19, v7  }
0x189: {  	v19 =	vld [tilespmem:s14+$0x55D0];
	v46 =	vadd.f32 v51, v46;
	v31 =	vadd.f32 v49, v31  }
0x18a: {  	v26 =	vadd.f32 v26, v33;
	v33 =	vld [tilespmem:s14+$0x55E0];
	(erf) = vrcp.f32 v7  }
0x18b: {  	v7 =	vld [tilespmem:s14+$0x6210];
	v34 =	vadd.f32 v34, v46;
	v31 =	vadd.f32 v48, v31  }
0x18c: {  	v10 =	vadd.f32 v10, v26;
	v26 =	vld [tilespmem:s14+$0x6220]  }
0x18d: {  	v46 =	vld [tilespmem:s14+$0x6E50];
	v34 =	vadd.f32 v37, v34;
	v31 =	vadd.f32 v36, v31  }
0x18e: {  	v10 =	vadd.f32 v19, v10;
	v19 =	vld [tilespmem:s14+$0x6E60]  }
0x18f: {  	v36 =	vld [tilespmem:s14+$0x7A90];
	v33 =	vadd.f32 v33, v34;
	v31 =	vadd.f32 v47, v31  }
0x190: {  	v7 =	vadd.f32 v7, v10;
	v10 =	vld [tilespmem:s14+$0x7AA0]  }
0x191: {  	v34 =	vld [tilespmem:s14+$0x86D0];
	v26 =	vadd.f32 v26, v33;
	v45 =	vadd.f32 v45, v31  }
0x192: {  	v7 =	vadd.f32 v46, v7;
	v33 =	vld [tilespmem:s14+$0x86E0]  }
0x193: {  	s15 =	sadd.s32 $0x40, s15;
	v37 =	vld [tilespmem:s14+$0x9310];
	v19 =	vadd.f32 v19, v26;
	v26 =	vadd.f32 v44, v45;
	v31 =	vpop (erf)  }
0x194: {  	s17 =	sand.u32 $0xFC0, s15;
	v7 =	vadd.f32 v36, v7;
	v36 =	vld [tilespmem:s14+$0x9320];
	[tilespmem:s13+$0x1A080] =	vst v31;
	s13 =	smov.u32 s14  }
0x195: {  	v48 =	vld [tilespmem:s17+$0x4980];
	v10 =	vadd.f32 v10, v19;
	v19 =	vadd.f32 v38, v26  }
0x196: {  	v47 =	vld [tilespmem:s17+$0x6200];
	v7 =	vadd.f32 v34, v7  }
0x197: {  	v45 =	vld [tilespmem:s17+$0x7A80];
	v10 =	vadd.f32 v33, v10;
	v19 =	vadd.f32 v43, v19  }
0x198: {  	v44 =	vld [tilespmem:s17+$0x9300];
	v7 =	vadd.f32 v37, v7  }
0x199: {  	v43 =	vld [tilespmem:s17+$0xAB80];
	v10 =	vadd.f32 v36, v10;
	v19 =	vadd.f32 v41, v19  }
0x19a: {  	v41 =	vld [tilespmem:s17+$0xDC80];
	v7 =	vadd.f32 v42, v7  }
0x19b: {  	v38 =	vld [tilespmem:s17+$0xF500];
	v10 =	vadd.f32 v40, v10;
	v19 =	vadd.f32 v39, v19  }
0x19c: {  	v36 =	vld [tilespmem:s17+$0x10D80];
	v7 =	vadd.f32 v35, v7  }
0x19d: {  	v34 =	vld [tilespmem:s17+$0x12600];
	v26 =	vadd.f32 v32, v10;
	v19 =	vadd.f32 v30, v19  }
0x19e: {  	v31 =	vld [tilespmem:s17+$0x13E80];
	v29 =	vadd.f32 v29, v7  }
0x19f: {  	v10 =	vld [tilespmem:s17+$0x15700];
	v26 =	vadd.f32 v28, v26;
	v19 =	vadd.f32 v27, v19  }
0x1a0: {  	v7 =	vld [tilespmem:s17+$0x18800];
	v25 =	vadd.f32 v25, v29  }
0x1a1: {  	v27 =	vld [tilespmem:s13+$0xE8D0];
	v24 =	vadd.f32 v24, v26;
	v19 =	vadd.f32 v23, v19  }
0x1a2: {  	v22 =	vadd.f32 v22, v25;
	v23 =	vld [tilespmem:s13+$0xE8E0]  }
0x1a3: {  	v25 =	vld [tilespmem:s13+$0xF510];
	v21 =	vadd.f32 v21, v24;
	v19 =	vadd.f32 v20, v19  }
0x1a4: {  	v18 =	vadd.f32 v18, v22;
	v20 =	vld [tilespmem:s13+$0xF520]  }
0x1a5: {  	v22 =	vld [tilespmem:s13+$0x10150];
	v17 =	vadd.f32 v17, v21;
	v16 =	vadd.f32 v16, v19  }
0x1a6: {  	v18 =	vadd.f32 v27, v18;
	v19 =	vld [tilespmem:s13+$0x10160]  }
0x1a7: {  	v21 =	vld [tilespmem:s13+$0x10D90];
	v17 =	vadd.f32 v23, v17;
	v15 =	vadd.f32 v15, v16  }
0x1a8: {  	v16 =	vadd.f32 v25, v18;
	v18 =	vld [tilespmem:s13+$0x10DA0]  }
0x1a9: {  	v23 =	vld [tilespmem:s13+$0x119D0];
	v17 =	vadd.f32 v20, v17;
	v14 =	vadd.f32 v14, v15  }
0x1aa: {  	v15 =	vadd.f32 v22, v16;
	v16 =	vld [tilespmem:s13+$0x119E0]  }
0x1ab: {  	v20 =	vld [tilespmem:s13+$0x12610];
	v17 =	vadd.f32 v19, v17;
	v13 =	vadd.f32 v13, v14  }
0x1ac: {  	v14 =	vadd.f32 v21, v15;
	v15 =	vld [tilespmem:s13+$0x12620]  }
0x1ad: {  	v19 =	vld [tilespmem:s13+$0x13250];
	v17 =	vadd.f32 v18, v17;
	v12 =	vadd.f32 v12, v13  }
0x1ae: {  	v13 =	vadd.f32 v23, v14;
	v14 =	vld [tilespmem:s13+$0x13260]  }
0x1af: {  	v18 =	vld [tilespmem:s13+$0x13E90];
	v16 =	vadd.f32 v16, v17;
	v11 =	vadd.f32 v11, v12  }
0x1b0: {  	v12 =	vadd.f32 v20, v13;
	v13 =	vld [tilespmem:s13+$0x13EA0]  }
0x1b1: {  	v17 =	vld [tilespmem:s13+$0x14AD0];
	v15 =	vadd.f32 v15, v16;
	v9 =	vadd.f32 v9, v11  }
0x1b2: {  	v11 =	vadd.f32 v19, v12;
	v12 =	vld [tilespmem:s13+$0x14AE0]  }
0x1b3: {  	v16 =	vld [tilespmem:s13+$0x15710];
	v14 =	vadd.f32 v14, v15;
	v8 =	vadd.f32 v8, v9  }
0x1b4: {  	v9 =	vadd.f32 v18, v11;
	v11 =	vld [tilespmem:s13+$0x15720]  }
0x1b5: {  	v15 =	vld [tilespmem:s13+$0x16350];
	v13 =	vadd.f32 v13, v14;
	v6 =	vadd.f32 v6, v8  }
0x1b6: {  	v8 =	vadd.f32 v17, v9;
	v9 =	vld [tilespmem:s13+$0x16360]  }
0x1b7: {  	v14 =	vld [tilespmem:s13+$0x16F90];
	v12 =	vadd.f32 v12, v13;
	v5 =	vadd.f32 v5, v6  }
0x1b8: {  	v6 =	vadd.f32 v16, v8;
	v8 =	vld [tilespmem:s13+$0x16FA0]  }
0x1b9: {  	v13 =	vld [tilespmem:s13+$0x17BD0];
	v11 =	vadd.f32 v11, v12;
	v4 =	vadd.f32 v4, v5  }
0x1ba: {  	v5 =	vadd.f32 v15, v6;
	v6 =	vld [tilespmem:s13+$0x17BE0]  }
0x1bb: {  	v12 =	vld [tilespmem:s13+$0x18810];
	v9 =	vadd.f32 v9, v11;
	v3 =	vadd.f32 v3, v4  }
0x1bc: {  	v4 =	vadd.f32 v14, v5;
	v5 =	vld [tilespmem:s13+$0x18820]  }
0x1bd: {  	v11 =	vld [tilespmem:s13+$0x19450];
	v8 =	vadd.f32 v8, v9;
	v2 =	vadd.f32 v2, v3  }
0x1be: {  	v3 =	vadd.f32 v13, v4;
	v4 =	vld [tilespmem:s13+$0x19460]  }
0x1bf: {  	s14 =	sshra.s32 s16, $0x2;
	v19 =	vld [tilespmem:s13+$0x19440];
	v6 =	vadd.f32 v6, v8;
	v2 =	vadd.f32 v0, v2  }
0x1c0: {  	v8 =	vld [tilespmem:s14+$0x19470];
	v3 =	vadd.f32 v12, v3  }
0x1c1: {  	v0 =	vld [tilespmem:s14+$0x18830];
	v5 =	vadd.f32 v5, v6;
	v1 =	vadd.f32 v1, v2  }
0x1c2: {  	v26 =	vld [tilespmem:s13+$0x17BC0];
	v6 =	vadd.f32 v11, v3  }
0x1c3: {  	v2 =	vld [tilespmem:s14+$0x17BF0];
	v4 =	vadd.f32 v4, v5;
	(erf) = vrcp.f32 v1  }
0x1c4: {  	v3 =	vld [tilespmem:s14+$0x16FB0];
	(erf) = vrcp.f32 v6  }
0x1c5: {  	v33 =	vld [tilespmem:s13+$0x16340];
	(erf) = vrcp.f32 v4;
	v1 =	vmov v8  }
0x1c6: {  	v4 =	vld [tilespmem:s14+$0x16370]  }
0x1c7: {  	v5 =	vld [tilespmem:s14+$0x15730]  }
0x1c8: {  	v8 =	vld [tilespmem:s13+$0x0]  }
0x1c9: {  	v9 =	vld [tilespmem:s13+$0xC40]  }
0x1ca: {  	v37 =	vld [tilespmem:s17+$0x16F80]  }
0x1cb: {  	v30 =	vld [tilespmem:s17+$0xC400]  }
0x1cc: {  	v12 =	vld [tilespmem:s17+$0x3100];
	v6 =	vpop (erf)  }
0x1cd: {  	v11 =	vld [tilespmem:s17+$0x1880];
	[tilespmem:s13+$0x1A0B0] =	vst v6;
	v6 =	vpop (erf)  }
0x1ce: {  	v46 =	vld [tilespmem:s13+$0x14AC0];
	[tilespmem:s13+$0x1A090] =	vst v6;
	v6 =	vpop (erf)  }
0x1cf: {  	v13 =	vld [tilespmem:s13+$0x24C0];
	[tilespmem:s13+$0x1A0A0] =	vst v6  }
0x1d0: {  	v9 =	vadd.f32 v9, v8;
	v6 =	vld [tilespmem:s14+$0x14AF0]  }
0x1d1: {  	v8 =	vld [tilespmem:s14+$0x13EB0]  }
0x1d2: {  	v11 =	vadd.f32 v11, v9;
	v52 =	vld [tilespmem:s13+$0x13240]  }
0x1d3: {  	v14 =	vld [tilespmem:s13+$0x3D40]  }
0x1d4: {  	v9 =	vld [tilespmem:s14+$0x13270];
	v13 =	vadd.f32 v13, v11  }
0x1d5: {  	v11 =	vld [tilespmem:s14+$0x12630]  }
0x1d6: {  	v13 =	vadd.f32 v12, v13;
	v49 =	vld [tilespmem:s13+$0x119C0]  }
0x1d7: {  	v15 =	vld [tilespmem:s13+$0x55C0]  }
0x1d8: {  	v12 =	vld [tilespmem:s14+$0x119F0];
	v14 =	vadd.f32 v14, v13  }
0x1d9: {  	v13 =	vld [tilespmem:s14+$0x10DB0]  }
0x1da: {  	v16 =	vadd.f32 v48, v14;
	v48 =	vld [tilespmem:s13+$0x10140]  }
0x1db: {  	v17 =	vld [tilespmem:s13+$0x6E40]  }
0x1dc: {  	v14 =	vld [tilespmem:s14+$0x10170];
	v16 =	vadd.f32 v15, v16  }
0x1dd: {  	v15 =	vld [tilespmem:s14+$0xF530]  }
0x1de: {  	v18 =	vadd.f32 v47, v16;
	v47 =	vld [tilespmem:s13+$0xE8C0]  }
0x1df: {  	v21 =	vld [tilespmem:s13+$0x86C0]  }
0x1e0: {  	v16 =	vld [tilespmem:s14+$0xE8F0];
	v20 =	vadd.f32 v17, v18  }
0x1e1: {  	v18 =	vld [tilespmem:s14+$0xDC90]  }
0x1e2: {  	v17 =	vld [tilespmem:s14+$0xDCA0];
	v22 =	vadd.f32 v45, v20  }
0x1e3: {  	v23 =	vld [tilespmem:s13+$0x9F40]  }
0x1e4: {  	v20 =	vld [tilespmem:s14+$0xDCB0];
	v21 =	vadd.f32 v21, v22  }
0x1e5: {  	v32 =	vld [tilespmem:s13+$0xD040]  }
0x1e6: {  	v22 =	vld [tilespmem:s14+$0xD050];
	v24 =	vadd.f32 v44, v21  }
0x1e7: {  	v28 =	vld [tilespmem:s13+$0xB7C0]  }
0x1e8: {  	v21 =	vld [tilespmem:s14+$0xD060];
	v24 =	vadd.f32 v23, v24  }
0x1e9: {  	v23 =	vld [tilespmem:s14+$0xD070]  }
0x1ea: {  	v25 =	vld [tilespmem:s14+$0xC410];
	v29 =	vadd.f32 v43, v24  }
0x1eb: {  	v24 =	vld [tilespmem:s14+$0xC420]  }
0x1ec: {  	v27 =	vld [tilespmem:s14+$0xC430];
	v35 =	vadd.f32 v28, v29  }
0x1ed: {  	v29 =	vld [tilespmem:s14+$0xB7D0]  }
0x1ee: {  	v28 =	vld [tilespmem:s14+$0xB7E0];
	v39 =	vadd.f32 v30, v35  }
0x1ef: {  	v30 =	vld [tilespmem:s14+$0xB7F0]  }
0x1f0: {  	v35 =	vld [tilespmem:s14+$0xAB90];
	v40 =	vadd.f32 v32, v39  }
0x1f1: {  	v32 =	vld [tilespmem:s14+$0xABA0]  }
0x1f2: {  	v39 =	vld [tilespmem:s14+$0xABB0];
	v41 =	vadd.f32 v41, v40  }
0x1f3: {  	v42 =	vld [tilespmem:s14+$0x9F50]  }
0x1f4: {  	v40 =	vld [tilespmem:s14+$0x9F60];
	v44 =	vadd.f32 v47, v41  }
0x1f5: {  	v41 =	vld [tilespmem:s14+$0x9F70]  }
0x1f6: {  	v43 =	vld [tilespmem:s14+$0x9330];
	v45 =	vadd.f32 v38, v44  }
0x1f7: {  	v38 =	vld [tilespmem:s14+$0x86F0]  }
0x1f8: {  	v44 =	vld [tilespmem:s14+$0x7AB0];
	v48 =	vadd.f32 v48, v45  }
0x1f9: {  	v45 =	vld [tilespmem:s14+$0x6E70]  }
0x1fa: {  	v47 =	vld [tilespmem:s14+$0x6230];
	v50 =	vadd.f32 v36, v48  }
0x1fb: {  	v36 =	vld [tilespmem:s14+$0x55F0]  }
0x1fc: {  	v48 =	vld [tilespmem:s14+$0x49B0];
	v51 =	vadd.f32 v49, v50  }
0x1fd: {  	v49 =	vld [tilespmem:s14+$0x3D70]  }
0x1fe: {  	v50 =	vld [tilespmem:s14+$0x3130];
	v53 =	vadd.f32 v34, v51  }
.Ltmp0:
0x1ff: {  	v34 =	vld [tilespmem:s14+$0x24F0];
	(pc) =	sbr.rel @p0 .LBB2_2-.Ltmp0, $4  }
0x200: {  	v51 =	vld [tilespmem:s14+$0x18B0];
	v54 =	vadd.f32 v52, v53  }
0x201: {  	v52 =	vld [tilespmem:s14+$0x10]  }
0x202: {  	v53 =	vld [tilespmem:s14+$0xC50];
	v54 =	vadd.f32 v31, v54  }
0x203: {  	s16 =	sadd.s32 $0x100, s16;
	v31 =	vld [tilespmem:s14+$0x30]  }
0x204: {  	v55 =	vld [tilespmem:s14+$0xC70]  }
0x205: {  	v56 =	vld [tilespmem:s14+$0x20]  }
0x206: {  	v46 =	vadd.f32 v46, v54;
	v54 =	vld [tilespmem:s14+$0x1890]  }
0x207: {  	v57 =	vld [tilespmem:s14+$0xC60]  }
0x208: {  	v60 =	vld [tilespmem:s14+$0x24D0]  }
0x209: {  	v61 =	vld [tilespmem:s14+$0x18A0];
	v10 =	vadd.f32 v10, v46;
	v31 =	vadd.f32 v55, v31  }
0x20a: {  	v62 =	vld [tilespmem:s14+$0x3110];
	v52 =	vadd.f32 v53, v52  }
0x20b: {  	v63 =	vld [tilespmem:s14+$0x24E0];
	v10 =	vadd.f32 v33, v10;
	v31 =	vadd.f32 v51, v31  }
0x20c: {  	v52 =	vadd.f32 v54, v52;
	v56 =	vadd.f32 v57, v56  }
0x20d: {  	v58 =	vld [tilespmem:s14+$0x3120];
	v10 =	vadd.f32 v37, v10;
	v31 =	vadd.f32 v34, v31  }
0x20e: {  	v46 =	vadd.f32 v60, v52;
	v59 =	vadd.f32 v61, v56  }
0x20f: {  	v61 =	vld [tilespmem:s14+$0x3D60];
	v10 =	vadd.f32 v26, v10;
	v31 =	vadd.f32 v50, v31  }
0x210: {  	v57 =	vld [tilespmem:s14+$0x3D50];
	v33 =	vadd.f32 v62, v46;
	v62 =	vadd.f32 v63, v59  }
0x211: {  	v31 =	vadd.f32 v49, v31;
	v49 =	vld [tilespmem:s14+$0x49A0]  }
0x212: {  	v60 =	vld [tilespmem:s14+$0x4990];
	v7 =	vadd.f32 v7, v10;
	v10 =	vadd.f32 v58, v62  }
0x213: {  	v52 =	vld [tilespmem:s14+$0x55E0]  }
0x214: {  	v63 =	vld [tilespmem:s14+$0x55D0];
	v10 =	vadd.f32 v61, v10;
	v31 =	vadd.f32 v48, v31  }
0x215: {  	v54 =	vld [tilespmem:s14+$0x6220];
	v33 =	vadd.f32 v57, v33  }
0x216: {  	v51 =	vld [tilespmem:s14+$0x6210];
	v31 =	vadd.f32 v36, v31;
	v10 =	vadd.f32 v49, v10  }
0x217: {  	v56 =	vld [tilespmem:s14+$0x6E60];
	v7 =	vadd.f32 v19, v7;
	v33 =	vadd.f32 v60, v33  }
0x218: {  	v53 =	vld [tilespmem:s14+$0x6E50];
	v31 =	vadd.f32 v47, v31;
	v10 =	vadd.f32 v52, v10  }
0x219: {  	v59 =	vld [tilespmem:s14+$0x7AA0];
	v26 =	vadd.f32 v63, v33  }
0x21a: {  	v55 =	vld [tilespmem:s14+$0x7A90];
	(erf) = vrcp.f32 v7;
	v57 =	vadd.f32 v45, v31;
	v7 =	vadd.f32 v54, v10  }
0x21b: {  	v61 =	vld [tilespmem:s14+$0x86E0];
	v19 =	vadd.f32 v51, v26  }
0x21c: {  	v58 =	vld [tilespmem:s14+$0x86D0];
	v26 =	vadd.f32 v44, v57;
	v7 =	vadd.f32 v56, v7  }
0x21d: {  	v62 =	vld [tilespmem:s14+$0x9320];
	v19 =	vadd.f32 v53, v19  }
0x21e: {  	v60 =	vld [tilespmem:s14+$0x9310];
	v26 =	vadd.f32 v38, v26;
	v7 =	vadd.f32 v59, v7  }
0x21f: {  	v19 =	vadd.f32 v55, v19  }
0x220: {  	v26 =	vadd.f32 v43, v26;
	v7 =	vadd.f32 v61, v7  }
0x221: {  	v19 =	vadd.f32 v58, v19  }
0x222: {  	v26 =	vadd.f32 v41, v26;
	v7 =	vadd.f32 v62, v7  }
0x223: {  	v10 =	vadd.f32 v60, v19  }
0x224: {  	v19 =	vadd.f32 v39, v26;
	v7 =	vadd.f32 v40, v7;
	_ =	sdelay $0x1  }
0x225: {  	v19 =	vadd.f32 v30, v19;
	v32 =	vadd.f32 v32, v7  }
0x226: {  	v10 =	vadd.f32 v42, v10  }
0x227: {  	v27 =	vadd.f32 v27, v19;
	v28 =	vadd.f32 v28, v32  }
0x228: {  	v63 =	vpop (erf);
	v35 =	vadd.f32 v35, v10  }
0x229: {  	[tilespmem:s13+$0x1A080] =	vst v63;
	v27 =	vadd.f32 v23, v27;
	v24 =	vadd.f32 v24, v28  }
0x22a: {  	v36 =	vld [tilespmem:s14+$0xE8E0];
	v29 =	vadd.f32 v29, v35  }
0x22b: {  	v20 =	vadd.f32 v20, v27;
	v37 =	vadd.f32 v21, v24  }
0x22c: {  	v39 =	vld [tilespmem:s14+$0xF520];
	v25 =	vadd.f32 v25, v29  }
0x22d: {  	v32 =	vld [tilespmem:s14+$0xE8D0];
	v16 =	vadd.f32 v16, v20;
	v40 =	vadd.f32 v17, v37  }
0x22e: {  	v42 =	vld [tilespmem:s14+$0x10160];
	v22 =	vadd.f32 v22, v25  }
0x22f: {  	v35 =	vld [tilespmem:s14+$0xF510];
	v15 =	vadd.f32 v15, v16;
	v43 =	vadd.f32 v36, v40  }
0x230: {  	v45 =	vld [tilespmem:s14+$0x10DA0];
	v18 =	vadd.f32 v18, v22  }
0x231: {  	v38 =	vld [tilespmem:s14+$0x10150];
	v14 =	vadd.f32 v14, v15;
	v46 =	vadd.f32 v39, v43  }
0x232: {  	v48 =	vld [tilespmem:s14+$0x119E0];
	v18 =	vadd.f32 v32, v18  }
0x233: {  	v41 =	vld [tilespmem:s14+$0x10D90];
	v13 =	vadd.f32 v13, v14;
	v49 =	vadd.f32 v42, v46  }
0x234: {  	v51 =	vld [tilespmem:s14+$0x12620];
	v18 =	vadd.f32 v35, v18  }
0x235: {  	v44 =	vld [tilespmem:s14+$0x119D0];
	v12 =	vadd.f32 v12, v13;
	v52 =	vadd.f32 v45, v49  }
0x236: {  	v54 =	vld [tilespmem:s14+$0x13260];
	v18 =	vadd.f32 v38, v18  }
0x237: {  	v47 =	vld [tilespmem:s14+$0x12610];
	v11 =	vadd.f32 v11, v12;
	v55 =	vadd.f32 v48, v52  }
0x238: {  	v57 =	vld [tilespmem:s14+$0x13EA0];
	v17 =	vadd.f32 v41, v18  }
0x239: {  	v9 =	vadd.f32 v9, v11;
	v58 =	vadd.f32 v51, v55  }
0x23a: {  	v60 =	vld [tilespmem:s14+$0x14AE0];
	v16 =	vadd.f32 v44, v17  }
0x23b: {  	v8 =	vadd.f32 v8, v9;
	v61 =	vadd.f32 v54, v58  }
0x23c: {  	v63 =	vld [tilespmem:s14+$0x15720];
	v15 =	vadd.f32 v47, v16  }
0x23d: {  	v6 =	vadd.f32 v6, v8;
	v16 =	vadd.f32 v57, v61  }
0x23e: {  	v18 =	vld [tilespmem:s14+$0x16360]  }
0x23f: {  	v5 =	vadd.f32 v5, v6;
	v20 =	vadd.f32 v60, v16  }
0x240: {  	v22 =	vld [tilespmem:s14+$0x16FA0]  }
0x241: {  	v4 =	vadd.f32 v4, v5;
	v24 =	vadd.f32 v63, v20  }
0x242: {  	v27 =	vld [tilespmem:s14+$0x17BE0]  }
0x243: {  	v37 =	vld [tilespmem:s14+$0x19460];
	v3 =	vadd.f32 v3, v4;
	v28 =	vadd.f32 v18, v24  }
0x244: {  	v35 =	vld [tilespmem:s14+$0x18820]  }
0x245: {  	v43 =	vld [tilespmem:s14+$0xC40];
	v2 =	vadd.f32 v2, v3;
	v3 =	vadd.f32 v22, v28  }
0x246: {  	s15 =	sadd.s32 $0x40, s15;
	v42 =	vld [tilespmem:s14+$0x0]  }
0x247: {  	s15 =	sand.u32 $0xFC0, s15;
	v50 =	vld [tilespmem:s14+$0x13250];
	v3 =	vadd.f32 v27, v3  }
0x248: {  	v48 =	vld [tilespmem:s15+$0x1880];
	v0 =	vadd.f32 v0, v2  }
0x249: {  	v53 =	vld [tilespmem:s14+$0x13E90];
	v2 =	vadd.f32 v35, v3  }
0x24a: {  	v51 =	vld [tilespmem:s14+$0x24C0];
	v0 =	vadd.f32 v1, v0  }
0x24b: {  	v1 =	vadd.f32 v37, v2;
	v2 =	vadd.f32 v43, v42  }
0x24c: {  	v46 =	vld [tilespmem:s15+$0x3100];
	v14 =	vadd.f32 v50, v15  }
0x24d: {  	v2 =	vadd.f32 v48, v2  }
0x24e: {  	v13 =	vadd.f32 v53, v14;
	v53 =	vld [tilespmem:s14+$0x3D40]  }
0x24f: {  	v2 =	vadd.f32 v51, v2  }
0x250: {  	v34 =	vld [tilespmem:s15+$0x4980]  }
0x251: {  	v2 =	vadd.f32 v46, v2  }
0x252: {  	v54 =	vld [tilespmem:s14+$0x55C0]  }
0x253: {  	v2 =	vadd.f32 v53, v2  }
0x254: {  	v31 =	vld [tilespmem:s15+$0x6200]  }
0x255: {  	v56 =	vld [tilespmem:s14+$0x14AD0];
	v2 =	vadd.f32 v34, v2  }
0x256: {  	v55 =	vld [tilespmem:s14+$0x6E40]  }
0x257: {  	v2 =	vadd.f32 v54, v2  }
0x258: {  	v33 =	vld [tilespmem:s15+$0x7A80]  }
0x259: {  	v2 =	vadd.f32 v31, v2  }
0x25a: {  	v12 =	vadd.f32 v56, v13;
	v56 =	vld [tilespmem:s14+$0x86C0]  }
0x25b: {  	v2 =	vadd.f32 v55, v2  }
0x25c: {  	v26 =	vld [tilespmem:s15+$0x9300]  }
0x25d: {  	v2 =	vadd.f32 v33, v2  }
0x25e: {  	v57 =	vld [tilespmem:s14+$0x9F40]  }
0x25f: {  	v2 =	vadd.f32 v56, v2  }
0x260: {  	v30 =	vld [tilespmem:s15+$0xAB80]  }
0x261: {  	v59 =	vld [tilespmem:s14+$0x15710];
	v2 =	vadd.f32 v26, v2  }
0x262: {  	v58 =	vld [tilespmem:s14+$0xB7C0]  }
0x263: {  	v2 =	vadd.f32 v57, v2  }
0x264: {  	v45 =	vld [tilespmem:s15+$0xC400]  }
0x265: {  	v2 =	vadd.f32 v30, v2  }
0x266: {  	v11 =	vadd.f32 v59, v12;
	v59 =	vld [tilespmem:s14+$0xD040]  }
0x267: {  	v2 =	vadd.f32 v58, v2  }
0x268: {  	v10 =	vld [tilespmem:s15+$0xDC80]  }
0x269: {  	v2 =	vadd.f32 v45, v2  }
0x26a: {  	v60 =	vld [tilespmem:s14+$0xE8C0]  }
0x26b: {  	v2 =	vadd.f32 v59, v2  }
0x26c: {  	v19 =	vld [tilespmem:s15+$0xF500]  }
0x26d: {  	v62 =	vld [tilespmem:s14+$0x16350];
	v2 =	vadd.f32 v10, v2  }
0x26e: {  	v61 =	vld [tilespmem:s14+$0x10140]  }
0x26f: {  	v2 =	vadd.f32 v60, v2  }
0x270: {  	v7 =	vld [tilespmem:s15+$0x10D80]  }
0x271: {  	v2 =	vadd.f32 v19, v2  }
0x272: {  	v9 =	vadd.f32 v62, v11;
	v62 =	vld [tilespmem:s14+$0x119C0]  }
0x273: {  	v2 =	vadd.f32 v61, v2  }
0x274: {  	v23 =	vld [tilespmem:s15+$0x12600]  }
0x275: {  	v2 =	vadd.f32 v7, v2  }
0x276: {  	v63 =	vld [tilespmem:s14+$0x13240]  }
0x277: {  	v17 =	vld [tilespmem:s14+$0x16F90];
	v2 =	vadd.f32 v62, v2  }
0x278: {  	v32 =	vld [tilespmem:s15+$0x13E80]  }
0x279: {  	v21 =	vld [tilespmem:s14+$0x17BD0];
	v2 =	vadd.f32 v23, v2  }
0x27a: {  	v50 =	vld [tilespmem:s14+$0x14AC0]  }
0x27b: {  	v25 =	vld [tilespmem:s14+$0x18810];
	v2 =	vadd.f32 v63, v2  }
0x27c: {  	v36 =	vld [tilespmem:s15+$0x15700];
	v8 =	vadd.f32 v17, v9  }
0x27d: {  	v29 =	vld [tilespmem:s14+$0x19450];
	v2 =	vadd.f32 v32, v2  }
0x27e: {  	v41 =	vld [tilespmem:s14+$0x16340];
	v6 =	vadd.f32 v21, v8  }
0x27f: {  	v2 =	vadd.f32 v50, v2  }
0x280: {  	v44 =	vld [tilespmem:s15+$0x16F80];
	v5 =	vadd.f32 v25, v6  }
0x281: {  	v2 =	vadd.f32 v36, v2  }
0x282: {  	v40 =	vld [tilespmem:s14+$0x17BC0];
	v4 =	vadd.f32 v29, v5  }
0x283: {  	(erf) = vrcp.f32 v0;
	v2 =	vadd.f32 v41, v2  }
0x284: {  	v38 =	vld [tilespmem:s15+$0x18800];
	(erf) = vrcp.f32 v4  }
0x285: {  	(erf) = vrcp.f32 v1;
	v1 =	vadd.f32 v44, v2  }
0x286: {  	v39 =	vld [tilespmem:s14+$0x19440]  }
0x287: {  	v1 =	vadd.f32 v40, v1;
	_ =	sdelay $0x1  }
0x288: {  	v1 =	vadd.f32 v38, v1;
	_ =	sdelay $0x1  }
0x289: {  	v0 =	vadd.f32 v39, v1;
	_ =	sdelay $0x1  }
0x28a: {  	v47 =	vpop (erf);
	(erf) = vrcp.f32 v0;
	_ =	sdelay $0x6  }
0x28b: {  	[tilespmem:s14+$0x1A0B0] =	vst v47;
	v49 =	vpop (erf)  }
0x28c: {  	s12 =	sadd.s32 $0x1, s12;
	[tilespmem:s14+$0x1A090] =	vst v49;
	v52 =	vpop (erf)  }
0x28d: {  	p0 =	sne.s32 s12, s25;
	[tilespmem:s14+$0x1A0A0] =	vst v52;
	v0 =	vpop (erf)  }
.Ltmp1:
0x28e: {  	s17 =	simm.s32 $0x1A080;
	[tilespmem:s14+$0x1A080] =	vst v0;
	(pc) =	sbr.rel @p0 .LBB2_1-.Ltmp1, $4  }
0x28f: {  	[hbm4b:s24+s2] =	stream.linear.scatter [tilespmem:s17], [sflag:$0x2], $0xC40, $0x38;
	[tilespmem:$0x1AD00] =	vst v63  }
0x290: {  	_ =	swait.ge [sflag:s11], $0xC40  }
0x291: {  	[sflag:s11] =	ssyncset.done $0x0  }
0x292: {  	[sflag:s11] =	ssyncadd.s32 $0xFFFFF3C0  }
0x293: {  	_ =	sfence.sel $0x180000  }
0x294: {  	[bflag:$0x0] =	sbarrier.arrive $0xFFFF  }
0x295: {  	_ =	strace $0x9000004A  }
0x296: {  	s0 =	stileid.u32;
	[bflag:$0x2] =	sbarrier.arrive $0xFFFF  }
0x297: {  	p0 =	sne.s32 s0, $0x0;
	s0 =	rddreg [dreg:$0x2]  }
0x298: {  	s0 =	sadd.s32 @!p0 $0x100000, s0  }
0x299: {  	[sflag:s0] =	ssyncadd.tile.s32 @!p0 $0x1;
	_ =	shalt  }
.Lfunc_end2:
_tile_overlayer_lowered:
.L_overlay_start_2:
0x29a: {  	(tag) =	ssettag $0x2  }
0x29b: {  	s0 =	rddreg [dreg:$0x0];
	s2 =	stileid.u32  }
0x29c: {  	s1 =	rddreg [dreg:$0x1];
	p0 =	sne.s32 s2, $0x0  }
0x29d: {  	s3 =	rddreg [dreg:$0x2];
	[bflag:$0x3] =	sbarrier.arrive $0xFFFF;
	s2 =	simm.s32 @!p0 $0x1C02  }
0x29e: {  	[timem:s3], [sflag:s2] =	dma.local @!p0 [hbm:s0], s1  }
0x29f: {  	s0 =	simm.s32 @!p0 $0x2  }
0x2a0: {  	_ =	swait.ge @!p0 [sflag:s0], s1  }
0x2a1: {  	s1 =	ssub.s32 @!p0 $0x0, s1;
	[sflag:s0] =	ssyncset.done @!p0 $0x0  }
0x2a2: {  	[sflag:s0] =	ssyncadd.s32 @!p0 s1  }
0x2a3: {  	[bflag:$0x3] =	sbarrier.arrive $0xFFFF  }
0x2a4: {  	_ =	shalt  }

</sc_bundles>
